<compile_context>
chip_gen: v7x
topology: tpu7x:2x2x1
jax: 0.10.2.dev20260603
libtpu: 0.0.44.dev20260713+nightly
codegen_flags: <defaults>
</compile_context>

<pallas_src>
import functools

import jax
import jax.numpy as jnp
from jax import lax
from jax.experimental import pallas as pl
from jax.experimental.pallas import tpu as pltpu
from jax.experimental.pallas import tpu_sc as plsc

_INFO = plsc.get_sparse_core_info()
_NC, _NS = _INFO.num_cores, _INFO.num_subcores
_NW = _NC * _NS

_B, _T = 16384, 200
_D = 64
_V = 1000000
_ROWS_PER_W = _B // _NW
_KB = 4
_IPS = _KB * _T
_CHUNKS = [(0, 128), (128, 128), (256, 128), (384, 128),
           (512, 128), (640, 128), (768, 32)]
_N_SLABS = _ROWS_PER_W // _KB


@functools.partial(
    pl.kernel,
    out_type=jax.ShapeDtypeStruct((_B * _T, 2 * _D), jnp.float32),
    mesh=plsc.VectorSubcoreMesh(core_axis_name="c", subcore_axis_name="s"),
    scratch_types=[
        pltpu.VMEM((2, _IPS), jnp.int32),
        pltpu.VMEM((2, _IPS, _D), jnp.float32),
        pltpu.SemaphoreType.DMA,
        pltpu.SemaphoreType.DMA,
        pltpu.SemaphoreType.DMA,
        pltpu.SemaphoreType.DMA,
        pltpu.SemaphoreType.DMA,
        pltpu.SemaphoreType.DMA,
    ],
    compiler_params=pltpu.CompilerParams(use_tc_tiling_on_sc=False),
)
def _gather_kernel(idx_hbm, table_hbm, out_hbm, idx_v, rows_v,
                   sem_i0, sem_i1, sem_g0, sem_g1, sem_o0, sem_o1):
    wid = lax.axis_index("s") * _NC + lax.axis_index("c")
    row0 = wid * _ROWS_PER_W
    sem_i, sem_g, sem_o = (sem_i0, sem_i1), (sem_g0, sem_g1), (sem_o0, sem_o1)

    def base(t):
        return row0 + t * _KB

    def idx_copies(t, b):
        return [
            pltpu.make_async_copy(
                idx_hbm.at[base(t) + r],
                idx_v.at[b].at[pl.ds(r * _T, _T)],
                sem_i[b],
            )
            for r in range(_KB)
        ]

    def out_copies(t, b):
        return [
            pltpu.make_async_copy(
                rows_v.at[b].at[pl.ds(r * _T, _T)],
                out_hbm.at[pl.ds((base(t) + r) * _T, _T), pl.ds(0, _D)],
                sem_o[b],
            )
            for r in range(_KB)
        ]

    def fire_gathers(b):
        for off, n in _CHUNKS:
            pltpu.async_copy(
                table_hbm.at[idx_v.at[b].at[pl.ds(off, n)]],
                rows_v.at[b].at[pl.ds(off, n)],
                sem_g[b],
            )

    def drain_gathers(b):
        pltpu.make_async_copy(
            table_hbm.at[pl.ds(0, _IPS)], rows_v.at[b], sem_g[b]
        ).wait()

    def prefetch_idx(t, b):
        for c in idx_copies(t, b):
            c.start()

    def wait_idx(t, b):
        for c in idx_copies(t, b):
            c.wait()

    def writeback(t, b):
        for c in out_copies(t, b):
            c.start()

    def drain_writeback(t, b):
        for c in out_copies(t, b):
            c.wait()

    prefetch_idx(0, 0)
    wait_idx(0, 0)
    fire_gathers(0)
    prefetch_idx(1, 1)
    wait_idx(1, 1)
    fire_gathers(1)
    drain_gathers(0)
    writeback(0, 0)
    prefetch_idx(2, 0)

    def body(i, _):
        s = 2 + 2 * i
        for b in range(2):
            t = s + b
            wait_idx(t, b)
            drain_writeback(t - 2, b)
            fire_gathers(b)
            drain_gathers(1 - b)
            writeback(t - 1, 1 - b)
            tn = jnp.minimum(t + 1, _N_SLABS - 1)
            prefetch_idx(tn, 1 - b)
        return 0

    lax.fori_loop(0, (_N_SLABS - 2) // 2, body, 0, unroll=False)

    last = _N_SLABS - 1
    wait_idx(last, 0)
    drain_gathers(1)
    writeback(last, 1)
    drain_writeback(last - 1, 0)
    drain_writeback(last, 1)


def kernel(data, tvectors):
    tvp = jnp.concatenate(
        [tvectors, jnp.zeros((_V, _D), jnp.float32)], axis=1
    ).reshape(2 * _V, _D)
    out = _gather_kernel(data.astype(jnp.int32) * 2, tvp)
    return out.reshape(_B, _T, 2 * _D)[:, :, :_D]

# --- scband reference (transcript-rebuilt; emitter-appended) ---
"""Pipeline reference for scband-item2-vec-36575941492924 (READ-ONLY COPY).

The authoritative reference and input builder live on the scoring server;
editing this copy changes nothing except your own understanding.
"""

import jax, jax.numpy as jnp
import numpy as np

VOCAB_SIZE = 1000000
EMBEDDING_SIZE = 64
PADDING_IDX = 999999


def setup_inputs(seed: int = 0) -> dict:
    key = jax.random.key(seed)
    k_idx, k_t = jax.random.split(key)
    data = jax.random.randint(k_idx, (16384, 200), 0, VOCAB_SIZE, dtype=jnp.int64 if jax.config.jax_enable_x64 else jnp.int32)
    bound = 0.5 / EMBEDDING_SIZE
    # torch init: uniform(-0.5/d, 0.5/d) for first vocab-1 rows, zeros for last row (padding)
    tvectors = jnp.concatenate([
        jax.random.uniform(k_t, (VOCAB_SIZE - 1, EMBEDDING_SIZE), minval=-bound, maxval=bound, dtype=jnp.float32),
        jnp.zeros((1, EMBEDDING_SIZE), dtype=jnp.float32),
    ], axis=0)
    return {"data": data, "tvectors": tvectors}


def reference(data, tvectors):
    # Item2Vec.forward_t: embedding lookup of target vectors
    v = data.astype(jnp.int32)
    return jnp.take(tvectors, v, axis=0)

if __name__ == "__main__":
    import jax
    _d = setup_inputs()
    print(jax.jit(kernel)(*tuple(_d.values())))

</pallas_src>

<mosaic_0001>
#map = affine_map<(d0, d1) -> (0, 0)>
module attributes {stable_mosaic.version = 14 : i64} {
  func.func @_gather_kernel(%arg0: i32, %arg1: i32, %arg2: memref<16384x200xi32, #tpu.memory_space<hbm>>, %arg3: memref<2000000x64xf32, #tpu.memory_space<hbm>>, %arg4: memref<3276800x128xf32, #tpu.memory_space<hbm>>, %arg5: memref<2x800xi32, #tpu.memory_space<vmem>>, %arg6: memref<2x800x64xf32, #tpu.memory_space<vmem>>, %arg7: memref<!tpu.dma_semaphore, #tpu.memory_space<semaphore_mem>>, %arg8: memref<!tpu.dma_semaphore, #tpu.memory_space<semaphore_mem>>, %arg9: memref<!tpu.dma_semaphore, #tpu.memory_space<semaphore_mem>>, %arg10: memref<!tpu.dma_semaphore, #tpu.memory_space<semaphore_mem>>, %arg11: memref<!tpu.dma_semaphore, #tpu.memory_space<semaphore_mem>>, %arg12: memref<!tpu.dma_semaphore, #tpu.memory_space<semaphore_mem>>) attributes {dimension_semantics = [#tpu.dimension_semantics<core_parallel>, #tpu.dimension_semantics<subcore_parallel>], iteration_bounds = array<i64: 2, 16>, scalar_prefetch = 0 : i64, scratch_operands = 8 : i64, tpu.core_type = #tpu.core_type<sc_vector_subcore>, window_params = [{transform_indices = #map}, {transform_indices = #map}, {transform_indices = #map}]} {
    %mul3A = arith.constant 2 : i32
    %mul3A_0 = arith.muli %arg1, %mul3A : i32
    %add3A = arith.addi %mul3A_0, %arg0 : i32
    %mul3A_1 = arith.constant 512 : i32
    %mul3A_2 = arith.muli %add3A, %mul3A_1 : i32
    %add3A_3 = arith.constant 0 : i32
    %add3A_4 = arith.addi %mul3A_2, %add3A_3 : i32
    %add3A_5 = arith.constant 0 : i32
    %add3A_6 = arith.addi %add3A_4, %add3A_5 : i32
    %add3A_7 = arith.constant 0 : i32
    %add3A_8 = arith.addi %mul3A_2, %add3A_7 : i32
    %add3A_9 = arith.constant 1 : i32
    %add3A_10 = arith.addi %add3A_8, %add3A_9 : i32
    %add3A_11 = arith.constant 0 : i32
    %add3A_12 = arith.addi %mul3A_2, %add3A_11 : i32
    %add3A_13 = arith.constant 2 : i32
    %add3A_14 = arith.addi %add3A_12, %add3A_13 : i32
    %add3A_15 = arith.constant 0 : i32
    %add3A_16 = arith.addi %mul3A_2, %add3A_15 : i32
    %add3A_17 = arith.constant 3 : i32
    %add3A_18 = arith.addi %add3A_16, %add3A_17 : i32
    %dma_start3A = arith.constant 0 : i32
    %dma_start3A_19 = arith.constant 0 : i32
    %dma_start3A_20 = tpu.memref_slice %arg5[%dma_start3A, %dma_start3A_19] : memref<2x800xi32, #tpu.memory_space<vmem>> -> memref<1x800xi32, #tpu.memory_space<vmem>>
    %dma_start3A_21 = tpu.memref_squeeze %dma_start3A_20 : memref<1x800xi32, #tpu.memory_space<vmem>> -> memref<800xi32, #tpu.memory_space<vmem>>
    %dma_start3A_22 = arith.constant 0 : i32
    %dma_start3A_23 = tpu.memref_slice %dma_start3A_21[%dma_start3A_22] : memref<800xi32, #tpu.memory_space<vmem>> -> memref<200xi32, #tpu.memory_space<vmem>>
    %dma_start3A_24 = arith.constant 0 : i32
    %dma_start3A_25 = tpu.memref_slice %arg2[%add3A_6, %dma_start3A_24] : memref<16384x200xi32, #tpu.memory_space<hbm>> -> memref<1x200xi32, #tpu.memory_space<hbm>>
    %dma_start3A_26 = tpu.memref_squeeze %dma_start3A_25 : memref<1x200xi32, #tpu.memory_space<hbm>> -> memref<200xi32, #tpu.memory_space<hbm>>
    %dma_start3A_27 = arith.constant 0 : i32
    %dma_start3A_28 = tpu.memref_slice %arg5[%dma_start3A, %dma_start3A_27] : memref<2x800xi32, #tpu.memory_space<vmem>> -> memref<1x800xi32, #tpu.memory_space<vmem>>
    %dma_start3A_29 = tpu.memref_squeeze %dma_start3A_28 : memref<1x800xi32, #tpu.memory_space<vmem>> -> memref<800xi32, #tpu.memory_space<vmem>>
    %dma_start3A_30 = arith.constant 0 : i32
    %dma_start3A_31 = tpu.memref_slice %dma_start3A_29[%dma_start3A_30] : memref<800xi32, #tpu.memory_space<vmem>> -> memref<200xi32, #tpu.memory_space<vmem>>
    %dma_start3A_32 = arith.constant 0 : i32
    %dma_start3A_33 = tpu.memref_slice %arg2[%add3A_6, %dma_start3A_32] : memref<16384x200xi32, #tpu.memory_space<hbm>> -> memref<1x200xi32, #tpu.memory_space<hbm>>
    %dma_start3A_34 = tpu.memref_squeeze %dma_start3A_33 : memref<1x200xi32, #tpu.memory_space<hbm>> -> memref<200xi32, #tpu.memory_space<hbm>>
    tpu.enqueue_dma source(%dma_start3A_34 : memref<200xi32, #tpu.memory_space<hbm>>) target(%dma_start3A_31 : memref<200xi32, #tpu.memory_space<vmem>>) target_semaphore(%arg7 : memref<!tpu.dma_semaphore, #tpu.memory_space<semaphore_mem>>)
    %dma_start3A_35 = arith.constant 0 : i32
    %dma_start3A_36 = arith.constant 0 : i32
    %dma_start3A_37 = tpu.memref_slice %arg5[%dma_start3A_35, %dma_start3A_36] : memref<2x800xi32, #tpu.memory_space<vmem>> -> memref<1x800xi32, #tpu.memory_space<vmem>>
    %dma_start3A_38 = tpu.memref_squeeze %dma_start3A_37 : memref<1x800xi32, #tpu.memory_space<vmem>> -> memref<800xi32, #tpu.memory_space<vmem>>
    %dma_start3A_39 = arith.constant 200 : i32
    %dma_start3A_40 = tpu.memref_slice %dma_start3A_38[%dma_start3A_39] : memref<800xi32, #tpu.memory_space<vmem>> -> memref<200xi32, #tpu.memory_space<vmem>>
    %dma_start3A_41 = arith.constant 0 : i32
    %dma_start3A_42 = tpu.memref_slice %arg2[%add3A_10, %dma_start3A_41] : memref<16384x200xi32, #tpu.memory_space<hbm>> -> memref<1x200xi32, #tpu.memory_space<hbm>>
    %dma_start3A_43 = tpu.memref_squeeze %dma_start3A_42 : memref<1x200xi32, #tpu.memory_space<hbm>> -> memref<200xi32, #tpu.memory_space<hbm>>
    %dma_start3A_44 = arith.constant 0 : i32
    %dma_start3A_45 = tpu.memref_slice %arg5[%dma_start3A_35, %dma_start3A_44] : memref<2x800xi32, #tpu.memory_space<vmem>> -> memref<1x800xi32, #tpu.memory_space<vmem>>
    %dma_start3A_46 = tpu.memref_squeeze %dma_start3A_45 : memref<1x800xi32, #tpu.memory_space<vmem>> -> memref<800xi32, #tpu.memory_space<vmem>>
    %dma_start3A_47 = arith.constant 200 : i32
    %dma_start3A_48 = tpu.memref_slice %dma_start3A_46[%dma_start3A_47] : memref<800xi32, #tpu.memory_space<vmem>> -> memref<200xi32, #tpu.memory_space<vmem>>
    %dma_start3A_49 = arith.constant 0 : i32
    %dma_start3A_50 = tpu.memref_slice %arg2[%add3A_10, %dma_start3A_49] : memref<16384x200xi32, #tpu.memory_space<hbm>> -> memref<1x200xi32, #tpu.memory_space<hbm>>
    %dma_start3A_51 = tpu.memref_squeeze %dma_start3A_50 : memref<1x200xi32, #tpu.memory_space<hbm>> -> memref<200xi32, #tpu.memory_space<hbm>>
    tpu.enqueue_dma source(%dma_start3A_51 : memref<200xi32, #tpu.memory_space<hbm>>) target(%dma_start3A_48 : memref<200xi32, #tpu.memory_space<vmem>>) target_semaphore(%arg7 : memref<!tpu.dma_semaphore, #tpu.memory_space<semaphore_mem>>)
    %dma_start3A_52 = arith.constant 0 : i32
    %dma_start3A_53 = arith.constant 0 : i32
    %dma_start3A_54 = tpu.memref_slice %arg5[%dma_start3A_52, %dma_start3A_53] : memref<2x800xi32, #tpu.memory_space<vmem>> -> memref<1x800xi32, #tpu.memory_space<vmem>>
    %dma_start3A_55 = tpu.memref_squeeze %dma_start3A_54 : memref<1x800xi32, #tpu.memory_space<vmem>> -> memref<800xi32, #tpu.memory_space<vmem>>
    %dma_start3A_56 = arith.constant 400 : i32
    %dma_start3A_57 = tpu.memref_slice %dma_start3A_55[%dma_start3A_56] : memref<800xi32, #tpu.memory_space<vmem>> -> memref<200xi32, #tpu.memory_space<vmem>>
    %dma_start3A_58 = arith.constant 0 : i32
    %dma_start3A_59 = tpu.memref_slice %arg2[%add3A_14, %dma_start3A_58] : memref<16384x200xi32, #tpu.memory_space<hbm>> -> memref<1x200xi32, #tpu.memory_space<hbm>>
    %dma_start3A_60 = tpu.memref_squeeze %dma_start3A_59 : memref<1x200xi32, #tpu.memory_space<hbm>> -> memref<200xi32, #tpu.memory_space<hbm>>
    %dma_start3A_61 = arith.constant 0 : i32
    %dma_start3A_62 = tpu.memref_slice %arg5[%dma_start3A_52, %dma_start3A_61] : memref<2x800xi32, #tpu.memory_space<vmem>> -> memref<1x800xi32, #tpu.memory_space<vmem>>
    %dma_start3A_63 = tpu.memref_squeeze %dma_start3A_62 : memref<1x800xi32, #tpu.memory_space<vmem>> -> memref<800xi32, #tpu.memory_space<vmem>>
    %dma_start3A_64 = arith.constant 400 : i32
    %dma_start3A_65 = tpu.memref_slice %dma_start3A_63[%dma_start3A_64] : memref<800xi32, #tpu.memory_space<vmem>> -> memref<200xi32, #tpu.memory_space<vmem>>
    %dma_start3A_66 = arith.constant 0 : i32
    %dma_start3A_67 = tpu.memref_slice %arg2[%add3A_14, %dma_start3A_66] : memref<16384x200xi32, #tpu.memory_space<hbm>> -> memref<1x200xi32, #tpu.memory_space<hbm>>
    %dma_start3A_68 = tpu.memref_squeeze %dma_start3A_67 : memref<1x200xi32, #tpu.memory_space<hbm>> -> memref<200xi32, #tpu.memory_space<hbm>>
    tpu.enqueue_dma source(%dma_start3A_68 : memref<200xi32, #tpu.memory_space<hbm>>) target(%dma_start3A_65 : memref<200xi32, #tpu.memory_space<vmem>>) target_semaphore(%arg7 : memref<!tpu.dma_semaphore, #tpu.memory_space<semaphore_mem>>)
    %dma_start3A_69 = arith.constant 0 : i32
    %dma_start3A_70 = arith.constant 0 : i32
    %dma_start3A_71 = tpu.memref_slice %arg5[%dma_start3A_69, %dma_start3A_70] : memref<2x800xi32, #tpu.memory_space<vmem>> -> memref<1x800xi32, #tpu.memory_space<vmem>>
    %dma_start3A_72 = tpu.memref_squeeze %dma_start3A_71 : memref<1x800xi32, #tpu.memory_space<vmem>> -> memref<800xi32, #tpu.memory_space<vmem>>
    %dma_start3A_73 = arith.constant 600 : i32
    %dma_start3A_74 = tpu.memref_slice %dma_start3A_72[%dma_start3A_73] : memref<800xi32, #tpu.memory_space<vmem>> -> memref<200xi32, #tpu.memory_space<vmem>>
    %dma_start3A_75 = arith.constant 0 : i32
    %dma_start3A_76 = tpu.memref_slice %arg2[%add3A_18, %dma_start3A_75] : memref<16384x200xi32, #tpu.memory_space<hbm>> -> memref<1x200xi32, #tpu.memory_space<hbm>>
    %dma_start3A_77 = tpu.memref_squeeze %dma_start3A_76 : memref<1x200xi32, #tpu.memory_space<hbm>> -> memref<200xi32, #tpu.memory_space<hbm>>
    %dma_start3A_78 = arith.constant 0 : i32
    %dma_start3A_79 = tpu.memref_slice %arg5[%dma_start3A_69, %dma_start3A_78] : memref<2x800xi32, #tpu.memory_space<vmem>> -> memref<1x800xi32, #tpu.memory_space<vmem>>
    %dma_start3A_80 = tpu.memref_squeeze %dma_start3A_79 : memref<1x800xi32, #tpu.memory_space<vmem>> -> memref<800xi32, #tpu.memory_space<vmem>>
    %dma_start3A_81 = arith.constant 600 : i32
    %dma_start3A_82 = tpu.memref_slice %dma_start3A_80[%dma_start3A_81] : memref<800xi32, #tpu.memory_space<vmem>> -> memref<200xi32, #tpu.memory_space<vmem>>
    %dma_start3A_83 = arith.constant 0 : i32
    %dma_start3A_84 = tpu.memref_slice %arg2[%add3A_18, %dma_start3A_83] : memref<16384x200xi32, #tpu.memory_space<hbm>> -> memref<1x200xi32, #tpu.memory_space<hbm>>
    %dma_start3A_85 = tpu.memref_squeeze %dma_start3A_84 : memref<1x200xi32, #tpu.memory_space<hbm>> -> memref<200xi32, #tpu.memory_space<hbm>>
    tpu.enqueue_dma source(%dma_start3A_85 : memref<200xi32, #tpu.memory_space<hbm>>) target(%dma_start3A_82 : memref<200xi32, #tpu.memory_space<vmem>>) target_semaphore(%arg7 : memref<!tpu.dma_semaphore, #tpu.memory_space<semaphore_mem>>)
    %add3A_86 = arith.constant 0 : i32
    %add3A_87 = arith.addi %mul3A_2, %add3A_86 : i32
    %add3A_88 = arith.constant 0 : i32
    %add3A_89 = arith.addi %add3A_87, %add3A_88 : i32
    %add3A_90 = arith.constant 0 : i32
    %add3A_91 = arith.addi %mul3A_2, %add3A_90 : i32
    %add3A_92 = arith.constant 1 : i32
    %add3A_93 = arith.addi %add3A_91, %add3A_92 : i32
    %add3A_94 = arith.constant 0 : i32
    %add3A_95 = arith.addi %mul3A_2, %add3A_94 : i32
    %add3A_96 = arith.constant 2 : i32
    %add3A_97 = arith.addi %add3A_95, %add3A_96 : i32
    %add3A_98 = arith.constant 0 : i32
    %add3A_99 = arith.addi %mul3A_2, %add3A_98 : i32
    %add3A_100 = arith.constant 3 : i32
    %add3A_101 = arith.addi %add3A_99, %add3A_100 : i32
    %dma_wait3A = arith.constant 0 : i32
    %dma_wait3A_102 = arith.constant 0 : i32
    %dma_wait3A_103 = tpu.memref_slice %arg5[%dma_wait3A, %dma_wait3A_102] : memref<2x800xi32, #tpu.memory_space<vmem>> -> memref<1x800xi32, #tpu.memory_space<vmem>>
    %dma_wait3A_104 = tpu.memref_squeeze %dma_wait3A_103 : memref<1x800xi32, #tpu.memory_space<vmem>> -> memref<800xi32, #tpu.memory_space<vmem>>
    %dma_wait3A_105 = arith.constant 0 : i32
    %dma_wait3A_106 = tpu.memref_slice %dma_wait3A_104[%dma_wait3A_105] : memref<800xi32, #tpu.memory_space<vmem>> -> memref<200xi32, #tpu.memory_space<vmem>>
    %dma_wait3A_107 = arith.constant 0 : i32
    %dma_wait3A_108 = tpu.memref_slice %arg2[%add3A_89, %dma_wait3A_107] : memref<16384x200xi32, #tpu.memory_space<hbm>> -> memref<1x200xi32, #tpu.memory_space<hbm>>
    %dma_wait3A_109 = tpu.memref_squeeze %dma_wait3A_108 : memref<1x200xi32, #tpu.memory_space<hbm>> -> memref<200xi32, #tpu.memory_space<hbm>>
    %dma_wait3A_110 = arith.constant 0 : i32
    %dma_wait3A_111 = tpu.memref_slice %arg5[%dma_wait3A, %dma_wait3A_110] : memref<2x800xi32, #tpu.memory_space<vmem>> -> memref<1x800xi32, #tpu.memory_space<vmem>>
    %dma_wait3A_112 = tpu.memref_squeeze %dma_wait3A_111 : memref<1x800xi32, #tpu.memory_space<vmem>> -> memref<800xi32, #tpu.memory_space<vmem>>
    %dma_wait3A_113 = arith.constant 0 : i32
    %dma_wait3A_114 = tpu.memref_slice %dma_wait3A_112[%dma_wait3A_113] : memref<800xi32, #tpu.memory_space<vmem>> -> memref<200xi32, #tpu.memory_space<vmem>>
    %dma_wait3A_115 = arith.constant 0 : i32
    %dma_wait3A_116 = tpu.memref_slice %arg2[%add3A_89, %dma_wait3A_115] : memref<16384x200xi32, #tpu.memory_space<hbm>> -> memref<1x200xi32, #tpu.memory_space<hbm>>
    %dma_wait3A_117 = tpu.memref_squeeze %dma_wait3A_116 : memref<1x200xi32, #tpu.memory_space<hbm>> -> memref<200xi32, #tpu.memory_space<hbm>>
    tpu.wait_dma2 semaphore(%arg7 : memref<!tpu.dma_semaphore, #tpu.memory_space<semaphore_mem>>) src(%dma_wait3A_117 : memref<200xi32, #tpu.memory_space<hbm>>) dst(%dma_wait3A_114 : memref<200xi32, #tpu.memory_space<vmem>>)
    %dma_wait3A_118 = arith.constant 0 : i32
    %dma_wait3A_119 = arith.constant 0 : i32
    %dma_wait3A_120 = tpu.memref_slice %arg5[%dma_wait3A_118, %dma_wait3A_119] : memref<2x800xi32, #tpu.memory_space<vmem>> -> memref<1x800xi32, #tpu.memory_space<vmem>>
    %dma_wait3A_121 = tpu.memref_squeeze %dma_wait3A_120 : memref<1x800xi32, #tpu.memory_space<vmem>> -> memref<800xi32, #tpu.memory_space<vmem>>
    %dma_wait3A_122 = arith.constant 200 : i32
    %dma_wait3A_123 = tpu.memref_slice %dma_wait3A_121[%dma_wait3A_122] : memref<800xi32, #tpu.memory_space<vmem>> -> memref<200xi32, #tpu.memory_space<vmem>>
    %dma_wait3A_124 = arith.constant 0 : i32
    %dma_wait3A_125 = tpu.memref_slice %arg2[%add3A_93, %dma_wait3A_124] : memref<16384x200xi32, #tpu.memory_space<hbm>> -> memref<1x200xi32, #tpu.memory_space<hbm>>
    %dma_wait3A_126 = tpu.memref_squeeze %dma_wait3A_125 : memref<1x200xi32, #tpu.memory_space<hbm>> -> memref<200xi32, #tpu.memory_space<hbm>>
    %dma_wait3A_127 = arith.constant 0 : i32
    %dma_wait3A_128 = tpu.memref_slice %arg5[%dma_wait3A_118, %dma_wait3A_127] : memref<2x800xi32, #tpu.memory_space<vmem>> -> memref<1x800xi32, #tpu.memory_space<vmem>>
    %dma_wait3A_129 = tpu.memref_squeeze %dma_wait3A_128 : memref<1x800xi32, #tpu.memory_space<vmem>> -> memref<800xi32, #tpu.memory_space<vmem>>
    %dma_wait3A_130 = arith.constant 200 : i32
    %dma_wait3A_131 = tpu.memref_slice %dma_wait3A_129[%dma_wait3A_130] : memref<800xi32, #tpu.memory_space<vmem>> -> memref<200xi32, #tpu.memory_space<vmem>>
    %dma_wait3A_132 = arith.constant 0 : i32
    %dma_wait3A_133 = tpu.memref_slice %arg2[%add3A_93, %dma_wait3A_132] : memref<16384x200xi32, #tpu.memory_space<hbm>> -> memref<1x200xi32, #tpu.memory_space<hbm>>
    %dma_wait3A_134 = tpu.memref_squeeze %dma_wait3A_133 : memref<1x200xi32, #tpu.memory_space<hbm>> -> memref<200xi32, #tpu.memory_space<hbm>>
    tpu.wait_dma2 semaphore(%arg7 : memref<!tpu.dma_semaphore, #tpu.memory_space<semaphore_mem>>) src(%dma_wait3A_134 : memref<200xi32, #tpu.memory_space<hbm>>) dst(%dma_wait3A_131 : memref<200xi32, #tpu.memory_space<vmem>>)
    %dma_wait3A_135 = arith.constant 0 : i32
    %dma_wait3A_136 = arith.constant 0 : i32
    %dma_wait3A_137 = tpu.memref_slice %arg5[%dma_wait3A_135, %dma_wait3A_136] : memref<2x800xi32, #tpu.memory_space<vmem>> -> memref<1x800xi32, #tpu.memory_space<vmem>>
    %dma_wait3A_138 = tpu.memref_squeeze %dma_wait3A_137 : memref<1x800xi32, #tpu.memory_space<vmem>> -> memref<800xi32, #tpu.memory_space<vmem>>
    %dma_wait3A_139 = arith.constant 400 : i32
    %dma_wait3A_140 = tpu.memref_slice %dma_wait3A_138[%dma_wait3A_139] : memref<800xi32, #tpu.memory_space<vmem>> -> memref<200xi32, #tpu.memory_space<vmem>>
    %dma_wait3A_141 = arith.constant 0 : i32
    %dma_wait3A_142 = tpu.memref_slice %arg2[%add3A_97, %dma_wait3A_141] : memref<16384x200xi32, #tpu.memory_space<hbm>> -> memref<1x200xi32, #tpu.memory_space<hbm>>
    %dma_wait3A_143 = tpu.memref_squeeze %dma_wait3A_142 : memref<1x200xi32, #tpu.memory_space<hbm>> -> memref<200xi32, #tpu.memory_space<hbm>>
    %dma_wait3A_144 = arith.constant 0 : i32
    %dma_wait3A_145 = tpu.memref_slice %arg5[%dma_wait3A_135, %dma_wait3A_144] : memref<2x800xi32, #tpu.memory_space<vmem>> -> memref<1x800xi32, #tpu.memory_space<vmem>>
    %dma_wait3A_146 = tpu.memref_squeeze %dma_wait3A_145 : memref<1x800xi32, #tpu.memory_space<vmem>> -> memref<800xi32, #tpu.memory_space<vmem>>
    %dma_wait3A_147 = arith.constant 400 : i32
    %dma_wait3A_148 = tpu.memref_slice %dma_wait3A_146[%dma_wait3A_147] : memref<800xi32, #tpu.memory_space<vmem>> -> memref<200xi32, #tpu.memory_space<vmem>>
    %dma_wait3A_149 = arith.constant 0 : i32
    %dma_wait3A_150 = tpu.memref_slice %arg2[%add3A_97, %dma_wait3A_149] : memref<16384x200xi32, #tpu.memory_space<hbm>> -> memref<1x200xi32, #tpu.memory_space<hbm>>
    %dma_wait3A_151 = tpu.memref_squeeze %dma_wait3A_150 : memref<1x200xi32, #tpu.memory_space<hbm>> -> memref<200xi32, #tpu.memory_space<hbm>>
    tpu.wait_dma2 semaphore(%arg7 : memref<!tpu.dma_semaphore, #tpu.memory_space<semaphore_mem>>) src(%dma_wait3A_151 : memref<200xi32, #tpu.memory_space<hbm>>) dst(%dma_wait3A_148 : memref<200xi32, #tpu.memory_space<vmem>>)
    %dma_wait3A_152 = arith.constant 0 : i32
    %dma_wait3A_153 = arith.constant 0 : i32
    %dma_wait3A_154 = tpu.memref_slice %arg5[%dma_wait3A_152, %dma_wait3A_153] : memref<2x800xi32, #tpu.memory_space<vmem>> -> memref<1x800xi32, #tpu.memory_space<vmem>>
    %dma_wait3A_155 = tpu.memref_squeeze %dma_wait3A_154 : memref<1x800xi32, #tpu.memory_space<vmem>> -> memref<800xi32, #tpu.memory_space<vmem>>
    %dma_wait3A_156 = arith.constant 600 : i32
    %dma_wait3A_157 = tpu.memref_slice %dma_wait3A_155[%dma_wait3A_156] : memref<800xi32, #tpu.memory_space<vmem>> -> memref<200xi32, #tpu.memory_space<vmem>>
    %dma_wait3A_158 = arith.constant 0 : i32
    %dma_wait3A_159 = tpu.memref_slice %arg2[%add3A_101, %dma_wait3A_158] : memref<16384x200xi32, #tpu.memory_space<hbm>> -> memref<1x200xi32, #tpu.memory_space<hbm>>
    %dma_wait3A_160 = tpu.memref_squeeze %dma_wait3A_159 : memref<1x200xi32, #tpu.memory_space<hbm>> -> memref<200xi32, #tpu.memory_space<hbm>>
    %dma_wait3A_161 = arith.constant 0 : i32
    %dma_wait3A_162 = tpu.memref_slice %arg5[%dma_wait3A_152, %dma_wait3A_161] : memref<2x800xi32, #tpu.memory_space<vmem>> -> memref<1x800xi32, #tpu.memory_space<vmem>>
    %dma_wait3A_163 = tpu.memref_squeeze %dma_wait3A_162 : memref<1x800xi32, #tpu.memory_space<vmem>> -> memref<800xi32, #tpu.memory_space<vmem>>
    %dma_wait3A_164 = arith.constant 600 : i32
    %dma_wait3A_165 = tpu.memref_slice %dma_wait3A_163[%dma_wait3A_164] : memref<800xi32, #tpu.memory_space<vmem>> -> memref<200xi32, #tpu.memory_space<vmem>>
    %dma_wait3A_166 = arith.constant 0 : i32
    %dma_wait3A_167 = tpu.memref_slice %arg2[%add3A_101, %dma_wait3A_166] : memref<16384x200xi32, #tpu.memory_space<hbm>> -> memref<1x200xi32, #tpu.memory_space<hbm>>
    %dma_wait3A_168 = tpu.memref_squeeze %dma_wait3A_167 : memref<1x200xi32, #tpu.memory_space<hbm>> -> memref<200xi32, #tpu.memory_space<hbm>>
    tpu.wait_dma2 semaphore(%arg7 : memref<!tpu.dma_semaphore, #tpu.memory_space<semaphore_mem>>) src(%dma_wait3A_168 : memref<200xi32, #tpu.memory_space<hbm>>) dst(%dma_wait3A_165 : memref<200xi32, #tpu.memory_space<vmem>>)
    %dma_start3A_169 = arith.constant 0 : i32
    %dma_start3A_170 = arith.constant 0 : i32
    %dma_start3A_171 = arith.constant 0 : i32
    %dma_start3A_172 = arith.constant 0 : i32
    %dma_start3A_173 = tpu.memref_slice %arg6[%dma_start3A_170, %dma_start3A_171, %dma_start3A_172] : memref<2x800x64xf32, #tpu.memory_space<vmem>> -> memref<1x800x64xf32, #tpu.memory_space<vmem>>
    %dma_start3A_174 = tpu.memref_squeeze %dma_start3A_173 : memref<1x800x64xf32, #tpu.memory_space<vmem>> -> memref<800x64xf32, #tpu.memory_space<vmem>>
    %dma_start3A_175 = arith.constant 0 : i32
    %dma_start3A_176 = arith.constant 0 : i32
    %dma_start3A_177 = tpu.memref_slice %dma_start3A_174[%dma_start3A_175, %dma_start3A_176] : memref<800x64xf32, #tpu.memory_space<vmem>> -> memref<128x64xf32, #tpu.memory_space<vmem>>
    %dma_start3A_178 = arith.constant 0 : i32
    %dma_start3A_179 = tpu.memref_slice %arg5[%dma_start3A_169, %dma_start3A_178] : memref<2x800xi32, #tpu.memory_space<vmem>> -> memref<1x800xi32, #tpu.memory_space<vmem>>
    %dma_start3A_180 = tpu.memref_squeeze %dma_start3A_179 : memref<1x800xi32, #tpu.memory_space<vmem>> -> memref<800xi32, #tpu.memory_space<vmem>>
    %dma_start3A_181 = arith.constant 0 : i32
    %dma_start3A_182 = tpu.memref_slice %dma_start3A_180[%dma_start3A_181] : memref<800xi32, #tpu.memory_space<vmem>> -> memref<128xi32, #tpu.memory_space<vmem>>
    %dma_start3A_183 = arith.constant 0 : i32
    %dma_start3A_184 = arith.constant 0 : i32
    %dma_start3A_185 = tpu.memref_slice %arg3[%dma_start3A_183, %dma_start3A_184] : memref<2000000x64xf32, #tpu.memory_space<hbm>> -> memref<2000000x64xf32, #tpu.memory_space<hbm>>
    tpu.enqueue_indirect_dma source(%dma_start3A_185 : memref<2000000x64xf32, #tpu.memory_space<hbm>>) target(%dma_start3A_177 : memref<128x64xf32, #tpu.memory_space<vmem>>) offsets(%dma_start3A_182 : memref<128xi32, #tpu.memory_space<vmem>>) semaphore(%arg9 : memref<!tpu.dma_semaphore, #tpu.memory_space<semaphore_mem>>)
    %dma_start3A_186 = arith.constant 0 : i32
    %dma_start3A_187 = arith.constant 0 : i32
    %dma_start3A_188 = arith.constant 0 : i32
    %dma_start3A_189 = arith.constant 0 : i32
    %dma_start3A_190 = tpu.memref_slice %arg6[%dma_start3A_187, %dma_start3A_188, %dma_start3A_189] : memref<2x800x64xf32, #tpu.memory_space<vmem>> -> memref<1x800x64xf32, #tpu.memory_space<vmem>>
    %dma_start3A_191 = tpu.memref_squeeze %dma_start3A_190 : memref<1x800x64xf32, #tpu.memory_space<vmem>> -> memref<800x64xf32, #tpu.memory_space<vmem>>
    %dma_start3A_192 = arith.constant 128 : i32
    %dma_start3A_193 = arith.constant 0 : i32
    %dma_start3A_194 = tpu.memref_slice %dma_start3A_191[%dma_start3A_192, %dma_start3A_193] : memref<800x64xf32, #tpu.memory_space<vmem>> -> memref<128x64xf32, #tpu.memory_space<vmem>>
    %dma_start3A_195 = arith.constant 0 : i32
    %dma_start3A_196 = tpu.memref_slice %arg5[%dma_start3A_186, %dma_start3A_195] : memref<2x800xi32, #tpu.memory_space<vmem>> -> memref<1x800xi32, #tpu.memory_space<vmem>>
    %dma_start3A_197 = tpu.memref_squeeze %dma_start3A_196 : memref<1x800xi32, #tpu.memory_space<vmem>> -> memref<800xi32, #tpu.memory_space<vmem>>
    %dma_start3A_198 = arith.constant 128 : i32
    %dma_start3A_199 = tpu.memref_slice %dma_start3A_197[%dma_start3A_198] : memref<800xi32, #tpu.memory_space<vmem>> -> memref<128xi32, #tpu.memory_space<vmem>>
    %dma_start3A_200 = arith.constant 0 : i32
    %dma_start3A_201 = arith.constant 0 : i32
    %dma_start3A_202 = tpu.memref_slice %arg3[%dma_start3A_200, %dma_start3A_201] : memref<2000000x64xf32, #tpu.memory_space<hbm>> -> memref<2000000x64xf32, #tpu.memory_space<hbm>>
    tpu.enqueue_indirect_dma source(%dma_start3A_202 : memref<2000000x64xf32, #tpu.memory_space<hbm>>) target(%dma_start3A_194 : memref<128x64xf32, #tpu.memory_space<vmem>>) offsets(%dma_start3A_199 : memref<128xi32, #tpu.memory_space<vmem>>) semaphore(%arg9 : memref<!tpu.dma_semaphore, #tpu.memory_space<semaphore_mem>>)
    %dma_start3A_203 = arith.constant 0 : i32
    %dma_start3A_204 = arith.constant 0 : i32
    %dma_start3A_205 = arith.constant 0 : i32
    %dma_start3A_206 = arith.constant 0 : i32
    %dma_start3A_207 = tpu.memref_slice %arg6[%dma_start3A_204, %dma_start3A_205, %dma_start3A_206] : memref<2x800x64xf32, #tpu.memory_space<vmem>> -> memref<1x800x64xf32, #tpu.memory_space<vmem>>
    %dma_start3A_208 = tpu.memref_squeeze %dma_start3A_207 : memref<1x800x64xf32, #tpu.memory_space<vmem>> -> memref<800x64xf32, #tpu.memory_space<vmem>>
    %dma_start3A_209 = arith.constant 256 : i32
    %dma_start3A_210 = arith.constant 0 : i32
    %dma_start3A_211 = tpu.memref_slice %dma_start3A_208[%dma_start3A_209, %dma_start3A_210] : memref<800x64xf32, #tpu.memory_space<vmem>> -> memref<128x64xf32, #tpu.memory_space<vmem>>
    %dma_start3A_212 = arith.constant 0 : i32
    %dma_start3A_213 = tpu.memref_slice %arg5[%dma_start3A_203, %dma_start3A_212] : memref<2x800xi32, #tpu.memory_space<vmem>> -> memref<1x800xi32, #tpu.memory_space<vmem>>
    %dma_start3A_214 = tpu.memref_squeeze %dma_start3A_213 : memref<1x800xi32, #tpu.memory_space<vmem>> -> memref<800xi32, #tpu.memory_space<vmem>>
    %dma_start3A_215 = arith.constant 256 : i32
    %dma_start3A_216 = tpu.memref_slice %dma_start3A_214[%dma_start3A_215] : memref<800xi32, #tpu.memory_space<vmem>> -> memref<128xi32, #tpu.memory_space<vmem>>
    %dma_start3A_217 = arith.constant 0 : i32
    %dma_start3A_218 = arith.constant 0 : i32
    %dma_start3A_219 = tpu.memref_slice %arg3[%dma_start3A_217, %dma_start3A_218] : memref<2000000x64xf32, #tpu.memory_space<hbm>> -> memref<2000000x64xf32, #tpu.memory_space<hbm>>
    tpu.enqueue_indirect_dma source(%dma_start3A_219 : memref<2000000x64xf32, #tpu.memory_space<hbm>>) target(%dma_start3A_211 : memref<128x64xf32, #tpu.memory_space<vmem>>) offsets(%dma_start3A_216 : memref<128xi32, #tpu.memory_space<vmem>>) semaphore(%arg9 : memref<!tpu.dma_semaphore, #tpu.memory_space<semaphore_mem>>)
    %dma_start3A_220 = arith.constant 0 : i32
    %dma_start3A_221 = arith.constant 0 : i32
    %dma_start3A_222 = arith.constant 0 : i32
    %dma_start3A_223 = arith.constant 0 : i32
    %dma_start3A_224 = tpu.memref_slice %arg6[%dma_start3A_221, %dma_start3A_222, %dma_start3A_223] : memref<2x800x64xf32, #tpu.memory_space<vmem>> -> memref<1x800x64xf32, #tpu.memory_space<vmem>>
    %dma_start3A_225 = tpu.memref_squeeze %dma_start3A_224 : memref<1x800x64xf32, #tpu.memory_space<vmem>> -> memref<800x64xf32, #tpu.memory_space<vmem>>
    %dma_start3A_226 = arith.constant 384 : i32
    %dma_start3A_227 = arith.constant 0 : i32
    %dma_start3A_228 = tpu.memref_slice %dma_start3A_225[%dma_start3A_226, %dma_start3A_227] : memref<800x64xf32, #tpu.memory_space<vmem>> -> memref<128x64xf32, #tpu.memory_space<vmem>>
    %dma_start3A_229 = arith.constant 0 : i32
    %dma_start3A_230 = tpu.memref_slice %arg5[%dma_start3A_220, %dma_start3A_229] : memref<2x800xi32, #tpu.memory_space<vmem>> -> memref<1x800xi32, #tpu.memory_space<vmem>>
    %dma_start3A_231 = tpu.memref_squeeze %dma_start3A_230 : memref<1x800xi32, #tpu.memory_space<vmem>> -> memref<800xi32, #tpu.memory_space<vmem>>
    %dma_start3A_232 = arith.constant 384 : i32
    %dma_start3A_233 = tpu.memref_slice %dma_start3A_231[%dma_start3A_232] : memref<800xi32, #tpu.memory_space<vmem>> -> memref<128xi32, #tpu.memory_space<vmem>>
    %dma_start3A_234 = arith.constant 0 : i32
    %dma_start3A_235 = arith.constant 0 : i32
    %dma_start3A_236 = tpu.memref_slice %arg3[%dma_start3A_234, %dma_start3A_235] : memref<2000000x64xf32, #tpu.memory_space<hbm>> -> memref<2000000x64xf32, #tpu.memory_space<hbm>>
    tpu.enqueue_indirect_dma source(%dma_start3A_236 : memref<2000000x64xf32, #tpu.memory_space<hbm>>) target(%dma_start3A_228 : memref<128x64xf32, #tpu.memory_space<vmem>>) offsets(%dma_start3A_233 : memref<128xi32, #tpu.memory_space<vmem>>) semaphore(%arg9 : memref<!tpu.dma_semaphore, #tpu.memory_space<semaphore_mem>>)
    %dma_start3A_237 = arith.constant 0 : i32
    %dma_start3A_238 = arith.constant 0 : i32
    %dma_start3A_239 = arith.constant 0 : i32
    %dma_start3A_240 = arith.constant 0 : i32
    %dma_start3A_241 = tpu.memref_slice %arg6[%dma_start3A_238, %dma_start3A_239, %dma_start3A_240] : memref<2x800x64xf32, #tpu.memory_space<vmem>> -> memref<1x800x64xf32, #tpu.memory_space<vmem>>
    %dma_start3A_242 = tpu.memref_squeeze %dma_start3A_241 : memref<1x800x64xf32, #tpu.memory_space<vmem>> -> memref<800x64xf32, #tpu.memory_space<vmem>>
    %dma_start3A_243 = arith.constant 512 : i32
    %dma_start3A_244 = arith.constant 0 : i32
    %dma_start3A_245 = tpu.memref_slice %dma_start3A_242[%dma_start3A_243, %dma_start3A_244] : memref<800x64xf32, #tpu.memory_space<vmem>> -> memref<128x64xf32, #tpu.memory_space<vmem>>
    %dma_start3A_246 = arith.constant 0 : i32
    %dma_start3A_247 = tpu.memref_slice %arg5[%dma_start3A_237, %dma_start3A_246] : memref<2x800xi32, #tpu.memory_space<vmem>> -> memref<1x800xi32, #tpu.memory_space<vmem>>
    %dma_start3A_248 = tpu.memref_squeeze %dma_start3A_247 : memref<1x800xi32, #tpu.memory_space<vmem>> -> memref<800xi32, #tpu.memory_space<vmem>>
    %dma_start3A_249 = arith.constant 512 : i32
    %dma_start3A_250 = tpu.memref_slice %dma_start3A_248[%dma_start3A_249] : memref<800xi32, #tpu.memory_space<vmem>> -> memref<128xi32, #tpu.memory_space<vmem>>
    %dma_start3A_251 = arith.constant 0 : i32
    %dma_start3A_252 = arith.constant 0 : i32
    %dma_start3A_253 = tpu.memref_slice %arg3[%dma_start3A_251, %dma_start3A_252] : memref<2000000x64xf32, #tpu.memory_space<hbm>> -> memref<2000000x64xf32, #tpu.memory_space<hbm>>
    tpu.enqueue_indirect_dma source(%dma_start3A_253 : memref<2000000x64xf32, #tpu.memory_space<hbm>>) target(%dma_start3A_245 : memref<128x64xf32, #tpu.memory_space<vmem>>) offsets(%dma_start3A_250 : memref<128xi32, #tpu.memory_space<vmem>>) semaphore(%arg9 : memref<!tpu.dma_semaphore, #tpu.memory_space<semaphore_mem>>)
    %dma_start3A_254 = arith.constant 0 : i32
    %dma_start3A_255 = arith.constant 0 : i32
    %dma_start3A_256 = arith.constant 0 : i32
    %dma_start3A_257 = arith.constant 0 : i32
    %dma_start3A_258 = tpu.memref_slice %arg6[%dma_start3A_255, %dma_start3A_256, %dma_start3A_257] : memref<2x800x64xf32, #tpu.memory_space<vmem>> -> memref<1x800x64xf32, #tpu.memory_space<vmem>>
    %dma_start3A_259 = tpu.memref_squeeze %dma_start3A_258 : memref<1x800x64xf32, #tpu.memory_space<vmem>> -> memref<800x64xf32, #tpu.memory_space<vmem>>
    %dma_start3A_260 = arith.constant 640 : i32
    %dma_start3A_261 = arith.constant 0 : i32
    %dma_start3A_262 = tpu.memref_slice %dma_start3A_259[%dma_start3A_260, %dma_start3A_261] : memref<800x64xf32, #tpu.memory_space<vmem>> -> memref<128x64xf32, #tpu.memory_space<vmem>>
    %dma_start3A_263 = arith.constant 0 : i32
    %dma_start3A_264 = tpu.memref_slice %arg5[%dma_start3A_254, %dma_start3A_263] : memref<2x800xi32, #tpu.memory_space<vmem>> -> memref<1x800xi32, #tpu.memory_space<vmem>>
    %dma_start3A_265 = tpu.memref_squeeze %dma_start3A_264 : memref<1x800xi32, #tpu.memory_space<vmem>> -> memref<800xi32, #tpu.memory_space<vmem>>
    %dma_start3A_266 = arith.constant 640 : i32
    %dma_start3A_267 = tpu.memref_slice %dma_start3A_265[%dma_start3A_266] : memref<800xi32, #tpu.memory_space<vmem>> -> memref<128xi32, #tpu.memory_space<vmem>>
    %dma_start3A_268 = arith.constant 0 : i32
    %dma_start3A_269 = arith.constant 0 : i32
    %dma_start3A_270 = tpu.memref_slice %arg3[%dma_start3A_268, %dma_start3A_269] : memref<2000000x64xf32, #tpu.memory_space<hbm>> -> memref<2000000x64xf32, #tpu.memory_space<hbm>>
    tpu.enqueue_indirect_dma source(%dma_start3A_270 : memref<2000000x64xf32, #tpu.memory_space<hbm>>) target(%dma_start3A_262 : memref<128x64xf32, #tpu.memory_space<vmem>>) offsets(%dma_start3A_267 : memref<128xi32, #tpu.memory_space<vmem>>) semaphore(%arg9 : memref<!tpu.dma_semaphore, #tpu.memory_space<semaphore_mem>>)
    %dma_start3A_271 = arith.constant 0 : i32
    %dma_start3A_272 = arith.constant 0 : i32
    %dma_start3A_273 = arith.constant 0 : i32
    %dma_start3A_274 = arith.constant 0 : i32
    %dma_start3A_275 = tpu.memref_slice %arg6[%dma_start3A_272, %dma_start3A_273, %dma_start3A_274] : memref<2x800x64xf32, #tpu.memory_space<vmem>> -> memref<1x800x64xf32, #tpu.memory_space<vmem>>
    %dma_start3A_276 = tpu.memref_squeeze %dma_start3A_275 : memref<1x800x64xf32, #tpu.memory_space<vmem>> -> memref<800x64xf32, #tpu.memory_space<vmem>>
    %dma_start3A_277 = arith.constant 768 : i32
    %dma_start3A_278 = arith.constant 0 : i32
    %dma_start3A_279 = tpu.memref_slice %dma_start3A_276[%dma_start3A_277, %dma_start3A_278] : memref<800x64xf32, #tpu.memory_space<vmem>> -> memref<32x64xf32, #tpu.memory_space<vmem>>
    %dma_start3A_280 = arith.constant 0 : i32
    %dma_start3A_281 = tpu.memref_slice %arg5[%dma_start3A_271, %dma_start3A_280] : memref<2x800xi32, #tpu.memory_space<vmem>> -> memref<1x800xi32, #tpu.memory_space<vmem>>
    %dma_start3A_282 = tpu.memref_squeeze %dma_start3A_281 : memref<1x800xi32, #tpu.memory_space<vmem>> -> memref<800xi32, #tpu.memory_space<vmem>>
    %dma_start3A_283 = arith.constant 768 : i32
    %dma_start3A_284 = tpu.memref_slice %dma_start3A_282[%dma_start3A_283] : memref<800xi32, #tpu.memory_space<vmem>> -> memref<32xi32, #tpu.memory_space<vmem>>
    %dma_start3A_285 = arith.constant 0 : i32
    %dma_start3A_286 = arith.constant 0 : i32
    %dma_start3A_287 = tpu.memref_slice %arg3[%dma_start3A_285, %dma_start3A_286] : memref<2000000x64xf32, #tpu.memory_space<hbm>> -> memref<2000000x64xf32, #tpu.memory_space<hbm>>
    tpu.enqueue_indirect_dma source(%dma_start3A_287 : memref<2000000x64xf32, #tpu.memory_space<hbm>>) target(%dma_start3A_279 : memref<32x64xf32, #tpu.memory_space<vmem>>) offsets(%dma_start3A_284 : memref<32xi32, #tpu.memory_space<vmem>>) semaphore(%arg9 : memref<!tpu.dma_semaphore, #tpu.memory_space<semaphore_mem>>)
    %add3A_288 = arith.constant 4 : i32
    %add3A_289 = arith.addi %mul3A_2, %add3A_288 : i32
    %add3A_290 = arith.constant 0 : i32
    %add3A_291 = arith.addi %add3A_289, %add3A_290 : i32
    %add3A_292 = arith.constant 4 : i32
    %add3A_293 = arith.addi %mul3A_2, %add3A_292 : i32
    %add3A_294 = arith.constant 1 : i32
    %add3A_295 = arith.addi %add3A_293, %add3A_294 : i32
    %add3A_296 = arith.constant 4 : i32
    %add3A_297 = arith.addi %mul3A_2, %add3A_296 : i32
    %add3A_298 = arith.constant 2 : i32
    %add3A_299 = arith.addi %add3A_297, %add3A_298 : i32
    %add3A_300 = arith.constant 4 : i32
    %add3A_301 = arith.addi %mul3A_2, %add3A_300 : i32
    %add3A_302 = arith.constant 3 : i32
    %add3A_303 = arith.addi %add3A_301, %add3A_302 : i32
    %dma_start3A_304 = arith.constant 1 : i32
    %dma_start3A_305 = arith.constant 0 : i32
    %dma_start3A_306 = tpu.memref_slice %arg5[%dma_start3A_304, %dma_start3A_305] : memref<2x800xi32, #tpu.memory_space<vmem>> -> memref<1x800xi32, #tpu.memory_space<vmem>>
    %dma_start3A_307 = tpu.memref_squeeze %dma_start3A_306 : memref<1x800xi32, #tpu.memory_space<vmem>> -> memref<800xi32, #tpu.memory_space<vmem>>
    %dma_start3A_308 = arith.constant 0 : i32
    %dma_start3A_309 = tpu.memref_slice %dma_start3A_307[%dma_start3A_308] : memref<800xi32, #tpu.memory_space<vmem>> -> memref<200xi32, #tpu.memory_space<vmem>>
    %dma_start3A_310 = arith.constant 0 : i32
    %dma_start3A_311 = tpu.memref_slice %arg2[%add3A_291, %dma_start3A_310] : memref<16384x200xi32, #tpu.memory_space<hbm>> -> memref<1x200xi32, #tpu.memory_space<hbm>>
    %dma_start3A_312 = tpu.memref_squeeze %dma_start3A_311 : memref<1x200xi32, #tpu.memory_space<hbm>> -> memref<200xi32, #tpu.memory_space<hbm>>
    %dma_start3A_313 = arith.constant 0 : i32
    %dma_start3A_314 = tpu.memref_slice %arg5[%dma_start3A_304, %dma_start3A_313] : memref<2x800xi32, #tpu.memory_space<vmem>> -> memref<1x800xi32, #tpu.memory_space<vmem>>
    %dma_start3A_315 = tpu.memref_squeeze %dma_start3A_314 : memref<1x800xi32, #tpu.memory_space<vmem>> -> memref<800xi32, #tpu.memory_space<vmem>>
    %dma_start3A_316 = arith.constant 0 : i32
    %dma_start3A_317 = tpu.memref_slice %dma_start3A_315[%dma_start3A_316] : memref<800xi32, #tpu.memory_space<vmem>> -> memref<200xi32, #tpu.memory_space<vmem>>
    %dma_start3A_318 = arith.constant 0 : i32
    %dma_start3A_319 = tpu.memref_slice %arg2[%add3A_291, %dma_start3A_318] : memref<16384x200xi32, #tpu.memory_space<hbm>> -> memref<1x200xi32, #tpu.memory_space<hbm>>
    %dma_start3A_320 = tpu.memref_squeeze %dma_start3A_319 : memref<1x200xi32, #tpu.memory_space<hbm>> -> memref<200xi32, #tpu.memory_space<hbm>>
    tpu.enqueue_dma source(%dma_start3A_320 : memref<200xi32, #tpu.memory_space<hbm>>) target(%dma_start3A_317 : memref<200xi32, #tpu.memory_space<vmem>>) target_semaphore(%arg8 : memref<!tpu.dma_semaphore, #tpu.memory_space<semaphore_mem>>)
    %dma_start3A_321 = arith.constant 1 : i32
    %dma_start3A_322 = arith.constant 0 : i32
    %dma_start3A_323 = tpu.memref_slice %arg5[%dma_start3A_321, %dma_start3A_322] : memref<2x800xi32, #tpu.memory_space<vmem>> -> memref<1x800xi32, #tpu.memory_space<vmem>>
    %dma_start3A_324 = tpu.memref_squeeze %dma_start3A_323 : memref<1x800xi32, #tpu.memory_space<vmem>> -> memref<800xi32, #tpu.memory_space<vmem>>
    %dma_start3A_325 = arith.constant 200 : i32
    %dma_start3A_326 = tpu.memref_slice %dma_start3A_324[%dma_start3A_325] : memref<800xi32, #tpu.memory_space<vmem>> -> memref<200xi32, #tpu.memory_space<vmem>>
    %dma_start3A_327 = arith.constant 0 : i32
    %dma_start3A_328 = tpu.memref_slice %arg2[%add3A_295, %dma_start3A_327] : memref<16384x200xi32, #tpu.memory_space<hbm>> -> memref<1x200xi32, #tpu.memory_space<hbm>>
    %dma_start3A_329 = tpu.memref_squeeze %dma_start3A_328 : memref<1x200xi32, #tpu.memory_space<hbm>> -> memref<200xi32, #tpu.memory_space<hbm>>
    %dma_start3A_330 = arith.constant 0 : i32
    %dma_start3A_331 = tpu.memref_slice %arg5[%dma_start3A_321, %dma_start3A_330] : memref<2x800xi32, #tpu.memory_space<vmem>> -> memref<1x800xi32, #tpu.memory_space<vmem>>
    %dma_start3A_332 = tpu.memref_squeeze %dma_start3A_331 : memref<1x800xi32, #tpu.memory_space<vmem>> -> memref<800xi32, #tpu.memory_space<vmem>>
    %dma_start3A_333 = arith.constant 200 : i32
    %dma_start3A_334 = tpu.memref_slice %dma_start3A_332[%dma_start3A_333] : memref<800xi32, #tpu.memory_space<vmem>> -> memref<200xi32, #tpu.memory_space<vmem>>
    %dma_start3A_335 = arith.constant 0 : i32
    %dma_start3A_336 = tpu.memref_slice %arg2[%add3A_295, %dma_start3A_335] : memref<16384x200xi32, #tpu.memory_space<hbm>> -> memref<1x200xi32, #tpu.memory_space<hbm>>
    %dma_start3A_337 = tpu.memref_squeeze %dma_start3A_336 : memref<1x200xi32, #tpu.memory_space<hbm>> -> memref<200xi32, #tpu.memory_space<hbm>>
    tpu.enqueue_dma source(%dma_start3A_337 : memref<200xi32, #tpu.memory_space<hbm>>) target(%dma_start3A_334 : memref<200xi32, #tpu.memory_space<vmem>>) target_semaphore(%arg8 : memref<!tpu.dma_semaphore, #tpu.memory_space<semaphore_mem>>)
    %dma_start3A_338 = arith.constant 1 : i32
    %dma_start3A_339 = arith.constant 0 : i32
    %dma_start3A_340 = tpu.memref_slice %arg5[%dma_start3A_338, %dma_start3A_339] : memref<2x800xi32, #tpu.memory_space<vmem>> -> memref<1x800xi32, #tpu.memory_space<vmem>>
    %dma_start3A_341 = tpu.memref_squeeze %dma_start3A_340 : memref<1x800xi32, #tpu.memory_space<vmem>> -> memref<800xi32, #tpu.memory_space<vmem>>
    %dma_start3A_342 = arith.constant 400 : i32
    %dma_start3A_343 = tpu.memref_slice %dma_start3A_341[%dma_start3A_342] : memref<800xi32, #tpu.memory_space<vmem>> -> memref<200xi32, #tpu.memory_space<vmem>>
    %dma_start3A_344 = arith.constant 0 : i32
    %dma_start3A_345 = tpu.memref_slice %arg2[%add3A_299, %dma_start3A_344] : memref<16384x200xi32, #tpu.memory_space<hbm>> -> memref<1x200xi32, #tpu.memory_space<hbm>>
    %dma_start3A_346 = tpu.memref_squeeze %dma_start3A_345 : memref<1x200xi32, #tpu.memory_space<hbm>> -> memref<200xi32, #tpu.memory_space<hbm>>
    %dma_start3A_347 = arith.constant 0 : i32
    %dma_start3A_348 = tpu.memref_slice %arg5[%dma_start3A_338, %dma_start3A_347] : memref<2x800xi32, #tpu.memory_space<vmem>> -> memref<1x800xi32, #tpu.memory_space<vmem>>
    %dma_start3A_349 = tpu.memref_squeeze %dma_start3A_348 : memref<1x800xi32, #tpu.memory_space<vmem>> -> memref<800xi32, #tpu.memory_space<vmem>>
    %dma_start3A_350 = arith.constant 400 : i32
    %dma_start3A_351 = tpu.memref_slice %dma_start3A_349[%dma_start3A_350] : memref<800xi32, #tpu.memory_space<vmem>> -> memref<200xi32, #tpu.memory_space<vmem>>
    %dma_start3A_352 = arith.constant 0 : i32
    %dma_start3A_353 = tpu.memref_slice %arg2[%add3A_299, %dma_start3A_352] : memref<16384x200xi32, #tpu.memory_space<hbm>> -> memref<1x200xi32, #tpu.memory_space<hbm>>
    %dma_start3A_354 = tpu.memref_squeeze %dma_start3A_353 : memref<1x200xi32, #tpu.memory_space<hbm>> -> memref<200xi32, #tpu.memory_space<hbm>>
    tpu.enqueue_dma source(%dma_start3A_354 : memref<200xi32, #tpu.memory_space<hbm>>) target(%dma_start3A_351 : memref<200xi32, #tpu.memory_space<vmem>>) target_semaphore(%arg8 : memref<!tpu.dma_semaphore, #tpu.memory_space<semaphore_mem>>)
    %dma_start3A_355 = arith.constant 1 : i32
    %dma_start3A_356 = arith.constant 0 : i32
    %dma_start3A_357 = tpu.memref_slice %arg5[%dma_start3A_355, %dma_start3A_356] : memref<2x800xi32, #tpu.memory_space<vmem>> -> memref<1x800xi32, #tpu.memory_space<vmem>>
    %dma_start3A_358 = tpu.memref_squeeze %dma_start3A_357 : memref<1x800xi32, #tpu.memory_space<vmem>> -> memref<800xi32, #tpu.memory_space<vmem>>
    %dma_start3A_359 = arith.constant 600 : i32
    %dma_start3A_360 = tpu.memref_slice %dma_start3A_358[%dma_start3A_359] : memref<800xi32, #tpu.memory_space<vmem>> -> memref<200xi32, #tpu.memory_space<vmem>>
    %dma_start3A_361 = arith.constant 0 : i32
    %dma_start3A_362 = tpu.memref_slice %arg2[%add3A_303, %dma_start3A_361] : memref<16384x200xi32, #tpu.memory_space<hbm>> -> memref<1x200xi32, #tpu.memory_space<hbm>>
    %dma_start3A_363 = tpu.memref_squeeze %dma_start3A_362 : memref<1x200xi32, #tpu.memory_space<hbm>> -> memref<200xi32, #tpu.memory_space<hbm>>
    %dma_start3A_364 = arith.constant 0 : i32
    %dma_start3A_365 = tpu.memref_slice %arg5[%dma_start3A_355, %dma_start3A_364] : memref<2x800xi32, #tpu.memory_space<vmem>> -> memref<1x800xi32, #tpu.memory_space<vmem>>
    %dma_start3A_366 = tpu.memref_squeeze %dma_start3A_365 : memref<1x800xi32, #tpu.memory_space<vmem>> -> memref<800xi32, #tpu.memory_space<vmem>>
    %dma_start3A_367 = arith.constant 600 : i32
    %dma_start3A_368 = tpu.memref_slice %dma_start3A_366[%dma_start3A_367] : memref<800xi32, #tpu.memory_space<vmem>> -> memref<200xi32, #tpu.memory_space<vmem>>
    %dma_start3A_369 = arith.constant 0 : i32
    %dma_start3A_370 = tpu.memref_slice %arg2[%add3A_303, %dma_start3A_369] : memref<16384x200xi32, #tpu.memory_space<hbm>> -> memref<1x200xi32, #tpu.memory_space<hbm>>
    %dma_start3A_371 = tpu.memref_squeeze %dma_start3A_370 : memref<1x200xi32, #tpu.memory_space<hbm>> -> memref<200xi32, #tpu.memory_space<hbm>>
    tpu.enqueue_dma source(%dma_start3A_371 : memref<200xi32, #tpu.memory_space<hbm>>) target(%dma_start3A_368 : memref<200xi32, #tpu.memory_space<vmem>>) target_semaphore(%arg8 : memref<!tpu.dma_semaphore, #tpu.memory_space<semaphore_mem>>)
    %add3A_372 = arith.constant 4 : i32
    %add3A_373 = arith.addi %mul3A_2, %add3A_372 : i32
    %add3A_374 = arith.constant 0 : i32
    %add3A_375 = arith.addi %add3A_373, %add3A_374 : i32
    %add3A_376 = arith.constant 4 : i32
    %add3A_377 = arith.addi %mul3A_2, %add3A_376 : i32
    %add3A_378 = arith.constant 1 : i32
    %add3A_379 = arith.addi %add3A_377, %add3A_378 : i32
    %add3A_380 = arith.constant 4 : i32
    %add3A_381 = arith.addi %mul3A_2, %add3A_380 : i32
    %add3A_382 = arith.constant 2 : i32
    %add3A_383 = arith.addi %add3A_381, %add3A_382 : i32
    %add3A_384 = arith.constant 4 : i32
    %add3A_385 = arith.addi %mul3A_2, %add3A_384 : i32
    %add3A_386 = arith.constant 3 : i32
    %add3A_387 = arith.addi %add3A_385, %add3A_386 : i32
    %dma_wait3A_388 = arith.constant 1 : i32
    %dma_wait3A_389 = arith.constant 0 : i32
    %dma_wait3A_390 = tpu.memref_slice %arg5[%dma_wait3A_388, %dma_wait3A_389] : memref<2x800xi32, #tpu.memory_space<vmem>> -> memref<1x800xi32, #tpu.memory_space<vmem>>
    %dma_wait3A_391 = tpu.memref_squeeze %dma_wait3A_390 : memref<1x800xi32, #tpu.memory_space<vmem>> -> memref<800xi32, #tpu.memory_space<vmem>>
    %dma_wait3A_392 = arith.constant 0 : i32
    %dma_wait3A_393 = tpu.memref_slice %dma_wait3A_391[%dma_wait3A_392] : memref<800xi32, #tpu.memory_space<vmem>> -> memref<200xi32, #tpu.memory_space<vmem>>
    %dma_wait3A_394 = arith.constant 0 : i32
    %dma_wait3A_395 = tpu.memref_slice %arg2[%add3A_375, %dma_wait3A_394] : memref<16384x200xi32, #tpu.memory_space<hbm>> -> memref<1x200xi32, #tpu.memory_space<hbm>>
    %dma_wait3A_396 = tpu.memref_squeeze %dma_wait3A_395 : memref<1x200xi32, #tpu.memory_space<hbm>> -> memref<200xi32, #tpu.memory_space<hbm>>
    %dma_wait3A_397 = arith.constant 0 : i32
    %dma_wait3A_398 = tpu.memref_slice %arg5[%dma_wait3A_388, %dma_wait3A_397] : memref<2x800xi32, #tpu.memory_space<vmem>> -> memref<1x800xi32, #tpu.memory_space<vmem>>
    %dma_wait3A_399 = tpu.memref_squeeze %dma_wait3A_398 : memref<1x800xi32, #tpu.memory_space<vmem>> -> memref<800xi32, #tpu.memory_space<vmem>>
    %dma_wait3A_400 = arith.constant 0 : i32
    %dma_wait3A_401 = tpu.memref_slice %dma_wait3A_399[%dma_wait3A_400] : memref<800xi32, #tpu.memory_space<vmem>> -> memref<200xi32, #tpu.memory_space<vmem>>
    %dma_wait3A_402 = arith.constant 0 : i32
    %dma_wait3A_403 = tpu.memref_slice %arg2[%add3A_375, %dma_wait3A_402] : memref<16384x200xi32, #tpu.memory_space<hbm>> -> memref<1x200xi32, #tpu.memory_space<hbm>>
    %dma_wait3A_404 = tpu.memref_squeeze %dma_wait3A_403 : memref<1x200xi32, #tpu.memory_space<hbm>> -> memref<200xi32, #tpu.memory_space<hbm>>
    tpu.wait_dma2 semaphore(%arg8 : memref<!tpu.dma_semaphore, #tpu.memory_space<semaphore_mem>>) src(%dma_wait3A_404 : memref<200xi32, #tpu.memory_space<hbm>>) dst(%dma_wait3A_401 : memref<200xi32, #tpu.memory_space<vmem>>)
    %dma_wait3A_405 = arith.constant 1 : i32
    %dma_wait3A_406 = arith.constant 0 : i32
    %dma_wait3A_407 = tpu.memref_slice %arg5[%dma_wait3A_405, %dma_wait3A_406] : memref<2x800xi32, #tpu.memory_space<vmem>> -> memref<1x800xi32, #tpu.memory_space<vmem>>
    %dma_wait3A_408 = tpu.memref_squeeze %dma_wait3A_407 : memref<1x800xi32, #tpu.memory_space<vmem>> -> memref<800xi32, #tpu.memory_space<vmem>>
    %dma_wait3A_409 = arith.constant 200 : i32
    %dma_wait3A_410 = tpu.memref_slice %dma_wait3A_408[%dma_wait3A_409] : memref<800xi32, #tpu.memory_space<vmem>> -> memref<200xi32, #tpu.memory_space<vmem>>
    %dma_wait3A_411 = arith.constant 0 : i32
    %dma_wait3A_412 = tpu.memref_slice %arg2[%add3A_379, %dma_wait3A_411] : memref<16384x200xi32, #tpu.memory_space<hbm>> -> memref<1x200xi32, #tpu.memory_space<hbm>>
    %dma_wait3A_413 = tpu.memref_squeeze %dma_wait3A_412 : memref<1x200xi32, #tpu.memory_space<hbm>> -> memref<200xi32, #tpu.memory_space<hbm>>
    %dma_wait3A_414 = arith.constant 0 : i32
    %dma_wait3A_415 = tpu.memref_slice %arg5[%dma_wait3A_405, %dma_wait3A_414] : memref<2x800xi32, #tpu.memory_space<vmem>> -> memref<1x800xi32, #tpu.memory_space<vmem>>
    %dma_wait3A_416 = tpu.memref_squeeze %dma_wait3A_415 : memref<1x800xi32, #tpu.memory_space<vmem>> -> memref<800xi32, #tpu.memory_space<vmem>>
    %dma_wait3A_417 = arith.constant 200 : i32
    %dma_wait3A_418 = tpu.memref_slice %dma_wait3A_416[%dma_wait3A_417] : memref<800xi32, #tpu.memory_space<vmem>> -> memref<200xi32, #tpu.memory_space<vmem>>
    %dma_wait3A_419 = arith.constant 0 : i32
    %dma_wait3A_420 = tpu.memref_slice %arg2[%add3A_379, %dma_wait3A_419] : memref<16384x200xi32, #tpu.memory_space<hbm>> -> memref<1x200xi32, #tpu.memory_space<hbm>>
    %dma_wait3A_421 = tpu.memref_squeeze %dma_wait3A_420 : memref<1x200xi32, #tpu.memory_space<hbm>> -> memref<200xi32, #tpu.memory_space<hbm>>
    tpu.wait_dma2 semaphore(%arg8 : memref<!tpu.dma_semaphore, #tpu.memory_space<semaphore_mem>>) src(%dma_wait3A_421 : memref<200xi32, #tpu.memory_space<hbm>>) dst(%dma_wait3A_418 : memref<200xi32, #tpu.memory_space<vmem>>)
    %dma_wait3A_422 = arith.constant 1 : i32
    %dma_wait3A_423 = arith.constant 0 : i32
    %dma_wait3A_424 = tpu.memref_slice %arg5[%dma_wait3A_422, %dma_wait3A_423] : memref<2x800xi32, #tpu.memory_space<vmem>> -> memref<1x800xi32, #tpu.memory_space<vmem>>
    %dma_wait3A_425 = tpu.memref_squeeze %dma_wait3A_424 : memref<1x800xi32, #tpu.memory_space<vmem>> -> memref<800xi32, #tpu.memory_space<vmem>>
    %dma_wait3A_426 = arith.constant 400 : i32
    %dma_wait3A_427 = tpu.memref_slice %dma_wait3A_425[%dma_wait3A_426] : memref<800xi32, #tpu.memory_space<vmem>> -> memref<200xi32, #tpu.memory_space<vmem>>
    %dma_wait3A_428 = arith.constant 0 : i32
    %dma_wait3A_429 = tpu.memref_slice %arg2[%add3A_383, %dma_wait3A_428] : memref<16384x200xi32, #tpu.memory_space<hbm>> -> memref<1x200xi32, #tpu.memory_space<hbm>>
    %dma_wait3A_430 = tpu.memref_squeeze %dma_wait3A_429 : memref<1x200xi32, #tpu.memory_space<hbm>> -> memref<200xi32, #tpu.memory_space<hbm>>
    %dma_wait3A_431 = arith.constant 0 : i32
    %dma_wait3A_432 = tpu.memref_slice %arg5[%dma_wait3A_422, %dma_wait3A_431] : memref<2x800xi32, #tpu.memory_space<vmem>> -> memref<1x800xi32, #tpu.memory_space<vmem>>
    %dma_wait3A_433 = tpu.memref_squeeze %dma_wait3A_432 : memref<1x800xi32, #tpu.memory_space<vmem>> -> memref<800xi32, #tpu.memory_space<vmem>>
    %dma_wait3A_434 = arith.constant 400 : i32
    %dma_wait3A_435 = tpu.memref_slice %dma_wait3A_433[%dma_wait3A_434] : memref<800xi32, #tpu.memory_space<vmem>> -> memref<200xi32, #tpu.memory_space<vmem>>
    %dma_wait3A_436 = arith.constant 0 : i32
    %dma_wait3A_437 = tpu.memref_slice %arg2[%add3A_383, %dma_wait3A_436] : memref<16384x200xi32, #tpu.memory_space<hbm>> -> memref<1x200xi32, #tpu.memory_space<hbm>>
    %dma_wait3A_438 = tpu.memref_squeeze %dma_wait3A_437 : memref<1x200xi32, #tpu.memory_space<hbm>> -> memref<200xi32, #tpu.memory_space<hbm>>
    tpu.wait_dma2 semaphore(%arg8 : memref<!tpu.dma_semaphore, #tpu.memory_space<semaphore_mem>>) src(%dma_wait3A_438 : memref<200xi32, #tpu.memory_space<hbm>>) dst(%dma_wait3A_435 : memref<200xi32, #tpu.memory_space<vmem>>)
    %dma_wait3A_439 = arith.constant 1 : i32
    %dma_wait3A_440 = arith.constant 0 : i32
    %dma_wait3A_441 = tpu.memref_slice %arg5[%dma_wait3A_439, %dma_wait3A_440] : memref<2x800xi32, #tpu.memory_space<vmem>> -> memref<1x800xi32, #tpu.memory_space<vmem>>
    %dma_wait3A_442 = tpu.memref_squeeze %dma_wait3A_441 : memref<1x800xi32, #tpu.memory_space<vmem>> -> memref<800xi32, #tpu.memory_space<vmem>>
    %dma_wait3A_443 = arith.constant 600 : i32
    %dma_wait3A_444 = tpu.memref_slice %dma_wait3A_442[%dma_wait3A_443] : memref<800xi32, #tpu.memory_space<vmem>> -> memref<200xi32, #tpu.memory_space<vmem>>
    %dma_wait3A_445 = arith.constant 0 : i32
    %dma_wait3A_446 = tpu.memref_slice %arg2[%add3A_387, %dma_wait3A_445] : memref<16384x200xi32, #tpu.memory_space<hbm>> -> memref<1x200xi32, #tpu.memory_space<hbm>>
    %dma_wait3A_447 = tpu.memref_squeeze %dma_wait3A_446 : memref<1x200xi32, #tpu.memory_space<hbm>> -> memref<200xi32, #tpu.memory_space<hbm>>
    %dma_wait3A_448 = arith.constant 0 : i32
    %dma_wait3A_449 = tpu.memref_slice %arg5[%dma_wait3A_439, %dma_wait3A_448] : memref<2x800xi32, #tpu.memory_space<vmem>> -> memref<1x800xi32, #tpu.memory_space<vmem>>
    %dma_wait3A_450 = tpu.memref_squeeze %dma_wait3A_449 : memref<1x800xi32, #tpu.memory_space<vmem>> -> memref<800xi32, #tpu.memory_space<vmem>>
    %dma_wait3A_451 = arith.constant 600 : i32
    %dma_wait3A_452 = tpu.memref_slice %dma_wait3A_450[%dma_wait3A_451] : memref<800xi32, #tpu.memory_space<vmem>> -> memref<200xi32, #tpu.memory_space<vmem>>
    %dma_wait3A_453 = arith.constant 0 : i32
    %dma_wait3A_454 = tpu.memref_slice %arg2[%add3A_387, %dma_wait3A_453] : memref<16384x200xi32, #tpu.memory_space<hbm>> -> memref<1x200xi32, #tpu.memory_space<hbm>>
    %dma_wait3A_455 = tpu.memref_squeeze %dma_wait3A_454 : memref<1x200xi32, #tpu.memory_space<hbm>> -> memref<200xi32, #tpu.memory_space<hbm>>
    tpu.wait_dma2 semaphore(%arg8 : memref<!tpu.dma_semaphore, #tpu.memory_space<semaphore_mem>>) src(%dma_wait3A_455 : memref<200xi32, #tpu.memory_space<hbm>>) dst(%dma_wait3A_452 : memref<200xi32, #tpu.memory_space<vmem>>)
    %dma_start3A_456 = arith.constant 1 : i32
    %dma_start3A_457 = arith.constant 1 : i32
    %dma_start3A_458 = arith.constant 0 : i32
    %dma_start3A_459 = arith.constant 0 : i32
    %dma_start3A_460 = tpu.memref_slice %arg6[%dma_start3A_457, %dma_start3A_458, %dma_start3A_459] : memref<2x800x64xf32, #tpu.memory_space<vmem>> -> memref<1x800x64xf32, #tpu.memory_space<vmem>>
    %dma_start3A_461 = tpu.memref_squeeze %dma_start3A_460 : memref<1x800x64xf32, #tpu.memory_space<vmem>> -> memref<800x64xf32, #tpu.memory_space<vmem>>
    %dma_start3A_462 = arith.constant 0 : i32
    %dma_start3A_463 = arith.constant 0 : i32
    %dma_start3A_464 = tpu.memref_slice %dma_start3A_461[%dma_start3A_462, %dma_start3A_463] : memref<800x64xf32, #tpu.memory_space<vmem>> -> memref<128x64xf32, #tpu.memory_space<vmem>>
    %dma_start3A_465 = arith.constant 0 : i32
    %dma_start3A_466 = tpu.memref_slice %arg5[%dma_start3A_456, %dma_start3A_465] : memref<2x800xi32, #tpu.memory_space<vmem>> -> memref<1x800xi32, #tpu.memory_space<vmem>>
    %dma_start3A_467 = tpu.memref_squeeze %dma_start3A_466 : memref<1x800xi32, #tpu.memory_space<vmem>> -> memref<800xi32, #tpu.memory_space<vmem>>
    %dma_start3A_468 = arith.constant 0 : i32
    %dma_start3A_469 = tpu.memref_slice %dma_start3A_467[%dma_start3A_468] : memref<800xi32, #tpu.memory_space<vmem>> -> memref<128xi32, #tpu.memory_space<vmem>>
    %dma_start3A_470 = arith.constant 0 : i32
    %dma_start3A_471 = arith.constant 0 : i32
    %dma_start3A_472 = tpu.memref_slice %arg3[%dma_start3A_470, %dma_start3A_471] : memref<2000000x64xf32, #tpu.memory_space<hbm>> -> memref<2000000x64xf32, #tpu.memory_space<hbm>>
    tpu.enqueue_indirect_dma source(%dma_start3A_472 : memref<2000000x64xf32, #tpu.memory_space<hbm>>) target(%dma_start3A_464 : memref<128x64xf32, #tpu.memory_space<vmem>>) offsets(%dma_start3A_469 : memref<128xi32, #tpu.memory_space<vmem>>) semaphore(%arg10 : memref<!tpu.dma_semaphore, #tpu.memory_space<semaphore_mem>>)
    %dma_start3A_473 = arith.constant 1 : i32
    %dma_start3A_474 = arith.constant 1 : i32
    %dma_start3A_475 = arith.constant 0 : i32
    %dma_start3A_476 = arith.constant 0 : i32
    %dma_start3A_477 = tpu.memref_slice %arg6[%dma_start3A_474, %dma_start3A_475, %dma_start3A_476] : memref<2x800x64xf32, #tpu.memory_space<vmem>> -> memref<1x800x64xf32, #tpu.memory_space<vmem>>
    %dma_start3A_478 = tpu.memref_squeeze %dma_start3A_477 : memref<1x800x64xf32, #tpu.memory_space<vmem>> -> memref<800x64xf32, #tpu.memory_space<vmem>>
    %dma_start3A_479 = arith.constant 128 : i32
    %dma_start3A_480 = arith.constant 0 : i32
    %dma_start3A_481 = tpu.memref_slice %dma_start3A_478[%dma_start3A_479, %dma_start3A_480] : memref<800x64xf32, #tpu.memory_space<vmem>> -> memref<128x64xf32, #tpu.memory_space<vmem>>
    %dma_start3A_482 = arith.constant 0 : i32
    %dma_start3A_483 = tpu.memref_slice %arg5[%dma_start3A_473, %dma_start3A_482] : memref<2x800xi32, #tpu.memory_space<vmem>> -> memref<1x800xi32, #tpu.memory_space<vmem>>
    %dma_start3A_484 = tpu.memref_squeeze %dma_start3A_483 : memref<1x800xi32, #tpu.memory_space<vmem>> -> memref<800xi32, #tpu.memory_space<vmem>>
    %dma_start3A_485 = arith.constant 128 : i32
    %dma_start3A_486 = tpu.memref_slice %dma_start3A_484[%dma_start3A_485] : memref<800xi32, #tpu.memory_space<vmem>> -> memref<128xi32, #tpu.memory_space<vmem>>
    %dma_start3A_487 = arith.constant 0 : i32
    %dma_start3A_488 = arith.constant 0 : i32
    %dma_start3A_489 = tpu.memref_slice %arg3[%dma_start3A_487, %dma_start3A_488] : memref<2000000x64xf32, #tpu.memory_space<hbm>> -> memref<2000000x64xf32, #tpu.memory_space<hbm>>
    tpu.enqueue_indirect_dma source(%dma_start3A_489 : memref<2000000x64xf32, #tpu.memory_space<hbm>>) target(%dma_start3A_481 : memref<128x64xf32, #tpu.memory_space<vmem>>) offsets(%dma_start3A_486 : memref<128xi32, #tpu.memory_space<vmem>>) semaphore(%arg10 : memref<!tpu.dma_semaphore, #tpu.memory_space<semaphore_mem>>)
    %dma_start3A_490 = arith.constant 1 : i32
    %dma_start3A_491 = arith.constant 1 : i32
    %dma_start3A_492 = arith.constant 0 : i32
    %dma_start3A_493 = arith.constant 0 : i32
    %dma_start3A_494 = tpu.memref_slice %arg6[%dma_start3A_491, %dma_start3A_492, %dma_start3A_493] : memref<2x800x64xf32, #tpu.memory_space<vmem>> -> memref<1x800x64xf32, #tpu.memory_space<vmem>>
    %dma_start3A_495 = tpu.memref_squeeze %dma_start3A_494 : memref<1x800x64xf32, #tpu.memory_space<vmem>> -> memref<800x64xf32, #tpu.memory_space<vmem>>
    %dma_start3A_496 = arith.constant 256 : i32
    %dma_start3A_497 = arith.constant 0 : i32
    %dma_start3A_498 = tpu.memref_slice %dma_start3A_495[%dma_start3A_496, %dma_start3A_497] : memref<800x64xf32, #tpu.memory_space<vmem>> -> memref<128x64xf32, #tpu.memory_space<vmem>>
    %dma_start3A_499 = arith.constant 0 : i32
    %dma_start3A_500 = tpu.memref_slice %arg5[%dma_start3A_490, %dma_start3A_499] : memref<2x800xi32, #tpu.memory_space<vmem>> -> memref<1x800xi32, #tpu.memory_space<vmem>>
    %dma_start3A_501 = tpu.memref_squeeze %dma_start3A_500 : memref<1x800xi32, #tpu.memory_space<vmem>> -> memref<800xi32, #tpu.memory_space<vmem>>
    %dma_start3A_502 = arith.constant 256 : i32
    %dma_start3A_503 = tpu.memref_slice %dma_start3A_501[%dma_start3A_502] : memref<800xi32, #tpu.memory_space<vmem>> -> memref<128xi32, #tpu.memory_space<vmem>>
    %dma_start3A_504 = arith.constant 0 : i32
    %dma_start3A_505 = arith.constant 0 : i32
    %dma_start3A_506 = tpu.memref_slice %arg3[%dma_start3A_504, %dma_start3A_505] : memref<2000000x64xf32, #tpu.memory_space<hbm>> -> memref<2000000x64xf32, #tpu.memory_space<hbm>>
    tpu.enqueue_indirect_dma source(%dma_start3A_506 : memref<2000000x64xf32, #tpu.memory_space<hbm>>) target(%dma_start3A_498 : memref<128x64xf32, #tpu.memory_space<vmem>>) offsets(%dma_start3A_503 : memref<128xi32, #tpu.memory_space<vmem>>) semaphore(%arg10 : memref<!tpu.dma_semaphore, #tpu.memory_space<semaphore_mem>>)
    %dma_start3A_507 = arith.constant 1 : i32
    %dma_start3A_508 = arith.constant 1 : i32
    %dma_start3A_509 = arith.constant 0 : i32
    %dma_start3A_510 = arith.constant 0 : i32
    %dma_start3A_511 = tpu.memref_slice %arg6[%dma_start3A_508, %dma_start3A_509, %dma_start3A_510] : memref<2x800x64xf32, #tpu.memory_space<vmem>> -> memref<1x800x64xf32, #tpu.memory_space<vmem>>
    %dma_start3A_512 = tpu.memref_squeeze %dma_start3A_511 : memref<1x800x64xf32, #tpu.memory_space<vmem>> -> memref<800x64xf32, #tpu.memory_space<vmem>>
    %dma_start3A_513 = arith.constant 384 : i32
    %dma_start3A_514 = arith.constant 0 : i32
    %dma_start3A_515 = tpu.memref_slice %dma_start3A_512[%dma_start3A_513, %dma_start3A_514] : memref<800x64xf32, #tpu.memory_space<vmem>> -> memref<128x64xf32, #tpu.memory_space<vmem>>
    %dma_start3A_516 = arith.constant 0 : i32
    %dma_start3A_517 = tpu.memref_slice %arg5[%dma_start3A_507, %dma_start3A_516] : memref<2x800xi32, #tpu.memory_space<vmem>> -> memref<1x800xi32, #tpu.memory_space<vmem>>
    %dma_start3A_518 = tpu.memref_squeeze %dma_start3A_517 : memref<1x800xi32, #tpu.memory_space<vmem>> -> memref<800xi32, #tpu.memory_space<vmem>>
    %dma_start3A_519 = arith.constant 384 : i32
    %dma_start3A_520 = tpu.memref_slice %dma_start3A_518[%dma_start3A_519] : memref<800xi32, #tpu.memory_space<vmem>> -> memref<128xi32, #tpu.memory_space<vmem>>
    %dma_start3A_521 = arith.constant 0 : i32
    %dma_start3A_522 = arith.constant 0 : i32
    %dma_start3A_523 = tpu.memref_slice %arg3[%dma_start3A_521, %dma_start3A_522] : memref<2000000x64xf32, #tpu.memory_space<hbm>> -> memref<2000000x64xf32, #tpu.memory_space<hbm>>
    tpu.enqueue_indirect_dma source(%dma_start3A_523 : memref<2000000x64xf32, #tpu.memory_space<hbm>>) target(%dma_start3A_515 : memref<128x64xf32, #tpu.memory_space<vmem>>) offsets(%dma_start3A_520 : memref<128xi32, #tpu.memory_space<vmem>>) semaphore(%arg10 : memref<!tpu.dma_semaphore, #tpu.memory_space<semaphore_mem>>)
    %dma_start3A_524 = arith.constant 1 : i32
    %dma_start3A_525 = arith.constant 1 : i32
    %dma_start3A_526 = arith.constant 0 : i32
    %dma_start3A_527 = arith.constant 0 : i32
    %dma_start3A_528 = tpu.memref_slice %arg6[%dma_start3A_525, %dma_start3A_526, %dma_start3A_527] : memref<2x800x64xf32, #tpu.memory_space<vmem>> -> memref<1x800x64xf32, #tpu.memory_space<vmem>>
    %dma_start3A_529 = tpu.memref_squeeze %dma_start3A_528 : memref<1x800x64xf32, #tpu.memory_space<vmem>> -> memref<800x64xf32, #tpu.memory_space<vmem>>
    %dma_start3A_530 = arith.constant 512 : i32
    %dma_start3A_531 = arith.constant 0 : i32
    %dma_start3A_532 = tpu.memref_slice %dma_start3A_529[%dma_start3A_530, %dma_start3A_531] : memref<800x64xf32, #tpu.memory_space<vmem>> -> memref<128x64xf32, #tpu.memory_space<vmem>>
    %dma_start3A_533 = arith.constant 0 : i32
    %dma_start3A_534 = tpu.memref_slice %arg5[%dma_start3A_524, %dma_start3A_533] : memref<2x800xi32, #tpu.memory_space<vmem>> -> memref<1x800xi32, #tpu.memory_space<vmem>>
    %dma_start3A_535 = tpu.memref_squeeze %dma_start3A_534 : memref<1x800xi32, #tpu.memory_space<vmem>> -> memref<800xi32, #tpu.memory_space<vmem>>
    %dma_start3A_536 = arith.constant 512 : i32
    %dma_start3A_537 = tpu.memref_slice %dma_start3A_535[%dma_start3A_536] : memref<800xi32, #tpu.memory_space<vmem>> -> memref<128xi32, #tpu.memory_space<vmem>>
    %dma_start3A_538 = arith.constant 0 : i32
    %dma_start3A_539 = arith.constant 0 : i32
    %dma_start3A_540 = tpu.memref_slice %arg3[%dma_start3A_538, %dma_start3A_539] : memref<2000000x64xf32, #tpu.memory_space<hbm>> -> memref<2000000x64xf32, #tpu.memory_space<hbm>>
    tpu.enqueue_indirect_dma source(%dma_start3A_540 : memref<2000000x64xf32, #tpu.memory_space<hbm>>) target(%dma_start3A_532 : memref<128x64xf32, #tpu.memory_space<vmem>>) offsets(%dma_start3A_537 : memref<128xi32, #tpu.memory_space<vmem>>) semaphore(%arg10 : memref<!tpu.dma_semaphore, #tpu.memory_space<semaphore_mem>>)
    %dma_start3A_541 = arith.constant 1 : i32
    %dma_start3A_542 = arith.constant 1 : i32
    %dma_start3A_543 = arith.constant 0 : i32
    %dma_start3A_544 = arith.constant 0 : i32
    %dma_start3A_545 = tpu.memref_slice %arg6[%dma_start3A_542, %dma_start3A_543, %dma_start3A_544] : memref<2x800x64xf32, #tpu.memory_space<vmem>> -> memref<1x800x64xf32, #tpu.memory_space<vmem>>
    %dma_start3A_546 = tpu.memref_squeeze %dma_start3A_545 : memref<1x800x64xf32, #tpu.memory_space<vmem>> -> memref<800x64xf32, #tpu.memory_space<vmem>>
    %dma_start3A_547 = arith.constant 640 : i32
    %dma_start3A_548 = arith.constant 0 : i32
    %dma_start3A_549 = tpu.memref_slice %dma_start3A_546[%dma_start3A_547, %dma_start3A_548] : memref<800x64xf32, #tpu.memory_space<vmem>> -> memref<128x64xf32, #tpu.memory_space<vmem>>
    %dma_start3A_550 = arith.constant 0 : i32
    %dma_start3A_551 = tpu.memref_slice %arg5[%dma_start3A_541, %dma_start3A_550] : memref<2x800xi32, #tpu.memory_space<vmem>> -> memref<1x800xi32, #tpu.memory_space<vmem>>
    %dma_start3A_552 = tpu.memref_squeeze %dma_start3A_551 : memref<1x800xi32, #tpu.memory_space<vmem>> -> memref<800xi32, #tpu.memory_space<vmem>>
    %dma_start3A_553 = arith.constant 640 : i32
    %dma_start3A_554 = tpu.memref_slice %dma_start3A_552[%dma_start3A_553] : memref<800xi32, #tpu.memory_space<vmem>> -> memref<128xi32, #tpu.memory_space<vmem>>
    %dma_start3A_555 = arith.constant 0 : i32
    %dma_start3A_556 = arith.constant 0 : i32
    %dma_start3A_557 = tpu.memref_slice %arg3[%dma_start3A_555, %dma_start3A_556] : memref<2000000x64xf32, #tpu.memory_space<hbm>> -> memref<2000000x64xf32, #tpu.memory_space<hbm>>
    tpu.enqueue_indirect_dma source(%dma_start3A_557 : memref<2000000x64xf32, #tpu.memory_space<hbm>>) target(%dma_start3A_549 : memref<128x64xf32, #tpu.memory_space<vmem>>) offsets(%dma_start3A_554 : memref<128xi32, #tpu.memory_space<vmem>>) semaphore(%arg10 : memref<!tpu.dma_semaphore, #tpu.memory_space<semaphore_mem>>)
    %dma_start3A_558 = arith.constant 1 : i32
    %dma_start3A_559 = arith.constant 1 : i32
    %dma_start3A_560 = arith.constant 0 : i32
    %dma_start3A_561 = arith.constant 0 : i32
    %dma_start3A_562 = tpu.memref_slice %arg6[%dma_start3A_559, %dma_start3A_560, %dma_start3A_561] : memref<2x800x64xf32, #tpu.memory_space<vmem>> -> memref<1x800x64xf32, #tpu.memory_space<vmem>>
    %dma_start3A_563 = tpu.memref_squeeze %dma_start3A_562 : memref<1x800x64xf32, #tpu.memory_space<vmem>> -> memref<800x64xf32, #tpu.memory_space<vmem>>
    %dma_start3A_564 = arith.constant 768 : i32
    %dma_start3A_565 = arith.constant 0 : i32
    %dma_start3A_566 = tpu.memref_slice %dma_start3A_563[%dma_start3A_564, %dma_start3A_565] : memref<800x64xf32, #tpu.memory_space<vmem>> -> memref<32x64xf32, #tpu.memory_space<vmem>>
    %dma_start3A_567 = arith.constant 0 : i32
    %dma_start3A_568 = tpu.memref_slice %arg5[%dma_start3A_558, %dma_start3A_567] : memref<2x800xi32, #tpu.memory_space<vmem>> -> memref<1x800xi32, #tpu.memory_space<vmem>>
    %dma_start3A_569 = tpu.memref_squeeze %dma_start3A_568 : memref<1x800xi32, #tpu.memory_space<vmem>> -> memref<800xi32, #tpu.memory_space<vmem>>
    %dma_start3A_570 = arith.constant 768 : i32
    %dma_start3A_571 = tpu.memref_slice %dma_start3A_569[%dma_start3A_570] : memref<800xi32, #tpu.memory_space<vmem>> -> memref<32xi32, #tpu.memory_space<vmem>>
    %dma_start3A_572 = arith.constant 0 : i32
    %dma_start3A_573 = arith.constant 0 : i32
    %dma_start3A_574 = tpu.memref_slice %arg3[%dma_start3A_572, %dma_start3A_573] : memref<2000000x64xf32, #tpu.memory_space<hbm>> -> memref<2000000x64xf32, #tpu.memory_space<hbm>>
    tpu.enqueue_indirect_dma source(%dma_start3A_574 : memref<2000000x64xf32, #tpu.memory_space<hbm>>) target(%dma_start3A_566 : memref<32x64xf32, #tpu.memory_space<vmem>>) offsets(%dma_start3A_571 : memref<32xi32, #tpu.memory_space<vmem>>) semaphore(%arg10 : memref<!tpu.dma_semaphore, #tpu.memory_space<semaphore_mem>>)
    %dma_wait3A_575 = arith.constant 0 : i32
    %dma_wait3A_576 = arith.constant 0 : i32
    %dma_wait3A_577 = arith.constant 0 : i32
    %dma_wait3A_578 = tpu.memref_slice %arg6[%dma_wait3A_575, %dma_wait3A_576, %dma_wait3A_577] : memref<2x800x64xf32, #tpu.memory_space<vmem>> -> memref<1x800x64xf32, #tpu.memory_space<vmem>>
    %dma_wait3A_579 = tpu.memref_squeeze %dma_wait3A_578 : memref<1x800x64xf32, #tpu.memory_space<vmem>> -> memref<800x64xf32, #tpu.memory_space<vmem>>
    %dma_wait3A_580 = arith.constant 0 : i32
    %dma_wait3A_581 = arith.constant 0 : i32
    %dma_wait3A_582 = tpu.memref_slice %arg3[%dma_wait3A_580, %dma_wait3A_581] : memref<2000000x64xf32, #tpu.memory_space<hbm>> -> memref<800x64xf32, #tpu.memory_space<hbm>>
    %dma_wait3A_583 = arith.constant 0 : i32
    %dma_wait3A_584 = arith.constant 0 : i32
    %dma_wait3A_585 = tpu.memref_slice %arg6[%dma_wait3A_575, %dma_wait3A_583, %dma_wait3A_584] : memref<2x800x64xf32, #tpu.memory_space<vmem>> -> memref<1x800x64xf32, #tpu.memory_space<vmem>>
    %dma_wait3A_586 = tpu.memref_squeeze %dma_wait3A_585 : memref<1x800x64xf32, #tpu.memory_space<vmem>> -> memref<800x64xf32, #tpu.memory_space<vmem>>
    %dma_wait3A_587 = arith.constant 0 : i32
    %dma_wait3A_588 = arith.constant 0 : i32
    %dma_wait3A_589 = tpu.memref_slice %arg3[%dma_wait3A_587, %dma_wait3A_588] : memref<2000000x64xf32, #tpu.memory_space<hbm>> -> memref<800x64xf32, #tpu.memory_space<hbm>>
    tpu.wait_dma2 semaphore(%arg9 : memref<!tpu.dma_semaphore, #tpu.memory_space<semaphore_mem>>) src(%dma_wait3A_589 : memref<800x64xf32, #tpu.memory_space<hbm>>) dst(%dma_wait3A_586 : memref<800x64xf32, #tpu.memory_space<vmem>>)
    %add3A_590 = arith.constant 0 : i32
    %add3A_591 = arith.addi %mul3A_2, %add3A_590 : i32
    %add3A_592 = arith.constant 0 : i32
    %add3A_593 = arith.addi %add3A_591, %add3A_592 : i32
    %mul3A_594 = arith.constant 200 : i32
    %mul3A_595 = arith.muli %add3A_593, %mul3A_594 : i32
    %add3A_596 = arith.constant 0 : i32
    %add3A_597 = arith.addi %mul3A_2, %add3A_596 : i32
    %add3A_598 = arith.constant 1 : i32
    %add3A_599 = arith.addi %add3A_597, %add3A_598 : i32
    %mul3A_600 = arith.constant 200 : i32
    %mul3A_601 = arith.muli %add3A_599, %mul3A_600 : i32
    %add3A_602 = arith.constant 0 : i32
    %add3A_603 = arith.addi %mul3A_2, %add3A_602 : i32
    %add3A_604 = arith.constant 2 : i32
    %add3A_605 = arith.addi %add3A_603, %add3A_604 : i32
    %mul3A_606 = arith.constant 200 : i32
    %mul3A_607 = arith.muli %add3A_605, %mul3A_606 : i32
    %add3A_608 = arith.constant 0 : i32
    %add3A_609 = arith.addi %mul3A_2, %add3A_608 : i32
    %add3A_610 = arith.constant 3 : i32
    %add3A_611 = arith.addi %add3A_609, %add3A_610 : i32
    %mul3A_612 = arith.constant 200 : i32
    %mul3A_613 = arith.muli %add3A_611, %mul3A_612 : i32
    %dma_start3A_614 = arith.constant 0 : i32
    %dma_start3A_615 = arith.constant 0 : i32
    %dma_start3A_616 = arith.constant 0 : i32
    %dma_start3A_617 = tpu.memref_slice %arg6[%dma_start3A_614, %dma_start3A_615, %dma_start3A_616] : memref<2x800x64xf32, #tpu.memory_space<vmem>> -> memref<1x800x64xf32, #tpu.memory_space<vmem>>
    %dma_start3A_618 = tpu.memref_squeeze %dma_start3A_617 : memref<1x800x64xf32, #tpu.memory_space<vmem>> -> memref<800x64xf32, #tpu.memory_space<vmem>>
    %dma_start3A_619 = arith.constant 0 : i32
    %dma_start3A_620 = arith.constant 0 : i32
    %dma_start3A_621 = tpu.memref_slice %dma_start3A_618[%dma_start3A_619, %dma_start3A_620] : memref<800x64xf32, #tpu.memory_space<vmem>> -> memref<200x64xf32, #tpu.memory_space<vmem>>
    %dma_start3A_622 = arith.constant 0 : i32
    %dma_start3A_623 = tpu.memref_slice %arg4[%mul3A_595, %dma_start3A_622] : memref<3276800x128xf32, #tpu.memory_space<hbm>> -> memref<200x64xf32, #tpu.memory_space<hbm>>
    %dma_start3A_624 = arith.constant 0 : i32
    %dma_start3A_625 = tpu.memref_slice %arg4[%mul3A_595, %dma_start3A_624] : memref<3276800x128xf32, #tpu.memory_space<hbm>> -> memref<200x64xf32, #tpu.memory_space<hbm>>
    %dma_start3A_626 = arith.constant 0 : i32
    %dma_start3A_627 = arith.constant 0 : i32
    %dma_start3A_628 = tpu.memref_slice %arg6[%dma_start3A_614, %dma_start3A_626, %dma_start3A_627] : memref<2x800x64xf32, #tpu.memory_space<vmem>> -> memref<1x800x64xf32, #tpu.memory_space<vmem>>
    %dma_start3A_629 = tpu.memref_squeeze %dma_start3A_628 : memref<1x800x64xf32, #tpu.memory_space<vmem>> -> memref<800x64xf32, #tpu.memory_space<vmem>>
    %dma_start3A_630 = arith.constant 0 : i32
    %dma_start3A_631 = arith.constant 0 : i32
    %dma_start3A_632 = tpu.memref_slice %dma_start3A_629[%dma_start3A_630, %dma_start3A_631] : memref<800x64xf32, #tpu.memory_space<vmem>> -> memref<200x64xf32, #tpu.memory_space<vmem>>
    tpu.enqueue_dma source(%dma_start3A_632 : memref<200x64xf32, #tpu.memory_space<vmem>>) target(%dma_start3A_625 : memref<200x64xf32, #tpu.memory_space<hbm>>) target_semaphore(%arg11 : memref<!tpu.dma_semaphore, #tpu.memory_space<semaphore_mem>>)
    %dma_start3A_633 = arith.constant 0 : i32
    %dma_start3A_634 = arith.constant 0 : i32
    %dma_start3A_635 = arith.constant 0 : i32
    %dma_start3A_636 = tpu.memref_slice %arg6[%dma_start3A_633, %dma_start3A_634, %dma_start3A_635] : memref<2x800x64xf32, #tpu.memory_space<vmem>> -> memref<1x800x64xf32, #tpu.memory_space<vmem>>
    %dma_start3A_637 = tpu.memref_squeeze %dma_start3A_636 : memref<1x800x64xf32, #tpu.memory_space<vmem>> -> memref<800x64xf32, #tpu.memory_space<vmem>>
    %dma_start3A_638 = arith.constant 200 : i32
    %dma_start3A_639 = arith.constant 0 : i32
    %dma_start3A_640 = tpu.memref_slice %dma_start3A_637[%dma_start3A_638, %dma_start3A_639] : memref<800x64xf32, #tpu.memory_space<vmem>> -> memref<200x64xf32, #tpu.memory_space<vmem>>
    %dma_start3A_641 = arith.constant 0 : i32
    %dma_start3A_642 = tpu.memref_slice %arg4[%mul3A_601, %dma_start3A_641] : memref<3276800x128xf32, #tpu.memory_space<hbm>> -> memref<200x64xf32, #tpu.memory_space<hbm>>
    %dma_start3A_643 = arith.constant 0 : i32
    %dma_start3A_644 = tpu.memref_slice %arg4[%mul3A_601, %dma_start3A_643] : memref<3276800x128xf32, #tpu.memory_space<hbm>> -> memref<200x64xf32, #tpu.memory_space<hbm>>
    %dma_start3A_645 = arith.constant 0 : i32
    %dma_start3A_646 = arith.constant 0 : i32
    %dma_start3A_647 = tpu.memref_slice %arg6[%dma_start3A_633, %dma_start3A_645, %dma_start3A_646] : memref<2x800x64xf32, #tpu.memory_space<vmem>> -> memref<1x800x64xf32, #tpu.memory_space<vmem>>
    %dma_start3A_648 = tpu.memref_squeeze %dma_start3A_647 : memref<1x800x64xf32, #tpu.memory_space<vmem>> -> memref<800x64xf32, #tpu.memory_space<vmem>>
    %dma_start3A_649 = arith.constant 200 : i32
    %dma_start3A_650 = arith.constant 0 : i32
    %dma_start3A_651 = tpu.memref_slice %dma_start3A_648[%dma_start3A_649, %dma_start3A_650] : memref<800x64xf32, #tpu.memory_space<vmem>> -> memref<200x64xf32, #tpu.memory_space<vmem>>
    tpu.enqueue_dma source(%dma_start3A_651 : memref<200x64xf32, #tpu.memory_space<vmem>>) target(%dma_start3A_644 : memref<200x64xf32, #tpu.memory_space<hbm>>) target_semaphore(%arg11 : memref<!tpu.dma_semaphore, #tpu.memory_space<semaphore_mem>>)
    %dma_start3A_652 = arith.constant 0 : i32
    %dma_start3A_653 = arith.constant 0 : i32
    %dma_start3A_654 = arith.constant 0 : i32
    %dma_start3A_655 = tpu.memref_slice %arg6[%dma_start3A_652, %dma_start3A_653, %dma_start3A_654] : memref<2x800x64xf32, #tpu.memory_space<vmem>> -> memref<1x800x64xf32, #tpu.memory_space<vmem>>
    %dma_start3A_656 = tpu.memref_squeeze %dma_start3A_655 : memref<1x800x64xf32, #tpu.memory_space<vmem>> -> memref<800x64xf32, #tpu.memory_space<vmem>>
    %dma_start3A_657 = arith.constant 400 : i32
    %dma_start3A_658 = arith.constant 0 : i32
    %dma_start3A_659 = tpu.memref_slice %dma_start3A_656[%dma_start3A_657, %dma_start3A_658] : memref<800x64xf32, #tpu.memory_space<vmem>> -> memref<200x64xf32, #tpu.memory_space<vmem>>
    %dma_start3A_660 = arith.constant 0 : i32
    %dma_start3A_661 = tpu.memref_slice %arg4[%mul3A_607, %dma_start3A_660] : memref<3276800x128xf32, #tpu.memory_space<hbm>> -> memref<200x64xf32, #tpu.memory_space<hbm>>
    %dma_start3A_662 = arith.constant 0 : i32
    %dma_start3A_663 = tpu.memref_slice %arg4[%mul3A_607, %dma_start3A_662] : memref<3276800x128xf32, #tpu.memory_space<hbm>> -> memref<200x64xf32, #tpu.memory_space<hbm>>
    %dma_start3A_664 = arith.constant 0 : i32
    %dma_start3A_665 = arith.constant 0 : i32
    %dma_start3A_666 = tpu.memref_slice %arg6[%dma_start3A_652, %dma_start3A_664, %dma_start3A_665] : memref<2x800x64xf32, #tpu.memory_space<vmem>> -> memref<1x800x64xf32, #tpu.memory_space<vmem>>
    %dma_start3A_667 = tpu.memref_squeeze %dma_start3A_666 : memref<1x800x64xf32, #tpu.memory_space<vmem>> -> memref<800x64xf32, #tpu.memory_space<vmem>>
    %dma_start3A_668 = arith.constant 400 : i32
    %dma_start3A_669 = arith.constant 0 : i32
    %dma_start3A_670 = tpu.memref_slice %dma_start3A_667[%dma_start3A_668, %dma_start3A_669] : memref<800x64xf32, #tpu.memory_space<vmem>> -> memref<200x64xf32, #tpu.memory_space<vmem>>
    tpu.enqueue_dma source(%dma_start3A_670 : memref<200x64xf32, #tpu.memory_space<vmem>>) target(%dma_start3A_663 : memref<200x64xf32, #tpu.memory_space<hbm>>) target_semaphore(%arg11 : memref<!tpu.dma_semaphore, #tpu.memory_space<semaphore_mem>>)
    %dma_start3A_671 = arith.constant 0 : i32
    %dma_start3A_672 = arith.constant 0 : i32
    %dma_start3A_673 = arith.constant 0 : i32
    %dma_start3A_674 = tpu.memref_slice %arg6[%dma_start3A_671, %dma_start3A_672, %dma_start3A_673] : memref<2x800x64xf32, #tpu.memory_space<vmem>> -> memref<1x800x64xf32, #tpu.memory_space<vmem>>
    %dma_start3A_675 = tpu.memref_squeeze %dma_start3A_674 : memref<1x800x64xf32, #tpu.memory_space<vmem>> -> memref<800x64xf32, #tpu.memory_space<vmem>>
    %dma_start3A_676 = arith.constant 600 : i32
    %dma_start3A_677 = arith.constant 0 : i32
    %dma_start3A_678 = tpu.memref_slice %dma_start3A_675[%dma_start3A_676, %dma_start3A_677] : memref<800x64xf32, #tpu.memory_space<vmem>> -> memref<200x64xf32, #tpu.memory_space<vmem>>
    %dma_start3A_679 = arith.constant 0 : i32
    %dma_start3A_680 = tpu.memref_slice %arg4[%mul3A_613, %dma_start3A_679] : memref<3276800x128xf32, #tpu.memory_space<hbm>> -> memref<200x64xf32, #tpu.memory_space<hbm>>
    %dma_start3A_681 = arith.constant 0 : i32
    %dma_start3A_682 = tpu.memref_slice %arg4[%mul3A_613, %dma_start3A_681] : memref<3276800x128xf32, #tpu.memory_space<hbm>> -> memref<200x64xf32, #tpu.memory_space<hbm>>
    %dma_start3A_683 = arith.constant 0 : i32
    %dma_start3A_684 = arith.constant 0 : i32
    %dma_start3A_685 = tpu.memref_slice %arg6[%dma_start3A_671, %dma_start3A_683, %dma_start3A_684] : memref<2x800x64xf32, #tpu.memory_space<vmem>> -> memref<1x800x64xf32, #tpu.memory_space<vmem>>
    %dma_start3A_686 = tpu.memref_squeeze %dma_start3A_685 : memref<1x800x64xf32, #tpu.memory_space<vmem>> -> memref<800x64xf32, #tpu.memory_space<vmem>>
    %dma_start3A_687 = arith.constant 600 : i32
    %dma_start3A_688 = arith.constant 0 : i32
    %dma_start3A_689 = tpu.memref_slice %dma_start3A_686[%dma_start3A_687, %dma_start3A_688] : memref<800x64xf32, #tpu.memory_space<vmem>> -> memref<200x64xf32, #tpu.memory_space<vmem>>
    tpu.enqueue_dma source(%dma_start3A_689 : memref<200x64xf32, #tpu.memory_space<vmem>>) target(%dma_start3A_682 : memref<200x64xf32, #tpu.memory_space<hbm>>) target_semaphore(%arg11 : memref<!tpu.dma_semaphore, #tpu.memory_space<semaphore_mem>>)
    %add3A_690 = arith.constant 8 : i32
    %add3A_691 = arith.addi %mul3A_2, %add3A_690 : i32
    %add3A_692 = arith.constant 0 : i32
    %add3A_693 = arith.addi %add3A_691, %add3A_692 : i32
    %add3A_694 = arith.constant 8 : i32
    %add3A_695 = arith.addi %mul3A_2, %add3A_694 : i32
    %add3A_696 = arith.constant 1 : i32
    %add3A_697 = arith.addi %add3A_695, %add3A_696 : i32
    %add3A_698 = arith.constant 8 : i32
    %add3A_699 = arith.addi %mul3A_2, %add3A_698 : i32
    %add3A_700 = arith.constant 2 : i32
    %add3A_701 = arith.addi %add3A_699, %add3A_700 : i32
    %add3A_702 = arith.constant 8 : i32
    %add3A_703 = arith.addi %mul3A_2, %add3A_702 : i32
    %add3A_704 = arith.constant 3 : i32
    %add3A_705 = arith.addi %add3A_703, %add3A_704 : i32
    %dma_start3A_706 = arith.constant 0 : i32
    %dma_start3A_707 = arith.constant 0 : i32
    %dma_start3A_708 = tpu.memref_slice %arg5[%dma_start3A_706, %dma_start3A_707] : memref<2x800xi32, #tpu.memory_space<vmem>> -> memref<1x800xi32, #tpu.memory_space<vmem>>
    %dma_start3A_709 = tpu.memref_squeeze %dma_start3A_708 : memref<1x800xi32, #tpu.memory_space<vmem>> -> memref<800xi32, #tpu.memory_space<vmem>>
    %dma_start3A_710 = arith.constant 0 : i32
    %dma_start3A_711 = tpu.memref_slice %dma_start3A_709[%dma_start3A_710] : memref<800xi32, #tpu.memory_space<vmem>> -> memref<200xi32, #tpu.memory_space<vmem>>
    %dma_start3A_712 = arith.constant 0 : i32
    %dma_start3A_713 = tpu.memref_slice %arg2[%add3A_693, %dma_start3A_712] : memref<16384x200xi32, #tpu.memory_space<hbm>> -> memref<1x200xi32, #tpu.memory_space<hbm>>
    %dma_start3A_714 = tpu.memref_squeeze %dma_start3A_713 : memref<1x200xi32, #tpu.memory_space<hbm>> -> memref<200xi32, #tpu.memory_space<hbm>>
    %dma_start3A_715 = arith.constant 0 : i32
    %dma_start3A_716 = tpu.memref_slice %arg5[%dma_start3A_706, %dma_start3A_715] : memref<2x800xi32, #tpu.memory_space<vmem>> -> memref<1x800xi32, #tpu.memory_space<vmem>>
    %dma_start3A_717 = tpu.memref_squeeze %dma_start3A_716 : memref<1x800xi32, #tpu.memory_space<vmem>> -> memref<800xi32, #tpu.memory_space<vmem>>
    %dma_start3A_718 = arith.constant 0 : i32
    %dma_start3A_719 = tpu.memref_slice %dma_start3A_717[%dma_start3A_718] : memref<800xi32, #tpu.memory_space<vmem>> -> memref<200xi32, #tpu.memory_space<vmem>>
    %dma_start3A_720 = arith.constant 0 : i32
    %dma_start3A_721 = tpu.memref_slice %arg2[%add3A_693, %dma_start3A_720] : memref<16384x200xi32, #tpu.memory_space<hbm>> -> memref<1x200xi32, #tpu.memory_space<hbm>>
    %dma_start3A_722 = tpu.memref_squeeze %dma_start3A_721 : memref<1x200xi32, #tpu.memory_space<hbm>> -> memref<200xi32, #tpu.memory_space<hbm>>
    tpu.enqueue_dma source(%dma_start3A_722 : memref<200xi32, #tpu.memory_space<hbm>>) target(%dma_start3A_719 : memref<200xi32, #tpu.memory_space<vmem>>) target_semaphore(%arg7 : memref<!tpu.dma_semaphore, #tpu.memory_space<semaphore_mem>>)
    %dma_start3A_723 = arith.constant 0 : i32
    %dma_start3A_724 = arith.constant 0 : i32
    %dma_start3A_725 = tpu.memref_slice %arg5[%dma_start3A_723, %dma_start3A_724] : memref<2x800xi32, #tpu.memory_space<vmem>> -> memref<1x800xi32, #tpu.memory_space<vmem>>
    %dma_start3A_726 = tpu.memref_squeeze %dma_start3A_725 : memref<1x800xi32, #tpu.memory_space<vmem>> -> memref<800xi32, #tpu.memory_space<vmem>>
    %dma_start3A_727 = arith.constant 200 : i32
    %dma_start3A_728 = tpu.memref_slice %dma_start3A_726[%dma_start3A_727] : memref<800xi32, #tpu.memory_space<vmem>> -> memref<200xi32, #tpu.memory_space<vmem>>
    %dma_start3A_729 = arith.constant 0 : i32
    %dma_start3A_730 = tpu.memref_slice %arg2[%add3A_697, %dma_start3A_729] : memref<16384x200xi32, #tpu.memory_space<hbm>> -> memref<1x200xi32, #tpu.memory_space<hbm>>
    %dma_start3A_731 = tpu.memref_squeeze %dma_start3A_730 : memref<1x200xi32, #tpu.memory_space<hbm>> -> memref<200xi32, #tpu.memory_space<hbm>>
    %dma_start3A_732 = arith.constant 0 : i32
    %dma_start3A_733 = tpu.memref_slice %arg5[%dma_start3A_723, %dma_start3A_732] : memref<2x800xi32, #tpu.memory_space<vmem>> -> memref<1x800xi32, #tpu.memory_space<vmem>>
    %dma_start3A_734 = tpu.memref_squeeze %dma_start3A_733 : memref<1x800xi32, #tpu.memory_space<vmem>> -> memref<800xi32, #tpu.memory_space<vmem>>
    %dma_start3A_735 = arith.constant 200 : i32
    %dma_start3A_736 = tpu.memref_slice %dma_start3A_734[%dma_start3A_735] : memref<800xi32, #tpu.memory_space<vmem>> -> memref<200xi32, #tpu.memory_space<vmem>>
    %dma_start3A_737 = arith.constant 0 : i32
    %dma_start3A_738 = tpu.memref_slice %arg2[%add3A_697, %dma_start3A_737] : memref<16384x200xi32, #tpu.memory_space<hbm>> -> memref<1x200xi32, #tpu.memory_space<hbm>>
    %dma_start3A_739 = tpu.memref_squeeze %dma_start3A_738 : memref<1x200xi32, #tpu.memory_space<hbm>> -> memref<200xi32, #tpu.memory_space<hbm>>
    tpu.enqueue_dma source(%dma_start3A_739 : memref<200xi32, #tpu.memory_space<hbm>>) target(%dma_start3A_736 : memref<200xi32, #tpu.memory_space<vmem>>) target_semaphore(%arg7 : memref<!tpu.dma_semaphore, #tpu.memory_space<semaphore_mem>>)
    %dma_start3A_740 = arith.constant 0 : i32
    %dma_start3A_741 = arith.constant 0 : i32
    %dma_start3A_742 = tpu.memref_slice %arg5[%dma_start3A_740, %dma_start3A_741] : memref<2x800xi32, #tpu.memory_space<vmem>> -> memref<1x800xi32, #tpu.memory_space<vmem>>
    %dma_start3A_743 = tpu.memref_squeeze %dma_start3A_742 : memref<1x800xi32, #tpu.memory_space<vmem>> -> memref<800xi32, #tpu.memory_space<vmem>>
    %dma_start3A_744 = arith.constant 400 : i32
    %dma_start3A_745 = tpu.memref_slice %dma_start3A_743[%dma_start3A_744] : memref<800xi32, #tpu.memory_space<vmem>> -> memref<200xi32, #tpu.memory_space<vmem>>
    %dma_start3A_746 = arith.constant 0 : i32
    %dma_start3A_747 = tpu.memref_slice %arg2[%add3A_701, %dma_start3A_746] : memref<16384x200xi32, #tpu.memory_space<hbm>> -> memref<1x200xi32, #tpu.memory_space<hbm>>
    %dma_start3A_748 = tpu.memref_squeeze %dma_start3A_747 : memref<1x200xi32, #tpu.memory_space<hbm>> -> memref<200xi32, #tpu.memory_space<hbm>>
    %dma_start3A_749 = arith.constant 0 : i32
    %dma_start3A_750 = tpu.memref_slice %arg5[%dma_start3A_740, %dma_start3A_749] : memref<2x800xi32, #tpu.memory_space<vmem>> -> memref<1x800xi32, #tpu.memory_space<vmem>>
    %dma_start3A_751 = tpu.memref_squeeze %dma_start3A_750 : memref<1x800xi32, #tpu.memory_space<vmem>> -> memref<800xi32, #tpu.memory_space<vmem>>
    %dma_start3A_752 = arith.constant 400 : i32
    %dma_start3A_753 = tpu.memref_slice %dma_start3A_751[%dma_start3A_752] : memref<800xi32, #tpu.memory_space<vmem>> -> memref<200xi32, #tpu.memory_space<vmem>>
    %dma_start3A_754 = arith.constant 0 : i32
    %dma_start3A_755 = tpu.memref_slice %arg2[%add3A_701, %dma_start3A_754] : memref<16384x200xi32, #tpu.memory_space<hbm>> -> memref<1x200xi32, #tpu.memory_space<hbm>>
    %dma_start3A_756 = tpu.memref_squeeze %dma_start3A_755 : memref<1x200xi32, #tpu.memory_space<hbm>> -> memref<200xi32, #tpu.memory_space<hbm>>
    tpu.enqueue_dma source(%dma_start3A_756 : memref<200xi32, #tpu.memory_space<hbm>>) target(%dma_start3A_753 : memref<200xi32, #tpu.memory_space<vmem>>) target_semaphore(%arg7 : memref<!tpu.dma_semaphore, #tpu.memory_space<semaphore_mem>>)
    %dma_start3A_757 = arith.constant 0 : i32
    %dma_start3A_758 = arith.constant 0 : i32
    %dma_start3A_759 = tpu.memref_slice %arg5[%dma_start3A_757, %dma_start3A_758] : memref<2x800xi32, #tpu.memory_space<vmem>> -> memref<1x800xi32, #tpu.memory_space<vmem>>
    %dma_start3A_760 = tpu.memref_squeeze %dma_start3A_759 : memref<1x800xi32, #tpu.memory_space<vmem>> -> memref<800xi32, #tpu.memory_space<vmem>>
    %dma_start3A_761 = arith.constant 600 : i32
    %dma_start3A_762 = tpu.memref_slice %dma_start3A_760[%dma_start3A_761] : memref<800xi32, #tpu.memory_space<vmem>> -> memref<200xi32, #tpu.memory_space<vmem>>
    %dma_start3A_763 = arith.constant 0 : i32
    %dma_start3A_764 = tpu.memref_slice %arg2[%add3A_705, %dma_start3A_763] : memref<16384x200xi32, #tpu.memory_space<hbm>> -> memref<1x200xi32, #tpu.memory_space<hbm>>
    %dma_start3A_765 = tpu.memref_squeeze %dma_start3A_764 : memref<1x200xi32, #tpu.memory_space<hbm>> -> memref<200xi32, #tpu.memory_space<hbm>>
    %dma_start3A_766 = arith.constant 0 : i32
    %dma_start3A_767 = tpu.memref_slice %arg5[%dma_start3A_757, %dma_start3A_766] : memref<2x800xi32, #tpu.memory_space<vmem>> -> memref<1x800xi32, #tpu.memory_space<vmem>>
    %dma_start3A_768 = tpu.memref_squeeze %dma_start3A_767 : memref<1x800xi32, #tpu.memory_space<vmem>> -> memref<800xi32, #tpu.memory_space<vmem>>
    %dma_start3A_769 = arith.constant 600 : i32
    %dma_start3A_770 = tpu.memref_slice %dma_start3A_768[%dma_start3A_769] : memref<800xi32, #tpu.memory_space<vmem>> -> memref<200xi32, #tpu.memory_space<vmem>>
    %dma_start3A_771 = arith.constant 0 : i32
    %dma_start3A_772 = tpu.memref_slice %arg2[%add3A_705, %dma_start3A_771] : memref<16384x200xi32, #tpu.memory_space<hbm>> -> memref<1x200xi32, #tpu.memory_space<hbm>>
    %dma_start3A_773 = tpu.memref_squeeze %dma_start3A_772 : memref<1x200xi32, #tpu.memory_space<hbm>> -> memref<200xi32, #tpu.memory_space<hbm>>
    tpu.enqueue_dma source(%dma_start3A_773 : memref<200xi32, #tpu.memory_space<hbm>>) target(%dma_start3A_770 : memref<200xi32, #tpu.memory_space<vmem>>) target_semaphore(%arg7 : memref<!tpu.dma_semaphore, #tpu.memory_space<semaphore_mem>>)
    %scan3A = arith.constant 0 : i32
    %scan3A_774 = arith.constant 0 : i32
    %scan3A_775 = arith.constant 63 : i32
    %scan3A_776 = arith.addi %scan3A_774, %scan3A_775 : i32
    %scan3A_777 = arith.constant 1 : i32
    %scan3A_778 = scf.for %scan3A_1179 = %scan3A_774 to %scan3A_776 step %scan3A_777 iter_args(%scan3A_1180 = %scan3A) -> (i32)  : i32 {
      %mul3A_1181 = arith.constant 2 : i32
      %mul3A_1182 = arith.muli %mul3A_1181, %scan3A_1179 : i32
      %add3A_1183 = arith.constant 2 : i32
      %add3A_1184 = arith.addi %add3A_1183, %mul3A_1182 : i32
      %add3A_1185 = arith.constant 0 : i32
      %add3A_1186 = arith.addi %add3A_1184, %add3A_1185 : i32
      %mul3A_1187 = arith.constant 4 : i32
      %mul3A_1188 = arith.muli %add3A_1186, %mul3A_1187 : i32
      %add3A_1189 = arith.addi %mul3A_2, %mul3A_1188 : i32
      %add3A_1190 = arith.constant 0 : i32
      %add3A_1191 = arith.addi %add3A_1189, %add3A_1190 : i32
      %mul3A_1192 = arith.constant 4 : i32
      %mul3A_1193 = arith.muli %add3A_1186, %mul3A_1192 : i32
      %add3A_1194 = arith.addi %mul3A_2, %mul3A_1193 : i32
      %add3A_1195 = arith.constant 1 : i32
      %add3A_1196 = arith.addi %add3A_1194, %add3A_1195 : i32
      %mul3A_1197 = arith.constant 4 : i32
      %mul3A_1198 = arith.muli %add3A_1186, %mul3A_1197 : i32
      %add3A_1199 = arith.addi %mul3A_2, %mul3A_1198 : i32
      %add3A_1200 = arith.constant 2 : i32
      %add3A_1201 = arith.addi %add3A_1199, %add3A_1200 : i32
      %mul3A_1202 = arith.constant 4 : i32
      %mul3A_1203 = arith.muli %add3A_1186, %mul3A_1202 : i32
      %add3A_1204 = arith.addi %mul3A_2, %mul3A_1203 : i32
      %add3A_1205 = arith.constant 3 : i32
      %add3A_1206 = arith.addi %add3A_1204, %add3A_1205 : i32
      %dma_wait3A_1207 = arith.constant 0 : i32
      %dma_wait3A_1208 = arith.constant 0 : i32
      %dma_wait3A_1209 = tpu.memref_slice %arg5[%dma_wait3A_1207, %dma_wait3A_1208] : memref<2x800xi32, #tpu.memory_space<vmem>> -> memref<1x800xi32, #tpu.memory_space<vmem>>
      %dma_wait3A_1210 = tpu.memref_squeeze %dma_wait3A_1209 : memref<1x800xi32, #tpu.memory_space<vmem>> -> memref<800xi32, #tpu.memory_space<vmem>>
      %dma_wait3A_1211 = arith.constant 0 : i32
      %dma_wait3A_1212 = tpu.memref_slice %dma_wait3A_1210[%dma_wait3A_1211] : memref<800xi32, #tpu.memory_space<vmem>> -> memref<200xi32, #tpu.memory_space<vmem>>
      %dma_wait3A_1213 = arith.constant 0 : i32
      %dma_wait3A_1214 = tpu.memref_slice %arg2[%add3A_1191, %dma_wait3A_1213] : memref<16384x200xi32, #tpu.memory_space<hbm>> -> memref<1x200xi32, #tpu.memory_space<hbm>>
      %dma_wait3A_1215 = tpu.memref_squeeze %dma_wait3A_1214 : memref<1x200xi32, #tpu.memory_space<hbm>> -> memref<200xi32, #tpu.memory_space<hbm>>
      %dma_wait3A_1216 = arith.constant 0 : i32
      %dma_wait3A_1217 = tpu.memref_slice %arg5[%dma_wait3A_1207, %dma_wait3A_1216] : memref<2x800xi32, #tpu.memory_space<vmem>> -> memref<1x800xi32, #tpu.memory_space<vmem>>
      %dma_wait3A_1218 = tpu.memref_squeeze %dma_wait3A_1217 : memref<1x800xi32, #tpu.memory_space<vmem>> -> memref<800xi32, #tpu.memory_space<vmem>>
      %dma_wait3A_1219 = arith.constant 0 : i32
      %dma_wait3A_1220 = tpu.memref_slice %dma_wait3A_1218[%dma_wait3A_1219] : memref<800xi32, #tpu.memory_space<vmem>> -> memref<200xi32, #tpu.memory_space<vmem>>
      %dma_wait3A_1221 = arith.constant 0 : i32
      %dma_wait3A_1222 = tpu.memref_slice %arg2[%add3A_1191, %dma_wait3A_1221] : memref<16384x200xi32, #tpu.memory_space<hbm>> -> memref<1x200xi32, #tpu.memory_space<hbm>>
      %dma_wait3A_1223 = tpu.memref_squeeze %dma_wait3A_1222 : memref<1x200xi32, #tpu.memory_space<hbm>> -> memref<200xi32, #tpu.memory_space<hbm>>
      tpu.wait_dma2 semaphore(%arg7 : memref<!tpu.dma_semaphore, #tpu.memory_space<semaphore_mem>>) src(%dma_wait3A_1223 : memref<200xi32, #tpu.memory_space<hbm>>) dst(%dma_wait3A_1220 : memref<200xi32, #tpu.memory_space<vmem>>)
      %dma_wait3A_1224 = arith.constant 0 : i32
      %dma_wait3A_1225 = arith.constant 0 : i32
      %dma_wait3A_1226 = tpu.memref_slice %arg5[%dma_wait3A_1224, %dma_wait3A_1225] : memref<2x800xi32, #tpu.memory_space<vmem>> -> memref<1x800xi32, #tpu.memory_space<vmem>>
      %dma_wait3A_1227 = tpu.memref_squeeze %dma_wait3A_1226 : memref<1x800xi32, #tpu.memory_space<vmem>> -> memref<800xi32, #tpu.memory_space<vmem>>
      %dma_wait3A_1228 = arith.constant 200 : i32
      %dma_wait3A_1229 = tpu.memref_slice %dma_wait3A_1227[%dma_wait3A_1228] : memref<800xi32, #tpu.memory_space<vmem>> -> memref<200xi32, #tpu.memory_space<vmem>>
      %dma_wait3A_1230 = arith.constant 0 : i32
      %dma_wait3A_1231 = tpu.memref_slice %arg2[%add3A_1196, %dma_wait3A_1230] : memref<16384x200xi32, #tpu.memory_space<hbm>> -> memref<1x200xi32, #tpu.memory_space<hbm>>
      %dma_wait3A_1232 = tpu.memref_squeeze %dma_wait3A_1231 : memref<1x200xi32, #tpu.memory_space<hbm>> -> memref<200xi32, #tpu.memory_space<hbm>>
      %dma_wait3A_1233 = arith.constant 0 : i32
      %dma_wait3A_1234 = tpu.memref_slice %arg5[%dma_wait3A_1224, %dma_wait3A_1233] : memref<2x800xi32, #tpu.memory_space<vmem>> -> memref<1x800xi32, #tpu.memory_space<vmem>>
      %dma_wait3A_1235 = tpu.memref_squeeze %dma_wait3A_1234 : memref<1x800xi32, #tpu.memory_space<vmem>> -> memref<800xi32, #tpu.memory_space<vmem>>
      %dma_wait3A_1236 = arith.constant 200 : i32
      %dma_wait3A_1237 = tpu.memref_slice %dma_wait3A_1235[%dma_wait3A_1236] : memref<800xi32, #tpu.memory_space<vmem>> -> memref<200xi32, #tpu.memory_space<vmem>>
      %dma_wait3A_1238 = arith.constant 0 : i32
      %dma_wait3A_1239 = tpu.memref_slice %arg2[%add3A_1196, %dma_wait3A_1238] : memref<16384x200xi32, #tpu.memory_space<hbm>> -> memref<1x200xi32, #tpu.memory_space<hbm>>
      %dma_wait3A_1240 = tpu.memref_squeeze %dma_wait3A_1239 : memref<1x200xi32, #tpu.memory_space<hbm>> -> memref<200xi32, #tpu.memory_space<hbm>>
      tpu.wait_dma2 semaphore(%arg7 : memref<!tpu.dma_semaphore, #tpu.memory_space<semaphore_mem>>) src(%dma_wait3A_1240 : memref<200xi32, #tpu.memory_space<hbm>>) dst(%dma_wait3A_1237 : memref<200xi32, #tpu.memory_space<vmem>>)
      %dma_wait3A_1241 = arith.constant 0 : i32
      %dma_wait3A_1242 = arith.constant 0 : i32
      %dma_wait3A_1243 = tpu.memref_slice %arg5[%dma_wait3A_1241, %dma_wait3A_1242] : memref<2x800xi32, #tpu.memory_space<vmem>> -> memref<1x800xi32, #tpu.memory_space<vmem>>
      %dma_wait3A_1244 = tpu.memref_squeeze %dma_wait3A_1243 : memref<1x800xi32, #tpu.memory_space<vmem>> -> memref<800xi32, #tpu.memory_space<vmem>>
      %dma_wait3A_1245 = arith.constant 400 : i32
      %dma_wait3A_1246 = tpu.memref_slice %dma_wait3A_1244[%dma_wait3A_1245] : memref<800xi32, #tpu.memory_space<vmem>> -> memref<200xi32, #tpu.memory_space<vmem>>
      %dma_wait3A_1247 = arith.constant 0 : i32
      %dma_wait3A_1248 = tpu.memref_slice %arg2[%add3A_1201, %dma_wait3A_1247] : memref<16384x200xi32, #tpu.memory_space<hbm>> -> memref<1x200xi32, #tpu.memory_space<hbm>>
      %dma_wait3A_1249 = tpu.memref_squeeze %dma_wait3A_1248 : memref<1x200xi32, #tpu.memory_space<hbm>> -> memref<200xi32, #tpu.memory_space<hbm>>
      %dma_wait3A_1250 = arith.constant 0 : i32
      %dma_wait3A_1251 = tpu.memref_slice %arg5[%dma_wait3A_1241, %dma_wait3A_1250] : memref<2x800xi32, #tpu.memory_space<vmem>> -> memref<1x800xi32, #tpu.memory_space<vmem>>
      %dma_wait3A_1252 = tpu.memref_squeeze %dma_wait3A_1251 : memref<1x800xi32, #tpu.memory_space<vmem>> -> memref<800xi32, #tpu.memory_space<vmem>>
      %dma_wait3A_1253 = arith.constant 400 : i32
      %dma_wait3A_1254 = tpu.memref_slice %dma_wait3A_1252[%dma_wait3A_1253] : memref<800xi32, #tpu.memory_space<vmem>> -> memref<200xi32, #tpu.memory_space<vmem>>
      %dma_wait3A_1255 = arith.constant 0 : i32
      %dma_wait3A_1256 = tpu.memref_slice %arg2[%add3A_1201, %dma_wait3A_1255] : memref<16384x200xi32, #tpu.memory_space<hbm>> -> memref<1x200xi32, #tpu.memory_space<hbm>>
      %dma_wait3A_1257 = tpu.memref_squeeze %dma_wait3A_1256 : memref<1x200xi32, #tpu.memory_space<hbm>> -> memref<200xi32, #tpu.memory_space<hbm>>
      tpu.wait_dma2 semaphore(%arg7 : memref<!tpu.dma_semaphore, #tpu.memory_space<semaphore_mem>>) src(%dma_wait3A_1257 : memref<200xi32, #tpu.memory_space<hbm>>) dst(%dma_wait3A_1254 : memref<200xi32, #tpu.memory_space<vmem>>)
      %dma_wait3A_1258 = arith.constant 0 : i32
      %dma_wait3A_1259 = arith.constant 0 : i32
      %dma_wait3A_1260 = tpu.memref_slice %arg5[%dma_wait3A_1258, %dma_wait3A_1259] : memref<2x800xi32, #tpu.memory_space<vmem>> -> memref<1x800xi32, #tpu.memory_space<vmem>>
      %dma_wait3A_1261 = tpu.memref_squeeze %dma_wait3A_1260 : memref<1x800xi32, #tpu.memory_space<vmem>> -> memref<800xi32, #tpu.memory_space<vmem>>
      %dma_wait3A_1262 = arith.constant 600 : i32
      %dma_wait3A_1263 = tpu.memref_slice %dma_wait3A_1261[%dma_wait3A_1262] : memref<800xi32, #tpu.memory_space<vmem>> -> memref<200xi32, #tpu.memory_space<vmem>>
      %dma_wait3A_1264 = arith.constant 0 : i32
      %dma_wait3A_1265 = tpu.memref_slice %arg2[%add3A_1206, %dma_wait3A_1264] : memref<16384x200xi32, #tpu.memory_space<hbm>> -> memref<1x200xi32, #tpu.memory_space<hbm>>
      %dma_wait3A_1266 = tpu.memref_squeeze %dma_wait3A_1265 : memref<1x200xi32, #tpu.memory_space<hbm>> -> memref<200xi32, #tpu.memory_space<hbm>>
      %dma_wait3A_1267 = arith.constant 0 : i32
      %dma_wait3A_1268 = tpu.memref_slice %arg5[%dma_wait3A_1258, %dma_wait3A_1267] : memref<2x800xi32, #tpu.memory_space<vmem>> -> memref<1x800xi32, #tpu.memory_space<vmem>>
      %dma_wait3A_1269 = tpu.memref_squeeze %dma_wait3A_1268 : memref<1x800xi32, #tpu.memory_space<vmem>> -> memref<800xi32, #tpu.memory_space<vmem>>
      %dma_wait3A_1270 = arith.constant 600 : i32
      %dma_wait3A_1271 = tpu.memref_slice %dma_wait3A_1269[%dma_wait3A_1270] : memref<800xi32, #tpu.memory_space<vmem>> -> memref<200xi32, #tpu.memory_space<vmem>>
      %dma_wait3A_1272 = arith.constant 0 : i32
      %dma_wait3A_1273 = tpu.memref_slice %arg2[%add3A_1206, %dma_wait3A_1272] : memref<16384x200xi32, #tpu.memory_space<hbm>> -> memref<1x200xi32, #tpu.memory_space<hbm>>
      %dma_wait3A_1274 = tpu.memref_squeeze %dma_wait3A_1273 : memref<1x200xi32, #tpu.memory_space<hbm>> -> memref<200xi32, #tpu.memory_space<hbm>>
      tpu.wait_dma2 semaphore(%arg7 : memref<!tpu.dma_semaphore, #tpu.memory_space<semaphore_mem>>) src(%dma_wait3A_1274 : memref<200xi32, #tpu.memory_space<hbm>>) dst(%dma_wait3A_1271 : memref<200xi32, #tpu.memory_space<vmem>>)
      %sub3A = arith.constant 2 : i32
      %sub3A_1275 = arith.subi %add3A_1186, %sub3A : i32
      %mul3A_1276 = arith.constant 4 : i32
      %mul3A_1277 = arith.muli %sub3A_1275, %mul3A_1276 : i32
      %add3A_1278 = arith.addi %mul3A_2, %mul3A_1277 : i32
      %add3A_1279 = arith.constant 0 : i32
      %add3A_1280 = arith.addi %add3A_1278, %add3A_1279 : i32
      %mul3A_1281 = arith.constant 200 : i32
      %mul3A_1282 = arith.muli %add3A_1280, %mul3A_1281 : i32
      %mul3A_1283 = arith.constant 4 : i32
      %mul3A_1284 = arith.muli %sub3A_1275, %mul3A_1283 : i32
      %add3A_1285 = arith.addi %mul3A_2, %mul3A_1284 : i32
      %add3A_1286 = arith.constant 1 : i32
      %add3A_1287 = arith.addi %add3A_1285, %add3A_1286 : i32
      %mul3A_1288 = arith.constant 200 : i32
      %mul3A_1289 = arith.muli %add3A_1287, %mul3A_1288 : i32
      %mul3A_1290 = arith.constant 4 : i32
      %mul3A_1291 = arith.muli %sub3A_1275, %mul3A_1290 : i32
      %add3A_1292 = arith.addi %mul3A_2, %mul3A_1291 : i32
      %add3A_1293 = arith.constant 2 : i32
      %add3A_1294 = arith.addi %add3A_1292, %add3A_1293 : i32
      %mul3A_1295 = arith.constant 200 : i32
      %mul3A_1296 = arith.muli %add3A_1294, %mul3A_1295 : i32
      %mul3A_1297 = arith.constant 4 : i32
      %mul3A_1298 = arith.muli %sub3A_1275, %mul3A_1297 : i32
      %add3A_1299 = arith.addi %mul3A_2, %mul3A_1298 : i32
      %add3A_1300 = arith.constant 3 : i32
      %add3A_1301 = arith.addi %add3A_1299, %add3A_1300 : i32
      %mul3A_1302 = arith.constant 200 : i32
      %mul3A_1303 = arith.muli %add3A_1301, %mul3A_1302 : i32
      %dma_wait3A_1304 = arith.constant 0 : i32
      %dma_wait3A_1305 = arith.constant 0 : i32
      %dma_wait3A_1306 = arith.constant 0 : i32
      %dma_wait3A_1307 = tpu.memref_slice %arg6[%dma_wait3A_1304, %dma_wait3A_1305, %dma_wait3A_1306] : memref<2x800x64xf32, #tpu.memory_space<vmem>> -> memref<1x800x64xf32, #tpu.memory_space<vmem>>
      %dma_wait3A_1308 = tpu.memref_squeeze %dma_wait3A_1307 : memref<1x800x64xf32, #tpu.memory_space<vmem>> -> memref<800x64xf32, #tpu.memory_space<vmem>>
      %dma_wait3A_1309 = arith.constant 0 : i32
      %dma_wait3A_1310 = arith.constant 0 : i32
      %dma_wait3A_1311 = tpu.memref_slice %dma_wait3A_1308[%dma_wait3A_1309, %dma_wait3A_1310] : memref<800x64xf32, #tpu.memory_space<vmem>> -> memref<200x64xf32, #tpu.memory_space<vmem>>
      %dma_wait3A_1312 = arith.constant 0 : i32
      %dma_wait3A_1313 = tpu.memref_slice %arg4[%mul3A_1282, %dma_wait3A_1312] : memref<3276800x128xf32, #tpu.memory_space<hbm>> -> memref<200x64xf32, #tpu.memory_space<hbm>>
      %dma_wait3A_1314 = arith.constant 0 : i32
      %dma_wait3A_1315 = tpu.memref_slice %arg4[%mul3A_1282, %dma_wait3A_1314] : memref<3276800x128xf32, #tpu.memory_space<hbm>> -> memref<200x64xf32, #tpu.memory_space<hbm>>
      %dma_wait3A_1316 = arith.constant 0 : i32
      %dma_wait3A_1317 = arith.constant 0 : i32
      %dma_wait3A_1318 = tpu.memref_slice %arg6[%dma_wait3A_1304, %dma_wait3A_1316, %dma_wait3A_1317] : memref<2x800x64xf32, #tpu.memory_space<vmem>> -> memref<1x800x64xf32, #tpu.memory_space<vmem>>
      %dma_wait3A_1319 = tpu.memref_squeeze %dma_wait3A_1318 : memref<1x800x64xf32, #tpu.memory_space<vmem>> -> memref<800x64xf32, #tpu.memory_space<vmem>>
      %dma_wait3A_1320 = arith.constant 0 : i32
      %dma_wait3A_1321 = arith.constant 0 : i32
      %dma_wait3A_1322 = tpu.memref_slice %dma_wait3A_1319[%dma_wait3A_1320, %dma_wait3A_1321] : memref<800x64xf32, #tpu.memory_space<vmem>> -> memref<200x64xf32, #tpu.memory_space<vmem>>
      tpu.wait_dma2 semaphore(%arg11 : memref<!tpu.dma_semaphore, #tpu.memory_space<semaphore_mem>>) src(%dma_wait3A_1322 : memref<200x64xf32, #tpu.memory_space<vmem>>) dst(%dma_wait3A_1315 : memref<200x64xf32, #tpu.memory_space<hbm>>)
      %dma_wait3A_1323 = arith.constant 0 : i32
      %dma_wait3A_1324 = arith.constant 0 : i32
      %dma_wait3A_1325 = arith.constant 0 : i32
      %dma_wait3A_1326 = tpu.memref_slice %arg6[%dma_wait3A_1323, %dma_wait3A_1324, %dma_wait3A_1325] : memref<2x800x64xf32, #tpu.memory_space<vmem>> -> memref<1x800x64xf32, #tpu.memory_space<vmem>>
      %dma_wait3A_1327 = tpu.memref_squeeze %dma_wait3A_1326 : memref<1x800x64xf32, #tpu.memory_space<vmem>> -> memref<800x64xf32, #tpu.memory_space<vmem>>
      %dma_wait3A_1328 = arith.constant 200 : i32
      %dma_wait3A_1329 = arith.constant 0 : i32
      %dma_wait3A_1330 = tpu.memref_slice %dma_wait3A_1327[%dma_wait3A_1328, %dma_wait3A_1329] : memref<800x64xf32, #tpu.memory_space<vmem>> -> memref<200x64xf32, #tpu.memory_space<vmem>>
      %dma_wait3A_1331 = arith.constant 0 : i32
      %dma_wait3A_1332 = tpu.memref_slice %arg4[%mul3A_1289, %dma_wait3A_1331] : memref<3276800x128xf32, #tpu.memory_space<hbm>> -> memref<200x64xf32, #tpu.memory_space<hbm>>
      %dma_wait3A_1333 = arith.constant 0 : i32
      %dma_wait3A_1334 = tpu.memref_slice %arg4[%mul3A_1289, %dma_wait3A_1333] : memref<3276800x128xf32, #tpu.memory_space<hbm>> -> memref<200x64xf32, #tpu.memory_space<hbm>>
      %dma_wait3A_1335 = arith.constant 0 : i32
      %dma_wait3A_1336 = arith.constant 0 : i32
      %dma_wait3A_1337 = tpu.memref_slice %arg6[%dma_wait3A_1323, %dma_wait3A_1335, %dma_wait3A_1336] : memref<2x800x64xf32, #tpu.memory_space<vmem>> -> memref<1x800x64xf32, #tpu.memory_space<vmem>>
      %dma_wait3A_1338 = tpu.memref_squeeze %dma_wait3A_1337 : memref<1x800x64xf32, #tpu.memory_space<vmem>> -> memref<800x64xf32, #tpu.memory_space<vmem>>
      %dma_wait3A_1339 = arith.constant 200 : i32
      %dma_wait3A_1340 = arith.constant 0 : i32
      %dma_wait3A_1341 = tpu.memref_slice %dma_wait3A_1338[%dma_wait3A_1339, %dma_wait3A_1340] : memref<800x64xf32, #tpu.memory_space<vmem>> -> memref<200x64xf32, #tpu.memory_space<vmem>>
      tpu.wait_dma2 semaphore(%arg11 : memref<!tpu.dma_semaphore, #tpu.memory_space<semaphore_mem>>) src(%dma_wait3A_1341 : memref<200x64xf32, #tpu.memory_space<vmem>>) dst(%dma_wait3A_1334 : memref<200x64xf32, #tpu.memory_space<hbm>>)
      %dma_wait3A_1342 = arith.constant 0 : i32
      %dma_wait3A_1343 = arith.constant 0 : i32
      %dma_wait3A_1344 = arith.constant 0 : i32
      %dma_wait3A_1345 = tpu.memref_slice %arg6[%dma_wait3A_1342, %dma_wait3A_1343, %dma_wait3A_1344] : memref<2x800x64xf32, #tpu.memory_space<vmem>> -> memref<1x800x64xf32, #tpu.memory_space<vmem>>
      %dma_wait3A_1346 = tpu.memref_squeeze %dma_wait3A_1345 : memref<1x800x64xf32, #tpu.memory_space<vmem>> -> memref<800x64xf32, #tpu.memory_space<vmem>>
      %dma_wait3A_1347 = arith.constant 400 : i32
      %dma_wait3A_1348 = arith.constant 0 : i32
      %dma_wait3A_1349 = tpu.memref_slice %dma_wait3A_1346[%dma_wait3A_1347, %dma_wait3A_1348] : memref<800x64xf32, #tpu.memory_space<vmem>> -> memref<200x64xf32, #tpu.memory_space<vmem>>
      %dma_wait3A_1350 = arith.constant 0 : i32
      %dma_wait3A_1351 = tpu.memref_slice %arg4[%mul3A_1296, %dma_wait3A_1350] : memref<3276800x128xf32, #tpu.memory_space<hbm>> -> memref<200x64xf32, #tpu.memory_space<hbm>>
      %dma_wait3A_1352 = arith.constant 0 : i32
      %dma_wait3A_1353 = tpu.memref_slice %arg4[%mul3A_1296, %dma_wait3A_1352] : memref<3276800x128xf32, #tpu.memory_space<hbm>> -> memref<200x64xf32, #tpu.memory_space<hbm>>
      %dma_wait3A_1354 = arith.constant 0 : i32
      %dma_wait3A_1355 = arith.constant 0 : i32
      %dma_wait3A_1356 = tpu.memref_slice %arg6[%dma_wait3A_1342, %dma_wait3A_1354, %dma_wait3A_1355] : memref<2x800x64xf32, #tpu.memory_space<vmem>> -> memref<1x800x64xf32, #tpu.memory_space<vmem>>
      %dma_wait3A_1357 = tpu.memref_squeeze %dma_wait3A_1356 : memref<1x800x64xf32, #tpu.memory_space<vmem>> -> memref<800x64xf32, #tpu.memory_space<vmem>>
      %dma_wait3A_1358 = arith.constant 400 : i32
      %dma_wait3A_1359 = arith.constant 0 : i32
      %dma_wait3A_1360 = tpu.memref_slice %dma_wait3A_1357[%dma_wait3A_1358, %dma_wait3A_1359] : memref<800x64xf32, #tpu.memory_space<vmem>> -> memref<200x64xf32, #tpu.memory_space<vmem>>
      tpu.wait_dma2 semaphore(%arg11 : memref<!tpu.dma_semaphore, #tpu.memory_space<semaphore_mem>>) src(%dma_wait3A_1360 : memref<200x64xf32, #tpu.memory_space<vmem>>) dst(%dma_wait3A_1353 : memref<200x64xf32, #tpu.memory_space<hbm>>)
      %dma_wait3A_1361 = arith.constant 0 : i32
      %dma_wait3A_1362 = arith.constant 0 : i32
      %dma_wait3A_1363 = arith.constant 0 : i32
      %dma_wait3A_1364 = tpu.memref_slice %arg6[%dma_wait3A_1361, %dma_wait3A_1362, %dma_wait3A_1363] : memref<2x800x64xf32, #tpu.memory_space<vmem>> -> memref<1x800x64xf32, #tpu.memory_space<vmem>>
      %dma_wait3A_1365 = tpu.memref_squeeze %dma_wait3A_1364 : memref<1x800x64xf32, #tpu.memory_space<vmem>> -> memref<800x64xf32, #tpu.memory_space<vmem>>
      %dma_wait3A_1366 = arith.constant 600 : i32
      %dma_wait3A_1367 = arith.constant 0 : i32
      %dma_wait3A_1368 = tpu.memref_slice %dma_wait3A_1365[%dma_wait3A_1366, %dma_wait3A_1367] : memref<800x64xf32, #tpu.memory_space<vmem>> -> memref<200x64xf32, #tpu.memory_space<vmem>>
      %dma_wait3A_1369 = arith.constant 0 : i32
      %dma_wait3A_1370 = tpu.memref_slice %arg4[%mul3A_1303, %dma_wait3A_1369] : memref<3276800x128xf32, #tpu.memory_space<hbm>> -> memref<200x64xf32, #tpu.memory_space<hbm>>
      %dma_wait3A_1371 = arith.constant 0 : i32
      %dma_wait3A_1372 = tpu.memref_slice %arg4[%mul3A_1303, %dma_wait3A_1371] : memref<3276800x128xf32, #tpu.memory_space<hbm>> -> memref<200x64xf32, #tpu.memory_space<hbm>>
      %dma_wait3A_1373 = arith.constant 0 : i32
      %dma_wait3A_1374 = arith.constant 0 : i32
      %dma_wait3A_1375 = tpu.memref_slice %arg6[%dma_wait3A_1361, %dma_wait3A_1373, %dma_wait3A_1374] : memref<2x800x64xf32, #tpu.memory_space<vmem>> -> memref<1x800x64xf32, #tpu.memory_space<vmem>>
      %dma_wait3A_1376 = tpu.memref_squeeze %dma_wait3A_1375 : memref<1x800x64xf32, #tpu.memory_space<vmem>> -> memref<800x64xf32, #tpu.memory_space<vmem>>
      %dma_wait3A_1377 = arith.constant 600 : i32
      %dma_wait3A_1378 = arith.constant 0 : i32
      %dma_wait3A_1379 = tpu.memref_slice %dma_wait3A_1376[%dma_wait3A_1377, %dma_wait3A_1378] : memref<800x64xf32, #tpu.memory_space<vmem>> -> memref<200x64xf32, #tpu.memory_space<vmem>>
      tpu.wait_dma2 semaphore(%arg11 : memref<!tpu.dma_semaphore, #tpu.memory_space<semaphore_mem>>) src(%dma_wait3A_1379 : memref<200x64xf32, #tpu.memory_space<vmem>>) dst(%dma_wait3A_1372 : memref<200x64xf32, #tpu.memory_space<hbm>>)
      %dma_start3A_1380 = arith.constant 0 : i32
      %dma_start3A_1381 = arith.constant 0 : i32
      %dma_start3A_1382 = arith.constant 0 : i32
      %dma_start3A_1383 = arith.constant 0 : i32
      %dma_start3A_1384 = tpu.memref_slice %arg6[%dma_start3A_1381, %dma_start3A_1382, %dma_start3A_1383] : memref<2x800x64xf32, #tpu.memory_space<vmem>> -> memref<1x800x64xf32, #tpu.memory_space<vmem>>
      %dma_start3A_1385 = tpu.memref_squeeze %dma_start3A_1384 : memref<1x800x64xf32, #tpu.memory_space<vmem>> -> memref<800x64xf32, #tpu.memory_space<vmem>>
      %dma_start3A_1386 = arith.constant 0 : i32
      %dma_start3A_1387 = arith.constant 0 : i32
      %dma_start3A_1388 = tpu.memref_slice %dma_start3A_1385[%dma_start3A_1386, %dma_start3A_1387] : memref<800x64xf32, #tpu.memory_space<vmem>> -> memref<128x64xf32, #tpu.memory_space<vmem>>
      %dma_start3A_1389 = arith.constant 0 : i32
      %dma_start3A_1390 = tpu.memref_slice %arg5[%dma_start3A_1380, %dma_start3A_1389] : memref<2x800xi32, #tpu.memory_space<vmem>> -> memref<1x800xi32, #tpu.memory_space<vmem>>
      %dma_start3A_1391 = tpu.memref_squeeze %dma_start3A_1390 : memref<1x800xi32, #tpu.memory_space<vmem>> -> memref<800xi32, #tpu.memory_space<vmem>>
      %dma_start3A_1392 = arith.constant 0 : i32
      %dma_start3A_1393 = tpu.memref_slice %dma_start3A_1391[%dma_start3A_1392] : memref<800xi32, #tpu.memory_space<vmem>> -> memref<128xi32, #tpu.memory_space<vmem>>
      %dma_start3A_1394 = arith.constant 0 : i32
      %dma_start3A_1395 = arith.constant 0 : i32
      %dma_start3A_1396 = tpu.memref_slice %arg3[%dma_start3A_1394, %dma_start3A_1395] : memref<2000000x64xf32, #tpu.memory_space<hbm>> -> memref<2000000x64xf32, #tpu.memory_space<hbm>>
      tpu.enqueue_indirect_dma source(%dma_start3A_1396 : memref<2000000x64xf32, #tpu.memory_space<hbm>>) target(%dma_start3A_1388 : memref<128x64xf32, #tpu.memory_space<vmem>>) offsets(%dma_start3A_1393 : memref<128xi32, #tpu.memory_space<vmem>>) semaphore(%arg9 : memref<!tpu.dma_semaphore, #tpu.memory_space<semaphore_mem>>)
      %dma_start3A_1397 = arith.constant 0 : i32
      %dma_start3A_1398 = arith.constant 0 : i32
      %dma_start3A_1399 = arith.constant 0 : i32
      %dma_start3A_1400 = arith.constant 0 : i32
      %dma_start3A_1401 = tpu.memref_slice %arg6[%dma_start3A_1398, %dma_start3A_1399, %dma_start3A_1400] : memref<2x800x64xf32, #tpu.memory_space<vmem>> -> memref<1x800x64xf32, #tpu.memory_space<vmem>>
      %dma_start3A_1402 = tpu.memref_squeeze %dma_start3A_1401 : memref<1x800x64xf32, #tpu.memory_space<vmem>> -> memref<800x64xf32, #tpu.memory_space<vmem>>
      %dma_start3A_1403 = arith.constant 128 : i32
      %dma_start3A_1404 = arith.constant 0 : i32
      %dma_start3A_1405 = tpu.memref_slice %dma_start3A_1402[%dma_start3A_1403, %dma_start3A_1404] : memref<800x64xf32, #tpu.memory_space<vmem>> -> memref<128x64xf32, #tpu.memory_space<vmem>>
      %dma_start3A_1406 = arith.constant 0 : i32
      %dma_start3A_1407 = tpu.memref_slice %arg5[%dma_start3A_1397, %dma_start3A_1406] : memref<2x800xi32, #tpu.memory_space<vmem>> -> memref<1x800xi32, #tpu.memory_space<vmem>>
      %dma_start3A_1408 = tpu.memref_squeeze %dma_start3A_1407 : memref<1x800xi32, #tpu.memory_space<vmem>> -> memref<800xi32, #tpu.memory_space<vmem>>
      %dma_start3A_1409 = arith.constant 128 : i32
      %dma_start3A_1410 = tpu.memref_slice %dma_start3A_1408[%dma_start3A_1409] : memref<800xi32, #tpu.memory_space<vmem>> -> memref<128xi32, #tpu.memory_space<vmem>>
      %dma_start3A_1411 = arith.constant 0 : i32
      %dma_start3A_1412 = arith.constant 0 : i32
      %dma_start3A_1413 = tpu.memref_slice %arg3[%dma_start3A_1411, %dma_start3A_1412] : memref<2000000x64xf32, #tpu.memory_space<hbm>> -> memref<2000000x64xf32, #tpu.memory_space<hbm>>
      tpu.enqueue_indirect_dma source(%dma_start3A_1413 : memref<2000000x64xf32, #tpu.memory_space<hbm>>) target(%dma_start3A_1405 : memref<128x64xf32, #tpu.memory_space<vmem>>) offsets(%dma_start3A_1410 : memref<128xi32, #tpu.memory_space<vmem>>) semaphore(%arg9 : memref<!tpu.dma_semaphore, #tpu.memory_space<semaphore_mem>>)
      %dma_start3A_1414 = arith.constant 0 : i32
      %dma_start3A_1415 = arith.constant 0 : i32
      %dma_start3A_1416 = arith.constant 0 : i32
      %dma_start3A_1417 = arith.constant 0 : i32
      %dma_start3A_1418 = tpu.memref_slice %arg6[%dma_start3A_1415, %dma_start3A_1416, %dma_start3A_1417] : memref<2x800x64xf32, #tpu.memory_space<vmem>> -> memref<1x800x64xf32, #tpu.memory_space<vmem>>
      %dma_start3A_1419 = tpu.memref_squeeze %dma_start3A_1418 : memref<1x800x64xf32, #tpu.memory_space<vmem>> -> memref<800x64xf32, #tpu.memory_space<vmem>>
      %dma_start3A_1420 = arith.constant 256 : i32
      %dma_start3A_1421 = arith.constant 0 : i32
      %dma_start3A_1422 = tpu.memref_slice %dma_start3A_1419[%dma_start3A_1420, %dma_start3A_1421] : memref<800x64xf32, #tpu.memory_space<vmem>> -> memref<128x64xf32, #tpu.memory_space<vmem>>
      %dma_start3A_1423 = arith.constant 0 : i32
      %dma_start3A_1424 = tpu.memref_slice %arg5[%dma_start3A_1414, %dma_start3A_1423] : memref<2x800xi32, #tpu.memory_space<vmem>> -> memref<1x800xi32, #tpu.memory_space<vmem>>
      %dma_start3A_1425 = tpu.memref_squeeze %dma_start3A_1424 : memref<1x800xi32, #tpu.memory_space<vmem>> -> memref<800xi32, #tpu.memory_space<vmem>>
      %dma_start3A_1426 = arith.constant 256 : i32
      %dma_start3A_1427 = tpu.memref_slice %dma_start3A_1425[%dma_start3A_1426] : memref<800xi32, #tpu.memory_space<vmem>> -> memref<128xi32, #tpu.memory_space<vmem>>
      %dma_start3A_1428 = arith.constant 0 : i32
      %dma_start3A_1429 = arith.constant 0 : i32
      %dma_start3A_1430 = tpu.memref_slice %arg3[%dma_start3A_1428, %dma_start3A_1429] : memref<2000000x64xf32, #tpu.memory_space<hbm>> -> memref<2000000x64xf32, #tpu.memory_space<hbm>>
      tpu.enqueue_indirect_dma source(%dma_start3A_1430 : memref<2000000x64xf32, #tpu.memory_space<hbm>>) target(%dma_start3A_1422 : memref<128x64xf32, #tpu.memory_space<vmem>>) offsets(%dma_start3A_1427 : memref<128xi32, #tpu.memory_space<vmem>>) semaphore(%arg9 : memref<!tpu.dma_semaphore, #tpu.memory_space<semaphore_mem>>)
      %dma_start3A_1431 = arith.constant 0 : i32
      %dma_start3A_1432 = arith.constant 0 : i32
      %dma_start3A_1433 = arith.constant 0 : i32
      %dma_start3A_1434 = arith.constant 0 : i32
      %dma_start3A_1435 = tpu.memref_slice %arg6[%dma_start3A_1432, %dma_start3A_1433, %dma_start3A_1434] : memref<2x800x64xf32, #tpu.memory_space<vmem>> -> memref<1x800x64xf32, #tpu.memory_space<vmem>>
      %dma_start3A_1436 = tpu.memref_squeeze %dma_start3A_1435 : memref<1x800x64xf32, #tpu.memory_space<vmem>> -> memref<800x64xf32, #tpu.memory_space<vmem>>
      %dma_start3A_1437 = arith.constant 384 : i32
      %dma_start3A_1438 = arith.constant 0 : i32
      %dma_start3A_1439 = tpu.memref_slice %dma_start3A_1436[%dma_start3A_1437, %dma_start3A_1438] : memref<800x64xf32, #tpu.memory_space<vmem>> -> memref<128x64xf32, #tpu.memory_space<vmem>>
      %dma_start3A_1440 = arith.constant 0 : i32
      %dma_start3A_1441 = tpu.memref_slice %arg5[%dma_start3A_1431, %dma_start3A_1440] : memref<2x800xi32, #tpu.memory_space<vmem>> -> memref<1x800xi32, #tpu.memory_space<vmem>>
      %dma_start3A_1442 = tpu.memref_squeeze %dma_start3A_1441 : memref<1x800xi32, #tpu.memory_space<vmem>> -> memref<800xi32, #tpu.memory_space<vmem>>
      %dma_start3A_1443 = arith.constant 384 : i32
      %dma_start3A_1444 = tpu.memref_slice %dma_start3A_1442[%dma_start3A_1443] : memref<800xi32, #tpu.memory_space<vmem>> -> memref<128xi32, #tpu.memory_space<vmem>>
      %dma_start3A_1445 = arith.constant 0 : i32
      %dma_start3A_1446 = arith.constant 0 : i32
      %dma_start3A_1447 = tpu.memref_slice %arg3[%dma_start3A_1445, %dma_start3A_1446] : memref<2000000x64xf32, #tpu.memory_space<hbm>> -> memref<2000000x64xf32, #tpu.memory_space<hbm>>
      tpu.enqueue_indirect_dma source(%dma_start3A_1447 : memref<2000000x64xf32, #tpu.memory_space<hbm>>) target(%dma_start3A_1439 : memref<128x64xf32, #tpu.memory_space<vmem>>) offsets(%dma_start3A_1444 : memref<128xi32, #tpu.memory_space<vmem>>) semaphore(%arg9 : memref<!tpu.dma_semaphore, #tpu.memory_space<semaphore_mem>>)
      %dma_start3A_1448 = arith.constant 0 : i32
      %dma_start3A_1449 = arith.constant 0 : i32
      %dma_start3A_1450 = arith.constant 0 : i32
      %dma_start3A_1451 = arith.constant 0 : i32
      %dma_start3A_1452 = tpu.memref_slice %arg6[%dma_start3A_1449, %dma_start3A_1450, %dma_start3A_1451] : memref<2x800x64xf32, #tpu.memory_space<vmem>> -> memref<1x800x64xf32, #tpu.memory_space<vmem>>
      %dma_start3A_1453 = tpu.memref_squeeze %dma_start3A_1452 : memref<1x800x64xf32, #tpu.memory_space<vmem>> -> memref<800x64xf32, #tpu.memory_space<vmem>>
      %dma_start3A_1454 = arith.constant 512 : i32
      %dma_start3A_1455 = arith.constant 0 : i32
      %dma_start3A_1456 = tpu.memref_slice %dma_start3A_1453[%dma_start3A_1454, %dma_start3A_1455] : memref<800x64xf32, #tpu.memory_space<vmem>> -> memref<128x64xf32, #tpu.memory_space<vmem>>
      %dma_start3A_1457 = arith.constant 0 : i32
      %dma_start3A_1458 = tpu.memref_slice %arg5[%dma_start3A_1448, %dma_start3A_1457] : memref<2x800xi32, #tpu.memory_space<vmem>> -> memref<1x800xi32, #tpu.memory_space<vmem>>
      %dma_start3A_1459 = tpu.memref_squeeze %dma_start3A_1458 : memref<1x800xi32, #tpu.memory_space<vmem>> -> memref<800xi32, #tpu.memory_space<vmem>>
      %dma_start3A_1460 = arith.constant 512 : i32
      %dma_start3A_1461 = tpu.memref_slice %dma_start3A_1459[%dma_start3A_1460] : memref<800xi32, #tpu.memory_space<vmem>> -> memref<128xi32, #tpu.memory_space<vmem>>
      %dma_start3A_1462 = arith.constant 0 : i32
      %dma_start3A_1463 = arith.constant 0 : i32
      %dma_start3A_1464 = tpu.memref_slice %arg3[%dma_start3A_1462, %dma_start3A_1463] : memref<2000000x64xf32, #tpu.memory_space<hbm>> -> memref<2000000x64xf32, #tpu.memory_space<hbm>>
      tpu.enqueue_indirect_dma source(%dma_start3A_1464 : memref<2000000x64xf32, #tpu.memory_space<hbm>>) target(%dma_start3A_1456 : memref<128x64xf32, #tpu.memory_space<vmem>>) offsets(%dma_start3A_1461 : memref<128xi32, #tpu.memory_space<vmem>>) semaphore(%arg9 : memref<!tpu.dma_semaphore, #tpu.memory_space<semaphore_mem>>)
      %dma_start3A_1465 = arith.constant 0 : i32
      %dma_start3A_1466 = arith.constant 0 : i32
      %dma_start3A_1467 = arith.constant 0 : i32
      %dma_start3A_1468 = arith.constant 0 : i32
      %dma_start3A_1469 = tpu.memref_slice %arg6[%dma_start3A_1466, %dma_start3A_1467, %dma_start3A_1468] : memref<2x800x64xf32, #tpu.memory_space<vmem>> -> memref<1x800x64xf32, #tpu.memory_space<vmem>>
      %dma_start3A_1470 = tpu.memref_squeeze %dma_start3A_1469 : memref<1x800x64xf32, #tpu.memory_space<vmem>> -> memref<800x64xf32, #tpu.memory_space<vmem>>
      %dma_start3A_1471 = arith.constant 640 : i32
      %dma_start3A_1472 = arith.constant 0 : i32
      %dma_start3A_1473 = tpu.memref_slice %dma_start3A_1470[%dma_start3A_1471, %dma_start3A_1472] : memref<800x64xf32, #tpu.memory_space<vmem>> -> memref<128x64xf32, #tpu.memory_space<vmem>>
      %dma_start3A_1474 = arith.constant 0 : i32
      %dma_start3A_1475 = tpu.memref_slice %arg5[%dma_start3A_1465, %dma_start3A_1474] : memref<2x800xi32, #tpu.memory_space<vmem>> -> memref<1x800xi32, #tpu.memory_space<vmem>>
      %dma_start3A_1476 = tpu.memref_squeeze %dma_start3A_1475 : memref<1x800xi32, #tpu.memory_space<vmem>> -> memref<800xi32, #tpu.memory_space<vmem>>
      %dma_start3A_1477 = arith.constant 640 : i32
      %dma_start3A_1478 = tpu.memref_slice %dma_start3A_1476[%dma_start3A_1477] : memref<800xi32, #tpu.memory_space<vmem>> -> memref<128xi32, #tpu.memory_space<vmem>>
      %dma_start3A_1479 = arith.constant 0 : i32
      %dma_start3A_1480 = arith.constant 0 : i32
      %dma_start3A_1481 = tpu.memref_slice %arg3[%dma_start3A_1479, %dma_start3A_1480] : memref<2000000x64xf32, #tpu.memory_space<hbm>> -> memref<2000000x64xf32, #tpu.memory_space<hbm>>
      tpu.enqueue_indirect_dma source(%dma_start3A_1481 : memref<2000000x64xf32, #tpu.memory_space<hbm>>) target(%dma_start3A_1473 : memref<128x64xf32, #tpu.memory_space<vmem>>) offsets(%dma_start3A_1478 : memref<128xi32, #tpu.memory_space<vmem>>) semaphore(%arg9 : memref<!tpu.dma_semaphore, #tpu.memory_space<semaphore_mem>>)
      %dma_start3A_1482 = arith.constant 0 : i32
      %dma_start3A_1483 = arith.constant 0 : i32
      %dma_start3A_1484 = arith.constant 0 : i32
      %dma_start3A_1485 = arith.constant 0 : i32
      %dma_start3A_1486 = tpu.memref_slice %arg6[%dma_start3A_1483, %dma_start3A_1484, %dma_start3A_1485] : memref<2x800x64xf32, #tpu.memory_space<vmem>> -> memref<1x800x64xf32, #tpu.memory_space<vmem>>
      %dma_start3A_1487 = tpu.memref_squeeze %dma_start3A_1486 : memref<1x800x64xf32, #tpu.memory_space<vmem>> -> memref<800x64xf32, #tpu.memory_space<vmem>>
      %dma_start3A_1488 = arith.constant 768 : i32
      %dma_start3A_1489 = arith.constant 0 : i32
      %dma_start3A_1490 = tpu.memref_slice %dma_start3A_1487[%dma_start3A_1488, %dma_start3A_1489] : memref<800x64xf32, #tpu.memory_space<vmem>> -> memref<32x64xf32, #tpu.memory_space<vmem>>
      %dma_start3A_1491 = arith.constant 0 : i32
      %dma_start3A_1492 = tpu.memref_slice %arg5[%dma_start3A_1482, %dma_start3A_1491] : memref<2x800xi32, #tpu.memory_space<vmem>> -> memref<1x800xi32, #tpu.memory_space<vmem>>
      %dma_start3A_1493 = tpu.memref_squeeze %dma_start3A_1492 : memref<1x800xi32, #tpu.memory_space<vmem>> -> memref<800xi32, #tpu.memory_space<vmem>>
      %dma_start3A_1494 = arith.constant 768 : i32
      %dma_start3A_1495 = tpu.memref_slice %dma_start3A_1493[%dma_start3A_1494] : memref<800xi32, #tpu.memory_space<vmem>> -> memref<32xi32, #tpu.memory_space<vmem>>
      %dma_start3A_1496 = arith.constant 0 : i32
      %dma_start3A_1497 = arith.constant 0 : i32
      %dma_start3A_1498 = tpu.memref_slice %arg3[%dma_start3A_1496, %dma_start3A_1497] : memref<2000000x64xf32, #tpu.memory_space<hbm>> -> memref<2000000x64xf32, #tpu.memory_space<hbm>>
      tpu.enqueue_indirect_dma source(%dma_start3A_1498 : memref<2000000x64xf32, #tpu.memory_space<hbm>>) target(%dma_start3A_1490 : memref<32x64xf32, #tpu.memory_space<vmem>>) offsets(%dma_start3A_1495 : memref<32xi32, #tpu.memory_space<vmem>>) semaphore(%arg9 : memref<!tpu.dma_semaphore, #tpu.memory_space<semaphore_mem>>)
      %dma_wait3A_1499 = arith.constant 1 : i32
      %dma_wait3A_1500 = arith.constant 0 : i32
      %dma_wait3A_1501 = arith.constant 0 : i32
      %dma_wait3A_1502 = tpu.memref_slice %arg6[%dma_wait3A_1499, %dma_wait3A_1500, %dma_wait3A_1501] : memref<2x800x64xf32, #tpu.memory_space<vmem>> -> memref<1x800x64xf32, #tpu.memory_space<vmem>>
      %dma_wait3A_1503 = tpu.memref_squeeze %dma_wait3A_1502 : memref<1x800x64xf32, #tpu.memory_space<vmem>> -> memref<800x64xf32, #tpu.memory_space<vmem>>
      %dma_wait3A_1504 = arith.constant 0 : i32
      %dma_wait3A_1505 = arith.constant 0 : i32
      %dma_wait3A_1506 = tpu.memref_slice %arg3[%dma_wait3A_1504, %dma_wait3A_1505] : memref<2000000x64xf32, #tpu.memory_space<hbm>> -> memref<800x64xf32, #tpu.memory_space<hbm>>
      %dma_wait3A_1507 = arith.constant 0 : i32
      %dma_wait3A_1508 = arith.constant 0 : i32
      %dma_wait3A_1509 = tpu.memref_slice %arg6[%dma_wait3A_1499, %dma_wait3A_1507, %dma_wait3A_1508] : memref<2x800x64xf32, #tpu.memory_space<vmem>> -> memref<1x800x64xf32, #tpu.memory_space<vmem>>
      %dma_wait3A_1510 = tpu.memref_squeeze %dma_wait3A_1509 : memref<1x800x64xf32, #tpu.memory_space<vmem>> -> memref<800x64xf32, #tpu.memory_space<vmem>>
      %dma_wait3A_1511 = arith.constant 0 : i32
      %dma_wait3A_1512 = arith.constant 0 : i32
      %dma_wait3A_1513 = tpu.memref_slice %arg3[%dma_wait3A_1511, %dma_wait3A_1512] : memref<2000000x64xf32, #tpu.memory_space<hbm>> -> memref<800x64xf32, #tpu.memory_space<hbm>>
      tpu.wait_dma2 semaphore(%arg10 : memref<!tpu.dma_semaphore, #tpu.memory_space<semaphore_mem>>) src(%dma_wait3A_1513 : memref<800x64xf32, #tpu.memory_space<hbm>>) dst(%dma_wait3A_1510 : memref<800x64xf32, #tpu.memory_space<vmem>>)
      %sub3A_1514 = arith.constant 1 : i32
      %sub3A_1515 = arith.subi %add3A_1186, %sub3A_1514 : i32
      %mul3A_1516 = arith.constant 4 : i32
      %mul3A_1517 = arith.muli %sub3A_1515, %mul3A_1516 : i32
      %add3A_1518 = arith.addi %mul3A_2, %mul3A_1517 : i32
      %add3A_1519 = arith.constant 0 : i32
      %add3A_1520 = arith.addi %add3A_1518, %add3A_1519 : i32
      %mul3A_1521 = arith.constant 200 : i32
      %mul3A_1522 = arith.muli %add3A_1520, %mul3A_1521 : i32
      %mul3A_1523 = arith.constant 4 : i32
      %mul3A_1524 = arith.muli %sub3A_1515, %mul3A_1523 : i32
      %add3A_1525 = arith.addi %mul3A_2, %mul3A_1524 : i32
      %add3A_1526 = arith.constant 1 : i32
      %add3A_1527 = arith.addi %add3A_1525, %add3A_1526 : i32
      %mul3A_1528 = arith.constant 200 : i32
      %mul3A_1529 = arith.muli %add3A_1527, %mul3A_1528 : i32
      %mul3A_1530 = arith.constant 4 : i32
      %mul3A_1531 = arith.muli %sub3A_1515, %mul3A_1530 : i32
      %add3A_1532 = arith.addi %mul3A_2, %mul3A_1531 : i32
      %add3A_1533 = arith.constant 2 : i32
      %add3A_1534 = arith.addi %add3A_1532, %add3A_1533 : i32
      %mul3A_1535 = arith.constant 200 : i32
      %mul3A_1536 = arith.muli %add3A_1534, %mul3A_1535 : i32
      %mul3A_1537 = arith.constant 4 : i32
      %mul3A_1538 = arith.muli %sub3A_1515, %mul3A_1537 : i32
      %add3A_1539 = arith.addi %mul3A_2, %mul3A_1538 : i32
      %add3A_1540 = arith.constant 3 : i32
      %add3A_1541 = arith.addi %add3A_1539, %add3A_1540 : i32
      %mul3A_1542 = arith.constant 200 : i32
      %mul3A_1543 = arith.muli %add3A_1541, %mul3A_1542 : i32
      %dma_start3A_1544 = arith.constant 1 : i32
      %dma_start3A_1545 = arith.constant 0 : i32
      %dma_start3A_1546 = arith.constant 0 : i32
      %dma_start3A_1547 = tpu.memref_slice %arg6[%dma_start3A_1544, %dma_start3A_1545, %dma_start3A_1546] : memref<2x800x64xf32, #tpu.memory_space<vmem>> -> memref<1x800x64xf32, #tpu.memory_space<vmem>>
      %dma_start3A_1548 = tpu.memref_squeeze %dma_start3A_1547 : memref<1x800x64xf32, #tpu.memory_space<vmem>> -> memref<800x64xf32, #tpu.memory_space<vmem>>
      %dma_start3A_1549 = arith.constant 0 : i32
      %dma_start3A_1550 = arith.constant 0 : i32
      %dma_start3A_1551 = tpu.memref_slice %dma_start3A_1548[%dma_start3A_1549, %dma_start3A_1550] : memref<800x64xf32, #tpu.memory_space<vmem>> -> memref<200x64xf32, #tpu.memory_space<vmem>>
      %dma_start3A_1552 = arith.constant 0 : i32
      %dma_start3A_1553 = tpu.memref_slice %arg4[%mul3A_1522, %dma_start3A_1552] : memref<3276800x128xf32, #tpu.memory_space<hbm>> -> memref<200x64xf32, #tpu.memory_space<hbm>>
      %dma_start3A_1554 = arith.constant 0 : i32
      %dma_start3A_1555 = tpu.memref_slice %arg4[%mul3A_1522, %dma_start3A_1554] : memref<3276800x128xf32, #tpu.memory_space<hbm>> -> memref<200x64xf32, #tpu.memory_space<hbm>>
      %dma_start3A_1556 = arith.constant 0 : i32
      %dma_start3A_1557 = arith.constant 0 : i32
      %dma_start3A_1558 = tpu.memref_slice %arg6[%dma_start3A_1544, %dma_start3A_1556, %dma_start3A_1557] : memref<2x800x64xf32, #tpu.memory_space<vmem>> -> memref<1x800x64xf32, #tpu.memory_space<vmem>>
      %dma_start3A_1559 = tpu.memref_squeeze %dma_start3A_1558 : memref<1x800x64xf32, #tpu.memory_space<vmem>> -> memref<800x64xf32, #tpu.memory_space<vmem>>
      %dma_start3A_1560 = arith.constant 0 : i32
      %dma_start3A_1561 = arith.constant 0 : i32
      %dma_start3A_1562 = tpu.memref_slice %dma_start3A_1559[%dma_start3A_1560, %dma_start3A_1561] : memref<800x64xf32, #tpu.memory_space<vmem>> -> memref<200x64xf32, #tpu.memory_space<vmem>>
      tpu.enqueue_dma source(%dma_start3A_1562 : memref<200x64xf32, #tpu.memory_space<vmem>>) target(%dma_start3A_1555 : memref<200x64xf32, #tpu.memory_space<hbm>>) target_semaphore(%arg12 : memref<!tpu.dma_semaphore, #tpu.memory_space<semaphore_mem>>)
      %dma_start3A_1563 = arith.constant 1 : i32
      %dma_start3A_1564 = arith.constant 0 : i32
      %dma_start3A_1565 = arith.constant 0 : i32
      %dma_start3A_1566 = tpu.memref_slice %arg6[%dma_start3A_1563, %dma_start3A_1564, %dma_start3A_1565] : memref<2x800x64xf32, #tpu.memory_space<vmem>> -> memref<1x800x64xf32, #tpu.memory_space<vmem>>
      %dma_start3A_1567 = tpu.memref_squeeze %dma_start3A_1566 : memref<1x800x64xf32, #tpu.memory_space<vmem>> -> memref<800x64xf32, #tpu.memory_space<vmem>>
      %dma_start3A_1568 = arith.constant 200 : i32
      %dma_start3A_1569 = arith.constant 0 : i32
      %dma_start3A_1570 = tpu.memref_slice %dma_start3A_1567[%dma_start3A_1568, %dma_start3A_1569] : memref<800x64xf32, #tpu.memory_space<vmem>> -> memref<200x64xf32, #tpu.memory_space<vmem>>
      %dma_start3A_1571 = arith.constant 0 : i32
      %dma_start3A_1572 = tpu.memref_slice %arg4[%mul3A_1529, %dma_start3A_1571] : memref<3276800x128xf32, #tpu.memory_space<hbm>> -> memref<200x64xf32, #tpu.memory_space<hbm>>
      %dma_start3A_1573 = arith.constant 0 : i32
      %dma_start3A_1574 = tpu.memref_slice %arg4[%mul3A_1529, %dma_start3A_1573] : memref<3276800x128xf32, #tpu.memory_space<hbm>> -> memref<200x64xf32, #tpu.memory_space<hbm>>
      %dma_start3A_1575 = arith.constant 0 : i32
      %dma_start3A_1576 = arith.constant 0 : i32
      %dma_start3A_1577 = tpu.memref_slice %arg6[%dma_start3A_1563, %dma_start3A_1575, %dma_start3A_1576] : memref<2x800x64xf32, #tpu.memory_space<vmem>> -> memref<1x800x64xf32, #tpu.memory_space<vmem>>
      %dma_start3A_1578 = tpu.memref_squeeze %dma_start3A_1577 : memref<1x800x64xf32, #tpu.memory_space<vmem>> -> memref<800x64xf32, #tpu.memory_space<vmem>>
      %dma_start3A_1579 = arith.constant 200 : i32
      %dma_start3A_1580 = arith.constant 0 : i32
      %dma_start3A_1581 = tpu.memref_slice %dma_start3A_1578[%dma_start3A_1579, %dma_start3A_1580] : memref<800x64xf32, #tpu.memory_space<vmem>> -> memref<200x64xf32, #tpu.memory_space<vmem>>
      tpu.enqueue_dma source(%dma_start3A_1581 : memref<200x64xf32, #tpu.memory_space<vmem>>) target(%dma_start3A_1574 : memref<200x64xf32, #tpu.memory_space<hbm>>) target_semaphore(%arg12 : memref<!tpu.dma_semaphore, #tpu.memory_space<semaphore_mem>>)
      %dma_start3A_1582 = arith.constant 1 : i32
      %dma_start3A_1583 = arith.constant 0 : i32
      %dma_start3A_1584 = arith.constant 0 : i32
      %dma_start3A_1585 = tpu.memref_slice %arg6[%dma_start3A_1582, %dma_start3A_1583, %dma_start3A_1584] : memref<2x800x64xf32, #tpu.memory_space<vmem>> -> memref<1x800x64xf32, #tpu.memory_space<vmem>>
      %dma_start3A_1586 = tpu.memref_squeeze %dma_start3A_1585 : memref<1x800x64xf32, #tpu.memory_space<vmem>> -> memref<800x64xf32, #tpu.memory_space<vmem>>
      %dma_start3A_1587 = arith.constant 400 : i32
      %dma_start3A_1588 = arith.constant 0 : i32
      %dma_start3A_1589 = tpu.memref_slice %dma_start3A_1586[%dma_start3A_1587, %dma_start3A_1588] : memref<800x64xf32, #tpu.memory_space<vmem>> -> memref<200x64xf32, #tpu.memory_space<vmem>>
      %dma_start3A_1590 = arith.constant 0 : i32
      %dma_start3A_1591 = tpu.memref_slice %arg4[%mul3A_1536, %dma_start3A_1590] : memref<3276800x128xf32, #tpu.memory_space<hbm>> -> memref<200x64xf32, #tpu.memory_space<hbm>>
      %dma_start3A_1592 = arith.constant 0 : i32
      %dma_start3A_1593 = tpu.memref_slice %arg4[%mul3A_1536, %dma_start3A_1592] : memref<3276800x128xf32, #tpu.memory_space<hbm>> -> memref<200x64xf32, #tpu.memory_space<hbm>>
      %dma_start3A_1594 = arith.constant 0 : i32
      %dma_start3A_1595 = arith.constant 0 : i32
      %dma_start3A_1596 = tpu.memref_slice %arg6[%dma_start3A_1582, %dma_start3A_1594, %dma_start3A_1595] : memref<2x800x64xf32, #tpu.memory_space<vmem>> -> memref<1x800x64xf32, #tpu.memory_space<vmem>>
      %dma_start3A_1597 = tpu.memref_squeeze %dma_start3A_1596 : memref<1x800x64xf32, #tpu.memory_space<vmem>> -> memref<800x64xf32, #tpu.memory_space<vmem>>
      %dma_start3A_1598 = arith.constant 400 : i32
      %dma_start3A_1599 = arith.constant 0 : i32
      %dma_start3A_1600 = tpu.memref_slice %dma_start3A_1597[%dma_start3A_1598, %dma_start3A_1599] : memref<800x64xf32, #tpu.memory_space<vmem>> -> memref<200x64xf32, #tpu.memory_space<vmem>>
      tpu.enqueue_dma source(%dma_start3A_1600 : memref<200x64xf32, #tpu.memory_space<vmem>>) target(%dma_start3A_1593 : memref<200x64xf32, #tpu.memory_space<hbm>>) target_semaphore(%arg12 : memref<!tpu.dma_semaphore, #tpu.memory_space<semaphore_mem>>)
      %dma_start3A_1601 = arith.constant 1 : i32
      %dma_start3A_1602 = arith.constant 0 : i32
      %dma_start3A_1603 = arith.constant 0 : i32
      %dma_start3A_1604 = tpu.memref_slice %arg6[%dma_start3A_1601, %dma_start3A_1602, %dma_start3A_1603] : memref<2x800x64xf32, #tpu.memory_space<vmem>> -> memref<1x800x64xf32, #tpu.memory_space<vmem>>
      %dma_start3A_1605 = tpu.memref_squeeze %dma_start3A_1604 : memref<1x800x64xf32, #tpu.memory_space<vmem>> -> memref<800x64xf32, #tpu.memory_space<vmem>>
      %dma_start3A_1606 = arith.constant 600 : i32
      %dma_start3A_1607 = arith.constant 0 : i32
      %dma_start3A_1608 = tpu.memref_slice %dma_start3A_1605[%dma_start3A_1606, %dma_start3A_1607] : memref<800x64xf32, #tpu.memory_space<vmem>> -> memref<200x64xf32, #tpu.memory_space<vmem>>
      %dma_start3A_1609 = arith.constant 0 : i32
      %dma_start3A_1610 = tpu.memref_slice %arg4[%mul3A_1543, %dma_start3A_1609] : memref<3276800x128xf32, #tpu.memory_space<hbm>> -> memref<200x64xf32, #tpu.memory_space<hbm>>
      %dma_start3A_1611 = arith.constant 0 : i32
      %dma_start3A_1612 = tpu.memref_slice %arg4[%mul3A_1543, %dma_start3A_1611] : memref<3276800x128xf32, #tpu.memory_space<hbm>> -> memref<200x64xf32, #tpu.memory_space<hbm>>
      %dma_start3A_1613 = arith.constant 0 : i32
      %dma_start3A_1614 = arith.constant 0 : i32
      %dma_start3A_1615 = tpu.memref_slice %arg6[%dma_start3A_1601, %dma_start3A_1613, %dma_start3A_1614] : memref<2x800x64xf32, #tpu.memory_space<vmem>> -> memref<1x800x64xf32, #tpu.memory_space<vmem>>
      %dma_start3A_1616 = tpu.memref_squeeze %dma_start3A_1615 : memref<1x800x64xf32, #tpu.memory_space<vmem>> -> memref<800x64xf32, #tpu.memory_space<vmem>>
      %dma_start3A_1617 = arith.constant 600 : i32
      %dma_start3A_1618 = arith.constant 0 : i32
      %dma_start3A_1619 = tpu.memref_slice %dma_start3A_1616[%dma_start3A_1617, %dma_start3A_1618] : memref<800x64xf32, #tpu.memory_space<vmem>> -> memref<200x64xf32, #tpu.memory_space<vmem>>
      tpu.enqueue_dma source(%dma_start3A_1619 : memref<200x64xf32, #tpu.memory_space<vmem>>) target(%dma_start3A_1612 : memref<200x64xf32, #tpu.memory_space<hbm>>) target_semaphore(%arg12 : memref<!tpu.dma_semaphore, #tpu.memory_space<semaphore_mem>>)
      %add3A_1620 = arith.constant 1 : i32
      %add3A_1621 = arith.addi %add3A_1186, %add3A_1620 : i32
      %min3A = arith.constant 127 : i32
      %min3A_1622 = arith.minsi %add3A_1621, %min3A : i32
      %mul3A_1623 = arith.constant 4 : i32
      %mul3A_1624 = arith.muli %min3A_1622, %mul3A_1623 : i32
      %add3A_1625 = arith.addi %mul3A_2, %mul3A_1624 : i32
      %add3A_1626 = arith.constant 0 : i32
      %add3A_1627 = arith.addi %add3A_1625, %add3A_1626 : i32
      %mul3A_1628 = arith.constant 4 : i32
      %mul3A_1629 = arith.muli %min3A_1622, %mul3A_1628 : i32
      %add3A_1630 = arith.addi %mul3A_2, %mul3A_1629 : i32
      %add3A_1631 = arith.constant 1 : i32
      %add3A_1632 = arith.addi %add3A_1630, %add3A_1631 : i32
      %mul3A_1633 = arith.constant 4 : i32
      %mul3A_1634 = arith.muli %min3A_1622, %mul3A_1633 : i32
      %add3A_1635 = arith.addi %mul3A_2, %mul3A_1634 : i32
      %add3A_1636 = arith.constant 2 : i32
      %add3A_1637 = arith.addi %add3A_1635, %add3A_1636 : i32
      %mul3A_1638 = arith.constant 4 : i32
      %mul3A_1639 = arith.muli %min3A_1622, %mul3A_1638 : i32
      %add3A_1640 = arith.addi %mul3A_2, %mul3A_1639 : i32
      %add3A_1641 = arith.constant 3 : i32
      %add3A_1642 = arith.addi %add3A_1640, %add3A_1641 : i32
      %dma_start3A_1643 = arith.constant 1 : i32
      %dma_start3A_1644 = arith.constant 0 : i32
      %dma_start3A_1645 = tpu.memref_slice %arg5[%dma_start3A_1643, %dma_start3A_1644] : memref<2x800xi32, #tpu.memory_space<vmem>> -> memref<1x800xi32, #tpu.memory_space<vmem>>
      %dma_start3A_1646 = tpu.memref_squeeze %dma_start3A_1645 : memref<1x800xi32, #tpu.memory_space<vmem>> -> memref<800xi32, #tpu.memory_space<vmem>>
      %dma_start3A_1647 = arith.constant 0 : i32
      %dma_start3A_1648 = tpu.memref_slice %dma_start3A_1646[%dma_start3A_1647] : memref<800xi32, #tpu.memory_space<vmem>> -> memref<200xi32, #tpu.memory_space<vmem>>
      %dma_start3A_1649 = arith.constant 0 : i32
      %dma_start3A_1650 = tpu.memref_slice %arg2[%add3A_1627, %dma_start3A_1649] : memref<16384x200xi32, #tpu.memory_space<hbm>> -> memref<1x200xi32, #tpu.memory_space<hbm>>
      %dma_start3A_1651 = tpu.memref_squeeze %dma_start3A_1650 : memref<1x200xi32, #tpu.memory_space<hbm>> -> memref<200xi32, #tpu.memory_space<hbm>>
      %dma_start3A_1652 = arith.constant 0 : i32
      %dma_start3A_1653 = tpu.memref_slice %arg5[%dma_start3A_1643, %dma_start3A_1652] : memref<2x800xi32, #tpu.memory_space<vmem>> -> memref<1x800xi32, #tpu.memory_space<vmem>>
      %dma_start3A_1654 = tpu.memref_squeeze %dma_start3A_1653 : memref<1x800xi32, #tpu.memory_space<vmem>> -> memref<800xi32, #tpu.memory_space<vmem>>
      %dma_start3A_1655 = arith.constant 0 : i32
      %dma_start3A_1656 = tpu.memref_slice %dma_start3A_1654[%dma_start3A_1655] : memref<800xi32, #tpu.memory_space<vmem>> -> memref<200xi32, #tpu.memory_space<vmem>>
      %dma_start3A_1657 = arith.constant 0 : i32
      %dma_start3A_1658 = tpu.memref_slice %arg2[%add3A_1627, %dma_start3A_1657] : memref<16384x200xi32, #tpu.memory_space<hbm>> -> memref<1x200xi32, #tpu.memory_space<hbm>>
      %dma_start3A_1659 = tpu.memref_squeeze %dma_start3A_1658 : memref<1x200xi32, #tpu.memory_space<hbm>> -> memref<200xi32, #tpu.memory_space<hbm>>
      tpu.enqueue_dma source(%dma_start3A_1659 : memref<200xi32, #tpu.memory_space<hbm>>) target(%dma_start3A_1656 : memref<200xi32, #tpu.memory_space<vmem>>) target_semaphore(%arg8 : memref<!tpu.dma_semaphore, #tpu.memory_space<semaphore_mem>>)
      %dma_start3A_1660 = arith.constant 1 : i32
      %dma_start3A_1661 = arith.constant 0 : i32
      %dma_start3A_1662 = tpu.memref_slice %arg5[%dma_start3A_1660, %dma_start3A_1661] : memref<2x800xi32, #tpu.memory_space<vmem>> -> memref<1x800xi32, #tpu.memory_space<vmem>>
      %dma_start3A_1663 = tpu.memref_squeeze %dma_start3A_1662 : memref<1x800xi32, #tpu.memory_space<vmem>> -> memref<800xi32, #tpu.memory_space<vmem>>
      %dma_start3A_1664 = arith.constant 200 : i32
      %dma_start3A_1665 = tpu.memref_slice %dma_start3A_1663[%dma_start3A_1664] : memref<800xi32, #tpu.memory_space<vmem>> -> memref<200xi32, #tpu.memory_space<vmem>>
      %dma_start3A_1666 = arith.constant 0 : i32
      %dma_start3A_1667 = tpu.memref_slice %arg2[%add3A_1632, %dma_start3A_1666] : memref<16384x200xi32, #tpu.memory_space<hbm>> -> memref<1x200xi32, #tpu.memory_space<hbm>>
      %dma_start3A_1668 = tpu.memref_squeeze %dma_start3A_1667 : memref<1x200xi32, #tpu.memory_space<hbm>> -> memref<200xi32, #tpu.memory_space<hbm>>
      %dma_start3A_1669 = arith.constant 0 : i32
      %dma_start3A_1670 = tpu.memref_slice %arg5[%dma_start3A_1660, %dma_start3A_1669] : memref<2x800xi32, #tpu.memory_space<vmem>> -> memref<1x800xi32, #tpu.memory_space<vmem>>
      %dma_start3A_1671 = tpu.memref_squeeze %dma_start3A_1670 : memref<1x800xi32, #tpu.memory_space<vmem>> -> memref<800xi32, #tpu.memory_space<vmem>>
      %dma_start3A_1672 = arith.constant 200 : i32
      %dma_start3A_1673 = tpu.memref_slice %dma_start3A_1671[%dma_start3A_1672] : memref<800xi32, #tpu.memory_space<vmem>> -> memref<200xi32, #tpu.memory_space<vmem>>
      %dma_start3A_1674 = arith.constant 0 : i32
      %dma_start3A_1675 = tpu.memref_slice %arg2[%add3A_1632, %dma_start3A_1674] : memref<16384x200xi32, #tpu.memory_space<hbm>> -> memref<1x200xi32, #tpu.memory_space<hbm>>
      %dma_start3A_1676 = tpu.memref_squeeze %dma_start3A_1675 : memref<1x200xi32, #tpu.memory_space<hbm>> -> memref<200xi32, #tpu.memory_space<hbm>>
      tpu.enqueue_dma source(%dma_start3A_1676 : memref<200xi32, #tpu.memory_space<hbm>>) target(%dma_start3A_1673 : memref<200xi32, #tpu.memory_space<vmem>>) target_semaphore(%arg8 : memref<!tpu.dma_semaphore, #tpu.memory_space<semaphore_mem>>)
      %dma_start3A_1677 = arith.constant 1 : i32
      %dma_start3A_1678 = arith.constant 0 : i32
      %dma_start3A_1679 = tpu.memref_slice %arg5[%dma_start3A_1677, %dma_start3A_1678] : memref<2x800xi32, #tpu.memory_space<vmem>> -> memref<1x800xi32, #tpu.memory_space<vmem>>
      %dma_start3A_1680 = tpu.memref_squeeze %dma_start3A_1679 : memref<1x800xi32, #tpu.memory_space<vmem>> -> memref<800xi32, #tpu.memory_space<vmem>>
      %dma_start3A_1681 = arith.constant 400 : i32
      %dma_start3A_1682 = tpu.memref_slice %dma_start3A_1680[%dma_start3A_1681] : memref<800xi32, #tpu.memory_space<vmem>> -> memref<200xi32, #tpu.memory_space<vmem>>
      %dma_start3A_1683 = arith.constant 0 : i32
      %dma_start3A_1684 = tpu.memref_slice %arg2[%add3A_1637, %dma_start3A_1683] : memref<16384x200xi32, #tpu.memory_space<hbm>> -> memref<1x200xi32, #tpu.memory_space<hbm>>
      %dma_start3A_1685 = tpu.memref_squeeze %dma_start3A_1684 : memref<1x200xi32, #tpu.memory_space<hbm>> -> memref<200xi32, #tpu.memory_space<hbm>>
      %dma_start3A_1686 = arith.constant 0 : i32
      %dma_start3A_1687 = tpu.memref_slice %arg5[%dma_start3A_1677, %dma_start3A_1686] : memref<2x800xi32, #tpu.memory_space<vmem>> -> memref<1x800xi32, #tpu.memory_space<vmem>>
      %dma_start3A_1688 = tpu.memref_squeeze %dma_start3A_1687 : memref<1x800xi32, #tpu.memory_space<vmem>> -> memref<800xi32, #tpu.memory_space<vmem>>
      %dma_start3A_1689 = arith.constant 400 : i32
      %dma_start3A_1690 = tpu.memref_slice %dma_start3A_1688[%dma_start3A_1689] : memref<800xi32, #tpu.memory_space<vmem>> -> memref<200xi32, #tpu.memory_space<vmem>>
      %dma_start3A_1691 = arith.constant 0 : i32
      %dma_start3A_1692 = tpu.memref_slice %arg2[%add3A_1637, %dma_start3A_1691] : memref<16384x200xi32, #tpu.memory_space<hbm>> -> memref<1x200xi32, #tpu.memory_space<hbm>>
      %dma_start3A_1693 = tpu.memref_squeeze %dma_start3A_1692 : memref<1x200xi32, #tpu.memory_space<hbm>> -> memref<200xi32, #tpu.memory_space<hbm>>
      tpu.enqueue_dma source(%dma_start3A_1693 : memref<200xi32, #tpu.memory_space<hbm>>) target(%dma_start3A_1690 : memref<200xi32, #tpu.memory_space<vmem>>) target_semaphore(%arg8 : memref<!tpu.dma_semaphore, #tpu.memory_space<semaphore_mem>>)
      %dma_start3A_1694 = arith.constant 1 : i32
      %dma_start3A_1695 = arith.constant 0 : i32
      %dma_start3A_1696 = tpu.memref_slice %arg5[%dma_start3A_1694, %dma_start3A_1695] : memref<2x800xi32, #tpu.memory_space<vmem>> -> memref<1x800xi32, #tpu.memory_space<vmem>>
      %dma_start3A_1697 = tpu.memref_squeeze %dma_start3A_1696 : memref<1x800xi32, #tpu.memory_space<vmem>> -> memref<800xi32, #tpu.memory_space<vmem>>
      %dma_start3A_1698 = arith.constant 600 : i32
      %dma_start3A_1699 = tpu.memref_slice %dma_start3A_1697[%dma_start3A_1698] : memref<800xi32, #tpu.memory_space<vmem>> -> memref<200xi32, #tpu.memory_space<vmem>>
      %dma_start3A_1700 = arith.constant 0 : i32
      %dma_start3A_1701 = tpu.memref_slice %arg2[%add3A_1642, %dma_start3A_1700] : memref<16384x200xi32, #tpu.memory_space<hbm>> -> memref<1x200xi32, #tpu.memory_space<hbm>>
      %dma_start3A_1702 = tpu.memref_squeeze %dma_start3A_1701 : memref<1x200xi32, #tpu.memory_space<hbm>> -> memref<200xi32, #tpu.memory_space<hbm>>
      %dma_start3A_1703 = arith.constant 0 : i32
      %dma_start3A_1704 = tpu.memref_slice %arg5[%dma_start3A_1694, %dma_start3A_1703] : memref<2x800xi32, #tpu.memory_space<vmem>> -> memref<1x800xi32, #tpu.memory_space<vmem>>
      %dma_start3A_1705 = tpu.memref_squeeze %dma_start3A_1704 : memref<1x800xi32, #tpu.memory_space<vmem>> -> memref<800xi32, #tpu.memory_space<vmem>>
      %dma_start3A_1706 = arith.constant 600 : i32
      %dma_start3A_1707 = tpu.memref_slice %dma_start3A_1705[%dma_start3A_1706] : memref<800xi32, #tpu.memory_space<vmem>> -> memref<200xi32, #tpu.memory_space<vmem>>
      %dma_start3A_1708 = arith.constant 0 : i32
      %dma_start3A_1709 = tpu.memref_slice %arg2[%add3A_1642, %dma_start3A_1708] : memref<16384x200xi32, #tpu.memory_space<hbm>> -> memref<1x200xi32, #tpu.memory_space<hbm>>
      %dma_start3A_1710 = tpu.memref_squeeze %dma_start3A_1709 : memref<1x200xi32, #tpu.memory_space<hbm>> -> memref<200xi32, #tpu.memory_space<hbm>>
      tpu.enqueue_dma source(%dma_start3A_1710 : memref<200xi32, #tpu.memory_space<hbm>>) target(%dma_start3A_1707 : memref<200xi32, #tpu.memory_space<vmem>>) target_semaphore(%arg8 : memref<!tpu.dma_semaphore, #tpu.memory_space<semaphore_mem>>)
      %add3A_1711 = arith.constant 1 : i32
      %add3A_1712 = arith.addi %add3A_1184, %add3A_1711 : i32
      %mul3A_1713 = arith.constant 4 : i32
      %mul3A_1714 = arith.muli %add3A_1712, %mul3A_1713 : i32
      %add3A_1715 = arith.addi %mul3A_2, %mul3A_1714 : i32
      %add3A_1716 = arith.constant 0 : i32
      %add3A_1717 = arith.addi %add3A_1715, %add3A_1716 : i32
      %mul3A_1718 = arith.constant 4 : i32
      %mul3A_1719 = arith.muli %add3A_1712, %mul3A_1718 : i32
      %add3A_1720 = arith.addi %mul3A_2, %mul3A_1719 : i32
      %add3A_1721 = arith.constant 1 : i32
      %add3A_1722 = arith.addi %add3A_1720, %add3A_1721 : i32
      %mul3A_1723 = arith.constant 4 : i32
      %mul3A_1724 = arith.muli %add3A_1712, %mul3A_1723 : i32
      %add3A_1725 = arith.addi %mul3A_2, %mul3A_1724 : i32
      %add3A_1726 = arith.constant 2 : i32
      %add3A_1727 = arith.addi %add3A_1725, %add3A_1726 : i32
      %mul3A_1728 = arith.constant 4 : i32
      %mul3A_1729 = arith.muli %add3A_1712, %mul3A_1728 : i32
      %add3A_1730 = arith.addi %mul3A_2, %mul3A_1729 : i32
      %add3A_1731 = arith.constant 3 : i32
      %add3A_1732 = arith.addi %add3A_1730, %add3A_1731 : i32
      %dma_wait3A_1733 = arith.constant 1 : i32
      %dma_wait3A_1734 = arith.constant 0 : i32
      %dma_wait3A_1735 = tpu.memref_slice %arg5[%dma_wait3A_1733, %dma_wait3A_1734] : memref<2x800xi32, #tpu.memory_space<vmem>> -> memref<1x800xi32, #tpu.memory_space<vmem>>
      %dma_wait3A_1736 = tpu.memref_squeeze %dma_wait3A_1735 : memref<1x800xi32, #tpu.memory_space<vmem>> -> memref<800xi32, #tpu.memory_space<vmem>>
      %dma_wait3A_1737 = arith.constant 0 : i32
      %dma_wait3A_1738 = tpu.memref_slice %dma_wait3A_1736[%dma_wait3A_1737] : memref<800xi32, #tpu.memory_space<vmem>> -> memref<200xi32, #tpu.memory_space<vmem>>
      %dma_wait3A_1739 = arith.constant 0 : i32
      %dma_wait3A_1740 = tpu.memref_slice %arg2[%add3A_1717, %dma_wait3A_1739] : memref<16384x200xi32, #tpu.memory_space<hbm>> -> memref<1x200xi32, #tpu.memory_space<hbm>>
      %dma_wait3A_1741 = tpu.memref_squeeze %dma_wait3A_1740 : memref<1x200xi32, #tpu.memory_space<hbm>> -> memref<200xi32, #tpu.memory_space<hbm>>
      %dma_wait3A_1742 = arith.constant 0 : i32
      %dma_wait3A_1743 = tpu.memref_slice %arg5[%dma_wait3A_1733, %dma_wait3A_1742] : memref<2x800xi32, #tpu.memory_space<vmem>> -> memref<1x800xi32, #tpu.memory_space<vmem>>
      %dma_wait3A_1744 = tpu.memref_squeeze %dma_wait3A_1743 : memref<1x800xi32, #tpu.memory_space<vmem>> -> memref<800xi32, #tpu.memory_space<vmem>>
      %dma_wait3A_1745 = arith.constant 0 : i32
      %dma_wait3A_1746 = tpu.memref_slice %dma_wait3A_1744[%dma_wait3A_1745] : memref<800xi32, #tpu.memory_space<vmem>> -> memref<200xi32, #tpu.memory_space<vmem>>
      %dma_wait3A_1747 = arith.constant 0 : i32
      %dma_wait3A_1748 = tpu.memref_slice %arg2[%add3A_1717, %dma_wait3A_1747] : memref<16384x200xi32, #tpu.memory_space<hbm>> -> memref<1x200xi32, #tpu.memory_space<hbm>>
      %dma_wait3A_1749 = tpu.memref_squeeze %dma_wait3A_1748 : memref<1x200xi32, #tpu.memory_space<hbm>> -> memref<200xi32, #tpu.memory_space<hbm>>
      tpu.wait_dma2 semaphore(%arg8 : memref<!tpu.dma_semaphore, #tpu.memory_space<semaphore_mem>>) src(%dma_wait3A_1749 : memref<200xi32, #tpu.memory_space<hbm>>) dst(%dma_wait3A_1746 : memref<200xi32, #tpu.memory_space<vmem>>)
      %dma_wait3A_1750 = arith.constant 1 : i32
      %dma_wait3A_1751 = arith.constant 0 : i32
      %dma_wait3A_1752 = tpu.memref_slice %arg5[%dma_wait3A_1750, %dma_wait3A_1751] : memref<2x800xi32, #tpu.memory_space<vmem>> -> memref<1x800xi32, #tpu.memory_space<vmem>>
      %dma_wait3A_1753 = tpu.memref_squeeze %dma_wait3A_1752 : memref<1x800xi32, #tpu.memory_space<vmem>> -> memref<800xi32, #tpu.memory_space<vmem>>
      %dma_wait3A_1754 = arith.constant 200 : i32
      %dma_wait3A_1755 = tpu.memref_slice %dma_wait3A_1753[%dma_wait3A_1754] : memref<800xi32, #tpu.memory_space<vmem>> -> memref<200xi32, #tpu.memory_space<vmem>>
      %dma_wait3A_1756 = arith.constant 0 : i32
      %dma_wait3A_1757 = tpu.memref_slice %arg2[%add3A_1722, %dma_wait3A_1756] : memref<16384x200xi32, #tpu.memory_space<hbm>> -> memref<1x200xi32, #tpu.memory_space<hbm>>
      %dma_wait3A_1758 = tpu.memref_squeeze %dma_wait3A_1757 : memref<1x200xi32, #tpu.memory_space<hbm>> -> memref<200xi32, #tpu.memory_space<hbm>>
      %dma_wait3A_1759 = arith.constant 0 : i32
      %dma_wait3A_1760 = tpu.memref_slice %arg5[%dma_wait3A_1750, %dma_wait3A_1759] : memref<2x800xi32, #tpu.memory_space<vmem>> -> memref<1x800xi32, #tpu.memory_space<vmem>>
      %dma_wait3A_1761 = tpu.memref_squeeze %dma_wait3A_1760 : memref<1x800xi32, #tpu.memory_space<vmem>> -> memref<800xi32, #tpu.memory_space<vmem>>
      %dma_wait3A_1762 = arith.constant 200 : i32
      %dma_wait3A_1763 = tpu.memref_slice %dma_wait3A_1761[%dma_wait3A_1762] : memref<800xi32, #tpu.memory_space<vmem>> -> memref<200xi32, #tpu.memory_space<vmem>>
      %dma_wait3A_1764 = arith.constant 0 : i32
      %dma_wait3A_1765 = tpu.memref_slice %arg2[%add3A_1722, %dma_wait3A_1764] : memref<16384x200xi32, #tpu.memory_space<hbm>> -> memref<1x200xi32, #tpu.memory_space<hbm>>
      %dma_wait3A_1766 = tpu.memref_squeeze %dma_wait3A_1765 : memref<1x200xi32, #tpu.memory_space<hbm>> -> memref<200xi32, #tpu.memory_space<hbm>>
      tpu.wait_dma2 semaphore(%arg8 : memref<!tpu.dma_semaphore, #tpu.memory_space<semaphore_mem>>) src(%dma_wait3A_1766 : memref<200xi32, #tpu.memory_space<hbm>>) dst(%dma_wait3A_1763 : memref<200xi32, #tpu.memory_space<vmem>>)
      %dma_wait3A_1767 = arith.constant 1 : i32
      %dma_wait3A_1768 = arith.constant 0 : i32
      %dma_wait3A_1769 = tpu.memref_slice %arg5[%dma_wait3A_1767, %dma_wait3A_1768] : memref<2x800xi32, #tpu.memory_space<vmem>> -> memref<1x800xi32, #tpu.memory_space<vmem>>
      %dma_wait3A_1770 = tpu.memref_squeeze %dma_wait3A_1769 : memref<1x800xi32, #tpu.memory_space<vmem>> -> memref<800xi32, #tpu.memory_space<vmem>>
      %dma_wait3A_1771 = arith.constant 400 : i32
      %dma_wait3A_1772 = tpu.memref_slice %dma_wait3A_1770[%dma_wait3A_1771] : memref<800xi32, #tpu.memory_space<vmem>> -> memref<200xi32, #tpu.memory_space<vmem>>
      %dma_wait3A_1773 = arith.constant 0 : i32
      %dma_wait3A_1774 = tpu.memref_slice %arg2[%add3A_1727, %dma_wait3A_1773] : memref<16384x200xi32, #tpu.memory_space<hbm>> -> memref<1x200xi32, #tpu.memory_space<hbm>>
      %dma_wait3A_1775 = tpu.memref_squeeze %dma_wait3A_1774 : memref<1x200xi32, #tpu.memory_space<hbm>> -> memref<200xi32, #tpu.memory_space<hbm>>
      %dma_wait3A_1776 = arith.constant 0 : i32
      %dma_wait3A_1777 = tpu.memref_slice %arg5[%dma_wait3A_1767, %dma_wait3A_1776] : memref<2x800xi32, #tpu.memory_space<vmem>> -> memref<1x800xi32, #tpu.memory_space<vmem>>
      %dma_wait3A_1778 = tpu.memref_squeeze %dma_wait3A_1777 : memref<1x800xi32, #tpu.memory_space<vmem>> -> memref<800xi32, #tpu.memory_space<vmem>>
      %dma_wait3A_1779 = arith.constant 400 : i32
      %dma_wait3A_1780 = tpu.memref_slice %dma_wait3A_1778[%dma_wait3A_1779] : memref<800xi32, #tpu.memory_space<vmem>> -> memref<200xi32, #tpu.memory_space<vmem>>
      %dma_wait3A_1781 = arith.constant 0 : i32
      %dma_wait3A_1782 = tpu.memref_slice %arg2[%add3A_1727, %dma_wait3A_1781] : memref<16384x200xi32, #tpu.memory_space<hbm>> -> memref<1x200xi32, #tpu.memory_space<hbm>>
      %dma_wait3A_1783 = tpu.memref_squeeze %dma_wait3A_1782 : memref<1x200xi32, #tpu.memory_space<hbm>> -> memref<200xi32, #tpu.memory_space<hbm>>
      tpu.wait_dma2 semaphore(%arg8 : memref<!tpu.dma_semaphore, #tpu.memory_space<semaphore_mem>>) src(%dma_wait3A_1783 : memref<200xi32, #tpu.memory_space<hbm>>) dst(%dma_wait3A_1780 : memref<200xi32, #tpu.memory_space<vmem>>)
      %dma_wait3A_1784 = arith.constant 1 : i32
      %dma_wait3A_1785 = arith.constant 0 : i32
      %dma_wait3A_1786 = tpu.memref_slice %arg5[%dma_wait3A_1784, %dma_wait3A_1785] : memref<2x800xi32, #tpu.memory_space<vmem>> -> memref<1x800xi32, #tpu.memory_space<vmem>>
      %dma_wait3A_1787 = tpu.memref_squeeze %dma_wait3A_1786 : memref<1x800xi32, #tpu.memory_space<vmem>> -> memref<800xi32, #tpu.memory_space<vmem>>
      %dma_wait3A_1788 = arith.constant 600 : i32
      %dma_wait3A_1789 = tpu.memref_slice %dma_wait3A_1787[%dma_wait3A_1788] : memref<800xi32, #tpu.memory_space<vmem>> -> memref<200xi32, #tpu.memory_space<vmem>>
      %dma_wait3A_1790 = arith.constant 0 : i32
      %dma_wait3A_1791 = tpu.memref_slice %arg2[%add3A_1732, %dma_wait3A_1790] : memref<16384x200xi32, #tpu.memory_space<hbm>> -> memref<1x200xi32, #tpu.memory_space<hbm>>
      %dma_wait3A_1792 = tpu.memref_squeeze %dma_wait3A_1791 : memref<1x200xi32, #tpu.memory_space<hbm>> -> memref<200xi32, #tpu.memory_space<hbm>>
      %dma_wait3A_1793 = arith.constant 0 : i32
      %dma_wait3A_1794 = tpu.memref_slice %arg5[%dma_wait3A_1784, %dma_wait3A_1793] : memref<2x800xi32, #tpu.memory_space<vmem>> -> memref<1x800xi32, #tpu.memory_space<vmem>>
      %dma_wait3A_1795 = tpu.memref_squeeze %dma_wait3A_1794 : memref<1x800xi32, #tpu.memory_space<vmem>> -> memref<800xi32, #tpu.memory_space<vmem>>
      %dma_wait3A_1796 = arith.constant 600 : i32
      %dma_wait3A_1797 = tpu.memref_slice %dma_wait3A_1795[%dma_wait3A_1796] : memref<800xi32, #tpu.memory_space<vmem>> -> memref<200xi32, #tpu.memory_space<vmem>>
      %dma_wait3A_1798 = arith.constant 0 : i32
      %dma_wait3A_1799 = tpu.memref_slice %arg2[%add3A_1732, %dma_wait3A_1798] : memref<16384x200xi32, #tpu.memory_space<hbm>> -> memref<1x200xi32, #tpu.memory_space<hbm>>
      %dma_wait3A_1800 = tpu.memref_squeeze %dma_wait3A_1799 : memref<1x200xi32, #tpu.memory_space<hbm>> -> memref<200xi32, #tpu.memory_space<hbm>>
      tpu.wait_dma2 semaphore(%arg8 : memref<!tpu.dma_semaphore, #tpu.memory_space<semaphore_mem>>) src(%dma_wait3A_1800 : memref<200xi32, #tpu.memory_space<hbm>>) dst(%dma_wait3A_1797 : memref<200xi32, #tpu.memory_space<vmem>>)
      %sub3A_1801 = arith.constant 2 : i32
      %sub3A_1802 = arith.subi %add3A_1712, %sub3A_1801 : i32
      %mul3A_1803 = arith.constant 4 : i32
      %mul3A_1804 = arith.muli %sub3A_1802, %mul3A_1803 : i32
      %add3A_1805 = arith.addi %mul3A_2, %mul3A_1804 : i32
      %add3A_1806 = arith.constant 0 : i32
      %add3A_1807 = arith.addi %add3A_1805, %add3A_1806 : i32
      %mul3A_1808 = arith.constant 200 : i32
      %mul3A_1809 = arith.muli %add3A_1807, %mul3A_1808 : i32
      %mul3A_1810 = arith.constant 4 : i32
      %mul3A_1811 = arith.muli %sub3A_1802, %mul3A_1810 : i32
      %add3A_1812 = arith.addi %mul3A_2, %mul3A_1811 : i32
      %add3A_1813 = arith.constant 1 : i32
      %add3A_1814 = arith.addi %add3A_1812, %add3A_1813 : i32
      %mul3A_1815 = arith.constant 200 : i32
      %mul3A_1816 = arith.muli %add3A_1814, %mul3A_1815 : i32
      %mul3A_1817 = arith.constant 4 : i32
      %mul3A_1818 = arith.muli %sub3A_1802, %mul3A_1817 : i32
      %add3A_1819 = arith.addi %mul3A_2, %mul3A_1818 : i32
      %add3A_1820 = arith.constant 2 : i32
      %add3A_1821 = arith.addi %add3A_1819, %add3A_1820 : i32
      %mul3A_1822 = arith.constant 200 : i32
      %mul3A_1823 = arith.muli %add3A_1821, %mul3A_1822 : i32
      %mul3A_1824 = arith.constant 4 : i32
      %mul3A_1825 = arith.muli %sub3A_1802, %mul3A_1824 : i32
      %add3A_1826 = arith.addi %mul3A_2, %mul3A_1825 : i32
      %add3A_1827 = arith.constant 3 : i32
      %add3A_1828 = arith.addi %add3A_1826, %add3A_1827 : i32
      %mul3A_1829 = arith.constant 200 : i32
      %mul3A_1830 = arith.muli %add3A_1828, %mul3A_1829 : i32
      %dma_wait3A_1831 = arith.constant 1 : i32
      %dma_wait3A_1832 = arith.constant 0 : i32
      %dma_wait3A_1833 = arith.constant 0 : i32
      %dma_wait3A_1834 = tpu.memref_slice %arg6[%dma_wait3A_1831, %dma_wait3A_1832, %dma_wait3A_1833] : memref<2x800x64xf32, #tpu.memory_space<vmem>> -> memref<1x800x64xf32, #tpu.memory_space<vmem>>
      %dma_wait3A_1835 = tpu.memref_squeeze %dma_wait3A_1834 : memref<1x800x64xf32, #tpu.memory_space<vmem>> -> memref<800x64xf32, #tpu.memory_space<vmem>>
      %dma_wait3A_1836 = arith.constant 0 : i32
      %dma_wait3A_1837 = arith.constant 0 : i32
      %dma_wait3A_1838 = tpu.memref_slice %dma_wait3A_1835[%dma_wait3A_1836, %dma_wait3A_1837] : memref<800x64xf32, #tpu.memory_space<vmem>> -> memref<200x64xf32, #tpu.memory_space<vmem>>
      %dma_wait3A_1839 = arith.constant 0 : i32
      %dma_wait3A_1840 = tpu.memref_slice %arg4[%mul3A_1809, %dma_wait3A_1839] : memref<3276800x128xf32, #tpu.memory_space<hbm>> -> memref<200x64xf32, #tpu.memory_space<hbm>>
      %dma_wait3A_1841 = arith.constant 0 : i32
      %dma_wait3A_1842 = tpu.memref_slice %arg4[%mul3A_1809, %dma_wait3A_1841] : memref<3276800x128xf32, #tpu.memory_space<hbm>> -> memref<200x64xf32, #tpu.memory_space<hbm>>
      %dma_wait3A_1843 = arith.constant 0 : i32
      %dma_wait3A_1844 = arith.constant 0 : i32
      %dma_wait3A_1845 = tpu.memref_slice %arg6[%dma_wait3A_1831, %dma_wait3A_1843, %dma_wait3A_1844] : memref<2x800x64xf32, #tpu.memory_space<vmem>> -> memref<1x800x64xf32, #tpu.memory_space<vmem>>
      %dma_wait3A_1846 = tpu.memref_squeeze %dma_wait3A_1845 : memref<1x800x64xf32, #tpu.memory_space<vmem>> -> memref<800x64xf32, #tpu.memory_space<vmem>>
      %dma_wait3A_1847 = arith.constant 0 : i32
      %dma_wait3A_1848 = arith.constant 0 : i32
      %dma_wait3A_1849 = tpu.memref_slice %dma_wait3A_1846[%dma_wait3A_1847, %dma_wait3A_1848] : memref<800x64xf32, #tpu.memory_space<vmem>> -> memref<200x64xf32, #tpu.memory_space<vmem>>
      tpu.wait_dma2 semaphore(%arg12 : memref<!tpu.dma_semaphore, #tpu.memory_space<semaphore_mem>>) src(%dma_wait3A_1849 : memref<200x64xf32, #tpu.memory_space<vmem>>) dst(%dma_wait3A_1842 : memref<200x64xf32, #tpu.memory_space<hbm>>)
      %dma_wait3A_1850 = arith.constant 1 : i32
      %dma_wait3A_1851 = arith.constant 0 : i32
      %dma_wait3A_1852 = arith.constant 0 : i32
      %dma_wait3A_1853 = tpu.memref_slice %arg6[%dma_wait3A_1850, %dma_wait3A_1851, %dma_wait3A_1852] : memref<2x800x64xf32, #tpu.memory_space<vmem>> -> memref<1x800x64xf32, #tpu.memory_space<vmem>>
      %dma_wait3A_1854 = tpu.memref_squeeze %dma_wait3A_1853 : memref<1x800x64xf32, #tpu.memory_space<vmem>> -> memref<800x64xf32, #tpu.memory_space<vmem>>
      %dma_wait3A_1855 = arith.constant 200 : i32
      %dma_wait3A_1856 = arith.constant 0 : i32
      %dma_wait3A_1857 = tpu.memref_slice %dma_wait3A_1854[%dma_wait3A_1855, %dma_wait3A_1856] : memref<800x64xf32, #tpu.memory_space<vmem>> -> memref<200x64xf32, #tpu.memory_space<vmem>>
      %dma_wait3A_1858 = arith.constant 0 : i32
      %dma_wait3A_1859 = tpu.memref_slice %arg4[%mul3A_1816, %dma_wait3A_1858] : memref<3276800x128xf32, #tpu.memory_space<hbm>> -> memref<200x64xf32, #tpu.memory_space<hbm>>
      %dma_wait3A_1860 = arith.constant 0 : i32
      %dma_wait3A_1861 = tpu.memref_slice %arg4[%mul3A_1816, %dma_wait3A_1860] : memref<3276800x128xf32, #tpu.memory_space<hbm>> -> memref<200x64xf32, #tpu.memory_space<hbm>>
      %dma_wait3A_1862 = arith.constant 0 : i32
      %dma_wait3A_1863 = arith.constant 0 : i32
      %dma_wait3A_1864 = tpu.memref_slice %arg6[%dma_wait3A_1850, %dma_wait3A_1862, %dma_wait3A_1863] : memref<2x800x64xf32, #tpu.memory_space<vmem>> -> memref<1x800x64xf32, #tpu.memory_space<vmem>>
      %dma_wait3A_1865 = tpu.memref_squeeze %dma_wait3A_1864 : memref<1x800x64xf32, #tpu.memory_space<vmem>> -> memref<800x64xf32, #tpu.memory_space<vmem>>
      %dma_wait3A_1866 = arith.constant 200 : i32
      %dma_wait3A_1867 = arith.constant 0 : i32
      %dma_wait3A_1868 = tpu.memref_slice %dma_wait3A_1865[%dma_wait3A_1866, %dma_wait3A_1867] : memref<800x64xf32, #tpu.memory_space<vmem>> -> memref<200x64xf32, #tpu.memory_space<vmem>>
      tpu.wait_dma2 semaphore(%arg12 : memref<!tpu.dma_semaphore, #tpu.memory_space<semaphore_mem>>) src(%dma_wait3A_1868 : memref<200x64xf32, #tpu.memory_space<vmem>>) dst(%dma_wait3A_1861 : memref<200x64xf32, #tpu.memory_space<hbm>>)
      %dma_wait3A_1869 = arith.constant 1 : i32
      %dma_wait3A_1870 = arith.constant 0 : i32
      %dma_wait3A_1871 = arith.constant 0 : i32
      %dma_wait3A_1872 = tpu.memref_slice %arg6[%dma_wait3A_1869, %dma_wait3A_1870, %dma_wait3A_1871] : memref<2x800x64xf32, #tpu.memory_space<vmem>> -> memref<1x800x64xf32, #tpu.memory_space<vmem>>
      %dma_wait3A_1873 = tpu.memref_squeeze %dma_wait3A_1872 : memref<1x800x64xf32, #tpu.memory_space<vmem>> -> memref<800x64xf32, #tpu.memory_space<vmem>>
      %dma_wait3A_1874 = arith.constant 400 : i32
      %dma_wait3A_1875 = arith.constant 0 : i32
      %dma_wait3A_1876 = tpu.memref_slice %dma_wait3A_1873[%dma_wait3A_1874, %dma_wait3A_1875] : memref<800x64xf32, #tpu.memory_space<vmem>> -> memref<200x64xf32, #tpu.memory_space<vmem>>
      %dma_wait3A_1877 = arith.constant 0 : i32
      %dma_wait3A_1878 = tpu.memref_slice %arg4[%mul3A_1823, %dma_wait3A_1877] : memref<3276800x128xf32, #tpu.memory_space<hbm>> -> memref<200x64xf32, #tpu.memory_space<hbm>>
      %dma_wait3A_1879 = arith.constant 0 : i32
      %dma_wait3A_1880 = tpu.memref_slice %arg4[%mul3A_1823, %dma_wait3A_1879] : memref<3276800x128xf32, #tpu.memory_space<hbm>> -> memref<200x64xf32, #tpu.memory_space<hbm>>
      %dma_wait3A_1881 = arith.constant 0 : i32
      %dma_wait3A_1882 = arith.constant 0 : i32
      %dma_wait3A_1883 = tpu.memref_slice %arg6[%dma_wait3A_1869, %dma_wait3A_1881, %dma_wait3A_1882] : memref<2x800x64xf32, #tpu.memory_space<vmem>> -> memref<1x800x64xf32, #tpu.memory_space<vmem>>
      %dma_wait3A_1884 = tpu.memref_squeeze %dma_wait3A_1883 : memref<1x800x64xf32, #tpu.memory_space<vmem>> -> memref<800x64xf32, #tpu.memory_space<vmem>>
      %dma_wait3A_1885 = arith.constant 400 : i32
      %dma_wait3A_1886 = arith.constant 0 : i32
      %dma_wait3A_1887 = tpu.memref_slice %dma_wait3A_1884[%dma_wait3A_1885, %dma_wait3A_1886] : memref<800x64xf32, #tpu.memory_space<vmem>> -> memref<200x64xf32, #tpu.memory_space<vmem>>
      tpu.wait_dma2 semaphore(%arg12 : memref<!tpu.dma_semaphore, #tpu.memory_space<semaphore_mem>>) src(%dma_wait3A_1887 : memref<200x64xf32, #tpu.memory_space<vmem>>) dst(%dma_wait3A_1880 : memref<200x64xf32, #tpu.memory_space<hbm>>)
      %dma_wait3A_1888 = arith.constant 1 : i32
      %dma_wait3A_1889 = arith.constant 0 : i32
      %dma_wait3A_1890 = arith.constant 0 : i32
      %dma_wait3A_1891 = tpu.memref_slice %arg6[%dma_wait3A_1888, %dma_wait3A_1889, %dma_wait3A_1890] : memref<2x800x64xf32, #tpu.memory_space<vmem>> -> memref<1x800x64xf32, #tpu.memory_space<vmem>>
      %dma_wait3A_1892 = tpu.memref_squeeze %dma_wait3A_1891 : memref<1x800x64xf32, #tpu.memory_space<vmem>> -> memref<800x64xf32, #tpu.memory_space<vmem>>
      %dma_wait3A_1893 = arith.constant 600 : i32
      %dma_wait3A_1894 = arith.constant 0 : i32
      %dma_wait3A_1895 = tpu.memref_slice %dma_wait3A_1892[%dma_wait3A_1893, %dma_wait3A_1894] : memref<800x64xf32, #tpu.memory_space<vmem>> -> memref<200x64xf32, #tpu.memory_space<vmem>>
      %dma_wait3A_1896 = arith.constant 0 : i32
      %dma_wait3A_1897 = tpu.memref_slice %arg4[%mul3A_1830, %dma_wait3A_1896] : memref<3276800x128xf32, #tpu.memory_space<hbm>> -> memref<200x64xf32, #tpu.memory_space<hbm>>
      %dma_wait3A_1898 = arith.constant 0 : i32
      %dma_wait3A_1899 = tpu.memref_slice %arg4[%mul3A_1830, %dma_wait3A_1898] : memref<3276800x128xf32, #tpu.memory_space<hbm>> -> memref<200x64xf32, #tpu.memory_space<hbm>>
      %dma_wait3A_1900 = arith.constant 0 : i32
      %dma_wait3A_1901 = arith.constant 0 : i32
      %dma_wait3A_1902 = tpu.memref_slice %arg6[%dma_wait3A_1888, %dma_wait3A_1900, %dma_wait3A_1901] : memref<2x800x64xf32, #tpu.memory_space<vmem>> -> memref<1x800x64xf32, #tpu.memory_space<vmem>>
      %dma_wait3A_1903 = tpu.memref_squeeze %dma_wait3A_1902 : memref<1x800x64xf32, #tpu.memory_space<vmem>> -> memref<800x64xf32, #tpu.memory_space<vmem>>
      %dma_wait3A_1904 = arith.constant 600 : i32
      %dma_wait3A_1905 = arith.constant 0 : i32
      %dma_wait3A_1906 = tpu.memref_slice %dma_wait3A_1903[%dma_wait3A_1904, %dma_wait3A_1905] : memref<800x64xf32, #tpu.memory_space<vmem>> -> memref<200x64xf32, #tpu.memory_space<vmem>>
      tpu.wait_dma2 semaphore(%arg12 : memref<!tpu.dma_semaphore, #tpu.memory_space<semaphore_mem>>) src(%dma_wait3A_1906 : memref<200x64xf32, #tpu.memory_space<vmem>>) dst(%dma_wait3A_1899 : memref<200x64xf32, #tpu.memory_space<hbm>>)
      %dma_start3A_1907 = arith.constant 1 : i32
      %dma_start3A_1908 = arith.constant 1 : i32
      %dma_start3A_1909 = arith.constant 0 : i32
      %dma_start3A_1910 = arith.constant 0 : i32
      %dma_start3A_1911 = tpu.memref_slice %arg6[%dma_start3A_1908, %dma_start3A_1909, %dma_start3A_1910] : memref<2x800x64xf32, #tpu.memory_space<vmem>> -> memref<1x800x64xf32, #tpu.memory_space<vmem>>
      %dma_start3A_1912 = tpu.memref_squeeze %dma_start3A_1911 : memref<1x800x64xf32, #tpu.memory_space<vmem>> -> memref<800x64xf32, #tpu.memory_space<vmem>>
      %dma_start3A_1913 = arith.constant 0 : i32
      %dma_start3A_1914 = arith.constant 0 : i32
      %dma_start3A_1915 = tpu.memref_slice %dma_start3A_1912[%dma_start3A_1913, %dma_start3A_1914] : memref<800x64xf32, #tpu.memory_space<vmem>> -> memref<128x64xf32, #tpu.memory_space<vmem>>
      %dma_start3A_1916 = arith.constant 0 : i32
      %dma_start3A_1917 = tpu.memref_slice %arg5[%dma_start3A_1907, %dma_start3A_1916] : memref<2x800xi32, #tpu.memory_space<vmem>> -> memref<1x800xi32, #tpu.memory_space<vmem>>
      %dma_start3A_1918 = tpu.memref_squeeze %dma_start3A_1917 : memref<1x800xi32, #tpu.memory_space<vmem>> -> memref<800xi32, #tpu.memory_space<vmem>>
      %dma_start3A_1919 = arith.constant 0 : i32
      %dma_start3A_1920 = tpu.memref_slice %dma_start3A_1918[%dma_start3A_1919] : memref<800xi32, #tpu.memory_space<vmem>> -> memref<128xi32, #tpu.memory_space<vmem>>
      %dma_start3A_1921 = arith.constant 0 : i32
      %dma_start3A_1922 = arith.constant 0 : i32
      %dma_start3A_1923 = tpu.memref_slice %arg3[%dma_start3A_1921, %dma_start3A_1922] : memref<2000000x64xf32, #tpu.memory_space<hbm>> -> memref<2000000x64xf32, #tpu.memory_space<hbm>>
      tpu.enqueue_indirect_dma source(%dma_start3A_1923 : memref<2000000x64xf32, #tpu.memory_space<hbm>>) target(%dma_start3A_1915 : memref<128x64xf32, #tpu.memory_space<vmem>>) offsets(%dma_start3A_1920 : memref<128xi32, #tpu.memory_space<vmem>>) semaphore(%arg10 : memref<!tpu.dma_semaphore, #tpu.memory_space<semaphore_mem>>)
      %dma_start3A_1924 = arith.constant 1 : i32
      %dma_start3A_1925 = arith.constant 1 : i32
      %dma_start3A_1926 = arith.constant 0 : i32
      %dma_start3A_1927 = arith.constant 0 : i32
      %dma_start3A_1928 = tpu.memref_slice %arg6[%dma_start3A_1925, %dma_start3A_1926, %dma_start3A_1927] : memref<2x800x64xf32, #tpu.memory_space<vmem>> -> memref<1x800x64xf32, #tpu.memory_space<vmem>>
      %dma_start3A_1929 = tpu.memref_squeeze %dma_start3A_1928 : memref<1x800x64xf32, #tpu.memory_space<vmem>> -> memref<800x64xf32, #tpu.memory_space<vmem>>
      %dma_start3A_1930 = arith.constant 128 : i32
      %dma_start3A_1931 = arith.constant 0 : i32
      %dma_start3A_1932 = tpu.memref_slice %dma_start3A_1929[%dma_start3A_1930, %dma_start3A_1931] : memref<800x64xf32, #tpu.memory_space<vmem>> -> memref<128x64xf32, #tpu.memory_space<vmem>>
      %dma_start3A_1933 = arith.constant 0 : i32
      %dma_start3A_1934 = tpu.memref_slice %arg5[%dma_start3A_1924, %dma_start3A_1933] : memref<2x800xi32, #tpu.memory_space<vmem>> -> memref<1x800xi32, #tpu.memory_space<vmem>>
      %dma_start3A_1935 = tpu.memref_squeeze %dma_start3A_1934 : memref<1x800xi32, #tpu.memory_space<vmem>> -> memref<800xi32, #tpu.memory_space<vmem>>
      %dma_start3A_1936 = arith.constant 128 : i32
      %dma_start3A_1937 = tpu.memref_slice %dma_start3A_1935[%dma_start3A_1936] : memref<800xi32, #tpu.memory_space<vmem>> -> memref<128xi32, #tpu.memory_space<vmem>>
      %dma_start3A_1938 = arith.constant 0 : i32
      %dma_start3A_1939 = arith.constant 0 : i32
      %dma_start3A_1940 = tpu.memref_slice %arg3[%dma_start3A_1938, %dma_start3A_1939] : memref<2000000x64xf32, #tpu.memory_space<hbm>> -> memref<2000000x64xf32, #tpu.memory_space<hbm>>
      tpu.enqueue_indirect_dma source(%dma_start3A_1940 : memref<2000000x64xf32, #tpu.memory_space<hbm>>) target(%dma_start3A_1932 : memref<128x64xf32, #tpu.memory_space<vmem>>) offsets(%dma_start3A_1937 : memref<128xi32, #tpu.memory_space<vmem>>) semaphore(%arg10 : memref<!tpu.dma_semaphore, #tpu.memory_space<semaphore_mem>>)
      %dma_start3A_1941 = arith.constant 1 : i32
      %dma_start3A_1942 = arith.constant 1 : i32
      %dma_start3A_1943 = arith.constant 0 : i32
      %dma_start3A_1944 = arith.constant 0 : i32
      %dma_start3A_1945 = tpu.memref_slice %arg6[%dma_start3A_1942, %dma_start3A_1943, %dma_start3A_1944] : memref<2x800x64xf32, #tpu.memory_space<vmem>> -> memref<1x800x64xf32, #tpu.memory_space<vmem>>
      %dma_start3A_1946 = tpu.memref_squeeze %dma_start3A_1945 : memref<1x800x64xf32, #tpu.memory_space<vmem>> -> memref<800x64xf32, #tpu.memory_space<vmem>>
      %dma_start3A_1947 = arith.constant 256 : i32
      %dma_start3A_1948 = arith.constant 0 : i32
      %dma_start3A_1949 = tpu.memref_slice %dma_start3A_1946[%dma_start3A_1947, %dma_start3A_1948] : memref<800x64xf32, #tpu.memory_space<vmem>> -> memref<128x64xf32, #tpu.memory_space<vmem>>
      %dma_start3A_1950 = arith.constant 0 : i32
      %dma_start3A_1951 = tpu.memref_slice %arg5[%dma_start3A_1941, %dma_start3A_1950] : memref<2x800xi32, #tpu.memory_space<vmem>> -> memref<1x800xi32, #tpu.memory_space<vmem>>
      %dma_start3A_1952 = tpu.memref_squeeze %dma_start3A_1951 : memref<1x800xi32, #tpu.memory_space<vmem>> -> memref<800xi32, #tpu.memory_space<vmem>>
      %dma_start3A_1953 = arith.constant 256 : i32
      %dma_start3A_1954 = tpu.memref_slice %dma_start3A_1952[%dma_start3A_1953] : memref<800xi32, #tpu.memory_space<vmem>> -> memref<128xi32, #tpu.memory_space<vmem>>
      %dma_start3A_1955 = arith.constant 0 : i32
      %dma_start3A_1956 = arith.constant 0 : i32
      %dma_start3A_1957 = tpu.memref_slice %arg3[%dma_start3A_1955, %dma_start3A_1956] : memref<2000000x64xf32, #tpu.memory_space<hbm>> -> memref<2000000x64xf32, #tpu.memory_space<hbm>>
      tpu.enqueue_indirect_dma source(%dma_start3A_1957 : memref<2000000x64xf32, #tpu.memory_space<hbm>>) target(%dma_start3A_1949 : memref<128x64xf32, #tpu.memory_space<vmem>>) offsets(%dma_start3A_1954 : memref<128xi32, #tpu.memory_space<vmem>>) semaphore(%arg10 : memref<!tpu.dma_semaphore, #tpu.memory_space<semaphore_mem>>)
      %dma_start3A_1958 = arith.constant 1 : i32
      %dma_start3A_1959 = arith.constant 1 : i32
      %dma_start3A_1960 = arith.constant 0 : i32
      %dma_start3A_1961 = arith.constant 0 : i32
      %dma_start3A_1962 = tpu.memref_slice %arg6[%dma_start3A_1959, %dma_start3A_1960, %dma_start3A_1961] : memref<2x800x64xf32, #tpu.memory_space<vmem>> -> memref<1x800x64xf32, #tpu.memory_space<vmem>>
      %dma_start3A_1963 = tpu.memref_squeeze %dma_start3A_1962 : memref<1x800x64xf32, #tpu.memory_space<vmem>> -> memref<800x64xf32, #tpu.memory_space<vmem>>
      %dma_start3A_1964 = arith.constant 384 : i32
      %dma_start3A_1965 = arith.constant 0 : i32
      %dma_start3A_1966 = tpu.memref_slice %dma_start3A_1963[%dma_start3A_1964, %dma_start3A_1965] : memref<800x64xf32, #tpu.memory_space<vmem>> -> memref<128x64xf32, #tpu.memory_space<vmem>>
      %dma_start3A_1967 = arith.constant 0 : i32
      %dma_start3A_1968 = tpu.memref_slice %arg5[%dma_start3A_1958, %dma_start3A_1967] : memref<2x800xi32, #tpu.memory_space<vmem>> -> memref<1x800xi32, #tpu.memory_space<vmem>>
      %dma_start3A_1969 = tpu.memref_squeeze %dma_start3A_1968 : memref<1x800xi32, #tpu.memory_space<vmem>> -> memref<800xi32, #tpu.memory_space<vmem>>
      %dma_start3A_1970 = arith.constant 384 : i32
      %dma_start3A_1971 = tpu.memref_slice %dma_start3A_1969[%dma_start3A_1970] : memref<800xi32, #tpu.memory_space<vmem>> -> memref<128xi32, #tpu.memory_space<vmem>>
      %dma_start3A_1972 = arith.constant 0 : i32
      %dma_start3A_1973 = arith.constant 0 : i32
      %dma_start3A_1974 = tpu.memref_slice %arg3[%dma_start3A_1972, %dma_start3A_1973] : memref<2000000x64xf32, #tpu.memory_space<hbm>> -> memref<2000000x64xf32, #tpu.memory_space<hbm>>
      tpu.enqueue_indirect_dma source(%dma_start3A_1974 : memref<2000000x64xf32, #tpu.memory_space<hbm>>) target(%dma_start3A_1966 : memref<128x64xf32, #tpu.memory_space<vmem>>) offsets(%dma_start3A_1971 : memref<128xi32, #tpu.memory_space<vmem>>) semaphore(%arg10 : memref<!tpu.dma_semaphore, #tpu.memory_space<semaphore_mem>>)
      %dma_start3A_1975 = arith.constant 1 : i32
      %dma_start3A_1976 = arith.constant 1 : i32
      %dma_start3A_1977 = arith.constant 0 : i32
      %dma_start3A_1978 = arith.constant 0 : i32
      %dma_start3A_1979 = tpu.memref_slice %arg6[%dma_start3A_1976, %dma_start3A_1977, %dma_start3A_1978] : memref<2x800x64xf32, #tpu.memory_space<vmem>> -> memref<1x800x64xf32, #tpu.memory_space<vmem>>
      %dma_start3A_1980 = tpu.memref_squeeze %dma_start3A_1979 : memref<1x800x64xf32, #tpu.memory_space<vmem>> -> memref<800x64xf32, #tpu.memory_space<vmem>>
      %dma_start3A_1981 = arith.constant 512 : i32
      %dma_start3A_1982 = arith.constant 0 : i32
      %dma_start3A_1983 = tpu.memref_slice %dma_start3A_1980[%dma_start3A_1981, %dma_start3A_1982] : memref<800x64xf32, #tpu.memory_space<vmem>> -> memref<128x64xf32, #tpu.memory_space<vmem>>
      %dma_start3A_1984 = arith.constant 0 : i32
      %dma_start3A_1985 = tpu.memref_slice %arg5[%dma_start3A_1975, %dma_start3A_1984] : memref<2x800xi32, #tpu.memory_space<vmem>> -> memref<1x800xi32, #tpu.memory_space<vmem>>
      %dma_start3A_1986 = tpu.memref_squeeze %dma_start3A_1985 : memref<1x800xi32, #tpu.memory_space<vmem>> -> memref<800xi32, #tpu.memory_space<vmem>>
      %dma_start3A_1987 = arith.constant 512 : i32
      %dma_start3A_1988 = tpu.memref_slice %dma_start3A_1986[%dma_start3A_1987] : memref<800xi32, #tpu.memory_space<vmem>> -> memref<128xi32, #tpu.memory_space<vmem>>
      %dma_start3A_1989 = arith.constant 0 : i32
      %dma_start3A_1990 = arith.constant 0 : i32
      %dma_start3A_1991 = tpu.memref_slice %arg3[%dma_start3A_1989, %dma_start3A_1990] : memref<2000000x64xf32, #tpu.memory_space<hbm>> -> memref<2000000x64xf32, #tpu.memory_space<hbm>>
      tpu.enqueue_indirect_dma source(%dma_start3A_1991 : memref<2000000x64xf32, #tpu.memory_space<hbm>>) target(%dma_start3A_1983 : memref<128x64xf32, #tpu.memory_space<vmem>>) offsets(%dma_start3A_1988 : memref<128xi32, #tpu.memory_space<vmem>>) semaphore(%arg10 : memref<!tpu.dma_semaphore, #tpu.memory_space<semaphore_mem>>)
      %dma_start3A_1992 = arith.constant 1 : i32
      %dma_start3A_1993 = arith.constant 1 : i32
      %dma_start3A_1994 = arith.constant 0 : i32
      %dma_start3A_1995 = arith.constant 0 : i32
      %dma_start3A_1996 = tpu.memref_slice %arg6[%dma_start3A_1993, %dma_start3A_1994, %dma_start3A_1995] : memref<2x800x64xf32, #tpu.memory_space<vmem>> -> memref<1x800x64xf32, #tpu.memory_space<vmem>>
      %dma_start3A_1997 = tpu.memref_squeeze %dma_start3A_1996 : memref<1x800x64xf32, #tpu.memory_space<vmem>> -> memref<800x64xf32, #tpu.memory_space<vmem>>
      %dma_start3A_1998 = arith.constant 640 : i32
      %dma_start3A_1999 = arith.constant 0 : i32
      %dma_start3A_2000 = tpu.memref_slice %dma_start3A_1997[%dma_start3A_1998, %dma_start3A_1999] : memref<800x64xf32, #tpu.memory_space<vmem>> -> memref<128x64xf32, #tpu.memory_space<vmem>>
      %dma_start3A_2001 = arith.constant 0 : i32
      %dma_start3A_2002 = tpu.memref_slice %arg5[%dma_start3A_1992, %dma_start3A_2001] : memref<2x800xi32, #tpu.memory_space<vmem>> -> memref<1x800xi32, #tpu.memory_space<vmem>>
      %dma_start3A_2003 = tpu.memref_squeeze %dma_start3A_2002 : memref<1x800xi32, #tpu.memory_space<vmem>> -> memref<800xi32, #tpu.memory_space<vmem>>
      %dma_start3A_2004 = arith.constant 640 : i32
      %dma_start3A_2005 = tpu.memref_slice %dma_start3A_2003[%dma_start3A_2004] : memref<800xi32, #tpu.memory_space<vmem>> -> memref<128xi32, #tpu.memory_space<vmem>>
      %dma_start3A_2006 = arith.constant 0 : i32
      %dma_start3A_2007 = arith.constant 0 : i32
      %dma_start3A_2008 = tpu.memref_slice %arg3[%dma_start3A_2006, %dma_start3A_2007] : memref<2000000x64xf32, #tpu.memory_space<hbm>> -> memref<2000000x64xf32, #tpu.memory_space<hbm>>
      tpu.enqueue_indirect_dma source(%dma_start3A_2008 : memref<2000000x64xf32, #tpu.memory_space<hbm>>) target(%dma_start3A_2000 : memref<128x64xf32, #tpu.memory_space<vmem>>) offsets(%dma_start3A_2005 : memref<128xi32, #tpu.memory_space<vmem>>) semaphore(%arg10 : memref<!tpu.dma_semaphore, #tpu.memory_space<semaphore_mem>>)
      %dma_start3A_2009 = arith.constant 1 : i32
      %dma_start3A_2010 = arith.constant 1 : i32
      %dma_start3A_2011 = arith.constant 0 : i32
      %dma_start3A_2012 = arith.constant 0 : i32
      %dma_start3A_2013 = tpu.memref_slice %arg6[%dma_start3A_2010, %dma_start3A_2011, %dma_start3A_2012] : memref<2x800x64xf32, #tpu.memory_space<vmem>> -> memref<1x800x64xf32, #tpu.memory_space<vmem>>
      %dma_start3A_2014 = tpu.memref_squeeze %dma_start3A_2013 : memref<1x800x64xf32, #tpu.memory_space<vmem>> -> memref<800x64xf32, #tpu.memory_space<vmem>>
      %dma_start3A_2015 = arith.constant 768 : i32
      %dma_start3A_2016 = arith.constant 0 : i32
      %dma_start3A_2017 = tpu.memref_slice %dma_start3A_2014[%dma_start3A_2015, %dma_start3A_2016] : memref<800x64xf32, #tpu.memory_space<vmem>> -> memref<32x64xf32, #tpu.memory_space<vmem>>
      %dma_start3A_2018 = arith.constant 0 : i32
      %dma_start3A_2019 = tpu.memref_slice %arg5[%dma_start3A_2009, %dma_start3A_2018] : memref<2x800xi32, #tpu.memory_space<vmem>> -> memref<1x800xi32, #tpu.memory_space<vmem>>
      %dma_start3A_2020 = tpu.memref_squeeze %dma_start3A_2019 : memref<1x800xi32, #tpu.memory_space<vmem>> -> memref<800xi32, #tpu.memory_space<vmem>>
      %dma_start3A_2021 = arith.constant 768 : i32
      %dma_start3A_2022 = tpu.memref_slice %dma_start3A_2020[%dma_start3A_2021] : memref<800xi32, #tpu.memory_space<vmem>> -> memref<32xi32, #tpu.memory_space<vmem>>
      %dma_start3A_2023 = arith.constant 0 : i32
      %dma_start3A_2024 = arith.constant 0 : i32
      %dma_start3A_2025 = tpu.memref_slice %arg3[%dma_start3A_2023, %dma_start3A_2024] : memref<2000000x64xf32, #tpu.memory_space<hbm>> -> memref<2000000x64xf32, #tpu.memory_space<hbm>>
      tpu.enqueue_indirect_dma source(%dma_start3A_2025 : memref<2000000x64xf32, #tpu.memory_space<hbm>>) target(%dma_start3A_2017 : memref<32x64xf32, #tpu.memory_space<vmem>>) offsets(%dma_start3A_2022 : memref<32xi32, #tpu.memory_space<vmem>>) semaphore(%arg10 : memref<!tpu.dma_semaphore, #tpu.memory_space<semaphore_mem>>)
      %dma_wait3A_2026 = arith.constant 0 : i32
      %dma_wait3A_2027 = arith.constant 0 : i32
      %dma_wait3A_2028 = arith.constant 0 : i32
      %dma_wait3A_2029 = tpu.memref_slice %arg6[%dma_wait3A_2026, %dma_wait3A_2027, %dma_wait3A_2028] : memref<2x800x64xf32, #tpu.memory_space<vmem>> -> memref<1x800x64xf32, #tpu.memory_space<vmem>>
      %dma_wait3A_2030 = tpu.memref_squeeze %dma_wait3A_2029 : memref<1x800x64xf32, #tpu.memory_space<vmem>> -> memref<800x64xf32, #tpu.memory_space<vmem>>
      %dma_wait3A_2031 = arith.constant 0 : i32
      %dma_wait3A_2032 = arith.constant 0 : i32
      %dma_wait3A_2033 = tpu.memref_slice %arg3[%dma_wait3A_2031, %dma_wait3A_2032] : memref<2000000x64xf32, #tpu.memory_space<hbm>> -> memref<800x64xf32, #tpu.memory_space<hbm>>
      %dma_wait3A_2034 = arith.constant 0 : i32
      %dma_wait3A_2035 = arith.constant 0 : i32
      %dma_wait3A_2036 = tpu.memref_slice %arg6[%dma_wait3A_2026, %dma_wait3A_2034, %dma_wait3A_2035] : memref<2x800x64xf32, #tpu.memory_space<vmem>> -> memref<1x800x64xf32, #tpu.memory_space<vmem>>
      %dma_wait3A_2037 = tpu.memref_squeeze %dma_wait3A_2036 : memref<1x800x64xf32, #tpu.memory_space<vmem>> -> memref<800x64xf32, #tpu.memory_space<vmem>>
      %dma_wait3A_2038 = arith.constant 0 : i32
      %dma_wait3A_2039 = arith.constant 0 : i32
      %dma_wait3A_2040 = tpu.memref_slice %arg3[%dma_wait3A_2038, %dma_wait3A_2039] : memref<2000000x64xf32, #tpu.memory_space<hbm>> -> memref<800x64xf32, #tpu.memory_space<hbm>>
      tpu.wait_dma2 semaphore(%arg9 : memref<!tpu.dma_semaphore, #tpu.memory_space<semaphore_mem>>) src(%dma_wait3A_2040 : memref<800x64xf32, #tpu.memory_space<hbm>>) dst(%dma_wait3A_2037 : memref<800x64xf32, #tpu.memory_space<vmem>>)
      %sub3A_2041 = arith.constant 1 : i32
      %sub3A_2042 = arith.subi %add3A_1712, %sub3A_2041 : i32
      %mul3A_2043 = arith.constant 4 : i32
      %mul3A_2044 = arith.muli %sub3A_2042, %mul3A_2043 : i32
      %add3A_2045 = arith.addi %mul3A_2, %mul3A_2044 : i32
      %add3A_2046 = arith.constant 0 : i32
      %add3A_2047 = arith.addi %add3A_2045, %add3A_2046 : i32
      %mul3A_2048 = arith.constant 200 : i32
      %mul3A_2049 = arith.muli %add3A_2047, %mul3A_2048 : i32
      %mul3A_2050 = arith.constant 4 : i32
      %mul3A_2051 = arith.muli %sub3A_2042, %mul3A_2050 : i32
      %add3A_2052 = arith.addi %mul3A_2, %mul3A_2051 : i32
      %add3A_2053 = arith.constant 1 : i32
      %add3A_2054 = arith.addi %add3A_2052, %add3A_2053 : i32
      %mul3A_2055 = arith.constant 200 : i32
      %mul3A_2056 = arith.muli %add3A_2054, %mul3A_2055 : i32
      %mul3A_2057 = arith.constant 4 : i32
      %mul3A_2058 = arith.muli %sub3A_2042, %mul3A_2057 : i32
      %add3A_2059 = arith.addi %mul3A_2, %mul3A_2058 : i32
      %add3A_2060 = arith.constant 2 : i32
      %add3A_2061 = arith.addi %add3A_2059, %add3A_2060 : i32
      %mul3A_2062 = arith.constant 200 : i32
      %mul3A_2063 = arith.muli %add3A_2061, %mul3A_2062 : i32
      %mul3A_2064 = arith.constant 4 : i32
      %mul3A_2065 = arith.muli %sub3A_2042, %mul3A_2064 : i32
      %add3A_2066 = arith.addi %mul3A_2, %mul3A_2065 : i32
      %add3A_2067 = arith.constant 3 : i32
      %add3A_2068 = arith.addi %add3A_2066, %add3A_2067 : i32
      %mul3A_2069 = arith.constant 200 : i32
      %mul3A_2070 = arith.muli %add3A_2068, %mul3A_2069 : i32
      %dma_start3A_2071 = arith.constant 0 : i32
      %dma_start3A_2072 = arith.constant 0 : i32
      %dma_start3A_2073 = arith.constant 0 : i32
      %dma_start3A_2074 = tpu.memref_slice %arg6[%dma_start3A_2071, %dma_start3A_2072, %dma_start3A_2073] : memref<2x800x64xf32, #tpu.memory_space<vmem>> -> memref<1x800x64xf32, #tpu.memory_space<vmem>>
      %dma_start3A_2075 = tpu.memref_squeeze %dma_start3A_2074 : memref<1x800x64xf32, #tpu.memory_space<vmem>> -> memref<800x64xf32, #tpu.memory_space<vmem>>
      %dma_start3A_2076 = arith.constant 0 : i32
      %dma_start3A_2077 = arith.constant 0 : i32
      %dma_start3A_2078 = tpu.memref_slice %dma_start3A_2075[%dma_start3A_2076, %dma_start3A_2077] : memref<800x64xf32, #tpu.memory_space<vmem>> -> memref<200x64xf32, #tpu.memory_space<vmem>>
      %dma_start3A_2079 = arith.constant 0 : i32
      %dma_start3A_2080 = tpu.memref_slice %arg4[%mul3A_2049, %dma_start3A_2079] : memref<3276800x128xf32, #tpu.memory_space<hbm>> -> memref<200x64xf32, #tpu.memory_space<hbm>>
      %dma_start3A_2081 = arith.constant 0 : i32
      %dma_start3A_2082 = tpu.memref_slice %arg4[%mul3A_2049, %dma_start3A_2081] : memref<3276800x128xf32, #tpu.memory_space<hbm>> -> memref<200x64xf32, #tpu.memory_space<hbm>>
      %dma_start3A_2083 = arith.constant 0 : i32
      %dma_start3A_2084 = arith.constant 0 : i32
      %dma_start3A_2085 = tpu.memref_slice %arg6[%dma_start3A_2071, %dma_start3A_2083, %dma_start3A_2084] : memref<2x800x64xf32, #tpu.memory_space<vmem>> -> memref<1x800x64xf32, #tpu.memory_space<vmem>>
      %dma_start3A_2086 = tpu.memref_squeeze %dma_start3A_2085 : memref<1x800x64xf32, #tpu.memory_space<vmem>> -> memref<800x64xf32, #tpu.memory_space<vmem>>
      %dma_start3A_2087 = arith.constant 0 : i32
      %dma_start3A_2088 = arith.constant 0 : i32
      %dma_start3A_2089 = tpu.memref_slice %dma_start3A_2086[%dma_start3A_2087, %dma_start3A_2088] : memref<800x64xf32, #tpu.memory_space<vmem>> -> memref<200x64xf32, #tpu.memory_space<vmem>>
      tpu.enqueue_dma source(%dma_start3A_2089 : memref<200x64xf32, #tpu.memory_space<vmem>>) target(%dma_start3A_2082 : memref<200x64xf32, #tpu.memory_space<hbm>>) target_semaphore(%arg11 : memref<!tpu.dma_semaphore, #tpu.memory_space<semaphore_mem>>)
      %dma_start3A_2090 = arith.constant 0 : i32
      %dma_start3A_2091 = arith.constant 0 : i32
      %dma_start3A_2092 = arith.constant 0 : i32
      %dma_start3A_2093 = tpu.memref_slice %arg6[%dma_start3A_2090, %dma_start3A_2091, %dma_start3A_2092] : memref<2x800x64xf32, #tpu.memory_space<vmem>> -> memref<1x800x64xf32, #tpu.memory_space<vmem>>
      %dma_start3A_2094 = tpu.memref_squeeze %dma_start3A_2093 : memref<1x800x64xf32, #tpu.memory_space<vmem>> -> memref<800x64xf32, #tpu.memory_space<vmem>>
      %dma_start3A_2095 = arith.constant 200 : i32
      %dma_start3A_2096 = arith.constant 0 : i32
      %dma_start3A_2097 = tpu.memref_slice %dma_start3A_2094[%dma_start3A_2095, %dma_start3A_2096] : memref<800x64xf32, #tpu.memory_space<vmem>> -> memref<200x64xf32, #tpu.memory_space<vmem>>
      %dma_start3A_2098 = arith.constant 0 : i32
      %dma_start3A_2099 = tpu.memref_slice %arg4[%mul3A_2056, %dma_start3A_2098] : memref<3276800x128xf32, #tpu.memory_space<hbm>> -> memref<200x64xf32, #tpu.memory_space<hbm>>
      %dma_start3A_2100 = arith.constant 0 : i32
      %dma_start3A_2101 = tpu.memref_slice %arg4[%mul3A_2056, %dma_start3A_2100] : memref<3276800x128xf32, #tpu.memory_space<hbm>> -> memref<200x64xf32, #tpu.memory_space<hbm>>
      %dma_start3A_2102 = arith.constant 0 : i32
      %dma_start3A_2103 = arith.constant 0 : i32
      %dma_start3A_2104 = tpu.memref_slice %arg6[%dma_start3A_2090, %dma_start3A_2102, %dma_start3A_2103] : memref<2x800x64xf32, #tpu.memory_space<vmem>> -> memref<1x800x64xf32, #tpu.memory_space<vmem>>
      %dma_start3A_2105 = tpu.memref_squeeze %dma_start3A_2104 : memref<1x800x64xf32, #tpu.memory_space<vmem>> -> memref<800x64xf32, #tpu.memory_space<vmem>>
      %dma_start3A_2106 = arith.constant 200 : i32
      %dma_start3A_2107 = arith.constant 0 : i32
      %dma_start3A_2108 = tpu.memref_slice %dma_start3A_2105[%dma_start3A_2106, %dma_start3A_2107] : memref<800x64xf32, #tpu.memory_space<vmem>> -> memref<200x64xf32, #tpu.memory_space<vmem>>
      tpu.enqueue_dma source(%dma_start3A_2108 : memref<200x64xf32, #tpu.memory_space<vmem>>) target(%dma_start3A_2101 : memref<200x64xf32, #tpu.memory_space<hbm>>) target_semaphore(%arg11 : memref<!tpu.dma_semaphore, #tpu.memory_space<semaphore_mem>>)
      %dma_start3A_2109 = arith.constant 0 : i32
      %dma_start3A_2110 = arith.constant 0 : i32
      %dma_start3A_2111 = arith.constant 0 : i32
      %dma_start3A_2112 = tpu.memref_slice %arg6[%dma_start3A_2109, %dma_start3A_2110, %dma_start3A_2111] : memref<2x800x64xf32, #tpu.memory_space<vmem>> -> memref<1x800x64xf32, #tpu.memory_space<vmem>>
      %dma_start3A_2113 = tpu.memref_squeeze %dma_start3A_2112 : memref<1x800x64xf32, #tpu.memory_space<vmem>> -> memref<800x64xf32, #tpu.memory_space<vmem>>
      %dma_start3A_2114 = arith.constant 400 : i32
      %dma_start3A_2115 = arith.constant 0 : i32
      %dma_start3A_2116 = tpu.memref_slice %dma_start3A_2113[%dma_start3A_2114, %dma_start3A_2115] : memref<800x64xf32, #tpu.memory_space<vmem>> -> memref<200x64xf32, #tpu.memory_space<vmem>>
      %dma_start3A_2117 = arith.constant 0 : i32
      %dma_start3A_2118 = tpu.memref_slice %arg4[%mul3A_2063, %dma_start3A_2117] : memref<3276800x128xf32, #tpu.memory_space<hbm>> -> memref<200x64xf32, #tpu.memory_space<hbm>>
      %dma_start3A_2119 = arith.constant 0 : i32
      %dma_start3A_2120 = tpu.memref_slice %arg4[%mul3A_2063, %dma_start3A_2119] : memref<3276800x128xf32, #tpu.memory_space<hbm>> -> memref<200x64xf32, #tpu.memory_space<hbm>>
      %dma_start3A_2121 = arith.constant 0 : i32
      %dma_start3A_2122 = arith.constant 0 : i32
      %dma_start3A_2123 = tpu.memref_slice %arg6[%dma_start3A_2109, %dma_start3A_2121, %dma_start3A_2122] : memref<2x800x64xf32, #tpu.memory_space<vmem>> -> memref<1x800x64xf32, #tpu.memory_space<vmem>>
      %dma_start3A_2124 = tpu.memref_squeeze %dma_start3A_2123 : memref<1x800x64xf32, #tpu.memory_space<vmem>> -> memref<800x64xf32, #tpu.memory_space<vmem>>
      %dma_start3A_2125 = arith.constant 400 : i32
      %dma_start3A_2126 = arith.constant 0 : i32
      %dma_start3A_2127 = tpu.memref_slice %dma_start3A_2124[%dma_start3A_2125, %dma_start3A_2126] : memref<800x64xf32, #tpu.memory_space<vmem>> -> memref<200x64xf32, #tpu.memory_space<vmem>>
      tpu.enqueue_dma source(%dma_start3A_2127 : memref<200x64xf32, #tpu.memory_space<vmem>>) target(%dma_start3A_2120 : memref<200x64xf32, #tpu.memory_space<hbm>>) target_semaphore(%arg11 : memref<!tpu.dma_semaphore, #tpu.memory_space<semaphore_mem>>)
      %dma_start3A_2128 = arith.constant 0 : i32
      %dma_start3A_2129 = arith.constant 0 : i32
      %dma_start3A_2130 = arith.constant 0 : i32
      %dma_start3A_2131 = tpu.memref_slice %arg6[%dma_start3A_2128, %dma_start3A_2129, %dma_start3A_2130] : memref<2x800x64xf32, #tpu.memory_space<vmem>> -> memref<1x800x64xf32, #tpu.memory_space<vmem>>
      %dma_start3A_2132 = tpu.memref_squeeze %dma_start3A_2131 : memref<1x800x64xf32, #tpu.memory_space<vmem>> -> memref<800x64xf32, #tpu.memory_space<vmem>>
      %dma_start3A_2133 = arith.constant 600 : i32
      %dma_start3A_2134 = arith.constant 0 : i32
      %dma_start3A_2135 = tpu.memref_slice %dma_start3A_2132[%dma_start3A_2133, %dma_start3A_2134] : memref<800x64xf32, #tpu.memory_space<vmem>> -> memref<200x64xf32, #tpu.memory_space<vmem>>
      %dma_start3A_2136 = arith.constant 0 : i32
      %dma_start3A_2137 = tpu.memref_slice %arg4[%mul3A_2070, %dma_start3A_2136] : memref<3276800x128xf32, #tpu.memory_space<hbm>> -> memref<200x64xf32, #tpu.memory_space<hbm>>
      %dma_start3A_2138 = arith.constant 0 : i32
      %dma_start3A_2139 = tpu.memref_slice %arg4[%mul3A_2070, %dma_start3A_2138] : memref<3276800x128xf32, #tpu.memory_space<hbm>> -> memref<200x64xf32, #tpu.memory_space<hbm>>
      %dma_start3A_2140 = arith.constant 0 : i32
      %dma_start3A_2141 = arith.constant 0 : i32
      %dma_start3A_2142 = tpu.memref_slice %arg6[%dma_start3A_2128, %dma_start3A_2140, %dma_start3A_2141] : memref<2x800x64xf32, #tpu.memory_space<vmem>> -> memref<1x800x64xf32, #tpu.memory_space<vmem>>
      %dma_start3A_2143 = tpu.memref_squeeze %dma_start3A_2142 : memref<1x800x64xf32, #tpu.memory_space<vmem>> -> memref<800x64xf32, #tpu.memory_space<vmem>>
      %dma_start3A_2144 = arith.constant 600 : i32
      %dma_start3A_2145 = arith.constant 0 : i32
      %dma_start3A_2146 = tpu.memref_slice %dma_start3A_2143[%dma_start3A_2144, %dma_start3A_2145] : memref<800x64xf32, #tpu.memory_space<vmem>> -> memref<200x64xf32, #tpu.memory_space<vmem>>
      tpu.enqueue_dma source(%dma_start3A_2146 : memref<200x64xf32, #tpu.memory_space<vmem>>) target(%dma_start3A_2139 : memref<200x64xf32, #tpu.memory_space<hbm>>) target_semaphore(%arg11 : memref<!tpu.dma_semaphore, #tpu.memory_space<semaphore_mem>>)
      %add3A_2147 = arith.constant 1 : i32
      %add3A_2148 = arith.addi %add3A_1712, %add3A_2147 : i32
      %min3A_2149 = arith.constant 127 : i32
      %min3A_2150 = arith.minsi %add3A_2148, %min3A_2149 : i32
      %mul3A_2151 = arith.constant 4 : i32
      %mul3A_2152 = arith.muli %min3A_2150, %mul3A_2151 : i32
      %add3A_2153 = arith.addi %mul3A_2, %mul3A_2152 : i32
      %add3A_2154 = arith.constant 0 : i32
      %add3A_2155 = arith.addi %add3A_2153, %add3A_2154 : i32
      %mul3A_2156 = arith.constant 4 : i32
      %mul3A_2157 = arith.muli %min3A_2150, %mul3A_2156 : i32
      %add3A_2158 = arith.addi %mul3A_2, %mul3A_2157 : i32
      %add3A_2159 = arith.constant 1 : i32
      %add3A_2160 = arith.addi %add3A_2158, %add3A_2159 : i32
      %mul3A_2161 = arith.constant 4 : i32
      %mul3A_2162 = arith.muli %min3A_2150, %mul3A_2161 : i32
      %add3A_2163 = arith.addi %mul3A_2, %mul3A_2162 : i32
      %add3A_2164 = arith.constant 2 : i32
      %add3A_2165 = arith.addi %add3A_2163, %add3A_2164 : i32
      %mul3A_2166 = arith.constant 4 : i32
      %mul3A_2167 = arith.muli %min3A_2150, %mul3A_2166 : i32
      %add3A_2168 = arith.addi %mul3A_2, %mul3A_2167 : i32
      %add3A_2169 = arith.constant 3 : i32
      %add3A_2170 = arith.addi %add3A_2168, %add3A_2169 : i32
      %dma_start3A_2171 = arith.constant 0 : i32
      %dma_start3A_2172 = arith.constant 0 : i32
      %dma_start3A_2173 = tpu.memref_slice %arg5[%dma_start3A_2171, %dma_start3A_2172] : memref<2x800xi32, #tpu.memory_space<vmem>> -> memref<1x800xi32, #tpu.memory_space<vmem>>
      %dma_start3A_2174 = tpu.memref_squeeze %dma_start3A_2173 : memref<1x800xi32, #tpu.memory_space<vmem>> -> memref<800xi32, #tpu.memory_space<vmem>>
      %dma_start3A_2175 = arith.constant 0 : i32
      %dma_start3A_2176 = tpu.memref_slice %dma_start3A_2174[%dma_start3A_2175] : memref<800xi32, #tpu.memory_space<vmem>> -> memref<200xi32, #tpu.memory_space<vmem>>
      %dma_start3A_2177 = arith.constant 0 : i32
      %dma_start3A_2178 = tpu.memref_slice %arg2[%add3A_2155, %dma_start3A_2177] : memref<16384x200xi32, #tpu.memory_space<hbm>> -> memref<1x200xi32, #tpu.memory_space<hbm>>
      %dma_start3A_2179 = tpu.memref_squeeze %dma_start3A_2178 : memref<1x200xi32, #tpu.memory_space<hbm>> -> memref<200xi32, #tpu.memory_space<hbm>>
      %dma_start3A_2180 = arith.constant 0 : i32
      %dma_start3A_2181 = tpu.memref_slice %arg5[%dma_start3A_2171, %dma_start3A_2180] : memref<2x800xi32, #tpu.memory_space<vmem>> -> memref<1x800xi32, #tpu.memory_space<vmem>>
      %dma_start3A_2182 = tpu.memref_squeeze %dma_start3A_2181 : memref<1x800xi32, #tpu.memory_space<vmem>> -> memref<800xi32, #tpu.memory_space<vmem>>
      %dma_start3A_2183 = arith.constant 0 : i32
      %dma_start3A_2184 = tpu.memref_slice %dma_start3A_2182[%dma_start3A_2183] : memref<800xi32, #tpu.memory_space<vmem>> -> memref<200xi32, #tpu.memory_space<vmem>>
      %dma_start3A_2185 = arith.constant 0 : i32
      %dma_start3A_2186 = tpu.memref_slice %arg2[%add3A_2155, %dma_start3A_2185] : memref<16384x200xi32, #tpu.memory_space<hbm>> -> memref<1x200xi32, #tpu.memory_space<hbm>>
      %dma_start3A_2187 = tpu.memref_squeeze %dma_start3A_2186 : memref<1x200xi32, #tpu.memory_space<hbm>> -> memref<200xi32, #tpu.memory_space<hbm>>
      tpu.enqueue_dma source(%dma_start3A_2187 : memref<200xi32, #tpu.memory_space<hbm>>) target(%dma_start3A_2184 : memref<200xi32, #tpu.memory_space<vmem>>) target_semaphore(%arg7 : memref<!tpu.dma_semaphore, #tpu.memory_space<semaphore_mem>>)
      %dma_start3A_2188 = arith.constant 0 : i32
      %dma_start3A_2189 = arith.constant 0 : i32
      %dma_start3A_2190 = tpu.memref_slice %arg5[%dma_start3A_2188, %dma_start3A_2189] : memref<2x800xi32, #tpu.memory_space<vmem>> -> memref<1x800xi32, #tpu.memory_space<vmem>>
      %dma_start3A_2191 = tpu.memref_squeeze %dma_start3A_2190 : memref<1x800xi32, #tpu.memory_space<vmem>> -> memref<800xi32, #tpu.memory_space<vmem>>
      %dma_start3A_2192 = arith.constant 200 : i32
      %dma_start3A_2193 = tpu.memref_slice %dma_start3A_2191[%dma_start3A_2192] : memref<800xi32, #tpu.memory_space<vmem>> -> memref<200xi32, #tpu.memory_space<vmem>>
      %dma_start3A_2194 = arith.constant 0 : i32
      %dma_start3A_2195 = tpu.memref_slice %arg2[%add3A_2160, %dma_start3A_2194] : memref<16384x200xi32, #tpu.memory_space<hbm>> -> memref<1x200xi32, #tpu.memory_space<hbm>>
      %dma_start3A_2196 = tpu.memref_squeeze %dma_start3A_2195 : memref<1x200xi32, #tpu.memory_space<hbm>> -> memref<200xi32, #tpu.memory_space<hbm>>
      %dma_start3A_2197 = arith.constant 0 : i32
      %dma_start3A_2198 = tpu.memref_slice %arg5[%dma_start3A_2188, %dma_start3A_2197] : memref<2x800xi32, #tpu.memory_space<vmem>> -> memref<1x800xi32, #tpu.memory_space<vmem>>
      %dma_start3A_2199 = tpu.memref_squeeze %dma_start3A_2198 : memref<1x800xi32, #tpu.memory_space<vmem>> -> memref<800xi32, #tpu.memory_space<vmem>>
      %dma_start3A_2200 = arith.constant 200 : i32
      %dma_start3A_2201 = tpu.memref_slice %dma_start3A_2199[%dma_start3A_2200] : memref<800xi32, #tpu.memory_space<vmem>> -> memref<200xi32, #tpu.memory_space<vmem>>
      %dma_start3A_2202 = arith.constant 0 : i32
      %dma_start3A_2203 = tpu.memref_slice %arg2[%add3A_2160, %dma_start3A_2202] : memref<16384x200xi32, #tpu.memory_space<hbm>> -> memref<1x200xi32, #tpu.memory_space<hbm>>
      %dma_start3A_2204 = tpu.memref_squeeze %dma_start3A_2203 : memref<1x200xi32, #tpu.memory_space<hbm>> -> memref<200xi32, #tpu.memory_space<hbm>>
      tpu.enqueue_dma source(%dma_start3A_2204 : memref<200xi32, #tpu.memory_space<hbm>>) target(%dma_start3A_2201 : memref<200xi32, #tpu.memory_space<vmem>>) target_semaphore(%arg7 : memref<!tpu.dma_semaphore, #tpu.memory_space<semaphore_mem>>)
      %dma_start3A_2205 = arith.constant 0 : i32
      %dma_start3A_2206 = arith.constant 0 : i32
      %dma_start3A_2207 = tpu.memref_slice %arg5[%dma_start3A_2205, %dma_start3A_2206] : memref<2x800xi32, #tpu.memory_space<vmem>> -> memref<1x800xi32, #tpu.memory_space<vmem>>
      %dma_start3A_2208 = tpu.memref_squeeze %dma_start3A_2207 : memref<1x800xi32, #tpu.memory_space<vmem>> -> memref<800xi32, #tpu.memory_space<vmem>>
      %dma_start3A_2209 = arith.constant 400 : i32
      %dma_start3A_2210 = tpu.memref_slice %dma_start3A_2208[%dma_start3A_2209] : memref<800xi32, #tpu.memory_space<vmem>> -> memref<200xi32, #tpu.memory_space<vmem>>
      %dma_start3A_2211 = arith.constant 0 : i32
      %dma_start3A_2212 = tpu.memref_slice %arg2[%add3A_2165, %dma_start3A_2211] : memref<16384x200xi32, #tpu.memory_space<hbm>> -> memref<1x200xi32, #tpu.memory_space<hbm>>
      %dma_start3A_2213 = tpu.memref_squeeze %dma_start3A_2212 : memref<1x200xi32, #tpu.memory_space<hbm>> -> memref<200xi32, #tpu.memory_space<hbm>>
      %dma_start3A_2214 = arith.constant 0 : i32
      %dma_start3A_2215 = tpu.memref_slice %arg5[%dma_start3A_2205, %dma_start3A_2214] : memref<2x800xi32, #tpu.memory_space<vmem>> -> memref<1x800xi32, #tpu.memory_space<vmem>>
      %dma_start3A_2216 = tpu.memref_squeeze %dma_start3A_2215 : memref<1x800xi32, #tpu.memory_space<vmem>> -> memref<800xi32, #tpu.memory_space<vmem>>
      %dma_start3A_2217 = arith.constant 400 : i32
      %dma_start3A_2218 = tpu.memref_slice %dma_start3A_2216[%dma_start3A_2217] : memref<800xi32, #tpu.memory_space<vmem>> -> memref<200xi32, #tpu.memory_space<vmem>>
      %dma_start3A_2219 = arith.constant 0 : i32
      %dma_start3A_2220 = tpu.memref_slice %arg2[%add3A_2165, %dma_start3A_2219] : memref<16384x200xi32, #tpu.memory_space<hbm>> -> memref<1x200xi32, #tpu.memory_space<hbm>>
      %dma_start3A_2221 = tpu.memref_squeeze %dma_start3A_2220 : memref<1x200xi32, #tpu.memory_space<hbm>> -> memref<200xi32, #tpu.memory_space<hbm>>
      tpu.enqueue_dma source(%dma_start3A_2221 : memref<200xi32, #tpu.memory_space<hbm>>) target(%dma_start3A_2218 : memref<200xi32, #tpu.memory_space<vmem>>) target_semaphore(%arg7 : memref<!tpu.dma_semaphore, #tpu.memory_space<semaphore_mem>>)
      %dma_start3A_2222 = arith.constant 0 : i32
      %dma_start3A_2223 = arith.constant 0 : i32
      %dma_start3A_2224 = tpu.memref_slice %arg5[%dma_start3A_2222, %dma_start3A_2223] : memref<2x800xi32, #tpu.memory_space<vmem>> -> memref<1x800xi32, #tpu.memory_space<vmem>>
      %dma_start3A_2225 = tpu.memref_squeeze %dma_start3A_2224 : memref<1x800xi32, #tpu.memory_space<vmem>> -> memref<800xi32, #tpu.memory_space<vmem>>
      %dma_start3A_2226 = arith.constant 600 : i32
      %dma_start3A_2227 = tpu.memref_slice %dma_start3A_2225[%dma_start3A_2226] : memref<800xi32, #tpu.memory_space<vmem>> -> memref<200xi32, #tpu.memory_space<vmem>>
      %dma_start3A_2228 = arith.constant 0 : i32
      %dma_start3A_2229 = tpu.memref_slice %arg2[%add3A_2170, %dma_start3A_2228] : memref<16384x200xi32, #tpu.memory_space<hbm>> -> memref<1x200xi32, #tpu.memory_space<hbm>>
      %dma_start3A_2230 = tpu.memref_squeeze %dma_start3A_2229 : memref<1x200xi32, #tpu.memory_space<hbm>> -> memref<200xi32, #tpu.memory_space<hbm>>
      %dma_start3A_2231 = arith.constant 0 : i32
      %dma_start3A_2232 = tpu.memref_slice %arg5[%dma_start3A_2222, %dma_start3A_2231] : memref<2x800xi32, #tpu.memory_space<vmem>> -> memref<1x800xi32, #tpu.memory_space<vmem>>
      %dma_start3A_2233 = tpu.memref_squeeze %dma_start3A_2232 : memref<1x800xi32, #tpu.memory_space<vmem>> -> memref<800xi32, #tpu.memory_space<vmem>>
      %dma_start3A_2234 = arith.constant 600 : i32
      %dma_start3A_2235 = tpu.memref_slice %dma_start3A_2233[%dma_start3A_2234] : memref<800xi32, #tpu.memory_space<vmem>> -> memref<200xi32, #tpu.memory_space<vmem>>
      %dma_start3A_2236 = arith.constant 0 : i32
      %dma_start3A_2237 = tpu.memref_slice %arg2[%add3A_2170, %dma_start3A_2236] : memref<16384x200xi32, #tpu.memory_space<hbm>> -> memref<1x200xi32, #tpu.memory_space<hbm>>
      %dma_start3A_2238 = tpu.memref_squeeze %dma_start3A_2237 : memref<1x200xi32, #tpu.memory_space<hbm>> -> memref<200xi32, #tpu.memory_space<hbm>>
      tpu.enqueue_dma source(%dma_start3A_2238 : memref<200xi32, #tpu.memory_space<hbm>>) target(%dma_start3A_2235 : memref<200xi32, #tpu.memory_space<vmem>>) target_semaphore(%arg7 : memref<!tpu.dma_semaphore, #tpu.memory_space<semaphore_mem>>)
      %scan3A_2239 = arith.constant 0 : i32
      scf.yield %scan3A_2239 : i32
    }
    %scan3A_779 = arith.constant 63 : i32
    %add3A_780 = arith.constant 508 : i32
    %add3A_781 = arith.addi %mul3A_2, %add3A_780 : i32
    %add3A_782 = arith.constant 0 : i32
    %add3A_783 = arith.addi %add3A_781, %add3A_782 : i32
    %add3A_784 = arith.constant 508 : i32
    %add3A_785 = arith.addi %mul3A_2, %add3A_784 : i32
    %add3A_786 = arith.constant 1 : i32
    %add3A_787 = arith.addi %add3A_785, %add3A_786 : i32
    %add3A_788 = arith.constant 508 : i32
    %add3A_789 = arith.addi %mul3A_2, %add3A_788 : i32
    %add3A_790 = arith.constant 2 : i32
    %add3A_791 = arith.addi %add3A_789, %add3A_790 : i32
    %add3A_792 = arith.constant 508 : i32
    %add3A_793 = arith.addi %mul3A_2, %add3A_792 : i32
    %add3A_794 = arith.constant 3 : i32
    %add3A_795 = arith.addi %add3A_793, %add3A_794 : i32
    %dma_wait3A_796 = arith.constant 0 : i32
    %dma_wait3A_797 = arith.constant 0 : i32
    %dma_wait3A_798 = tpu.memref_slice %arg5[%dma_wait3A_796, %dma_wait3A_797] : memref<2x800xi32, #tpu.memory_space<vmem>> -> memref<1x800xi32, #tpu.memory_space<vmem>>
    %dma_wait3A_799 = tpu.memref_squeeze %dma_wait3A_798 : memref<1x800xi32, #tpu.memory_space<vmem>> -> memref<800xi32, #tpu.memory_space<vmem>>
    %dma_wait3A_800 = arith.constant 0 : i32
    %dma_wait3A_801 = tpu.memref_slice %dma_wait3A_799[%dma_wait3A_800] : memref<800xi32, #tpu.memory_space<vmem>> -> memref<200xi32, #tpu.memory_space<vmem>>
    %dma_wait3A_802 = arith.constant 0 : i32
    %dma_wait3A_803 = tpu.memref_slice %arg2[%add3A_783, %dma_wait3A_802] : memref<16384x200xi32, #tpu.memory_space<hbm>> -> memref<1x200xi32, #tpu.memory_space<hbm>>
    %dma_wait3A_804 = tpu.memref_squeeze %dma_wait3A_803 : memref<1x200xi32, #tpu.memory_space<hbm>> -> memref<200xi32, #tpu.memory_space<hbm>>
    %dma_wait3A_805 = arith.constant 0 : i32
    %dma_wait3A_806 = tpu.memref_slice %arg5[%dma_wait3A_796, %dma_wait3A_805] : memref<2x800xi32, #tpu.memory_space<vmem>> -> memref<1x800xi32, #tpu.memory_space<vmem>>
    %dma_wait3A_807 = tpu.memref_squeeze %dma_wait3A_806 : memref<1x800xi32, #tpu.memory_space<vmem>> -> memref<800xi32, #tpu.memory_space<vmem>>
    %dma_wait3A_808 = arith.constant 0 : i32
    %dma_wait3A_809 = tpu.memref_slice %dma_wait3A_807[%dma_wait3A_808] : memref<800xi32, #tpu.memory_space<vmem>> -> memref<200xi32, #tpu.memory_space<vmem>>
    %dma_wait3A_810 = arith.constant 0 : i32
    %dma_wait3A_811 = tpu.memref_slice %arg2[%add3A_783, %dma_wait3A_810] : memref<16384x200xi32, #tpu.memory_space<hbm>> -> memref<1x200xi32, #tpu.memory_space<hbm>>
    %dma_wait3A_812 = tpu.memref_squeeze %dma_wait3A_811 : memref<1x200xi32, #tpu.memory_space<hbm>> -> memref<200xi32, #tpu.memory_space<hbm>>
    tpu.wait_dma2 semaphore(%arg7 : memref<!tpu.dma_semaphore, #tpu.memory_space<semaphore_mem>>) src(%dma_wait3A_812 : memref<200xi32, #tpu.memory_space<hbm>>) dst(%dma_wait3A_809 : memref<200xi32, #tpu.memory_space<vmem>>)
    %dma_wait3A_813 = arith.constant 0 : i32
    %dma_wait3A_814 = arith.constant 0 : i32
    %dma_wait3A_815 = tpu.memref_slice %arg5[%dma_wait3A_813, %dma_wait3A_814] : memref<2x800xi32, #tpu.memory_space<vmem>> -> memref<1x800xi32, #tpu.memory_space<vmem>>
    %dma_wait3A_816 = tpu.memref_squeeze %dma_wait3A_815 : memref<1x800xi32, #tpu.memory_space<vmem>> -> memref<800xi32, #tpu.memory_space<vmem>>
    %dma_wait3A_817 = arith.constant 200 : i32
    %dma_wait3A_818 = tpu.memref_slice %dma_wait3A_816[%dma_wait3A_817] : memref<800xi32, #tpu.memory_space<vmem>> -> memref<200xi32, #tpu.memory_space<vmem>>
    %dma_wait3A_819 = arith.constant 0 : i32
    %dma_wait3A_820 = tpu.memref_slice %arg2[%add3A_787, %dma_wait3A_819] : memref<16384x200xi32, #tpu.memory_space<hbm>> -> memref<1x200xi32, #tpu.memory_space<hbm>>
    %dma_wait3A_821 = tpu.memref_squeeze %dma_wait3A_820 : memref<1x200xi32, #tpu.memory_space<hbm>> -> memref<200xi32, #tpu.memory_space<hbm>>
    %dma_wait3A_822 = arith.constant 0 : i32
    %dma_wait3A_823 = tpu.memref_slice %arg5[%dma_wait3A_813, %dma_wait3A_822] : memref<2x800xi32, #tpu.memory_space<vmem>> -> memref<1x800xi32, #tpu.memory_space<vmem>>
    %dma_wait3A_824 = tpu.memref_squeeze %dma_wait3A_823 : memref<1x800xi32, #tpu.memory_space<vmem>> -> memref<800xi32, #tpu.memory_space<vmem>>
    %dma_wait3A_825 = arith.constant 200 : i32
    %dma_wait3A_826 = tpu.memref_slice %dma_wait3A_824[%dma_wait3A_825] : memref<800xi32, #tpu.memory_space<vmem>> -> memref<200xi32, #tpu.memory_space<vmem>>
    %dma_wait3A_827 = arith.constant 0 : i32
    %dma_wait3A_828 = tpu.memref_slice %arg2[%add3A_787, %dma_wait3A_827] : memref<16384x200xi32, #tpu.memory_space<hbm>> -> memref<1x200xi32, #tpu.memory_space<hbm>>
    %dma_wait3A_829 = tpu.memref_squeeze %dma_wait3A_828 : memref<1x200xi32, #tpu.memory_space<hbm>> -> memref<200xi32, #tpu.memory_space<hbm>>
    tpu.wait_dma2 semaphore(%arg7 : memref<!tpu.dma_semaphore, #tpu.memory_space<semaphore_mem>>) src(%dma_wait3A_829 : memref<200xi32, #tpu.memory_space<hbm>>) dst(%dma_wait3A_826 : memref<200xi32, #tpu.memory_space<vmem>>)
    %dma_wait3A_830 = arith.constant 0 : i32
    %dma_wait3A_831 = arith.constant 0 : i32
    %dma_wait3A_832 = tpu.memref_slice %arg5[%dma_wait3A_830, %dma_wait3A_831] : memref<2x800xi32, #tpu.memory_space<vmem>> -> memref<1x800xi32, #tpu.memory_space<vmem>>
    %dma_wait3A_833 = tpu.memref_squeeze %dma_wait3A_832 : memref<1x800xi32, #tpu.memory_space<vmem>> -> memref<800xi32, #tpu.memory_space<vmem>>
    %dma_wait3A_834 = arith.constant 400 : i32
    %dma_wait3A_835 = tpu.memref_slice %dma_wait3A_833[%dma_wait3A_834] : memref<800xi32, #tpu.memory_space<vmem>> -> memref<200xi32, #tpu.memory_space<vmem>>
    %dma_wait3A_836 = arith.constant 0 : i32
    %dma_wait3A_837 = tpu.memref_slice %arg2[%add3A_791, %dma_wait3A_836] : memref<16384x200xi32, #tpu.memory_space<hbm>> -> memref<1x200xi32, #tpu.memory_space<hbm>>
    %dma_wait3A_838 = tpu.memref_squeeze %dma_wait3A_837 : memref<1x200xi32, #tpu.memory_space<hbm>> -> memref<200xi32, #tpu.memory_space<hbm>>
    %dma_wait3A_839 = arith.constant 0 : i32
    %dma_wait3A_840 = tpu.memref_slice %arg5[%dma_wait3A_830, %dma_wait3A_839] : memref<2x800xi32, #tpu.memory_space<vmem>> -> memref<1x800xi32, #tpu.memory_space<vmem>>
    %dma_wait3A_841 = tpu.memref_squeeze %dma_wait3A_840 : memref<1x800xi32, #tpu.memory_space<vmem>> -> memref<800xi32, #tpu.memory_space<vmem>>
    %dma_wait3A_842 = arith.constant 400 : i32
    %dma_wait3A_843 = tpu.memref_slice %dma_wait3A_841[%dma_wait3A_842] : memref<800xi32, #tpu.memory_space<vmem>> -> memref<200xi32, #tpu.memory_space<vmem>>
    %dma_wait3A_844 = arith.constant 0 : i32
    %dma_wait3A_845 = tpu.memref_slice %arg2[%add3A_791, %dma_wait3A_844] : memref<16384x200xi32, #tpu.memory_space<hbm>> -> memref<1x200xi32, #tpu.memory_space<hbm>>
    %dma_wait3A_846 = tpu.memref_squeeze %dma_wait3A_845 : memref<1x200xi32, #tpu.memory_space<hbm>> -> memref<200xi32, #tpu.memory_space<hbm>>
    tpu.wait_dma2 semaphore(%arg7 : memref<!tpu.dma_semaphore, #tpu.memory_space<semaphore_mem>>) src(%dma_wait3A_846 : memref<200xi32, #tpu.memory_space<hbm>>) dst(%dma_wait3A_843 : memref<200xi32, #tpu.memory_space<vmem>>)
    %dma_wait3A_847 = arith.constant 0 : i32
    %dma_wait3A_848 = arith.constant 0 : i32
    %dma_wait3A_849 = tpu.memref_slice %arg5[%dma_wait3A_847, %dma_wait3A_848] : memref<2x800xi32, #tpu.memory_space<vmem>> -> memref<1x800xi32, #tpu.memory_space<vmem>>
    %dma_wait3A_850 = tpu.memref_squeeze %dma_wait3A_849 : memref<1x800xi32, #tpu.memory_space<vmem>> -> memref<800xi32, #tpu.memory_space<vmem>>
    %dma_wait3A_851 = arith.constant 600 : i32
    %dma_wait3A_852 = tpu.memref_slice %dma_wait3A_850[%dma_wait3A_851] : memref<800xi32, #tpu.memory_space<vmem>> -> memref<200xi32, #tpu.memory_space<vmem>>
    %dma_wait3A_853 = arith.constant 0 : i32
    %dma_wait3A_854 = tpu.memref_slice %arg2[%add3A_795, %dma_wait3A_853] : memref<16384x200xi32, #tpu.memory_space<hbm>> -> memref<1x200xi32, #tpu.memory_space<hbm>>
    %dma_wait3A_855 = tpu.memref_squeeze %dma_wait3A_854 : memref<1x200xi32, #tpu.memory_space<hbm>> -> memref<200xi32, #tpu.memory_space<hbm>>
    %dma_wait3A_856 = arith.constant 0 : i32
    %dma_wait3A_857 = tpu.memref_slice %arg5[%dma_wait3A_847, %dma_wait3A_856] : memref<2x800xi32, #tpu.memory_space<vmem>> -> memref<1x800xi32, #tpu.memory_space<vmem>>
    %dma_wait3A_858 = tpu.memref_squeeze %dma_wait3A_857 : memref<1x800xi32, #tpu.memory_space<vmem>> -> memref<800xi32, #tpu.memory_space<vmem>>
    %dma_wait3A_859 = arith.constant 600 : i32
    %dma_wait3A_860 = tpu.memref_slice %dma_wait3A_858[%dma_wait3A_859] : memref<800xi32, #tpu.memory_space<vmem>> -> memref<200xi32, #tpu.memory_space<vmem>>
    %dma_wait3A_861 = arith.constant 0 : i32
    %dma_wait3A_862 = tpu.memref_slice %arg2[%add3A_795, %dma_wait3A_861] : memref<16384x200xi32, #tpu.memory_space<hbm>> -> memref<1x200xi32, #tpu.memory_space<hbm>>
    %dma_wait3A_863 = tpu.memref_squeeze %dma_wait3A_862 : memref<1x200xi32, #tpu.memory_space<hbm>> -> memref<200xi32, #tpu.memory_space<hbm>>
    tpu.wait_dma2 semaphore(%arg7 : memref<!tpu.dma_semaphore, #tpu.memory_space<semaphore_mem>>) src(%dma_wait3A_863 : memref<200xi32, #tpu.memory_space<hbm>>) dst(%dma_wait3A_860 : memref<200xi32, #tpu.memory_space<vmem>>)
    %dma_wait3A_864 = arith.constant 1 : i32
    %dma_wait3A_865 = arith.constant 0 : i32
    %dma_wait3A_866 = arith.constant 0 : i32
    %dma_wait3A_867 = tpu.memref_slice %arg6[%dma_wait3A_864, %dma_wait3A_865, %dma_wait3A_866] : memref<2x800x64xf32, #tpu.memory_space<vmem>> -> memref<1x800x64xf32, #tpu.memory_space<vmem>>
    %dma_wait3A_868 = tpu.memref_squeeze %dma_wait3A_867 : memref<1x800x64xf32, #tpu.memory_space<vmem>> -> memref<800x64xf32, #tpu.memory_space<vmem>>
    %dma_wait3A_869 = arith.constant 0 : i32
    %dma_wait3A_870 = arith.constant 0 : i32
    %dma_wait3A_871 = tpu.memref_slice %arg3[%dma_wait3A_869, %dma_wait3A_870] : memref<2000000x64xf32, #tpu.memory_space<hbm>> -> memref<800x64xf32, #tpu.memory_space<hbm>>
    %dma_wait3A_872 = arith.constant 0 : i32
    %dma_wait3A_873 = arith.constant 0 : i32
    %dma_wait3A_874 = tpu.memref_slice %arg6[%dma_wait3A_864, %dma_wait3A_872, %dma_wait3A_873] : memref<2x800x64xf32, #tpu.memory_space<vmem>> -> memref<1x800x64xf32, #tpu.memory_space<vmem>>
    %dma_wait3A_875 = tpu.memref_squeeze %dma_wait3A_874 : memref<1x800x64xf32, #tpu.memory_space<vmem>> -> memref<800x64xf32, #tpu.memory_space<vmem>>
    %dma_wait3A_876 = arith.constant 0 : i32
    %dma_wait3A_877 = arith.constant 0 : i32
    %dma_wait3A_878 = tpu.memref_slice %arg3[%dma_wait3A_876, %dma_wait3A_877] : memref<2000000x64xf32, #tpu.memory_space<hbm>> -> memref<800x64xf32, #tpu.memory_space<hbm>>
    tpu.wait_dma2 semaphore(%arg10 : memref<!tpu.dma_semaphore, #tpu.memory_space<semaphore_mem>>) src(%dma_wait3A_878 : memref<800x64xf32, #tpu.memory_space<hbm>>) dst(%dma_wait3A_875 : memref<800x64xf32, #tpu.memory_space<vmem>>)
    %add3A_879 = arith.constant 508 : i32
    %add3A_880 = arith.addi %mul3A_2, %add3A_879 : i32
    %add3A_881 = arith.constant 0 : i32
    %add3A_882 = arith.addi %add3A_880, %add3A_881 : i32
    %mul3A_883 = arith.constant 200 : i32
    %mul3A_884 = arith.muli %add3A_882, %mul3A_883 : i32
    %add3A_885 = arith.constant 508 : i32
    %add3A_886 = arith.addi %mul3A_2, %add3A_885 : i32
    %add3A_887 = arith.constant 1 : i32
    %add3A_888 = arith.addi %add3A_886, %add3A_887 : i32
    %mul3A_889 = arith.constant 200 : i32
    %mul3A_890 = arith.muli %add3A_888, %mul3A_889 : i32
    %add3A_891 = arith.constant 508 : i32
    %add3A_892 = arith.addi %mul3A_2, %add3A_891 : i32
    %add3A_893 = arith.constant 2 : i32
    %add3A_894 = arith.addi %add3A_892, %add3A_893 : i32
    %mul3A_895 = arith.constant 200 : i32
    %mul3A_896 = arith.muli %add3A_894, %mul3A_895 : i32
    %add3A_897 = arith.constant 508 : i32
    %add3A_898 = arith.addi %mul3A_2, %add3A_897 : i32
    %add3A_899 = arith.constant 3 : i32
    %add3A_900 = arith.addi %add3A_898, %add3A_899 : i32
    %mul3A_901 = arith.constant 200 : i32
    %mul3A_902 = arith.muli %add3A_900, %mul3A_901 : i32
    %dma_start3A_903 = arith.constant 1 : i32
    %dma_start3A_904 = arith.constant 0 : i32
    %dma_start3A_905 = arith.constant 0 : i32
    %dma_start3A_906 = tpu.memref_slice %arg6[%dma_start3A_903, %dma_start3A_904, %dma_start3A_905] : memref<2x800x64xf32, #tpu.memory_space<vmem>> -> memref<1x800x64xf32, #tpu.memory_space<vmem>>
    %dma_start3A_907 = tpu.memref_squeeze %dma_start3A_906 : memref<1x800x64xf32, #tpu.memory_space<vmem>> -> memref<800x64xf32, #tpu.memory_space<vmem>>
    %dma_start3A_908 = arith.constant 0 : i32
    %dma_start3A_909 = arith.constant 0 : i32
    %dma_start3A_910 = tpu.memref_slice %dma_start3A_907[%dma_start3A_908, %dma_start3A_909] : memref<800x64xf32, #tpu.memory_space<vmem>> -> memref<200x64xf32, #tpu.memory_space<vmem>>
    %dma_start3A_911 = arith.constant 0 : i32
    %dma_start3A_912 = tpu.memref_slice %arg4[%mul3A_884, %dma_start3A_911] : memref<3276800x128xf32, #tpu.memory_space<hbm>> -> memref<200x64xf32, #tpu.memory_space<hbm>>
    %dma_start3A_913 = arith.constant 0 : i32
    %dma_start3A_914 = tpu.memref_slice %arg4[%mul3A_884, %dma_start3A_913] : memref<3276800x128xf32, #tpu.memory_space<hbm>> -> memref<200x64xf32, #tpu.memory_space<hbm>>
    %dma_start3A_915 = arith.constant 0 : i32
    %dma_start3A_916 = arith.constant 0 : i32
    %dma_start3A_917 = tpu.memref_slice %arg6[%dma_start3A_903, %dma_start3A_915, %dma_start3A_916] : memref<2x800x64xf32, #tpu.memory_space<vmem>> -> memref<1x800x64xf32, #tpu.memory_space<vmem>>
    %dma_start3A_918 = tpu.memref_squeeze %dma_start3A_917 : memref<1x800x64xf32, #tpu.memory_space<vmem>> -> memref<800x64xf32, #tpu.memory_space<vmem>>
    %dma_start3A_919 = arith.constant 0 : i32
    %dma_start3A_920 = arith.constant 0 : i32
    %dma_start3A_921 = tpu.memref_slice %dma_start3A_918[%dma_start3A_919, %dma_start3A_920] : memref<800x64xf32, #tpu.memory_space<vmem>> -> memref<200x64xf32, #tpu.memory_space<vmem>>
    tpu.enqueue_dma source(%dma_start3A_921 : memref<200x64xf32, #tpu.memory_space<vmem>>) target(%dma_start3A_914 : memref<200x64xf32, #tpu.memory_space<hbm>>) target_semaphore(%arg12 : memref<!tpu.dma_semaphore, #tpu.memory_space<semaphore_mem>>)
    %dma_start3A_922 = arith.constant 1 : i32
    %dma_start3A_923 = arith.constant 0 : i32
    %dma_start3A_924 = arith.constant 0 : i32
    %dma_start3A_925 = tpu.memref_slice %arg6[%dma_start3A_922, %dma_start3A_923, %dma_start3A_924] : memref<2x800x64xf32, #tpu.memory_space<vmem>> -> memref<1x800x64xf32, #tpu.memory_space<vmem>>
    %dma_start3A_926 = tpu.memref_squeeze %dma_start3A_925 : memref<1x800x64xf32, #tpu.memory_space<vmem>> -> memref<800x64xf32, #tpu.memory_space<vmem>>
    %dma_start3A_927 = arith.constant 200 : i32
    %dma_start3A_928 = arith.constant 0 : i32
    %dma_start3A_929 = tpu.memref_slice %dma_start3A_926[%dma_start3A_927, %dma_start3A_928] : memref<800x64xf32, #tpu.memory_space<vmem>> -> memref<200x64xf32, #tpu.memory_space<vmem>>
    %dma_start3A_930 = arith.constant 0 : i32
    %dma_start3A_931 = tpu.memref_slice %arg4[%mul3A_890, %dma_start3A_930] : memref<3276800x128xf32, #tpu.memory_space<hbm>> -> memref<200x64xf32, #tpu.memory_space<hbm>>
    %dma_start3A_932 = arith.constant 0 : i32
    %dma_start3A_933 = tpu.memref_slice %arg4[%mul3A_890, %dma_start3A_932] : memref<3276800x128xf32, #tpu.memory_space<hbm>> -> memref<200x64xf32, #tpu.memory_space<hbm>>
    %dma_start3A_934 = arith.constant 0 : i32
    %dma_start3A_935 = arith.constant 0 : i32
    %dma_start3A_936 = tpu.memref_slice %arg6[%dma_start3A_922, %dma_start3A_934, %dma_start3A_935] : memref<2x800x64xf32, #tpu.memory_space<vmem>> -> memref<1x800x64xf32, #tpu.memory_space<vmem>>
    %dma_start3A_937 = tpu.memref_squeeze %dma_start3A_936 : memref<1x800x64xf32, #tpu.memory_space<vmem>> -> memref<800x64xf32, #tpu.memory_space<vmem>>
    %dma_start3A_938 = arith.constant 200 : i32
    %dma_start3A_939 = arith.constant 0 : i32
    %dma_start3A_940 = tpu.memref_slice %dma_start3A_937[%dma_start3A_938, %dma_start3A_939] : memref<800x64xf32, #tpu.memory_space<vmem>> -> memref<200x64xf32, #tpu.memory_space<vmem>>
    tpu.enqueue_dma source(%dma_start3A_940 : memref<200x64xf32, #tpu.memory_space<vmem>>) target(%dma_start3A_933 : memref<200x64xf32, #tpu.memory_space<hbm>>) target_semaphore(%arg12 : memref<!tpu.dma_semaphore, #tpu.memory_space<semaphore_mem>>)
    %dma_start3A_941 = arith.constant 1 : i32
    %dma_start3A_942 = arith.constant 0 : i32
    %dma_start3A_943 = arith.constant 0 : i32
    %dma_start3A_944 = tpu.memref_slice %arg6[%dma_start3A_941, %dma_start3A_942, %dma_start3A_943] : memref<2x800x64xf32, #tpu.memory_space<vmem>> -> memref<1x800x64xf32, #tpu.memory_space<vmem>>
    %dma_start3A_945 = tpu.memref_squeeze %dma_start3A_944 : memref<1x800x64xf32, #tpu.memory_space<vmem>> -> memref<800x64xf32, #tpu.memory_space<vmem>>
    %dma_start3A_946 = arith.constant 400 : i32
    %dma_start3A_947 = arith.constant 0 : i32
    %dma_start3A_948 = tpu.memref_slice %dma_start3A_945[%dma_start3A_946, %dma_start3A_947] : memref<800x64xf32, #tpu.memory_space<vmem>> -> memref<200x64xf32, #tpu.memory_space<vmem>>
    %dma_start3A_949 = arith.constant 0 : i32
    %dma_start3A_950 = tpu.memref_slice %arg4[%mul3A_896, %dma_start3A_949] : memref<3276800x128xf32, #tpu.memory_space<hbm>> -> memref<200x64xf32, #tpu.memory_space<hbm>>
    %dma_start3A_951 = arith.constant 0 : i32
    %dma_start3A_952 = tpu.memref_slice %arg4[%mul3A_896, %dma_start3A_951] : memref<3276800x128xf32, #tpu.memory_space<hbm>> -> memref<200x64xf32, #tpu.memory_space<hbm>>
    %dma_start3A_953 = arith.constant 0 : i32
    %dma_start3A_954 = arith.constant 0 : i32
    %dma_start3A_955 = tpu.memref_slice %arg6[%dma_start3A_941, %dma_start3A_953, %dma_start3A_954] : memref<2x800x64xf32, #tpu.memory_space<vmem>> -> memref<1x800x64xf32, #tpu.memory_space<vmem>>
    %dma_start3A_956 = tpu.memref_squeeze %dma_start3A_955 : memref<1x800x64xf32, #tpu.memory_space<vmem>> -> memref<800x64xf32, #tpu.memory_space<vmem>>
    %dma_start3A_957 = arith.constant 400 : i32
    %dma_start3A_958 = arith.constant 0 : i32
    %dma_start3A_959 = tpu.memref_slice %dma_start3A_956[%dma_start3A_957, %dma_start3A_958] : memref<800x64xf32, #tpu.memory_space<vmem>> -> memref<200x64xf32, #tpu.memory_space<vmem>>
    tpu.enqueue_dma source(%dma_start3A_959 : memref<200x64xf32, #tpu.memory_space<vmem>>) target(%dma_start3A_952 : memref<200x64xf32, #tpu.memory_space<hbm>>) target_semaphore(%arg12 : memref<!tpu.dma_semaphore, #tpu.memory_space<semaphore_mem>>)
    %dma_start3A_960 = arith.constant 1 : i32
    %dma_start3A_961 = arith.constant 0 : i32
    %dma_start3A_962 = arith.constant 0 : i32
    %dma_start3A_963 = tpu.memref_slice %arg6[%dma_start3A_960, %dma_start3A_961, %dma_start3A_962] : memref<2x800x64xf32, #tpu.memory_space<vmem>> -> memref<1x800x64xf32, #tpu.memory_space<vmem>>
    %dma_start3A_964 = tpu.memref_squeeze %dma_start3A_963 : memref<1x800x64xf32, #tpu.memory_space<vmem>> -> memref<800x64xf32, #tpu.memory_space<vmem>>
    %dma_start3A_965 = arith.constant 600 : i32
    %dma_start3A_966 = arith.constant 0 : i32
    %dma_start3A_967 = tpu.memref_slice %dma_start3A_964[%dma_start3A_965, %dma_start3A_966] : memref<800x64xf32, #tpu.memory_space<vmem>> -> memref<200x64xf32, #tpu.memory_space<vmem>>
    %dma_start3A_968 = arith.constant 0 : i32
    %dma_start3A_969 = tpu.memref_slice %arg4[%mul3A_902, %dma_start3A_968] : memref<3276800x128xf32, #tpu.memory_space<hbm>> -> memref<200x64xf32, #tpu.memory_space<hbm>>
    %dma_start3A_970 = arith.constant 0 : i32
    %dma_start3A_971 = tpu.memref_slice %arg4[%mul3A_902, %dma_start3A_970] : memref<3276800x128xf32, #tpu.memory_space<hbm>> -> memref<200x64xf32, #tpu.memory_space<hbm>>
    %dma_start3A_972 = arith.constant 0 : i32
    %dma_start3A_973 = arith.constant 0 : i32
    %dma_start3A_974 = tpu.memref_slice %arg6[%dma_start3A_960, %dma_start3A_972, %dma_start3A_973] : memref<2x800x64xf32, #tpu.memory_space<vmem>> -> memref<1x800x64xf32, #tpu.memory_space<vmem>>
    %dma_start3A_975 = tpu.memref_squeeze %dma_start3A_974 : memref<1x800x64xf32, #tpu.memory_space<vmem>> -> memref<800x64xf32, #tpu.memory_space<vmem>>
    %dma_start3A_976 = arith.constant 600 : i32
    %dma_start3A_977 = arith.constant 0 : i32
    %dma_start3A_978 = tpu.memref_slice %dma_start3A_975[%dma_start3A_976, %dma_start3A_977] : memref<800x64xf32, #tpu.memory_space<vmem>> -> memref<200x64xf32, #tpu.memory_space<vmem>>
    tpu.enqueue_dma source(%dma_start3A_978 : memref<200x64xf32, #tpu.memory_space<vmem>>) target(%dma_start3A_971 : memref<200x64xf32, #tpu.memory_space<hbm>>) target_semaphore(%arg12 : memref<!tpu.dma_semaphore, #tpu.memory_space<semaphore_mem>>)
    %add3A_979 = arith.constant 504 : i32
    %add3A_980 = arith.addi %mul3A_2, %add3A_979 : i32
    %add3A_981 = arith.constant 0 : i32
    %add3A_982 = arith.addi %add3A_980, %add3A_981 : i32
    %mul3A_983 = arith.constant 200 : i32
    %mul3A_984 = arith.muli %add3A_982, %mul3A_983 : i32
    %add3A_985 = arith.constant 504 : i32
    %add3A_986 = arith.addi %mul3A_2, %add3A_985 : i32
    %add3A_987 = arith.constant 1 : i32
    %add3A_988 = arith.addi %add3A_986, %add3A_987 : i32
    %mul3A_989 = arith.constant 200 : i32
    %mul3A_990 = arith.muli %add3A_988, %mul3A_989 : i32
    %add3A_991 = arith.constant 504 : i32
    %add3A_992 = arith.addi %mul3A_2, %add3A_991 : i32
    %add3A_993 = arith.constant 2 : i32
    %add3A_994 = arith.addi %add3A_992, %add3A_993 : i32
    %mul3A_995 = arith.constant 200 : i32
    %mul3A_996 = arith.muli %add3A_994, %mul3A_995 : i32
    %add3A_997 = arith.constant 504 : i32
    %add3A_998 = arith.addi %mul3A_2, %add3A_997 : i32
    %add3A_999 = arith.constant 3 : i32
    %add3A_1000 = arith.addi %add3A_998, %add3A_999 : i32
    %mul3A_1001 = arith.constant 200 : i32
    %mul3A_1002 = arith.muli %add3A_1000, %mul3A_1001 : i32
    %dma_wait3A_1003 = arith.constant 0 : i32
    %dma_wait3A_1004 = arith.constant 0 : i32
    %dma_wait3A_1005 = arith.constant 0 : i32
    %dma_wait3A_1006 = tpu.memref_slice %arg6[%dma_wait3A_1003, %dma_wait3A_1004, %dma_wait3A_1005] : memref<2x800x64xf32, #tpu.memory_space<vmem>> -> memref<1x800x64xf32, #tpu.memory_space<vmem>>
    %dma_wait3A_1007 = tpu.memref_squeeze %dma_wait3A_1006 : memref<1x800x64xf32, #tpu.memory_space<vmem>> -> memref<800x64xf32, #tpu.memory_space<vmem>>
    %dma_wait3A_1008 = arith.constant 0 : i32
    %dma_wait3A_1009 = arith.constant 0 : i32
    %dma_wait3A_1010 = tpu.memref_slice %dma_wait3A_1007[%dma_wait3A_1008, %dma_wait3A_1009] : memref<800x64xf32, #tpu.memory_space<vmem>> -> memref<200x64xf32, #tpu.memory_space<vmem>>
    %dma_wait3A_1011 = arith.constant 0 : i32
    %dma_wait3A_1012 = tpu.memref_slice %arg4[%mul3A_984, %dma_wait3A_1011] : memref<3276800x128xf32, #tpu.memory_space<hbm>> -> memref<200x64xf32, #tpu.memory_space<hbm>>
    %dma_wait3A_1013 = arith.constant 0 : i32
    %dma_wait3A_1014 = tpu.memref_slice %arg4[%mul3A_984, %dma_wait3A_1013] : memref<3276800x128xf32, #tpu.memory_space<hbm>> -> memref<200x64xf32, #tpu.memory_space<hbm>>
    %dma_wait3A_1015 = arith.constant 0 : i32
    %dma_wait3A_1016 = arith.constant 0 : i32
    %dma_wait3A_1017 = tpu.memref_slice %arg6[%dma_wait3A_1003, %dma_wait3A_1015, %dma_wait3A_1016] : memref<2x800x64xf32, #tpu.memory_space<vmem>> -> memref<1x800x64xf32, #tpu.memory_space<vmem>>
    %dma_wait3A_1018 = tpu.memref_squeeze %dma_wait3A_1017 : memref<1x800x64xf32, #tpu.memory_space<vmem>> -> memref<800x64xf32, #tpu.memory_space<vmem>>
    %dma_wait3A_1019 = arith.constant 0 : i32
    %dma_wait3A_1020 = arith.constant 0 : i32
    %dma_wait3A_1021 = tpu.memref_slice %dma_wait3A_1018[%dma_wait3A_1019, %dma_wait3A_1020] : memref<800x64xf32, #tpu.memory_space<vmem>> -> memref<200x64xf32, #tpu.memory_space<vmem>>
    tpu.wait_dma2 semaphore(%arg11 : memref<!tpu.dma_semaphore, #tpu.memory_space<semaphore_mem>>) src(%dma_wait3A_1021 : memref<200x64xf32, #tpu.memory_space<vmem>>) dst(%dma_wait3A_1014 : memref<200x64xf32, #tpu.memory_space<hbm>>)
    %dma_wait3A_1022 = arith.constant 0 : i32
    %dma_wait3A_1023 = arith.constant 0 : i32
    %dma_wait3A_1024 = arith.constant 0 : i32
    %dma_wait3A_1025 = tpu.memref_slice %arg6[%dma_wait3A_1022, %dma_wait3A_1023, %dma_wait3A_1024] : memref<2x800x64xf32, #tpu.memory_space<vmem>> -> memref<1x800x64xf32, #tpu.memory_space<vmem>>
    %dma_wait3A_1026 = tpu.memref_squeeze %dma_wait3A_1025 : memref<1x800x64xf32, #tpu.memory_space<vmem>> -> memref<800x64xf32, #tpu.memory_space<vmem>>
    %dma_wait3A_1027 = arith.constant 200 : i32
    %dma_wait3A_1028 = arith.constant 0 : i32
    %dma_wait3A_1029 = tpu.memref_slice %dma_wait3A_1026[%dma_wait3A_1027, %dma_wait3A_1028] : memref<800x64xf32, #tpu.memory_space<vmem>> -> memref<200x64xf32, #tpu.memory_space<vmem>>
    %dma_wait3A_1030 = arith.constant 0 : i32
    %dma_wait3A_1031 = tpu.memref_slice %arg4[%mul3A_990, %dma_wait3A_1030] : memref<3276800x128xf32, #tpu.memory_space<hbm>> -> memref<200x64xf32, #tpu.memory_space<hbm>>
    %dma_wait3A_1032 = arith.constant 0 : i32
    %dma_wait3A_1033 = tpu.memref_slice %arg4[%mul3A_990, %dma_wait3A_1032] : memref<3276800x128xf32, #tpu.memory_space<hbm>> -> memref<200x64xf32, #tpu.memory_space<hbm>>
    %dma_wait3A_1034 = arith.constant 0 : i32
    %dma_wait3A_1035 = arith.constant 0 : i32
    %dma_wait3A_1036 = tpu.memref_slice %arg6[%dma_wait3A_1022, %dma_wait3A_1034, %dma_wait3A_1035] : memref<2x800x64xf32, #tpu.memory_space<vmem>> -> memref<1x800x64xf32, #tpu.memory_space<vmem>>
    %dma_wait3A_1037 = tpu.memref_squeeze %dma_wait3A_1036 : memref<1x800x64xf32, #tpu.memory_space<vmem>> -> memref<800x64xf32, #tpu.memory_space<vmem>>
    %dma_wait3A_1038 = arith.constant 200 : i32
    %dma_wait3A_1039 = arith.constant 0 : i32
    %dma_wait3A_1040 = tpu.memref_slice %dma_wait3A_1037[%dma_wait3A_1038, %dma_wait3A_1039] : memref<800x64xf32, #tpu.memory_space<vmem>> -> memref<200x64xf32, #tpu.memory_space<vmem>>
    tpu.wait_dma2 semaphore(%arg11 : memref<!tpu.dma_semaphore, #tpu.memory_space<semaphore_mem>>) src(%dma_wait3A_1040 : memref<200x64xf32, #tpu.memory_space<vmem>>) dst(%dma_wait3A_1033 : memref<200x64xf32, #tpu.memory_space<hbm>>)
    %dma_wait3A_1041 = arith.constant 0 : i32
    %dma_wait3A_1042 = arith.constant 0 : i32
    %dma_wait3A_1043 = arith.constant 0 : i32
    %dma_wait3A_1044 = tpu.memref_slice %arg6[%dma_wait3A_1041, %dma_wait3A_1042, %dma_wait3A_1043] : memref<2x800x64xf32, #tpu.memory_space<vmem>> -> memref<1x800x64xf32, #tpu.memory_space<vmem>>
    %dma_wait3A_1045 = tpu.memref_squeeze %dma_wait3A_1044 : memref<1x800x64xf32, #tpu.memory_space<vmem>> -> memref<800x64xf32, #tpu.memory_space<vmem>>
    %dma_wait3A_1046 = arith.constant 400 : i32
    %dma_wait3A_1047 = arith.constant 0 : i32
    %dma_wait3A_1048 = tpu.memref_slice %dma_wait3A_1045[%dma_wait3A_1046, %dma_wait3A_1047] : memref<800x64xf32, #tpu.memory_space<vmem>> -> memref<200x64xf32, #tpu.memory_space<vmem>>
    %dma_wait3A_1049 = arith.constant 0 : i32
    %dma_wait3A_1050 = tpu.memref_slice %arg4[%mul3A_996, %dma_wait3A_1049] : memref<3276800x128xf32, #tpu.memory_space<hbm>> -> memref<200x64xf32, #tpu.memory_space<hbm>>
    %dma_wait3A_1051 = arith.constant 0 : i32
    %dma_wait3A_1052 = tpu.memref_slice %arg4[%mul3A_996, %dma_wait3A_1051] : memref<3276800x128xf32, #tpu.memory_space<hbm>> -> memref<200x64xf32, #tpu.memory_space<hbm>>
    %dma_wait3A_1053 = arith.constant 0 : i32
    %dma_wait3A_1054 = arith.constant 0 : i32
    %dma_wait3A_1055 = tpu.memref_slice %arg6[%dma_wait3A_1041, %dma_wait3A_1053, %dma_wait3A_1054] : memref<2x800x64xf32, #tpu.memory_space<vmem>> -> memref<1x800x64xf32, #tpu.memory_space<vmem>>
    %dma_wait3A_1056 = tpu.memref_squeeze %dma_wait3A_1055 : memref<1x800x64xf32, #tpu.memory_space<vmem>> -> memref<800x64xf32, #tpu.memory_space<vmem>>
    %dma_wait3A_1057 = arith.constant 400 : i32
    %dma_wait3A_1058 = arith.constant 0 : i32
    %dma_wait3A_1059 = tpu.memref_slice %dma_wait3A_1056[%dma_wait3A_1057, %dma_wait3A_1058] : memref<800x64xf32, #tpu.memory_space<vmem>> -> memref<200x64xf32, #tpu.memory_space<vmem>>
    tpu.wait_dma2 semaphore(%arg11 : memref<!tpu.dma_semaphore, #tpu.memory_space<semaphore_mem>>) src(%dma_wait3A_1059 : memref<200x64xf32, #tpu.memory_space<vmem>>) dst(%dma_wait3A_1052 : memref<200x64xf32, #tpu.memory_space<hbm>>)
    %dma_wait3A_1060 = arith.constant 0 : i32
    %dma_wait3A_1061 = arith.constant 0 : i32
    %dma_wait3A_1062 = arith.constant 0 : i32
    %dma_wait3A_1063 = tpu.memref_slice %arg6[%dma_wait3A_1060, %dma_wait3A_1061, %dma_wait3A_1062] : memref<2x800x64xf32, #tpu.memory_space<vmem>> -> memref<1x800x64xf32, #tpu.memory_space<vmem>>
    %dma_wait3A_1064 = tpu.memref_squeeze %dma_wait3A_1063 : memref<1x800x64xf32, #tpu.memory_space<vmem>> -> memref<800x64xf32, #tpu.memory_space<vmem>>
    %dma_wait3A_1065 = arith.constant 600 : i32
    %dma_wait3A_1066 = arith.constant 0 : i32
    %dma_wait3A_1067 = tpu.memref_slice %dma_wait3A_1064[%dma_wait3A_1065, %dma_wait3A_1066] : memref<800x64xf32, #tpu.memory_space<vmem>> -> memref<200x64xf32, #tpu.memory_space<vmem>>
    %dma_wait3A_1068 = arith.constant 0 : i32
    %dma_wait3A_1069 = tpu.memref_slice %arg4[%mul3A_1002, %dma_wait3A_1068] : memref<3276800x128xf32, #tpu.memory_space<hbm>> -> memref<200x64xf32, #tpu.memory_space<hbm>>
    %dma_wait3A_1070 = arith.constant 0 : i32
    %dma_wait3A_1071 = tpu.memref_slice %arg4[%mul3A_1002, %dma_wait3A_1070] : memref<3276800x128xf32, #tpu.memory_space<hbm>> -> memref<200x64xf32, #tpu.memory_space<hbm>>
    %dma_wait3A_1072 = arith.constant 0 : i32
    %dma_wait3A_1073 = arith.constant 0 : i32
    %dma_wait3A_1074 = tpu.memref_slice %arg6[%dma_wait3A_1060, %dma_wait3A_1072, %dma_wait3A_1073] : memref<2x800x64xf32, #tpu.memory_space<vmem>> -> memref<1x800x64xf32, #tpu.memory_space<vmem>>
    %dma_wait3A_1075 = tpu.memref_squeeze %dma_wait3A_1074 : memref<1x800x64xf32, #tpu.memory_space<vmem>> -> memref<800x64xf32, #tpu.memory_space<vmem>>
    %dma_wait3A_1076 = arith.constant 600 : i32
    %dma_wait3A_1077 = arith.constant 0 : i32
    %dma_wait3A_1078 = tpu.memref_slice %dma_wait3A_1075[%dma_wait3A_1076, %dma_wait3A_1077] : memref<800x64xf32, #tpu.memory_space<vmem>> -> memref<200x64xf32, #tpu.memory_space<vmem>>
    tpu.wait_dma2 semaphore(%arg11 : memref<!tpu.dma_semaphore, #tpu.memory_space<semaphore_mem>>) src(%dma_wait3A_1078 : memref<200x64xf32, #tpu.memory_space<vmem>>) dst(%dma_wait3A_1071 : memref<200x64xf32, #tpu.memory_space<hbm>>)
    %add3A_1079 = arith.constant 508 : i32
    %add3A_1080 = arith.addi %mul3A_2, %add3A_1079 : i32
    %add3A_1081 = arith.constant 0 : i32
    %add3A_1082 = arith.addi %add3A_1080, %add3A_1081 : i32
    %mul3A_1083 = arith.constant 200 : i32
    %mul3A_1084 = arith.muli %add3A_1082, %mul3A_1083 : i32
    %add3A_1085 = arith.constant 508 : i32
    %add3A_1086 = arith.addi %mul3A_2, %add3A_1085 : i32
    %add3A_1087 = arith.constant 1 : i32
    %add3A_1088 = arith.addi %add3A_1086, %add3A_1087 : i32
    %mul3A_1089 = arith.constant 200 : i32
    %mul3A_1090 = arith.muli %add3A_1088, %mul3A_1089 : i32
    %add3A_1091 = arith.constant 508 : i32
    %add3A_1092 = arith.addi %mul3A_2, %add3A_1091 : i32
    %add3A_1093 = arith.constant 2 : i32
    %add3A_1094 = arith.addi %add3A_1092, %add3A_1093 : i32
    %mul3A_1095 = arith.constant 200 : i32
    %mul3A_1096 = arith.muli %add3A_1094, %mul3A_1095 : i32
    %add3A_1097 = arith.constant 508 : i32
    %add3A_1098 = arith.addi %mul3A_2, %add3A_1097 : i32
    %add3A_1099 = arith.constant 3 : i32
    %add3A_1100 = arith.addi %add3A_1098, %add3A_1099 : i32
    %mul3A_1101 = arith.constant 200 : i32
    %mul3A_1102 = arith.muli %add3A_1100, %mul3A_1101 : i32
    %dma_wait3A_1103 = arith.constant 1 : i32
    %dma_wait3A_1104 = arith.constant 0 : i32
    %dma_wait3A_1105 = arith.constant 0 : i32
    %dma_wait3A_1106 = tpu.memref_slice %arg6[%dma_wait3A_1103, %dma_wait3A_1104, %dma_wait3A_1105] : memref<2x800x64xf32, #tpu.memory_space<vmem>> -> memref<1x800x64xf32, #tpu.memory_space<vmem>>
    %dma_wait3A_1107 = tpu.memref_squeeze %dma_wait3A_1106 : memref<1x800x64xf32, #tpu.memory_space<vmem>> -> memref<800x64xf32, #tpu.memory_space<vmem>>
    %dma_wait3A_1108 = arith.constant 0 : i32
    %dma_wait3A_1109 = arith.constant 0 : i32
    %dma_wait3A_1110 = tpu.memref_slice %dma_wait3A_1107[%dma_wait3A_1108, %dma_wait3A_1109] : memref<800x64xf32, #tpu.memory_space<vmem>> -> memref<200x64xf32, #tpu.memory_space<vmem>>
    %dma_wait3A_1111 = arith.constant 0 : i32
    %dma_wait3A_1112 = tpu.memref_slice %arg4[%mul3A_1084, %dma_wait3A_1111] : memref<3276800x128xf32, #tpu.memory_space<hbm>> -> memref<200x64xf32, #tpu.memory_space<hbm>>
    %dma_wait3A_1113 = arith.constant 0 : i32
    %dma_wait3A_1114 = tpu.memref_slice %arg4[%mul3A_1084, %dma_wait3A_1113] : memref<3276800x128xf32, #tpu.memory_space<hbm>> -> memref<200x64xf32, #tpu.memory_space<hbm>>
    %dma_wait3A_1115 = arith.constant 0 : i32
    %dma_wait3A_1116 = arith.constant 0 : i32
    %dma_wait3A_1117 = tpu.memref_slice %arg6[%dma_wait3A_1103, %dma_wait3A_1115, %dma_wait3A_1116] : memref<2x800x64xf32, #tpu.memory_space<vmem>> -> memref<1x800x64xf32, #tpu.memory_space<vmem>>
    %dma_wait3A_1118 = tpu.memref_squeeze %dma_wait3A_1117 : memref<1x800x64xf32, #tpu.memory_space<vmem>> -> memref<800x64xf32, #tpu.memory_space<vmem>>
    %dma_wait3A_1119 = arith.constant 0 : i32
    %dma_wait3A_1120 = arith.constant 0 : i32
    %dma_wait3A_1121 = tpu.memref_slice %dma_wait3A_1118[%dma_wait3A_1119, %dma_wait3A_1120] : memref<800x64xf32, #tpu.memory_space<vmem>> -> memref<200x64xf32, #tpu.memory_space<vmem>>
    tpu.wait_dma2 semaphore(%arg12 : memref<!tpu.dma_semaphore, #tpu.memory_space<semaphore_mem>>) src(%dma_wait3A_1121 : memref<200x64xf32, #tpu.memory_space<vmem>>) dst(%dma_wait3A_1114 : memref<200x64xf32, #tpu.memory_space<hbm>>)
    %dma_wait3A_1122 = arith.constant 1 : i32
    %dma_wait3A_1123 = arith.constant 0 : i32
    %dma_wait3A_1124 = arith.constant 0 : i32
    %dma_wait3A_1125 = tpu.memref_slice %arg6[%dma_wait3A_1122, %dma_wait3A_1123, %dma_wait3A_1124] : memref<2x800x64xf32, #tpu.memory_space<vmem>> -> memref<1x800x64xf32, #tpu.memory_space<vmem>>
    %dma_wait3A_1126 = tpu.memref_squeeze %dma_wait3A_1125 : memref<1x800x64xf32, #tpu.memory_space<vmem>> -> memref<800x64xf32, #tpu.memory_space<vmem>>
    %dma_wait3A_1127 = arith.constant 200 : i32
    %dma_wait3A_1128 = arith.constant 0 : i32
    %dma_wait3A_1129 = tpu.memref_slice %dma_wait3A_1126[%dma_wait3A_1127, %dma_wait3A_1128] : memref<800x64xf32, #tpu.memory_space<vmem>> -> memref<200x64xf32, #tpu.memory_space<vmem>>
    %dma_wait3A_1130 = arith.constant 0 : i32
    %dma_wait3A_1131 = tpu.memref_slice %arg4[%mul3A_1090, %dma_wait3A_1130] : memref<3276800x128xf32, #tpu.memory_space<hbm>> -> memref<200x64xf32, #tpu.memory_space<hbm>>
    %dma_wait3A_1132 = arith.constant 0 : i32
    %dma_wait3A_1133 = tpu.memref_slice %arg4[%mul3A_1090, %dma_wait3A_1132] : memref<3276800x128xf32, #tpu.memory_space<hbm>> -> memref<200x64xf32, #tpu.memory_space<hbm>>
    %dma_wait3A_1134 = arith.constant 0 : i32
    %dma_wait3A_1135 = arith.constant 0 : i32
    %dma_wait3A_1136 = tpu.memref_slice %arg6[%dma_wait3A_1122, %dma_wait3A_1134, %dma_wait3A_1135] : memref<2x800x64xf32, #tpu.memory_space<vmem>> -> memref<1x800x64xf32, #tpu.memory_space<vmem>>
    %dma_wait3A_1137 = tpu.memref_squeeze %dma_wait3A_1136 : memref<1x800x64xf32, #tpu.memory_space<vmem>> -> memref<800x64xf32, #tpu.memory_space<vmem>>
    %dma_wait3A_1138 = arith.constant 200 : i32
    %dma_wait3A_1139 = arith.constant 0 : i32
    %dma_wait3A_1140 = tpu.memref_slice %dma_wait3A_1137[%dma_wait3A_1138, %dma_wait3A_1139] : memref<800x64xf32, #tpu.memory_space<vmem>> -> memref<200x64xf32, #tpu.memory_space<vmem>>
    tpu.wait_dma2 semaphore(%arg12 : memref<!tpu.dma_semaphore, #tpu.memory_space<semaphore_mem>>) src(%dma_wait3A_1140 : memref<200x64xf32, #tpu.memory_space<vmem>>) dst(%dma_wait3A_1133 : memref<200x64xf32, #tpu.memory_space<hbm>>)
    %dma_wait3A_1141 = arith.constant 1 : i32
    %dma_wait3A_1142 = arith.constant 0 : i32
    %dma_wait3A_1143 = arith.constant 0 : i32
    %dma_wait3A_1144 = tpu.memref_slice %arg6[%dma_wait3A_1141, %dma_wait3A_1142, %dma_wait3A_1143] : memref<2x800x64xf32, #tpu.memory_space<vmem>> -> memref<1x800x64xf32, #tpu.memory_space<vmem>>
    %dma_wait3A_1145 = tpu.memref_squeeze %dma_wait3A_1144 : memref<1x800x64xf32, #tpu.memory_space<vmem>> -> memref<800x64xf32, #tpu.memory_space<vmem>>
    %dma_wait3A_1146 = arith.constant 400 : i32
    %dma_wait3A_1147 = arith.constant 0 : i32
    %dma_wait3A_1148 = tpu.memref_slice %dma_wait3A_1145[%dma_wait3A_1146, %dma_wait3A_1147] : memref<800x64xf32, #tpu.memory_space<vmem>> -> memref<200x64xf32, #tpu.memory_space<vmem>>
    %dma_wait3A_1149 = arith.constant 0 : i32
    %dma_wait3A_1150 = tpu.memref_slice %arg4[%mul3A_1096, %dma_wait3A_1149] : memref<3276800x128xf32, #tpu.memory_space<hbm>> -> memref<200x64xf32, #tpu.memory_space<hbm>>
    %dma_wait3A_1151 = arith.constant 0 : i32
    %dma_wait3A_1152 = tpu.memref_slice %arg4[%mul3A_1096, %dma_wait3A_1151] : memref<3276800x128xf32, #tpu.memory_space<hbm>> -> memref<200x64xf32, #tpu.memory_space<hbm>>
    %dma_wait3A_1153 = arith.constant 0 : i32
    %dma_wait3A_1154 = arith.constant 0 : i32
    %dma_wait3A_1155 = tpu.memref_slice %arg6[%dma_wait3A_1141, %dma_wait3A_1153, %dma_wait3A_1154] : memref<2x800x64xf32, #tpu.memory_space<vmem>> -> memref<1x800x64xf32, #tpu.memory_space<vmem>>
    %dma_wait3A_1156 = tpu.memref_squeeze %dma_wait3A_1155 : memref<1x800x64xf32, #tpu.memory_space<vmem>> -> memref<800x64xf32, #tpu.memory_space<vmem>>
    %dma_wait3A_1157 = arith.constant 400 : i32
    %dma_wait3A_1158 = arith.constant 0 : i32
    %dma_wait3A_1159 = tpu.memref_slice %dma_wait3A_1156[%dma_wait3A_1157, %dma_wait3A_1158] : memref<800x64xf32, #tpu.memory_space<vmem>> -> memref<200x64xf32, #tpu.memory_space<vmem>>
    tpu.wait_dma2 semaphore(%arg12 : memref<!tpu.dma_semaphore, #tpu.memory_space<semaphore_mem>>) src(%dma_wait3A_1159 : memref<200x64xf32, #tpu.memory_space<vmem>>) dst(%dma_wait3A_1152 : memref<200x64xf32, #tpu.memory_space<hbm>>)
    %dma_wait3A_1160 = arith.constant 1 : i32
    %dma_wait3A_1161 = arith.constant 0 : i32
    %dma_wait3A_1162 = arith.constant 0 : i32
    %dma_wait3A_1163 = tpu.memref_slice %arg6[%dma_wait3A_1160, %dma_wait3A_1161, %dma_wait3A_1162] : memref<2x800x64xf32, #tpu.memory_space<vmem>> -> memref<1x800x64xf32, #tpu.memory_space<vmem>>
    %dma_wait3A_1164 = tpu.memref_squeeze %dma_wait3A_1163 : memref<1x800x64xf32, #tpu.memory_space<vmem>> -> memref<800x64xf32, #tpu.memory_space<vmem>>
    %dma_wait3A_1165 = arith.constant 600 : i32
    %dma_wait3A_1166 = arith.constant 0 : i32
    %dma_wait3A_1167 = tpu.memref_slice %dma_wait3A_1164[%dma_wait3A_1165, %dma_wait3A_1166] : memref<800x64xf32, #tpu.memory_space<vmem>> -> memref<200x64xf32, #tpu.memory_space<vmem>>
    %dma_wait3A_1168 = arith.constant 0 : i32
    %dma_wait3A_1169 = tpu.memref_slice %arg4[%mul3A_1102, %dma_wait3A_1168] : memref<3276800x128xf32, #tpu.memory_space<hbm>> -> memref<200x64xf32, #tpu.memory_space<hbm>>
    %dma_wait3A_1170 = arith.constant 0 : i32
    %dma_wait3A_1171 = tpu.memref_slice %arg4[%mul3A_1102, %dma_wait3A_1170] : memref<3276800x128xf32, #tpu.memory_space<hbm>> -> memref<200x64xf32, #tpu.memory_space<hbm>>
    %dma_wait3A_1172 = arith.constant 0 : i32
    %dma_wait3A_1173 = arith.constant 0 : i32
    %dma_wait3A_1174 = tpu.memref_slice %arg6[%dma_wait3A_1160, %dma_wait3A_1172, %dma_wait3A_1173] : memref<2x800x64xf32, #tpu.memory_space<vmem>> -> memref<1x800x64xf32, #tpu.memory_space<vmem>>
    %dma_wait3A_1175 = tpu.memref_squeeze %dma_wait3A_1174 : memref<1x800x64xf32, #tpu.memory_space<vmem>> -> memref<800x64xf32, #tpu.memory_space<vmem>>
    %dma_wait3A_1176 = arith.constant 600 : i32
    %dma_wait3A_1177 = arith.constant 0 : i32
    %dma_wait3A_1178 = tpu.memref_slice %dma_wait3A_1175[%dma_wait3A_1176, %dma_wait3A_1177] : memref<800x64xf32, #tpu.memory_space<vmem>> -> memref<200x64xf32, #tpu.memory_space<vmem>>
    tpu.wait_dma2 semaphore(%arg12 : memref<!tpu.dma_semaphore, #tpu.memory_space<semaphore_mem>>) src(%dma_wait3A_1178 : memref<200x64xf32, #tpu.memory_space<vmem>>) dst(%dma_wait3A_1171 : memref<200x64xf32, #tpu.memory_space<hbm>>)
    return
  }
}

</mosaic_0001>

<sc_bundles>
// kernel: kernel.3.cloned.1.call-start
scs
__scs_entry_jumppad:
0x0: {  	(pc) =	sbr.rel $0x88, $3  }
0x1: {  	(tag) =	ssettag $0x0;
	lr =	simm.s32 $0x1  }
0x2: {  	[smem:$0x3F9F] =	sst lr;
	_ =	strace $0xD0000000  }
0x3: {  	_ = 	snop  }
0x4: {  	_ = 	snop  }
0x5: {  	_ = 	snop  }
0x6: {  	_ = 	snop  }
0x7: {  	_ = 	snop  }
__scs_overlays_trampoline_lowered:
0x8: {  	[smem:$0x3FAE] =	sst s0  }
0x9: {  	[smem:$0x3FAF] =	sst s1  }
0xa: {  	[smem:$0x3FB0] =	sst s2  }
0xb: {  	[smem:$0x3FB1] =	sst s3  }
0xc: {  	[smem:$0x3FB2] =	sst s4  }
0xd: {  	[smem:$0x3FB3] =	sst s5  }
0xe: {  	[smem:$0x3FB4] =	sst s6  }
0xf: {  	[smem:$0x3FB5] =	sst s7  }
0x10: {  	[smem:$0x3FB6] =	sst s8  }
0x11: {  	[smem:$0x3FB7] =	sst s9;
	s0 =	simm.s32 @!p0 $0x0  }
0x12: {  	s1 =	sld [smem:$0x3F9D];
	s0 =	simm.s32 @p0 $0x1  }
0x13: {  	[smem:$0x3FB8] =	sst s0;
	s0 =	simm.s32 @!p1 $0x0  }
0x14: {  	s2 =	sld [smem:$0x3F9C];
	s0 =	simm.s32 @p1 $0x1  }
0x15: {  	[smem:$0x3FB9] =	sst s0;
	s0 =	simm.s32 @!p2 $0x0  }
0x16: {  	s3 =	sld [smem:$0x3FDB];
	s0 =	simm.s32 @p2 $0x1  }
0x17: {  	s4 =	simm.s32 $0x1BF5;
	[smem:$0x3FBB] =	sst s0  }
0x18: {  	s0 =	sld [smem:$0x3F9E];
	_ =	swait.ge [sflag:s4], $0x0  }
0x19: {  	s7 =	sld [smem:$0x3F9F]  }
0x1a: {  	s8 =	sadd.s32 $0xFFFFE003, lr  }
0x1b: {  	s9 =	sadd.s32 $0xFFFFFEF7, lr;
	s5 =	simm.s32 $0xFFFFFFFF;
	p2 =	slt.u32 s8, $0xFFFFF086  }
0x1c: {  	p1 =	slt.u32 s9, $0xF7A;
	s5 =	simm.s32 @!p2 $0x0  }
0x1d: {  	s5 =	simm.s32 @p1 $0x1;
	p0 =	seq.s32 s7, s2  }
0x1e: {  	s7 =	smul.u32 @!p0 $0xF7A, s2;
	p2 =	seq.s32 @!p0 s5, $0x0  }
0x1f: {  	s9 =	smul.u32 $0xF7A, s1;
	s8 =	simm.s32 @!p0 $0x1BF5;
	p2 =	por !p2, p0  }
0x20: {  	[sflag:s8] =	ssyncset.s32 @!p0 $0xFFFFF086;
	s6 =	sadd.s32 @!p0 s3, s7;
	s7 =	simm.s32 @!p0 $0x108  }
0x21: {  	s3 =	sadd.s32 s3, s9;
	s6 =	sadd.s32 @!p0 $0x88, s6;
	s7 =	simm.s32 @p2 $0x1082  }
0x22: {  	[simem:s7], [sflag:s8] =	dma.local @!p0 [hbm:s6], $0xF7A  }
0x23: {  	s9 =	sor.u32 $0xD0000000, s2;
	s6 =	simm.s32 $0x108;
	_ =	swait.ge @!p0 [sflag:s8], $0x0  }
0x24: {  	s3 =	sadd.s32 $0x88, s3;
	s6 =	simm.s32 @!p1 $0x1082;
	[sflag:s4] =	ssyncset.s32 $0xFFFFF086  }
0x25: {  	[simem:s6], [sflag:s4] =	dma.local [hbm:s3], $0xF7A  }
0x26: {  	[smem:$0x3F9F] =	sst s1;
	(tag) =	ssettag s2;
	_ =	strace s9  }
0x27: {  	s1 =	sld [smem:$0x3FAF]  }
0x28: {  	s2 =	sld [smem:$0x3FB0]  }
0x29: {  	s4 =	sld [smem:$0x3FB2]  }
0x2a: {  	p0 =	seq.s32 s5, $0x0;
	s5 =	sld [smem:$0x3FB3]  }
0x2b: {  	s6 =	sld [smem:$0x3FB4]  }
0x2c: {  	s7 =	sld [smem:$0x3FB5]  }
0x2d: {  	s3 =	simm.s32 $0x108;
	s8 =	sld [smem:$0x3FB6]  }
0x2e: {  	s3 =	simm.s32 @!p0 $0x1082;
	s9 =	sld [smem:$0x3FB7]  }
0x2f: {  	lr =	sadd.s32 s0, s3;
	s0 =	sld [smem:$0x3FAE]  }
0x30: {  	s3 =	sld [smem:$0x3FB1]  }
0x31: {  	[smem:$0x3FBA] =	sst s10  }
0x32: {  	s10 =	sld [smem:$0x3FB8];
	_ =	sdelay $0x3  }
0x33: {  	p0 =	seq.s32 s10, $0x1;
	s10 =	sld [smem:$0x3FBA];
	_ =	sdelay $0x3  }
0x34: {  	[smem:$0x3FBA] =	sst s10  }
0x35: {  	s10 =	sld [smem:$0x3FB9];
	_ =	sdelay $0x3  }
0x36: {  	p1 =	seq.s32 s10, $0x1;
	s10 =	sld [smem:$0x3FBA];
	_ =	sdelay $0x3  }
0x37: {  	[smem:$0x3FBA] =	sst s10  }
0x38: {  	s10 =	sld [smem:$0x3FBB]  }
0x39: {  	_ = 	snop;
	(pc) =	sbr.ind lr, $3  }
0x3a: {  	_ = 	snop  }
0x3b: {  	_ = 	snop  }
0x3c: {  	p2 =	seq.s32 s10, $0x1;
	s10 =	sld [smem:$0x3FBA]  }
0x3d: {  	_ =	shalt  }
0x3e: {  	_ =	shalt  }
0x3f: {  	_ =	shalt  }
0x40: {  	_ =	shalt  }
0x41: {  	_ =	shalt  }
0x42: {  	_ =	shalt  }
0x43: {  	_ =	shalt  }
0x44: {  	_ =	shalt  }
0x45: {  	_ =	shalt  }
0x46: {  	_ =	shalt  }
0x47: {  	_ =	shalt  }
0x48: {  	_ =	shalt  }
0x49: {  	_ =	shalt  }
0x4a: {  	_ =	shalt  }
0x4b: {  	_ =	shalt  }
0x4c: {  	_ =	shalt  }
0x4d: {  	_ =	shalt  }
0x4e: {  	_ =	shalt  }
0x4f: {  	_ =	shalt  }
0x50: {  	_ =	shalt  }
0x51: {  	_ =	shalt  }
0x52: {  	_ =	shalt  }
0x53: {  	_ =	shalt  }
0x54: {  	_ =	shalt  }
0x55: {  	_ =	shalt  }
0x56: {  	_ =	shalt  }
0x57: {  	_ =	shalt  }
0x58: {  	_ =	shalt  }
0x59: {  	_ =	shalt  }
0x5a: {  	_ =	shalt  }
0x5b: {  	_ =	shalt  }
0x5c: {  	_ =	shalt  }
0x5d: {  	_ =	shalt  }
0x5e: {  	_ =	shalt  }
0x5f: {  	_ =	shalt  }
0x60: {  	_ =	shalt  }
0x61: {  	_ =	shalt  }
0x62: {  	_ =	shalt  }
0x63: {  	_ =	shalt  }
0x64: {  	_ =	shalt  }
0x65: {  	_ =	shalt  }
0x66: {  	_ =	shalt  }
0x67: {  	_ =	shalt  }
0x68: {  	_ =	shalt  }
0x69: {  	_ =	shalt  }
0x6a: {  	_ =	shalt  }
0x6b: {  	_ =	shalt  }
0x6c: {  	_ =	shalt  }
0x6d: {  	_ =	shalt  }
0x6e: {  	_ =	shalt  }
0x6f: {  	_ =	shalt  }
0x70: {  	_ =	shalt  }
0x71: {  	_ =	shalt  }
0x72: {  	_ =	shalt  }
0x73: {  	_ =	shalt  }
0x74: {  	_ =	shalt  }
0x75: {  	_ =	shalt  }
0x76: {  	_ =	shalt  }
0x77: {  	_ =	shalt  }
0x78: {  	_ =	shalt  }
0x79: {  	_ =	shalt  }
0x7a: {  	_ =	shalt  }
0x7b: {  	_ =	shalt  }
0x7c: {  	_ =	shalt  }
0x7d: {  	_ =	shalt  }
0x7e: {  	_ =	shalt  }
0x7f: {  	_ =	shalt  }
0x80: {  	_ =	shalt  }
0x81: {  	_ =	shalt  }
0x82: {  	_ =	shalt  }
0x83: {  	_ =	shalt  }
0x84: {  	_ =	shalt  }
0x85: {  	_ =	shalt  }
0x86: {  	_ =	shalt  }
0x87: {  	_ =	shalt  }
.Lfunc_end0:
.L_simem_size_0:
called_computation.2_lowered:
.L_overlay_start_0:
0x88: {  	s2 =	sld [smem:$0x3FD9]  }
0x89: {  	s3 =	sld [smem:$0x3FFE];
	_ =	sdelay $0x1  }
0x8a: {  	s1 =	srdreg.scid  }
0x8b: {  	s0 =	sand.u32 $0x1, s1  }
0x8c: {  	s17 =	sshll.u32 s0, $0xA;
	s2 =	sadd.s32 s3, s2  }
0x8d: {  	s2 =	sadd.s32 s2, s17  }
0x8e: {  	[smem:$0x3FC6] =	sst s2  }
0x8f: {  	_ = 	snop  }
0x90: {  	s2 =	sld [smem:$0x3FD0];
	(tm) =	ssettm $0x1  }
0x91: {  	s18 =	sld [smem:$0x3FFB];
	_ =	sdelay $0x3  }
0x92: {  	_ =	strace s18  }
0x93: {  	s3 =	sld [smem:$0x3FFC];
	_ =	sdelay $0x3  }
0x94: {  	_ =	strace s3  }
0x95: {  	s3 =	sld [smem:$0x3FFD];
	_ =	sdelay $0x3  }
0x96: {  	_ =	strace s3  }
0x97: {  	_ =	strace $0x8FFFFFFF  }
0x98: {  	s19 =	sld [smem:$0x3FDB];
	_ =	sdelay $0x1  }
0x99: {  	s4 =	simm.s32 $_scs_section_size  }
0x9a: {  	s5 =	simm.s32 $_size__tile_overlayer_lowered;
	s6 =	simm.s32 $_tile_overlayer_lowered  }
0x9b: {  	s22 =	simm.s32 $0x1BFF;
	s21 =	sshll.u32 s6, $0x1;
	s3 =	sadd.s32 s4, s19  }
0x9c: {  	s7 =	simm.s32 $0x0;
	s20 =	sshll.u32 s5, $0x1;
	s5 =	sadd.s32 s21, s3  }
0x9d: {  	[timem:s7], [sflag:s22] =	dma.local [hbm:s5], s20  }
0x9e: {  	_ =	swait.ge [sflag:s22], s20  }
0x9f: {  	s4 =	ssub.s32 $0x0, s20;
	[sflag:s22] =	ssyncset.done $0x0  }
0xa0: {  	[sflag:s22] =	ssyncadd.s32 s4;
	_ =	sdelay $0x1  }
0xa1: {  	s23 =	simm.s32 $0x1B8B  }
0xa2: {  	_ =	swait.ge [sflag:s23], $0x1  }
0xa3: {  	[sflag:s23] =	ssyncset.done $0x0  }
0xa4: {  	s25 =	simm.s32 $0x1B8E;
	s24 =	sld [smem:$0x3FFE];
	[sflag:s23] =	ssyncadd.s32 $0xFFFFFFFF  }
0xa5: {  	s26 =	simm.s32 $execute0_lowered;
	[smem:$0x3FD2] =	sst s25  }
0xa6: {  	s5 =	sshll.u32 s26, $0x1;
	_ =	strace $0x80000049;
	[dreg:$0x1] =	wrdreg $0xFFFFFFFF  }
0xa7: {  	s28 =	simm.s32 $_size_execute0_lowered;
	s3 =	sadd.s32 s3, s5;
	[dreg:$0x0] =	wrdreg $0x0  }
0xa8: {  	s5 =	sshll.u32 s28, $0x1;
	[dreg:$0x2] =	wrdreg s3  }
0xa9: {  	[dreg:$0x3] =	wrdreg s5  }
0xaa: {  	[dreg:$0x4] =	wrdreg $0xC0  }
0xab: {  	_ =	task [dreg:s7], $0x5FFFF  }
0xac: {  	[dreg:$0x1] =	wrdreg $0xFFFFFFFF  }
0xad: {  	[dreg:$0x0] =	wrdreg $0x60  }
0xae: {  	[dreg:$0x2] =	wrdreg s24  }
0xaf: {  	[dreg:$0x3] =	wrdreg s2  }
0xb0: {  	[dreg:$0x4] =	wrdreg $0x9  }
0xb1: {  	_ =	task.clear_ibuf [dreg:s7], $0x5FFFF;
	_ =	strace $0x90000049  }
0xb2: {  	s29 =	simm.s32 $0x9;
	_ =	strace $0x8000004B  }
0xb3: {  	_ =	swait.ge [sflag:s29], $0x1  }
0xb4: {  	[sflag:s29] =	ssyncadd.s32 $0xFFFFFFFF  }
0xb5: {  	_ =	strace $0x9000004B  }
0xb6: {  	_ =	sfence  }
0xb7: {  	s30 =	sld [smem:$0x0];
	_ =	sdelay $0x2  }
0xb8: {  	s31 =	sshll.u32 s1, $0xD;
	s1 =	sshrl.u32 s1, $0x2  }
0xb9: {  	s3 =	sand.u32 $0x4000, s31;
	s1 =	sadd.s32 s1, s30  }
0xba: {  	s0 =	sor.u32 s3, s0;
	s1 =	sshll.u32 s1, $0x11  }
0xbb: {  	s0 =	sor.u32 s1, s0  }
0xbc: {  	s0 =	sadd.s32 $0x8F2B, s0  }
0xbd: {  	[sflag:s0] =	ssyncadd.remote.s32 $0x1  }
0xbe: {  	_ =	sfence.sel $0xFFFF  }
0xbf: {  	[dreg:$0x0] =	wrdreg $0xFFFFFFFF;
	(pc) =	sbr.abs _section_cstart, $3  }
0xc0: {  	[dreg:$0x1] =	wrdreg $0xFFFFFFFF  }
0xc1: {  	_ =	task.clear_ibuf [dreg:s7], $0x2FFFF;
	_ =	strace $0x9FFFFFFF  }
0xc2: {  	(tm) =	ssettm $0x7FFFFFFF  }
0xc3: {  	_ =	shalt  }
tec
execute0_lowered:
.L_overlay_start_1:
0x0: {  	(tag) =	ssettag $0x1  }
0x1: {  	s0 =	rddreg [dreg:$0x0]  }
0x2: {  	s2 =	rddreg [dreg:$0x1];
	s3 =	simm.s32 $0x0  }
0x3: {  	s1 =	srdreg.scid;
	s14 =	stileid.u32;
	s28 =	simm.s32 $0x300  }
0x4: {  	s5 =	sand.u32 $0x1, s1;
	s24 =	sshll.u32 s14, $0x1;
	s23 =	smul.u32 $0x1900000, s14  }
0x5: {  	s29 =	simm.s32 $0xC640;
	s6 =	sor.u32 s5, s24;
	s24 =	smul.u32 $0xC80000, s5  }
0x6: {  	s31 =	simm.s32 $0x3E8;
	s30 =	simm.s32 $0x2;
	s7 =	smul.u32 $0x3200, s6  }
0x7: {  	[smem:$0x7FF] =	sst s3;
	s25 =	ssub.s32 $0x2, s5;
	s9 =	smul.u32 $0x19000, s6  }
0x8: {  	s4 =	sadd.s32 $0xF43200, s0;
	s8 =	sshrl.u32 s25, $0x1;
	s20 =	smul.u32 $0x190000, s6  }
0x9: {  	s0 =	sadd.s32 $0xFA7200, s0;
	s1 =	ssub.s32 s25, s8;
	s25 =	smul.u32 $0x320000, s14  }
0xa: {  	_ =	strace $0x8000004A;
	s8 =	sshll.u32 s6, $0x9;
	s6 =	smul.u32 $0xC80000, s6  }
0xb: {  	s15 =	sadd.s32 s4, s7;
	s26 =	sor.u32 $0xC8, s9;
	s8 =	sor.u32 $0x10, s8  }
0xc: {  	s10 =	sor.u32 $0x190, s9;
	s1 =	smax.u32 s1, $0x1;
	[dreg:$0x3] =	wrdreg s8  }
0xd: {  	s9 =	sor.u32 $0x258, s9;
	s11 =	sshrl.u32 s26, $0x3;
	[dreg:$0x1b] =	wrdreg s1  }
0xe: {  	s12 =	sshrl.u32 s10, $0x3;
	s18 =	sadd.s32 $0x64, s15;
	[dreg:$0xb] =	wrdreg s15  }
0xf: {  	s13 =	sshrl.u32 s9, $0x3;
	s19 =	sadd.s32 $0x7D, s15;
	[dreg:$0xf] =	wrdreg s18  }
0x10: {  	s21 =	sadd.s32 $0x96, s15;
	s22 =	sadd.s32 $0xAF, s15;
	[dreg:$0x10] =	wrdreg s19  }
0x11: {  	s7 =	sshll.u32 s26, $0x4;
	s10 =	sshll.u32 s10, $0x4;
	[dreg:$0x11] =	wrdreg s21  }
0x12: {  	s9 =	sshll.u32 s9, $0x4;
	s11 =	sadd.s32 s4, s11;
	[dreg:$0x12] =	wrdreg s22  }
0x13: {  	s26 =	smul.u32 $0x190000, s5;
	s16 =	sadd.s32 s4, s12;
	[dreg:$0xc] =	wrdreg s11  }
0x14: {  	s6 =	sshrl.u32 s6, $0x3;
	s17 =	sadd.s32 s4, s13;
	[dreg:$0xd] =	wrdreg s16  }
0x15: {  	s7 =	sadd.s32 s0, s7;
	s10 =	sadd.s32 s0, s10;
	[dreg:$0xe] =	wrdreg s17  }
0x16: {  	s9 =	sadd.s32 s0, s9;
	s22 =	smul.u32 $0x3200, s5;
	[dreg:$0x14] =	wrdreg s7  }
0x17: {  	s12 =	sadd.s32 s25, s0;
	s5 =	smul.u32 $0x19000, s5;
	[dreg:$0x15] =	wrdreg s10  }
0x18: {  	s6 =	sadd.s32 s0, s6;
	s11 =	sadd.s32 s0, s20;
	[dreg:$0x16] =	wrdreg s9  }
0x19: {  	s7 =	sadd.s32 s24, s23;
	s8 =	sadd.s32 s26, s12;
	s20 =	smul.u32 $0x6400, s14  }
0x1a: {  	s23 =	smul.u32 $0x32000, s14;
	s12 =	sadd.s32 $0x18CE00, s6;
	[dreg:$0x13] =	wrdreg s11  }
0x1b: {  	s14 =	sadd.s32 $0x18DA80, s6;
	s13 =	sor.u32 $0x2BC00, s7;
	[dreg:$0x4] =	wrdreg s8  }
0x1c: {  	s17 =	sor.u32 $0x25800, s7;
	s19 =	sor.u32 $0x1F400, s7;
	[dreg:$0x17] =	wrdreg s12  }
0x1d: {  	s11 =	sor.u32 $0x44C00, s7;
	s26 =	sor.u32 $0x3E800, s7;
	[dreg:$0x18] =	wrdreg s14  }
0x1e: {  	s7 =	sor.u32 $0x38400, s7;
	s12 =	simm.s32 $0x100;
	s14 =	simm.s32 $0x3  }
0x1f: {  	s9 =	sshrl.u32 s13, $0x3;
	s18 =	sshrl.u32 s17, $0x3;
	s10 =	sadd.s32 s20, s4  }
0x20: {  	s24 =	sshrl.u32 s11, $0x3;
	s5 =	sadd.s32 s5, s23;
	s13 =	sshrl.u32 s26, $0x3  }
0x21: {  	s7 =	sshrl.u32 s7, $0x3;
	s23 =	sadd.s32 $0xC8, s15;
	s26 =	sadd.s32 $0x113, s15  }
0x22: {  	s11 =	simm.s32 $0x2640;
	s16 =	sadd.s32 s9, s0;
	s8 =	sadd.s32 s18, s0  }
0x23: {  	s9 =	sshrl.u32 s19, $0x3;
	s25 =	sadd.s32 s24, s0;
	[smem:$0x7FA] =	sst s23  }
0x24: {  	s17 =	sor.u32 $0xBB8, s5;
	s20 =	sor.u32 $0xAF0, s5;
	[smem:$0x7FD] =	sst s26  }
0x25: {  	s5 =	sor.u32 $0xA28, s5;
	s24 =	sadd.s32 $0xE1, s15;
	[dreg:$0x5] =	wrdreg s16  }
0x26: {  	s26 =	simm.s32 $0x4;
	s23 =	simm.s32 $0x6;
	[dreg:$0x6] =	wrdreg s8  }
0x27: {  	s21 =	sadd.s32 s9, s0;
	s9 =	sadd.s32 s22, s10;
	[dreg:$0x8] =	wrdreg s25  }
0x28: {  	s8 =	sadd.s32 s13, s0;
	s16 =	sadd.s32 $0x18E700, s6;
	[smem:$0x7FB] =	sst s24  }
0x29: {  	s6 =	sadd.s32 $0x18F380, s6;
	s0 =	sadd.s32 s7, s0;
	[dreg:$0x7] =	wrdreg s21  }
0x2a: {  	s19 =	sshrl.u32 s17, $0x3;
	s25 =	sadd.s32 $0xFA, s15;
	[dreg:$0x9] =	wrdreg s8  }
0x2b: {  	s7 =	simm.s32 $0x80;
	s13 =	simm.s32 $0x4640;
	[dreg:$0x19] =	wrdreg s16  }
0x2c: {  	s17 =	simm.s32 $0x6640;
	s24 =	simm.s32 $0x280;
	[dreg:$0x1a] =	wrdreg s6  }
0x2d: {  	s15 =	simm.s32 $0x40;
	s18 =	sadd.s32 $0x12C, s9;
	[dreg:$0xa] =	wrdreg s0  }
0x2e: {  	s1 =	sadd.s32 s19, s4;
	s0 =	sshrl.u32 s20, $0x3;
	s21 =	sshrl.u32 s5, $0x3  }
0x2f: {  	[smem:$0x7FC] =	sst s25;
	s6 =	simm.s32 $0x1;
	s8 =	simm.s32 $0x640  }
0x30: {  	s16 =	simm.s32 $0x180;
	s19 =	simm.s32 $0x200;
	s25 =	simm.s32 $0xA640  }
0x31: {  	s5 =	simm.s32 $0xCE40;
	s20 =	simm.s32 $0x5;
	[dreg:$0x1c] =	wrdreg s18  }
0x32: {  	[dreg:$0x1d] =	wrdreg s1;
	s0 =	sadd.s32 s0, s4;
	s22 =	sadd.s32 s21, s4  }
0x33: {  	s18 =	simm.s32 $0x20;
	s21 =	simm.s32 $0x320;
	[dreg:$0x1e] =	wrdreg s0  }
0x34: {  	s1 =	simm.s32 $0x0;
	[dreg:$0x1f] =	wrdreg s22;
	s22 =	simm.s32 $0x8640  }
.LBB2_1:
0x35: {  	[smem:$0x7F9] =	sst s1  }
0x36: {  	s0 =	rddreg [dreg:$0xb]  }
0x37: {  	[tilespmem:s3], [sflag:$0x1] =	stream.linear.gather [hbm4b:s0+s3], $0xC8, $0x38;
	[tilespmem:$0x19640] =	vst v63  }
0x38: {  	s1 =	rddreg [dreg:$0xc];
	s9 =	simm.s32 $0xC8  }
0x39: {  	[tilespmem:s9], [sflag:$0x1] =	stream.linear.gather [hbm4b:s1+s3], $0xC8, $0x38;
	[tilespmem:$0x19640] =	vst v63  }
0x3a: {  	s10 =	rddreg [dreg:$0xd];
	s9 =	simm.s32 $0x190  }
0x3b: {  	[tilespmem:s9], [sflag:$0x1] =	stream.linear.gather [hbm4b:s10+s3], $0xC8, $0x38;
	[tilespmem:$0x19640] =	vst v63  }
0x3c: {  	s1 =	rddreg [dreg:$0xe];
	s10 =	simm.s32 $0x258  }
0x3d: {  	[tilespmem:s10], [sflag:$0x1] =	stream.linear.gather [hbm4b:s1+s3], $0xC8, $0x38;
	[tilespmem:$0x19640] =	vst v63  }
0x3e: {  	_ =	swait.ge [sflag:s6], $0xC8  }
0x3f: {  	[sflag:s6] =	ssyncset.done $0x0  }
0x40: {  	[sflag:s6] =	ssyncadd.s32 $0xFFFFFF38  }
0x41: {  	_ =	swait.ge [sflag:s6], $0xC8  }
0x42: {  	[sflag:s6] =	ssyncset.done $0x0  }
0x43: {  	[sflag:s6] =	ssyncadd.s32 $0xFFFFFF38  }
0x44: {  	_ =	swait.ge [sflag:s6], $0xC8  }
0x45: {  	[sflag:s6] =	ssyncset.done $0x0  }
0x46: {  	[sflag:s6] =	ssyncadd.s32 $0xFFFFFF38  }
0x47: {  	_ =	swait.ge [sflag:s6], $0xC8  }
0x48: {  	[sflag:s6] =	ssyncset.done $0x0  }
0x49: {  	[sflag:s6] =	ssyncadd.s32 $0xFFFFFF38  }
0x4a: {  	[tilespmem:s8], [sflag:$0x3] =	stream.indirect.gather [hbm4b:s2+s7], $0x40, s3, s7, $0xb8;
	[tilespmem:$0x19640] =	vst v63  }
0x4b: {  	_ = 	snop  }
0x4c: {  	[tilespmem:s11], [sflag:$0x3] =	stream.indirect.gather [hbm4b:s2+s7], $0x40, s7, s7, $0xb8;
	[tilespmem:$0x19640] =	vst v63  }
0x4d: {  	_ = 	snop  }
0x4e: {  	[tilespmem:s13], [sflag:$0x3] =	stream.indirect.gather [hbm4b:s2+s7], $0x40, s12, s7, $0xb8;
	[tilespmem:$0x19640] =	vst v63  }
0x4f: {  	_ = 	snop  }
0x50: {  	[tilespmem:s17], [sflag:$0x3] =	stream.indirect.gather [hbm4b:s2+s7], $0x40, s16, s7, $0xb8;
	[tilespmem:$0x19640] =	vst v63  }
0x51: {  	_ = 	snop  }
0x52: {  	[tilespmem:s22], [sflag:$0x3] =	stream.indirect.gather [hbm4b:s2+s7], $0x40, s19, s7, $0xb8;
	[tilespmem:$0x19640] =	vst v63  }
0x53: {  	_ = 	snop  }
0x54: {  	[tilespmem:s25], [sflag:$0x3] =	stream.indirect.gather [hbm4b:s2+s7], $0x40, s24, s7, $0xb8;
	[tilespmem:$0x19640] =	vst v63  }
0x55: {  	_ = 	snop  }
0x56: {  	[tilespmem:s29], [sflag:$0x3] =	stream.indirect.gather [hbm4b:s2+s18], $0x40, s28, s18, $0xb8;
	[tilespmem:$0x19640] =	vst v63  }
0x57: {  	s1 =	rddreg [dreg:$0xf]  }
0x58: {  	[tilespmem:s21], [sflag:$0x2] =	stream.linear.gather [hbm4b:s1+s3], $0xC8, $0x38;
	[tilespmem:$0x19640] =	vst v63  }
0x59: {  	s1 =	rddreg [dreg:$0x10]  }
0x5a: {  	[tilespmem:s31], [sflag:$0x2] =	stream.linear.gather [hbm4b:s1+s3], $0xC8, $0x38;
	[tilespmem:$0x19640] =	vst v63  }
0x5b: {  	s0 =	rddreg [dreg:$0x11];
	s1 =	simm.s32 $0x4B0  }
0x5c: {  	[tilespmem:s1], [sflag:$0x2] =	stream.linear.gather [hbm4b:s0+s3], $0xC8, $0x38;
	[tilespmem:$0x19640] =	vst v63  }
0x5d: {  	s0 =	rddreg [dreg:$0x12];
	s1 =	simm.s32 $0x578  }
0x5e: {  	[tilespmem:s1], [sflag:$0x2] =	stream.linear.gather [hbm4b:s0+s3], $0xC8, $0x38;
	[tilespmem:$0x19640] =	vst v63  }
0x5f: {  	_ =	swait.ge [sflag:s30], $0xC8  }
0x60: {  	[sflag:s30] =	ssyncset.done $0x0  }
0x61: {  	[sflag:s30] =	ssyncadd.s32 $0xFFFFFF38  }
0x62: {  	_ =	swait.ge [sflag:s30], $0xC8  }
0x63: {  	[sflag:s30] =	ssyncset.done $0x0  }
0x64: {  	[sflag:s30] =	ssyncadd.s32 $0xFFFFFF38  }
0x65: {  	_ =	swait.ge [sflag:s30], $0xC8  }
0x66: {  	[sflag:s30] =	ssyncset.done $0x0  }
0x67: {  	[sflag:s30] =	ssyncadd.s32 $0xFFFFFF38  }
0x68: {  	_ =	swait.ge [sflag:s30], $0xC8  }
0x69: {  	[sflag:s30] =	ssyncset.done $0x0  }
0x6a: {  	[sflag:s30] =	ssyncadd.s32 $0xFFFFFF38  }
0x6b: {  	[tilespmem:s5], [sflag:$0x4] =	stream.indirect.gather [hbm4b:s2+s7], $0x40, s21, s7, $0xb8;
	[tilespmem:$0x19640] =	vst v63  }
0x6c: {  	s0 =	simm.s32 $0x3A0;
	s1 =	simm.s32 $0xEE40  }
0x6d: {  	[tilespmem:s1], [sflag:$0x4] =	stream.indirect.gather [hbm4b:s2+s7], $0x40, s0, s7, $0xb8;
	[tilespmem:$0x19640] =	vst v63  }
0x6e: {  	s0 =	simm.s32 $0x420;
	s1 =	simm.s32 $0x10E40  }
0x6f: {  	[tilespmem:s1], [sflag:$0x4] =	stream.indirect.gather [hbm4b:s2+s7], $0x40, s0, s7, $0xb8;
	[tilespmem:$0x19640] =	vst v63  }
0x70: {  	s0 =	simm.s32 $0x4A0;
	s1 =	simm.s32 $0x12E40  }
0x71: {  	[tilespmem:s1], [sflag:$0x4] =	stream.indirect.gather [hbm4b:s2+s7], $0x40, s0, s7, $0xb8;
	[tilespmem:$0x19640] =	vst v63  }
0x72: {  	s0 =	simm.s32 $0x520;
	s1 =	simm.s32 $0x14E40  }
0x73: {  	[tilespmem:s1], [sflag:$0x4] =	stream.indirect.gather [hbm4b:s2+s7], $0x40, s0, s7, $0xb8;
	[tilespmem:$0x19640] =	vst v63  }
0x74: {  	s0 =	simm.s32 $0x5A0;
	s1 =	simm.s32 $0x16E40  }
0x75: {  	[tilespmem:s1], [sflag:$0x4] =	stream.indirect.gather [hbm4b:s2+s7], $0x40, s0, s7, $0xb8;
	[tilespmem:$0x19640] =	vst v63  }
0x76: {  	s0 =	simm.s32 $0x620;
	s1 =	simm.s32 $0x18E40  }
0x77: {  	[tilespmem:s1], [sflag:$0x4] =	stream.indirect.gather [hbm4b:s2+s18], $0x40, s0, s18, $0xb8;
	[tilespmem:$0x19640] =	vst v63  }
0x78: {  	_ =	swait.ge [sflag:s14], $0xC800  }
0x79: {  	[sflag:s14] =	ssyncset.done $0x0  }
0x7a: {  	s1 =	rddreg [dreg:$0x13];
	[sflag:s14] =	ssyncadd.s32 $0xFFFF3800  }
0x7b: {  	[hbm4b:s1+s15] =	stream.strided.scatter [tilespmem:s8], [sflag:$0x5], $0x3200, s7, s15, $0x38;
	[tilespmem:$0x19640] =	vst v63  }
0x7c: {  	s0 =	rddreg [dreg:$0x14];
	s1 =	simm.s32 $0x3840  }
0x7d: {  	[hbm4b:s0+s15] =	stream.strided.scatter [tilespmem:s1], [sflag:$0x5], $0x3200, s7, s15, $0x38;
	[tilespmem:$0x19640] =	vst v63  }
0x7e: {  	s0 =	rddreg [dreg:$0x15];
	s1 =	simm.s32 $0x6A40  }
0x7f: {  	[hbm4b:s0+s15] =	stream.strided.scatter [tilespmem:s1], [sflag:$0x5], $0x3200, s7, s15, $0x38;
	[tilespmem:$0x19640] =	vst v63  }
0x80: {  	s0 =	rddreg [dreg:$0x16];
	s1 =	simm.s32 $0x9C40  }
0x81: {  	[hbm4b:s0+s15] =	stream.strided.scatter [tilespmem:s1], [sflag:$0x5], $0x3200, s7, s15, $0x38;
	[tilespmem:$0x19640] =	vst v63  }
0x82: {  	s1 =	sld [smem:$0x7FA];
	_ =	sdelay $0x1  }
0x83: {  	s0 =	sld [smem:$0x7FB]  }
0x84: {  	[tilespmem:s3], [sflag:$0x1] =	stream.linear.gather [hbm4b:s1+s3], $0xC8, $0x38;
	[tilespmem:$0x19640] =	vst v63  }
0x85: {  	s1 =	simm.s32 $0xC8  }
0x86: {  	[tilespmem:s1], [sflag:$0x1] =	stream.linear.gather [hbm4b:s0+s3], $0xC8, $0x38;
	[tilespmem:$0x19640] =	vst v63  }
0x87: {  	s1 =	sld [smem:$0x7FC];
	_ =	sdelay $0x2  }
0x88: {  	[tilespmem:s9], [sflag:$0x1] =	stream.linear.gather [hbm4b:s1+s3], $0xC8, $0x38;
	[tilespmem:$0x19640] =	vst v63  }
0x89: {  	s1 =	sld [smem:$0x7FD];
	_ =	sdelay $0x2  }
0x8a: {  	[tilespmem:s10], [sflag:$0x1] =	stream.linear.gather [hbm4b:s1+s3], $0xC8, $0x38;
	[tilespmem:$0x19640] =	vst v63  }
0x8b: {  	_ =	swait.ge [sflag:s6], $0xC8  }
0x8c: {  	[sflag:s6] =	ssyncset.done $0x0  }
0x8d: {  	[sflag:s6] =	ssyncadd.s32 $0xFFFFFF38  }
0x8e: {  	_ =	swait.ge [sflag:s6], $0xC8  }
0x8f: {  	[sflag:s6] =	ssyncset.done $0x0  }
0x90: {  	[sflag:s6] =	ssyncadd.s32 $0xFFFFFF38  }
0x91: {  	_ =	swait.ge [sflag:s6], $0xC8  }
0x92: {  	[sflag:s6] =	ssyncset.done $0x0  }
0x93: {  	[sflag:s6] =	ssyncadd.s32 $0xFFFFFF38  }
0x94: {  	_ =	swait.ge [sflag:s6], $0xC8  }
0x95: {  	[sflag:s6] =	ssyncset.done $0x0  }
0x96: {  	[sflag:s6] =	ssyncadd.s32 $0xFFFFFF38  }
0x97: {  	_ =	swait.ge [sflag:s20], $0x3200  }
0x98: {  	[sflag:s20] =	ssyncset.done $0x0  }
0x99: {  	[sflag:s20] =	ssyncadd.s32 $0xFFFFCE00  }
0x9a: {  	_ =	swait.ge [sflag:s20], $0x3200  }
0x9b: {  	[sflag:s20] =	ssyncset.done $0x0  }
0x9c: {  	[sflag:s20] =	ssyncadd.s32 $0xFFFFCE00  }
0x9d: {  	_ =	swait.ge [sflag:s20], $0x3200  }
0x9e: {  	[sflag:s20] =	ssyncset.done $0x0  }
0x9f: {  	[sflag:s20] =	ssyncadd.s32 $0xFFFFCE00  }
0xa0: {  	_ =	swait.ge [sflag:s20], $0x3200  }
0xa1: {  	[sflag:s20] =	ssyncset.done $0x0  }
0xa2: {  	[sflag:s20] =	ssyncadd.s32 $0xFFFFCE00  }
0xa3: {  	[tilespmem:s8], [sflag:$0x3] =	stream.indirect.gather [hbm4b:s2+s7], $0x40, s3, s7, $0xb8;
	[tilespmem:$0x19640] =	vst v63  }
0xa4: {  	_ = 	snop  }
0xa5: {  	[tilespmem:s11], [sflag:$0x3] =	stream.indirect.gather [hbm4b:s2+s7], $0x40, s7, s7, $0xb8;
	[tilespmem:$0x19640] =	vst v63  }
0xa6: {  	_ = 	snop  }
0xa7: {  	[tilespmem:s13], [sflag:$0x3] =	stream.indirect.gather [hbm4b:s2+s7], $0x40, s12, s7, $0xb8;
	[tilespmem:$0x19640] =	vst v63  }
0xa8: {  	_ = 	snop  }
0xa9: {  	[tilespmem:s17], [sflag:$0x3] =	stream.indirect.gather [hbm4b:s2+s7], $0x40, s16, s7, $0xb8;
	[tilespmem:$0x19640] =	vst v63  }
0xaa: {  	_ = 	snop  }
0xab: {  	[tilespmem:s22], [sflag:$0x3] =	stream.indirect.gather [hbm4b:s2+s7], $0x40, s19, s7, $0xb8;
	[tilespmem:$0x19640] =	vst v63  }
0xac: {  	_ = 	snop  }
0xad: {  	[tilespmem:s25], [sflag:$0x3] =	stream.indirect.gather [hbm4b:s2+s7], $0x40, s24, s7, $0xb8;
	[tilespmem:$0x19640] =	vst v63  }
0xae: {  	_ = 	snop  }
0xaf: {  	[tilespmem:s29], [sflag:$0x3] =	stream.indirect.gather [hbm4b:s2+s18], $0x40, s28, s18, $0xb8;
	[tilespmem:$0x19640] =	vst v63  }
0xb0: {  	_ =	swait.ge [sflag:s26], $0xC800  }
0xb1: {  	s9 =	rddreg [dreg:$0x4]  }
0xb2: {  	[sflag:s26] =	ssyncset.done $0x0;
	s0 =	sadd.s32 $0x0, s9  }
0xb3: {  	s10 =	rddreg [dreg:$0x7];
	[sflag:s26] =	ssyncadd.s32 $0xFFFF3800;
	s11 =	sadd.s32 $0x3200, s0  }
0xb4: {  	[hbm4b:s11+s15] =	stream.strided.scatter [tilespmem:s5], [sflag:$0x6], $0x3200, s7, s15, $0x38;
	[tilespmem:$0x19640] =	vst v63  }
0xb5: {  	s16 =	simm.s32 $0x10040;
	s12 =	rddreg [dreg:$0x6];
	s1 =	sadd.s32 $0x0, s10  }
0xb6: {  	[hbm4b:s1+s15] =	stream.strided.scatter [tilespmem:s16], [sflag:$0x6], $0x3200, s7, s15, $0x38;
	[tilespmem:$0x19640] =	vst v63  }
0xb7: {  	s19 =	simm.s32 $0x13240;
	s13 =	rddreg [dreg:$0x5];
	s17 =	sadd.s32 $0x0, s12  }
0xb8: {  	[hbm4b:s17+s15] =	stream.strided.scatter [tilespmem:s19], [sflag:$0x6], $0x3200, s7, s15, $0x38;
	[tilespmem:$0x19640] =	vst v63  }
0xb9: {  	s24 =	simm.s32 $0x16440;
	s22 =	sadd.s32 $0x0, s13  }
0xba: {  	[hbm4b:s22+s15] =	stream.strided.scatter [tilespmem:s24], [sflag:$0x6], $0x3200, s7, s15, $0x38;
	[tilespmem:$0x19640] =	vst v63  }
0xbb: {  	s13 =	rddreg [dreg:$0x1c]  }
0xbc: {  	[tilespmem:s21], [sflag:$0x2] =	stream.linear.gather [hbm4b:s13+s3], $0xC8, $0x38;
	[tilespmem:$0x19640] =	vst v63  }
0xbd: {  	s12 =	rddreg [dreg:$0x1f]  }
0xbe: {  	[tilespmem:s31], [sflag:$0x2] =	stream.linear.gather [hbm4b:s12+s3], $0xC8, $0x38;
	[tilespmem:$0x19640] =	vst v63  }
0xbf: {  	s25 =	simm.s32 $0x4B0;
	s17 =	rddreg [dreg:$0x1e]  }
0xc0: {  	[tilespmem:s25], [sflag:$0x2] =	stream.linear.gather [hbm4b:s17+s3], $0xC8, $0x38;
	[tilespmem:$0x19640] =	vst v63  }
0xc1: {  	s9 =	simm.s32 $0x578;
	s16 =	rddreg [dreg:$0x1d]  }
0xc2: {  	[tilespmem:s9], [sflag:$0x2] =	stream.linear.gather [hbm4b:s16+s3], $0xC8, $0x38;
	[tilespmem:$0x19640] =	vst v63  }
0xc3: {  	_ =	swait.ge [sflag:s30], $0xC8  }
0xc4: {  	[sflag:s30] =	ssyncset.done $0x0  }
0xc5: {  	[sflag:s30] =	ssyncadd.s32 $0xFFFFFF38  }
0xc6: {  	_ =	swait.ge [sflag:s30], $0xC8  }
0xc7: {  	[sflag:s30] =	ssyncset.done $0x0  }
0xc8: {  	[sflag:s30] =	ssyncadd.s32 $0xFFFFFF38  }
0xc9: {  	_ =	swait.ge [sflag:s30], $0xC8  }
0xca: {  	[sflag:s30] =	ssyncset.done $0x0  }
0xcb: {  	[sflag:s30] =	ssyncadd.s32 $0xFFFFFF38  }
0xcc: {  	_ =	swait.ge [sflag:s30], $0xC8  }
0xcd: {  	[sflag:s30] =	ssyncset.done $0x0  }
0xce: {  	[sflag:s30] =	ssyncadd.s32 $0xFFFFFF38  }
0xcf: {  	_ =	swait.ge [sflag:s23], $0x3200  }
0xd0: {  	[sflag:s23] =	ssyncset.done $0x0  }
0xd1: {  	[sflag:s23] =	ssyncadd.s32 $0xFFFFCE00  }
0xd2: {  	_ =	swait.ge [sflag:s23], $0x3200  }
0xd3: {  	[sflag:s23] =	ssyncset.done $0x0  }
0xd4: {  	[sflag:s23] =	ssyncadd.s32 $0xFFFFCE00  }
0xd5: {  	_ =	swait.ge [sflag:s23], $0x3200  }
0xd6: {  	[sflag:s23] =	ssyncset.done $0x0  }
0xd7: {  	[sflag:s23] =	ssyncadd.s32 $0xFFFFCE00  }
0xd8: {  	_ =	swait.ge [sflag:s23], $0x3200  }
0xd9: {  	[sflag:s23] =	ssyncset.done $0x0  }
0xda: {  	[sflag:s23] =	ssyncadd.s32 $0xFFFFCE00  }
0xdb: {  	[tilespmem:s5], [sflag:$0x4] =	stream.indirect.gather [hbm4b:s2+s7], $0x40, s21, s7, $0xb8;
	[tilespmem:$0x19640] =	vst v63  }
0xdc: {  	s10 =	simm.s32 $0x3A0;
	s11 =	simm.s32 $0xEE40  }
0xdd: {  	[tilespmem:s11], [sflag:$0x4] =	stream.indirect.gather [hbm4b:s2+s7], $0x40, s10, s7, $0xb8;
	[tilespmem:$0x19640] =	vst v63  }
0xde: {  	s19 =	simm.s32 $0x420;
	s22 =	simm.s32 $0x10E40  }
0xdf: {  	[tilespmem:s22], [sflag:$0x4] =	stream.indirect.gather [hbm4b:s2+s7], $0x40, s19, s7, $0xb8;
	[tilespmem:$0x19640] =	vst v63  }
0xe0: {  	s24 =	simm.s32 $0x4A0;
	s25 =	simm.s32 $0x12E40  }
0xe1: {  	[tilespmem:s25], [sflag:$0x4] =	stream.indirect.gather [hbm4b:s2+s7], $0x40, s24, s7, $0xb8;
	[tilespmem:$0x19640] =	vst v63  }
0xe2: {  	s9 =	simm.s32 $0x520;
	s10 =	simm.s32 $0x14E40  }
0xe3: {  	[tilespmem:s10], [sflag:$0x4] =	stream.indirect.gather [hbm4b:s2+s7], $0x40, s9, s7, $0xb8;
	[tilespmem:$0x19640] =	vst v63  }
0xe4: {  	s11 =	simm.s32 $0x5A0;
	s19 =	simm.s32 $0x16E40  }
0xe5: {  	[tilespmem:s19], [sflag:$0x4] =	stream.indirect.gather [hbm4b:s2+s7], $0x40, s11, s7, $0xb8;
	[tilespmem:$0x19640] =	vst v63  }
0xe6: {  	s29 =	simm.s32 $0x6A40;
	s22 =	simm.s32 $0x620;
	s24 =	simm.s32 $0x18E40  }
0xe7: {  	[tilespmem:s24], [sflag:$0x4] =	stream.indirect.gather [hbm4b:s2+s18], $0x40, s22, s18, $0xb8;
	[tilespmem:$0x19640] =	vst v63  }
0xe8: {  	s28 =	simm.s32 $0x9C40;
	s0 =	sadd.s32 $0x6400, s0;
	_ =	swait.ge [sflag:s14], $0xC800  }
0xe9: {  	s31 =	simm.s32 $0x2;
	s10 =	smin.u32 s3, $0x7B;
	s25 =	rddreg [dreg:$0xa]  }
0xea: {  	s9 =	sshll.u32 s10, $0x2;
	s10 =	simm.s32 $0x6A40;
	s11 =	rddreg [dreg:$0x3]  }
0xeb: {  	s24 =	simm.s32 $0x6400;
	[sflag:s14] =	ssyncset.done $0x0;
	s19 =	rddreg [dreg:$0x9]  }
0xec: {  	s22 =	rddreg [dreg:$0x8];
	[sflag:s14] =	ssyncadd.s32 $0xFFFF3800;
	s1 =	sadd.s32 $0x0, s25  }
0xed: {  	s9 =	sadd.s32 s9, s11;
	s25 =	simm.s32 $0x3840;
	s11 =	sadd.s32 $0x0, s22  }
0xee: {  	[hbm4b:s0+s15] =	stream.strided.scatter [tilespmem:s8], [sflag:$0x5], $0x3200, s7, s15, $0x38;
	[tilespmem:$0x19640] =	vst v63  }
0xef: {  	s22 =	simm.s32 $0x9C40;
	s0 =	sadd.s32 $0x0, s19;
	s19 =	simm.s32 $0x3E8  }
0xf0: {  	[hbm4b:s1+s15] =	stream.strided.scatter [tilespmem:s25], [sflag:$0x5], $0x3200, s7, s15, $0x38;
	[tilespmem:$0x19640] =	vst v63  }
0xf1: {  	s25 =	sadd.s32 $0xC8, s12;
	s12 =	smul.u32 $0x19, s9;
	s1 =	sadd.s32 $0xC8, s13  }
0xf2: {  	[hbm4b:s0+s15] =	stream.strided.scatter [tilespmem:s10], [sflag:$0x5], $0x3200, s7, s15, $0x38;
	[tilespmem:$0x19640] =	vst v63  }
0xf3: {  	s10 =	smul.u32 $0xC8, s9;
	s0 =	sadd.s32 $0xC8, s17;
	s9 =	sadd.s32 $0xC8, s16  }
0xf4: {  	[hbm4b:s11+s15] =	stream.strided.scatter [tilespmem:s22], [sflag:$0x5], $0x3200, s7, s15, $0x38;
	[tilespmem:$0x19640] =	vst v63  }
0xf5: {  	s11 =	sadd.s32 s4, s12;
	s13 =	sadd.s32 $0xC8, s10;
	s12 =	sshrl.u32 s10, $0x3  }
.LBB2_2:
0xf6: {  	s13 =	sshrl.u32 s13, $0x3;
	s12 =	sadd.s32 s4, s12  }
0xf7: {  	[tilespmem:s3], [sflag:$0x1] =	stream.linear.gather [hbm4b:s11+s3], $0xC8, $0x38;
	[tilespmem:$0x19640] =	vst v63  }
0xf8: {  	s10 =	sadd.s32 $0x258, s10;
	s16 =	simm.s32 $0xC8;
	s22 =	sadd.s32 s4, s13  }
0xf9: {  	[tilespmem:s16], [sflag:$0x1] =	stream.linear.gather [hbm4b:s22+s3], $0xC8, $0x38;
	[tilespmem:$0x19640] =	vst v63  }
0xfa: {  	s13 =	sshrl.u32 s10, $0x3;
	s17 =	sadd.s32 $0x32, s12;
	s22 =	simm.s32 $0x190  }
0xfb: {  	[tilespmem:s22], [sflag:$0x1] =	stream.linear.gather [hbm4b:s17+s3], $0xC8, $0x38;
	[tilespmem:$0x19640] =	vst v63  }
0xfc: {  	s16 =	sadd.s32 s4, s13;
	s17 =	simm.s32 $0x258  }
0xfd: {  	[tilespmem:s17], [sflag:$0x1] =	stream.linear.gather [hbm4b:s16+s3], $0xC8, $0x38;
	[tilespmem:$0x19640] =	vst v63  }
0xfe: {  	_ =	swait.ge [sflag:s6], $0xC8  }
0xff: {  	[sflag:s6] =	ssyncset.done $0x0  }
0x100: {  	[sflag:s6] =	ssyncadd.s32 $0xFFFFFF38  }
0x101: {  	_ =	swait.ge [sflag:s6], $0xC8  }
0x102: {  	[sflag:s6] =	ssyncset.done $0x0  }
0x103: {  	[sflag:s6] =	ssyncadd.s32 $0xFFFFFF38  }
0x104: {  	_ =	swait.ge [sflag:s6], $0xC8  }
0x105: {  	[sflag:s6] =	ssyncset.done $0x0  }
0x106: {  	[sflag:s6] =	ssyncadd.s32 $0xFFFFFF38  }
0x107: {  	_ =	swait.ge [sflag:s6], $0xC8  }
0x108: {  	[sflag:s6] =	ssyncset.done $0x0  }
0x109: {  	[sflag:s6] =	ssyncadd.s32 $0xFFFFFF38  }
0x10a: {  	_ =	swait.ge [sflag:s20], $0x3200  }
0x10b: {  	[sflag:s20] =	ssyncset.done $0x0  }
0x10c: {  	[sflag:s20] =	ssyncadd.s32 $0xFFFFCE00  }
0x10d: {  	_ =	swait.ge [sflag:s20], $0x3200  }
0x10e: {  	[sflag:s20] =	ssyncset.done $0x0  }
0x10f: {  	[sflag:s20] =	ssyncadd.s32 $0xFFFFCE00  }
0x110: {  	_ =	swait.ge [sflag:s20], $0x3200  }
0x111: {  	[sflag:s20] =	ssyncset.done $0x0  }
0x112: {  	[sflag:s20] =	ssyncadd.s32 $0xFFFFCE00  }
0x113: {  	_ =	swait.ge [sflag:s20], $0x3200  }
0x114: {  	[sflag:s20] =	ssyncset.done $0x0  }
0x115: {  	[sflag:s20] =	ssyncadd.s32 $0xFFFFCE00  }
0x116: {  	[tilespmem:s8], [sflag:$0x3] =	stream.indirect.gather [hbm4b:s2+s7], $0x40, s3, s7, $0xb8;
	[tilespmem:$0x19640] =	vst v63  }
0x117: {  	s22 =	simm.s32 $0x2640  }
0x118: {  	[tilespmem:s22], [sflag:$0x3] =	stream.indirect.gather [hbm4b:s2+s7], $0x40, s7, s7, $0xb8;
	[tilespmem:$0x19640] =	vst v63  }
0x119: {  	s13 =	simm.s32 $0x4640;
	s16 =	simm.s32 $0x100  }
0x11a: {  	[tilespmem:s13], [sflag:$0x3] =	stream.indirect.gather [hbm4b:s2+s7], $0x40, s16, s7, $0xb8;
	[tilespmem:$0x19640] =	vst v63  }
0x11b: {  	s17 =	simm.s32 $0x6640;
	s22 =	simm.s32 $0x180  }
0x11c: {  	[tilespmem:s17], [sflag:$0x3] =	stream.indirect.gather [hbm4b:s2+s7], $0x40, s22, s7, $0xb8;
	[tilespmem:$0x19640] =	vst v63  }
0x11d: {  	s13 =	simm.s32 $0x200;
	s16 =	simm.s32 $0x8640  }
0x11e: {  	[tilespmem:s16], [sflag:$0x3] =	stream.indirect.gather [hbm4b:s2+s7], $0x40, s13, s7, $0xb8;
	[tilespmem:$0x19640] =	vst v63  }
0x11f: {  	s17 =	simm.s32 $0x280;
	s22 =	simm.s32 $0xA640  }
0x120: {  	[tilespmem:s22], [sflag:$0x3] =	stream.indirect.gather [hbm4b:s2+s7], $0x40, s17, s7, $0xb8;
	[tilespmem:$0x19640] =	vst v63  }
0x121: {  	s13 =	simm.s32 $0x300;
	s16 =	simm.s32 $0xC640  }
0x122: {  	[tilespmem:s16], [sflag:$0x3] =	stream.indirect.gather [hbm4b:s2+s18], $0x40, s13, s18, $0xb8;
	[tilespmem:$0x19640] =	vst v63  }
0x123: {  	_ =	swait.ge [sflag:s26], $0xC800  }
0x124: {  	s10 =	smov.u32 s24;
	s17 =	rddreg [dreg:$0x4]  }
0x125: {  	[sflag:s26] =	ssyncset.done $0x0;
	s12 =	sadd.s32 s10, s17  }
0x126: {  	s22 =	rddreg [dreg:$0x7];
	[sflag:s26] =	ssyncadd.s32 $0xFFFF3800;
	s16 =	sadd.s32 $0x3200, s12  }
0x127: {  	[hbm4b:s16+s15] =	stream.strided.scatter [tilespmem:s5], [sflag:$0x6], $0x3200, s7, s15, $0x38;
	[tilespmem:$0x19640] =	vst v63  }
0x128: {  	s17 =	rddreg [dreg:$0x6];
	s13 =	sadd.s32 s10, s22;
	s22 =	simm.s32 $0x10040  }
0x129: {  	[hbm4b:s13+s15] =	stream.strided.scatter [tilespmem:s22], [sflag:$0x6], $0x3200, s7, s15, $0x38;
	[tilespmem:$0x19640] =	vst v63  }
0x12a: {  	s17 =	sadd.s32 s10, s17;
	s16 =	rddreg [dreg:$0x5];
	s22 =	simm.s32 $0x13240  }
0x12b: {  	[hbm4b:s17+s15] =	stream.strided.scatter [tilespmem:s22], [sflag:$0x6], $0x3200, s7, s15, $0x38;
	[tilespmem:$0x19640] =	vst v63  }
0x12c: {  	s16 =	sadd.s32 s10, s16;
	s17 =	simm.s32 $0x16440  }
0x12d: {  	[hbm4b:s16+s15] =	stream.strided.scatter [tilespmem:s17], [sflag:$0x6], $0x3200, s7, s15, $0x38;
	[tilespmem:$0x19640] =	vst v63  }
0x12e: {  	_ = 	snop  }
0x12f: {  	[tilespmem:s21], [sflag:$0x2] =	stream.linear.gather [hbm4b:s1+s3], $0xC8, $0x38;
	[tilespmem:$0x19640] =	vst v63  }
0x130: {  	_ = 	snop  }
0x131: {  	[tilespmem:s19], [sflag:$0x2] =	stream.linear.gather [hbm4b:s25+s3], $0xC8, $0x38;
	[tilespmem:$0x19640] =	vst v63  }
0x132: {  	s22 =	simm.s32 $0x4B0  }
0x133: {  	[tilespmem:s22], [sflag:$0x2] =	stream.linear.gather [hbm4b:s0+s3], $0xC8, $0x38;
	[tilespmem:$0x19640] =	vst v63  }
0x134: {  	s16 =	simm.s32 $0x578  }
0x135: {  	[tilespmem:s16], [sflag:$0x2] =	stream.linear.gather [hbm4b:s9+s3], $0xC8, $0x38;
	[tilespmem:$0x19640] =	vst v63  }
0x136: {  	_ =	swait.ge [sflag:s30], $0xC8  }
0x137: {  	[sflag:s30] =	ssyncset.done $0x0  }
0x138: {  	[sflag:s30] =	ssyncadd.s32 $0xFFFFFF38  }
0x139: {  	_ =	swait.ge [sflag:s30], $0xC8  }
0x13a: {  	[sflag:s30] =	ssyncset.done $0x0  }
0x13b: {  	[sflag:s30] =	ssyncadd.s32 $0xFFFFFF38  }
0x13c: {  	_ =	swait.ge [sflag:s30], $0xC8  }
0x13d: {  	[sflag:s30] =	ssyncset.done $0x0  }
0x13e: {  	[sflag:s30] =	ssyncadd.s32 $0xFFFFFF38  }
0x13f: {  	_ =	swait.ge [sflag:s30], $0xC8  }
0x140: {  	[sflag:s30] =	ssyncset.done $0x0  }
0x141: {  	[sflag:s30] =	ssyncadd.s32 $0xFFFFFF38  }
0x142: {  	_ =	swait.ge [sflag:s23], $0x3200  }
0x143: {  	[sflag:s23] =	ssyncset.done $0x0  }
0x144: {  	[sflag:s23] =	ssyncadd.s32 $0xFFFFCE00  }
0x145: {  	_ =	swait.ge [sflag:s23], $0x3200  }
0x146: {  	[sflag:s23] =	ssyncset.done $0x0  }
0x147: {  	[sflag:s23] =	ssyncadd.s32 $0xFFFFCE00  }
0x148: {  	_ =	swait.ge [sflag:s23], $0x3200  }
0x149: {  	[sflag:s23] =	ssyncset.done $0x0  }
0x14a: {  	[sflag:s23] =	ssyncadd.s32 $0xFFFFCE00  }
0x14b: {  	_ =	swait.ge [sflag:s23], $0x3200  }
0x14c: {  	[sflag:s23] =	ssyncset.done $0x0  }
0x14d: {  	[sflag:s23] =	ssyncadd.s32 $0xFFFFCE00  }
0x14e: {  	[tilespmem:s5], [sflag:$0x4] =	stream.indirect.gather [hbm4b:s2+s7], $0x40, s21, s7, $0xb8;
	[tilespmem:$0x19640] =	vst v63  }
0x14f: {  	s17 =	simm.s32 $0x3A0;
	s22 =	simm.s32 $0xEE40  }
0x150: {  	[tilespmem:s22], [sflag:$0x4] =	stream.indirect.gather [hbm4b:s2+s7], $0x40, s17, s7, $0xb8;
	[tilespmem:$0x19640] =	vst v63  }
0x151: {  	p0 =	sne.s32 s24, $0x183800;
	s17 =	simm.s32 $0x420;
	s22 =	simm.s32 $0x10E40  }
0x152: {  	[tilespmem:s22], [sflag:$0x4] =	stream.indirect.gather [hbm4b:s2+s7], $0x40, s17, s7, $0xb8;
	[tilespmem:$0x19640] =	vst v63  }
0x153: {  	s11 =	smov.u32 s31;
	s17 =	simm.s32 $0x4A0;
	s22 =	simm.s32 $0x12E40  }
0x154: {  	[tilespmem:s22], [sflag:$0x4] =	stream.indirect.gather [hbm4b:s2+s7], $0x40, s17, s7, $0xb8;
	[tilespmem:$0x19640] =	vst v63  }
0x155: {  	s31 =	sadd.s32 $0x2, s31;
	s17 =	simm.s32 $0x520;
	s22 =	simm.s32 $0x14E40  }
0x156: {  	[tilespmem:s22], [sflag:$0x4] =	stream.indirect.gather [hbm4b:s2+s7], $0x40, s17, s7, $0xb8;
	[tilespmem:$0x19640] =	vst v63  }
0x157: {  	s24 =	sadd.s32 $0x6400, s24;
	s17 =	simm.s32 $0x5A0;
	s22 =	simm.s32 $0x16E40  }
0x158: {  	[tilespmem:s22], [sflag:$0x4] =	stream.indirect.gather [hbm4b:s2+s7], $0x40, s17, s7, $0xb8;
	[tilespmem:$0x19640] =	vst v63  }
0x159: {  	s11 =	smin.u32 s11, $0x7B;
	s17 =	simm.s32 $0x620;
	s22 =	simm.s32 $0x18E40  }
0x15a: {  	[tilespmem:s22], [sflag:$0x4] =	stream.indirect.gather [hbm4b:s2+s18], $0x40, s17, s18, $0xb8;
	[tilespmem:$0x19640] =	vst v63  }
0x15b: {  	s11 =	sshll.u32 s11, $0x2;
	s12 =	sadd.s32 $0x6400, s12;
	_ =	swait.ge [sflag:s14], $0xC800  }
0x15c: {  	s1 =	sadd.s32 $0xC8, s1;
	s25 =	sadd.s32 $0xC8, s25;
	s17 =	rddreg [dreg:$0xa]  }
0x15d: {  	s0 =	sadd.s32 $0xC8, s0;
	[sflag:s14] =	ssyncset.done $0x0;
	s22 =	rddreg [dreg:$0x3]  }
0x15e: {  	s13 =	rddreg [dreg:$0x9];
	[sflag:s14] =	ssyncadd.s32 $0xFFFF3800;
	s11 =	sadd.s32 s11, s22  }
0x15f: {  	[hbm4b:s12+s15] =	stream.strided.scatter [tilespmem:s8], [sflag:$0x5], $0x3200, s7, s15, $0x38;
	[tilespmem:$0x19640] =	vst v63  }
0x160: {  	s22 =	simm.s32 $0x3840;
	s12 =	sadd.s32 s10, s17;
	s16 =	smul.u32 $0x19, s11  }
0x161: {  	[hbm4b:s12+s15] =	stream.strided.scatter [tilespmem:s22], [sflag:$0x5], $0x3200, s7, s15, $0x38;
	[tilespmem:$0x19640] =	vst v63  }
.Ltmp0:
0x162: {  	s9 =	sadd.s32 $0xC8, s9;
	s17 =	rddreg [dreg:$0x8];
	(pc) =	sbr.rel @p0 .LBB2_2-.Ltmp0, $4  }
0x163: {  	s13 =	sadd.s32 s10, s13;
	s22 =	sadd.s32 s10, s17;
	s10 =	smul.u32 $0xC8, s11  }
0x164: {  	[hbm4b:s13+s15] =	stream.strided.scatter [tilespmem:s29], [sflag:$0x5], $0x3200, s7, s15, $0x38;
	[tilespmem:$0x19640] =	vst v63  }
0x165: {  	s11 =	sadd.s32 s4, s16;
	s13 =	sadd.s32 $0xC8, s10;
	s12 =	sshrl.u32 s10, $0x3  }
0x166: {  	[hbm4b:s22+s15] =	stream.strided.scatter [tilespmem:s28], [sflag:$0x5], $0x3200, s7, s15, $0x38;
	[tilespmem:$0x19640] =	vst v63  }
0x167: {  	[tilespmem:s3], [sflag:$0x1] =	stream.linear.gather [hbm4b:s11+s3], $0xC8, $0x38;
	[tilespmem:$0x19640] =	vst v63  }
0x168: {  	s0 =	sshrl.u32 s13, $0x3;
	s1 =	sadd.s32 s4, s12  }
0x169: {  	s9 =	sadd.s32 $0x258, s10;
	s22 =	simm.s32 $0xC8;
	s0 =	sadd.s32 s4, s0  }
0x16a: {  	[tilespmem:s22], [sflag:$0x1] =	stream.linear.gather [hbm4b:s0+s3], $0xC8, $0x38;
	[tilespmem:$0x19640] =	vst v63  }
0x16b: {  	s25 =	simm.s32 $0x190;
	s24 =	sshrl.u32 s9, $0x3;
	s1 =	sadd.s32 $0x32, s1  }
0x16c: {  	[tilespmem:s25], [sflag:$0x1] =	stream.linear.gather [hbm4b:s1+s3], $0xC8, $0x38;
	[tilespmem:$0x19640] =	vst v63  }
0x16d: {  	s10 =	simm.s32 $0x258;
	s0 =	sadd.s32 s4, s24  }
0x16e: {  	[tilespmem:s10], [sflag:$0x1] =	stream.linear.gather [hbm4b:s0+s3], $0xC8, $0x38;
	[tilespmem:$0x19640] =	vst v63  }
0x16f: {  	_ =	swait.ge [sflag:s6], $0xC8  }
0x170: {  	[sflag:s6] =	ssyncset.done $0x0  }
0x171: {  	[sflag:s6] =	ssyncadd.s32 $0xFFFFFF38  }
0x172: {  	_ =	swait.ge [sflag:s6], $0xC8  }
0x173: {  	[sflag:s6] =	ssyncset.done $0x0  }
0x174: {  	[sflag:s6] =	ssyncadd.s32 $0xFFFFFF38  }
0x175: {  	_ =	swait.ge [sflag:s6], $0xC8  }
0x176: {  	[sflag:s6] =	ssyncset.done $0x0  }
0x177: {  	[sflag:s6] =	ssyncadd.s32 $0xFFFFFF38  }
0x178: {  	_ =	swait.ge [sflag:s6], $0xC8  }
0x179: {  	[sflag:s6] =	ssyncset.done $0x0  }
0x17a: {  	[sflag:s6] =	ssyncadd.s32 $0xFFFFFF38  }
0x17b: {  	_ =	swait.ge [sflag:s26], $0xC800  }
0x17c: {  	[sflag:s26] =	ssyncset.done $0x0  }
0x17d: {  	s11 =	rddreg [dreg:$0x17];
	[sflag:s26] =	ssyncadd.s32 $0xFFFF3800  }
0x17e: {  	[hbm4b:s11+s15] =	stream.strided.scatter [tilespmem:s5], [sflag:$0x6], $0x3200, s7, s15, $0x38;
	[tilespmem:$0x19640] =	vst v63  }
0x17f: {  	s13 =	simm.s32 $0x10040;
	s12 =	rddreg [dreg:$0x18]  }
0x180: {  	[hbm4b:s12+s15] =	stream.strided.scatter [tilespmem:s13], [sflag:$0x6], $0x3200, s7, s15, $0x38;
	[tilespmem:$0x19640] =	vst v63  }
0x181: {  	s17 =	simm.s32 $0x13240;
	s16 =	rddreg [dreg:$0x19]  }
0x182: {  	[hbm4b:s16+s15] =	stream.strided.scatter [tilespmem:s17], [sflag:$0x6], $0x3200, s7, s15, $0x38;
	[tilespmem:$0x19640] =	vst v63  }
0x183: {  	s22 =	simm.s32 $0x16440;
	s19 =	rddreg [dreg:$0x1a]  }
0x184: {  	[hbm4b:s19+s15] =	stream.strided.scatter [tilespmem:s22], [sflag:$0x6], $0x3200, s7, s15, $0x38;
	[tilespmem:$0x19640] =	vst v63  }
0x185: {  	_ =	swait.ge [sflag:s20], $0x3200  }
0x186: {  	[sflag:s20] =	ssyncset.done $0x0  }
0x187: {  	[sflag:s20] =	ssyncadd.s32 $0xFFFFCE00  }
0x188: {  	_ =	swait.ge [sflag:s20], $0x3200  }
0x189: {  	[sflag:s20] =	ssyncset.done $0x0  }
0x18a: {  	[sflag:s20] =	ssyncadd.s32 $0xFFFFCE00  }
0x18b: {  	_ =	swait.ge [sflag:s20], $0x3200  }
0x18c: {  	[sflag:s20] =	ssyncset.done $0x0  }
0x18d: {  	[sflag:s20] =	ssyncadd.s32 $0xFFFFCE00  }
0x18e: {  	_ =	swait.ge [sflag:s20], $0x3200  }
0x18f: {  	[sflag:s20] =	ssyncset.done $0x0  }
0x190: {  	[sflag:s20] =	ssyncadd.s32 $0xFFFFCE00  }
0x191: {  	_ =	swait.ge [sflag:s23], $0x3200  }
0x192: {  	[sflag:s23] =	ssyncset.done $0x0  }
0x193: {  	[sflag:s23] =	ssyncadd.s32 $0xFFFFCE00  }
0x194: {  	_ =	swait.ge [sflag:s23], $0x3200  }
0x195: {  	[sflag:s23] =	ssyncset.done $0x0  }
0x196: {  	[sflag:s23] =	ssyncadd.s32 $0xFFFFCE00  }
0x197: {  	_ =	swait.ge [sflag:s23], $0x3200  }
0x198: {  	[sflag:s23] =	ssyncset.done $0x0  }
0x199: {  	[sflag:s23] =	ssyncadd.s32 $0xFFFFCE00  }
0x19a: {  	_ =	swait.ge [sflag:s23], $0x3200  }
0x19b: {  	s24 =	sld [smem:$0x7F9];
	_ =	sdelay $0x2  }
0x19c: {  	s25 =	rddreg [dreg:$0x1b];
	s1 =	sadd.s32 $0x1, s24  }
0x19d: {  	p0 =	sne.s32 s1, s25  }
.Ltmp1:
0x19e: {  	s28 =	simm.s32 $0x300;
	s29 =	simm.s32 $0xC640;
	(pc) =	sbr.rel @p0 .LBB2_1-.Ltmp1, $4  }
0x19f: {  	s31 =	simm.s32 $0x3E8;
	s11 =	simm.s32 $0x2640;
	s12 =	simm.s32 $0x100  }
0x1a0: {  	s13 =	simm.s32 $0x4640;
	s16 =	simm.s32 $0x180;
	s17 =	simm.s32 $0x6640  }
0x1a1: {  	s19 =	simm.s32 $0x200;
	s22 =	simm.s32 $0x8640;
	[sflag:s23] =	ssyncset.done $0x0  }
0x1a2: {  	[sflag:s23] =	ssyncadd.s32 $0xFFFFCE00;
	s24 =	simm.s32 $0x280;
	s25 =	simm.s32 $0xA640  }
0x1a3: {  	_ =	sfence.sel $0x180000  }
0x1a4: {  	[bflag:$0x0] =	sbarrier.arrive $0xFFFF  }
0x1a5: {  	_ =	strace $0x9000004A  }
0x1a6: {  	s0 =	stileid.u32;
	[bflag:$0x2] =	sbarrier.arrive $0xFFFF  }
0x1a7: {  	p0 =	sne.s32 s0, $0x0;
	s0 =	rddreg [dreg:$0x2]  }
0x1a8: {  	s0 =	sadd.s32 @!p0 $0x100000, s0  }
0x1a9: {  	[sflag:s0] =	ssyncadd.tile.s32 @!p0 $0x1;
	_ =	shalt  }
.Lfunc_end2:
_tile_overlayer_lowered:
.L_overlay_start_2:
0x1aa: {  	(tag) =	ssettag $0x2  }
0x1ab: {  	s0 =	rddreg [dreg:$0x0];
	s2 =	stileid.u32  }
0x1ac: {  	s1 =	rddreg [dreg:$0x1];
	p0 =	sne.s32 s2, $0x0  }
0x1ad: {  	s3 =	rddreg [dreg:$0x2];
	[bflag:$0x3] =	sbarrier.arrive $0xFFFF;
	s2 =	simm.s32 @!p0 $0x1C07  }
0x1ae: {  	[timem:s3], [sflag:s2] =	dma.local @!p0 [hbm:s0], s1  }
0x1af: {  	s0 =	simm.s32 @!p0 $0x7  }
0x1b0: {  	_ =	swait.ge @!p0 [sflag:s0], s1  }
0x1b1: {  	s1 =	ssub.s32 @!p0 $0x0, s1;
	[sflag:s0] =	ssyncset.done @!p0 $0x0  }
0x1b2: {  	[sflag:s0] =	ssyncadd.s32 @!p0 s1  }
0x1b3: {  	[bflag:$0x3] =	sbarrier.arrive $0xFFFF  }
0x1b4: {  	_ =	shalt  }

// kernel: sparse-core-data-format-call.1.cloned.1.call-start
scs
called_computation.1_lowered:
.L_overlay_start_0:
0x0: {  	s2 =	sld [smem:$0x3FD9]  }
0x1: {  	s3 =	sld [smem:$0x3FFE];
	_ =	sdelay $0x1  }
0x2: {  	s1 =	srdreg.scid  }
0x3: {  	s0 =	sand.u32 $0x1, s1  }
0x4: {  	s18 =	sshll.u32 s0, $0xA;
	s2 =	sadd.s32 s3, s2  }
0x5: {  	s2 =	sadd.s32 s2, s18  }
0x6: {  	[smem:$0x3FC6] =	sst s2  }
0x7: {  	_ = 	snop  }
0x8: {  	s2 =	sld [smem:$0x3FC8];
	(tm) =	ssettm $0x1  }
0x9: {  	s19 =	sld [smem:$0x3FFB];
	_ =	sdelay $0x3  }
0xa: {  	_ =	strace s19  }
0xb: {  	s3 =	sld [smem:$0x3FFC];
	_ =	sdelay $0x3  }
0xc: {  	_ =	strace s3  }
0xd: {  	s3 =	sld [smem:$0x3FFD];
	_ =	sdelay $0x3  }
0xe: {  	_ =	strace s3  }
0xf: {  	_ =	strace $0x8FFFFFFF  }
0x10: {  	s20 =	sld [smem:$0x3FDB];
	_ =	sdelay $0x1  }
0x11: {  	s4 =	simm.s32 $_scs_section_size  }
0x12: {  	s5 =	simm.s32 $_size__tile_overlayer_lowered;
	s6 =	simm.s32 $_tile_overlayer_lowered  }
0x13: {  	s23 =	simm.s32 $0x1BFF;
	s22 =	sshll.u32 s6, $0x1;
	s3 =	sadd.s32 s4, s20  }
0x14: {  	s7 =	simm.s32 $0x0;
	s21 =	sshll.u32 s5, $0x1;
	s5 =	sadd.s32 s22, s3  }
0x15: {  	[timem:s7], [sflag:s23] =	dma.local [hbm:s5], s21  }
0x16: {  	_ =	swait.ge [sflag:s23], s21  }
0x17: {  	s4 =	ssub.s32 $0x0, s21;
	[sflag:s23] =	ssyncset.done $0x0  }
0x18: {  	[sflag:s23] =	ssyncadd.s32 s4;
	_ =	sdelay $0x1  }
0x19: {  	s24 =	simm.s32 $0x1B8B  }
0x1a: {  	_ =	swait.ge [sflag:s24], $0x1  }
0x1b: {  	[sflag:s24] =	ssyncset.done $0x0  }
0x1c: {  	s26 =	simm.s32 $0x1B8E;
	s25 =	sld [smem:$0x3FFE];
	[sflag:s24] =	ssyncadd.s32 $0xFFFFFFFF  }
0x1d: {  	s27 =	simm.s32 $execute0_lowered;
	[smem:$0x3FD2] =	sst s26  }
0x1e: {  	s5 =	sshll.u32 s27, $0x1;
	_ =	strace $0x80000046;
	[dreg:$0x1] =	wrdreg $0xFFFFFFFF  }
0x1f: {  	s28 =	simm.s32 $_size_execute0_lowered;
	s3 =	sadd.s32 s3, s5;
	[dreg:$0x0] =	wrdreg $0x0  }
0x20: {  	s5 =	sshll.u32 s28, $0x1;
	[dreg:$0x2] =	wrdreg s3  }
0x21: {  	[dreg:$0x3] =	wrdreg s5  }
0x22: {  	[dreg:$0x4] =	wrdreg $0xC0  }
0x23: {  	_ =	task [dreg:s7], $0x5FFFF  }
0x24: {  	[dreg:$0x1] =	wrdreg $0xFFFFFFFF  }
0x25: {  	[dreg:$0x0] =	wrdreg $0x60  }
0x26: {  	[dreg:$0x2] =	wrdreg s2  }
0x27: {  	[dreg:$0x3] =	wrdreg s25  }
0x28: {  	[dreg:$0x4] =	wrdreg $0x9  }
0x29: {  	_ =	task.clear_ibuf [dreg:s7], $0x5FFFF;
	_ =	strace $0x90000046  }
0x2a: {  	s29 =	simm.s32 $0x9;
	_ =	strace $0x80000048  }
0x2b: {  	_ =	swait.ge [sflag:s29], $0x1  }
0x2c: {  	[sflag:s29] =	ssyncadd.s32 $0xFFFFFFFF  }
0x2d: {  	_ =	strace $0x90000048  }
0x2e: {  	_ =	sfence  }
0x2f: {  	s30 =	sld [smem:$0x0];
	_ =	sdelay $0x2  }
0x30: {  	s31 =	sshll.u32 s1, $0xD;
	s1 =	sshrl.u32 s1, $0x2  }
0x31: {  	s3 =	sand.u32 $0x4000, s31;
	s1 =	sadd.s32 s1, s30  }
0x32: {  	s0 =	sor.u32 s3, s0;
	s1 =	sshll.u32 s1, $0x11  }
0x33: {  	s0 =	sor.u32 s1, s0  }
0x34: {  	s0 =	sadd.s32 $0x8F2B, s0  }
0x35: {  	[sflag:s0] =	ssyncadd.remote.s32 $0x1  }
0x36: {  	_ =	sfence.sel $0xFFFF  }
0x37: {  	[dreg:$0x0] =	wrdreg $0xFFFFFFFF;
	(pc) =	sbr.abs _section_cstart, $3  }
0x38: {  	[dreg:$0x1] =	wrdreg $0xFFFFFFFF  }
0x39: {  	_ =	task.clear_ibuf [dreg:s7], $0x2FFFF;
	_ =	strace $0x9FFFFFFF  }
0x3a: {  	(tm) =	ssettm $0x7FFFFFFF  }
0x3b: {  	_ =	shalt  }
tec
execute0_lowered:
.L_overlay_start_1:
0x0: {  	(tag) =	ssettag $0x1  }
0x1: {  	s0 =	srdreg.scid;
	s2 =	rddreg [dreg:$0x0]  }
0x2: {  	s5 =	rddreg [dreg:$0x1];
	s1 =	stileid.u32  }
0x3: {  	s4 =	simm.s32 $0x1;
	s6 =	simm.s32 $0x2;
	s15 =	simm.s32 $0x0  }
0x4: {  	p0 =	por $0x0, $0x0;
	s8 =	simm.s32 $0x80;
	s0 =	sshll.u32 s0, $0x4  }
0x5: {  	s14 =	simm.s32 $0x0;
	s9 =	simm.s32 $0x0;
	s3 =	sand.u32 $0x10, s0  }
.Ltmp0:
0x6: {  	s10 =	simm.s32 $0x0;
	s3 =	sor.u32 s1, s3;
	(pc) =	sbr.rel .LBB1_1-.Ltmp0, $4  }
0x7: {  	s0 =	rddreg [dreg:$0x2];
	_ =	strace $0x80000047;
	s3 =	sshll.u32 s3, $0x7  }
0x8: {  	s12 =	simm.s32 $0x0;
	[sflag:s4] =	ssyncpa.u1 $0x0;
	s7 =	ssub.s32 $0xF4200, s3  }
0x9: {  	s13 =	simm.s32 $0x0;
	[sflag:s6] =	ssyncpa.u1 $0x0;
	s6 =	sshrl.u32 s7, $0xC  }
0xa: {  	s5 =	sadd.s32 $0xE00, s5;
	s11 =	smov.u32 s3;
	s7 =	sadd.s32 $0x2, s6  }
.LBB1_5:
0xb: {  	p1 =	slt.u32 s13, $0x2  }
0xc: {  	s17 =	smov.u32 s15;
	p2 =	sgt.s32 @!p1 s15, $0xF41C0;
	s16 =	sshra.s32 @!p1 s15, $0x1F  }
0xd: {  	p3 =	sgt.s32 @!p1 s14, $0x40;
	s18 =	sshra.s32 @!p1 s14, $0x1F;
	p2 =	por !p2, p1  }
0xe: {  	s15 =	sand.u32 @!p1 s16, s15;
	p3 =	por !p3, p1;
	s16 =	smov.u32 s14  }
0xf: {  	s14 =	sand.u32 @!p1 s18, s14;
	s17 =	simm.s32 @p2 $0xF41C0;
	s16 =	simm.s32 @p3 $0x40  }
0x10: {  	s15 =	ssub.s32 @!p1 s17, s15;
	s14 =	ssub.s32 @!p1 s16, s14  }
0x11: {  	s18 =	smov.u32 s12;
	s16 =	sadd.s32 @!p1 $0xFFF0BE40, s15;
	s17 =	sadd.s32 @!p1 $0xFFFFFFC0, s14  }
0x12: {  	s15 =	ssub.s32 @!p1 $0xF4240, s15;
	p2 =	sgt.s32 @!p1 s16, $0x7F;
	p3 =	sgt.s32 @!p1 s17, $0x3F  }
0x13: {  	s14 =	ssub.s32 @!p1 $0x80, s14;
	p2 =	por !p2, p1;
	p3 =	por !p3, p1  }
0x14: {  	s16 =	sadd.s32 $0x1000, s11;
	s15 =	simm.s32 @!p2 $0x0;
	s14 =	simm.s32 @!p3 $0x0  }
0x15: {  	p2 =	sgt.s32 s16, $0xF423F;
	s14 =	smul.u32 @!p1 s14, s15;
	s15 =	sadd.s32 $0x40, s12  }
0x16: {  	s18 =	smov.u32 @p2 s15  }
0x17: {  	s16 =	smov.u32 @p2 s3;
	p2 =	sgt.s32 s18, $0x3F  }
0x18: {  	s18 =	simm.s32 @p2 $0x0;
	p2 =	sne.s32 s13, s7  }
.Ltmp1:
0x19: {  	p0 =	por !p0, !p0;
	s17 =	simm.s32 @!p1 $0x2;
	(pc) =	sbr.rel @!p2 .LBB1_6-.Ltmp1, $4  }
0x1a: {  	s15 =	smov.u32 s9;
	s9 =	smov.u32 s11;
	s14 =	sand.u32 @!p1 $0x3FFFFFFF, s14  }
0x1b: {  	s11 =	smov.u32 s16;
	_ =	swait.ge @!p1 [sflag:s17], s14;
	s19 =	ssub.s32 @!p1 $0x0, s14  }
0x1c: {  	s14 =	smov.u32 s10;
	s13 =	sadd.s32 $0x1, s13;
	[sflag:s17] =	ssyncset.done @!p1 $0x0  }
0x1d: {  	s10 =	smov.u32 s12;
	s12 =	smov.u32 s18;
	[sflag:s17] =	ssyncadd.s32 @!p1 s19  }
.LBB1_1:
0x1e: {  	p1 =	sgt.u32 s13, s6  }
0x1f: {  	s16 =	sshrl.u32 @!p1 s12, $0x3  }
0x20: {  	s17 =	sshll.u32 @!p1 s11, $0x3;
	s16 =	smul.u32 @!p1 $0x7A1400, s16  }
0x21: {  	s18 =	sshll.u32 @!p1 s12, $0x7;
	s17 =	sand.u32 @!p1 $0xFFFFFC00, s17  }
0x22: {  	s16 =	sadd.s32 @!p1 s16, s17;
	s17 =	sand.u32 @!p1 $0x380, s18  }
0x23: {  	s18 =	sand.u32 @!p1 $0x7F, s11;
	s16 =	sor.u32 @!p1 s17, s16  }
0x24: {  	s17 =	sor.u32 @!p1 s18, s16  }
0x25: {  	s18 =	smulhi.u32 @!p1 $0x218D6287, s17;
	_ =	sdelay $0x1  }
0x26: {  	s16 =	smulhi.u32 @!p1 $0x218D6287, s16;
	s18 =	sshrl.u32 @!p1 s18, $0x11  }
0x27: {  	s18 =	smul.u32 @!p1 $0xF4280, s18  }
0x28: {  	s19 =	sxor.u32 @!p1 $0xFFFFFFFF, s13;
	s16 =	sshrl.u32 @!p1 s16, $0x11  }
0x29: {  	s19 =	sshll.u32 @!p1 s19, $0xD;
	s16 =	sand.u32 @!p1 $0x3F, s16;
	s17 =	ssub.s32 @!p1 s17, s18  }
0x2a: {  	s16 =	smul.u32 @!p1 $0x1E850, s16;
	s18 =	sshrl.u32 @!p1 s17, $0x3;
	s17 =	sand.u32 @!p1 $0x7, s17  }
0x2b: {  	s19 =	sand.u32 @!p1 $0x2000, s19;
	s18 =	sadd.s32 @!p1 s2, s18;
	s17 =	sshll.u32 @!p1 s17, $0x12  }
0x2c: {  	s16 =	sadd.s32 @!p1 s16, s18;
	s17 =	sor.u32 @!p1 $0x400, s17;
	s18 =	simm.s32 @!p1 $0x7A1400  }
0x2d: {  	[tilespmem:s19], [sflag:$0x1] =	stream.strided.gather @!p1 [hbm4b:s16+s17], $0x2000, s18, s17, $0x38;
	[tilespmem:$0x8100] =	vst v63  }
0x2e: {  	p1 =	seq.s32 s13, $0x0  }
0x2f: {  	p2 =	sge.u32 @!p1 s13, s7  }
0x30: {  	p1 =	por p1, p2  }
.Ltmp2:
0x31: {  	_ = 	snop;
	(pc) =	sbr.rel @p1 .LBB1_5-.Ltmp2, $1  }
0x32: {  	_ =	sdelay $0x3  }
0x33: {  	s16 =	simm.s32 $0x1  }
0x34: {  	_ =	swait.ge [sflag:s4], $0x2000;
	s16 =	simm.s32 @!p0 $0x0  }
0x35: {  	[sflag:s4] =	ssyncset.done $0x0;
	s17 =	sshll.u32 s16, $0xD  }
0x36: {  	[sflag:s4] =	ssyncadd.s32 $0xFFFFE000;
	s17 =	sor.u32 $0x40, s17  }
0x37: {  	s16 =	smul.u32 $0x8200, s16;
	v0 =	vld [tilespmem:s17+$0x30]  }
0x38: {  	v1 =	vld [tilespmem:s17+$0xFFFFFFD0]  }
0x39: {  	s16 =	sshrl.u32 s16, $0x2;
	v5 =	vld [tilespmem:s17+$0xFFFFFFE0]  }
0x3a: {  	v6 =	vld [tilespmem:s17+$0xFFFFFFF0];
	s19 =	sor.u32 $0x4000, s16  }
0x3b: {  	s31 =	sand.u32 $0x1, s13;
	v4 =	vld [tilespmem:s17+$0x0];
	s18 =	sadd.s32 $0x0, s19  }
0x3c: {  	v3 =	vld [tilespmem:s17+$0x10];
	s16 =	smul.u32 $0x8200, s31;
	[tilespmem:s18+$0x1C70 ss:$0x41] =	vst.msk $0xffff, v0  }
0x3d: {  	v2 =	vld [tilespmem:s17+$0x20];
	[tilespmem:s18+$0x410 ss:$0x41] =	vst.msk $0xffff, v1  }
0x3e: {  	s16 =	sshrl.u32 s16, $0x2;
	v1 =	vld [tilespmem:s17+$0xFFFFFFC0];
	[tilespmem:s18+$0x820 ss:$0x41] =	vst.msk $0xffff, v5;
	s17 =	sadd.s32 $0x80, s17  }
0x3f: {  	s20 =	simm.s32 $0x4;
	s21 =	simm.s32 $0x8;
	s16 =	sor.u32 $0x4000, s16;
	[tilespmem:s18+$0xC30 ss:$0x41] =	vst.msk $0xffff, v6;
	v0 =	vld [tilespmem:s17+$0x30]  }
.LBB1_3:
0x40: {  	p1 =	sne.s32 s21, $0xFC;
	v5 =	vld [tilespmem:s17+$0xFFFFFFD0];
	[tilespmem:s18+$0x1040 ss:$0x41] =	vst.msk $0xffff, v4  }
0x41: {  	v6 =	vld [tilespmem:s17+$0xFFFFFFE0];
	[tilespmem:s18+$0x1450 ss:$0x41] =	vst.msk $0xffff, v3  }
0x42: {  	s22 =	sshra.s32 s20, $0x2;
	s20 =	smov.u32 s21;
	v7 =	vld [tilespmem:s17+$0xFFFFFFF0];
	[tilespmem:s18+$0x1860 ss:$0x41] =	vst.msk $0xffff, v2  }
.Ltmp3:
0x43: {  	v4 =	vld [tilespmem:s17+$0x0];
	[tilespmem:s18+$0x0 ss:$0x41] =	vst.msk $0xffff, v1;
	s18 =	sadd.s32 s22, s19;
	(pc) =	sbr.rel @p1 .LBB1_3-.Ltmp3, $4  }
0x44: {  	v3 =	vld [tilespmem:s17+$0x10];
	[tilespmem:s18+$0x1C70 ss:$0x41] =	vst.msk $0xffff, v0  }
0x45: {  	[tilespmem:s18+$0x410 ss:$0x41] =	vst.msk $0xffff, v5;
	v2 =	vld [tilespmem:s17+$0x20]  }
0x46: {  	v1 =	vld [tilespmem:s17+$0xFFFFFFC0];
	[tilespmem:s18+$0x820 ss:$0x41] =	vst.msk $0xffff, v6;
	s17 =	sadd.s32 $0x80, s17  }
0x47: {  	s21 =	sadd.s32 $0x4, s21;
	v0 =	vld [tilespmem:s17+$0x30];
	[tilespmem:s18+$0xC30 ss:$0x41] =	vst.msk $0xffff, v7  }
0x48: {  	s21 =	sshll.u32 s9, $0x7;
	s22 =	sshll.u32 s10, $0x3;
	s20 =	sshra.s32 s20, $0x2  }
0x49: {  	p1 =	sgt.s32 s9, $0xF41C0;
	s30 =	sshra.s32 s9, $0x1F;
	s25 =	sshra.s32 s10, $0x1F  }
0x4a: {  	v5 =	vld [tilespmem:s17+$0xFFFFFFD0];
	s28 =	sshrl.u32 s10, $0x3;
	s23 =	sand.u32 $0xFFFFFC00, s21;
	s22 =	sand.u32 $0xFFFFFC00, s22  }
0x4b: {  	[tilespmem:s18+$0x1040 ss:$0x41] =	vst.msk $0xffff, v4;
	v58 =	vld [tilespmem:s17+$0xFFFFFFE0];
	s21 =	sand.u32 $0x380, s21;
	s19 =	sadd.s32 s20, s19;
	s22 =	sadd.s32 s22, s23  }
0x4c: {  	v59 =	vld [tilespmem:s17+$0xFFFFFFF0];
	[tilespmem:s18+$0x1450 ss:$0x41] =	vst.msk $0xffff, v3;
	s29 =	sor.u32 s21, s22;
	s21 =	smov.u32 s9;
	s22 =	sand.u32 s30, s9  }
0x4d: {  	v60 =	vld [tilespmem:s17+$0x0];
	[tilespmem:s18+$0x1860 ss:$0x41] =	vst.msk $0xffff, v2;
	s30 =	sand.u32 $0x7, s10;
	s20 =	sshrl.u32 s29, $0x7;
	s21 =	simm.s32 @!p1 $0xF41C0  }
0x4e: {  	v61 =	vld [tilespmem:s17+$0x10];
	[tilespmem:s18+$0x0 ss:$0x41] =	vst.msk $0xffff, v1;
	p1 =	sgt.s32 s10, $0x40;
	s24 =	ssub.s32 s21, s22;
	s21 =	smov.u32 s10  }
0x4f: {  	v62 =	vld [tilespmem:s17+$0x20];
	[tilespmem:s19+$0x1C70 ss:$0x41] =	vst.msk $0xffff, v0;
	s31 =	smulhi.u32 $0x218DEF5, s20;
	s22 =	sand.u32 s25, s10;
	s21 =	simm.s32 @!p1 $0x40  }
0x50: {  	v63 =	vld [tilespmem:s17+$0xFFFFFFC0];
	[tilespmem:s19+$0x410 ss:$0x41] =	vst.msk $0xffff, v5;
	s26 =	sadd.s32 $0xFFF0BE40, s24;
	s17 =	ssub.s32 $0xF4240, s24;
	s21 =	ssub.s32 s21, s22  }
0x51: {  	[tilespmem:s19+$0x820 ss:$0x41] =	vst.msk $0xffff, v58;
	s23 =	sshrl.u32 s31, $0xD;
	p1 =	sgt.s32 s26, $0x7F;
	s27 =	sadd.s32 $0xFFFFFFC0, s21  }
0x52: {  	[tilespmem:s19+$0xC30 ss:$0x41] =	vst.msk $0xffff, v59;
	s23 =	smul.u32 $0xF4240, s23;
	s18 =	ssub.s32 $0x80, s21;
	p2 =	sgt.s32 s27, $0x3F  }
.Ltmp4:
0x53: {  	[tilespmem:s19+$0x1040 ss:$0x41] =	vst.msk $0xffff, v60;
	s17 =	simm.s32 @p1 $0x0;
	s18 =	simm.s32 @p2 $0x0;
	(pc) =	sbr.rel .LBB1_5-.Ltmp4, $4  }
0x54: {  	s29 =	sand.u32 $0xF, s28;
	[tilespmem:s19+$0x1450 ss:$0x41] =	vst.msk $0xffff, v61;
	s20 =	ssub.s32 s20, s23;
	s17 =	smul.u32 s18, s17  }
0x55: {  	[tilespmem:s19+$0x1860 ss:$0x41] =	vst.msk $0xffff, v62;
	s21 =	sshll.u32 s30, $0x12;
	s20 =	sshll.u32 s20, $0x4;
	s18 =	sadd.s32 s5, s29  }
0x56: {  	[tilespmem:s19+$0x0 ss:$0x41] =	vst.msk $0xffff, v63;
	s31 =	sor.u32 $0x40, s21;
	s18 =	sadd.s32 s20, s18;
	s17 =	sand.u32 $0x3FFFFFFF, s17  }
0x57: {  	[hbm4b:s18+s31] =	stream.strided.scatter [tilespmem:s16], [sflag:$0x2], s17, s8, s31, $0x18;
	[tilespmem:$0x8100] =	vst v63  }
.LBB1_6:
0x58: {  	_ =	sfence.sel $0x180000  }
0x59: {  	s2 =	simm.s32 $0x1;
	[bflag:$0x0] =	sbarrier.arrive $0xFFFF  }
0x5a: {  	s31 =	simm.s32 $0x2;
	[sflag:s2] =	ssyncpa.u1 $0x1  }
0x5b: {  	[sflag:s31] =	ssyncpa.u1 $0x1  }
0x5c: {  	p0 =	sne.s32 s1, $0x0;
	_ =	strace $0x90000047  }
0x5d: {  	s0 =	sadd.s32 @!p0 $0x100000, s0;
	[bflag:$0x2] =	sbarrier.arrive $0xFFFF  }
0x5e: {  	[sflag:s0] =	ssyncadd.tile.s32 @!p0 $0x1;
	_ =	shalt  }
.Lfunc_end1:
_tile_overlayer_lowered:
.L_overlay_start_2:
0x5f: {  	(tag) =	ssettag $0x2  }
0x60: {  	s0 =	rddreg [dreg:$0x0];
	s2 =	stileid.u32  }
0x61: {  	s1 =	rddreg [dreg:$0x1];
	p0 =	sne.s32 s2, $0x0  }
0x62: {  	s3 =	rddreg [dreg:$0x2];
	[bflag:$0x3] =	sbarrier.arrive $0xFFFF;
	s2 =	simm.s32 @!p0 $0x1C01  }
0x63: {  	[timem:s3], [sflag:s2] =	dma.local @!p0 [hbm:s0], s1  }
0x64: {  	s0 =	simm.s32 @!p0 $0x1  }
0x65: {  	_ =	swait.ge @!p0 [sflag:s0], s1  }
0x66: {  	s1 =	ssub.s32 @!p0 $0x0, s1;
	[sflag:s0] =	ssyncset.done @!p0 $0x0  }
0x67: {  	[sflag:s0] =	ssyncadd.s32 @!p0 s1  }
0x68: {  	[bflag:$0x3] =	sbarrier.arrive $0xFFFF  }
0x69: {  	_ =	shalt  }

// kernel: sparse-core-data-format-call.cloned.1.call-start
scs
called_computation_lowered:
.L_overlay_start_0:
0x0: {  	s2 =	sld [smem:$0x3FD9]  }
0x1: {  	s3 =	sld [smem:$0x3FFE];
	_ =	sdelay $0x1  }
0x2: {  	s1 =	srdreg.scid  }
0x3: {  	s0 =	sand.u32 $0x1, s1  }
0x4: {  	s18 =	sshll.u32 s0, $0xA;
	s2 =	sadd.s32 s3, s2  }
0x5: {  	s2 =	sadd.s32 s2, s18  }
0x6: {  	[smem:$0x3FC6] =	sst s2  }
0x7: {  	_ = 	snop  }
0x8: {  	s2 =	sld [smem:$0x3FD0];
	(tm) =	ssettm $0x1  }
0x9: {  	s19 =	sld [smem:$0x3FFB];
	_ =	sdelay $0x3  }
0xa: {  	_ =	strace s19  }
0xb: {  	s3 =	sld [smem:$0x3FFC];
	_ =	sdelay $0x3  }
0xc: {  	_ =	strace s3  }
0xd: {  	s3 =	sld [smem:$0x3FFD];
	_ =	sdelay $0x3  }
0xe: {  	_ =	strace s3  }
0xf: {  	_ =	strace $0x8FFFFFFF  }
0x10: {  	s20 =	sld [smem:$0x3FDB];
	_ =	sdelay $0x1  }
0x11: {  	s4 =	simm.s32 $_scs_section_size  }
0x12: {  	s5 =	simm.s32 $_size__tile_overlayer_lowered;
	s6 =	simm.s32 $_tile_overlayer_lowered  }
0x13: {  	s23 =	simm.s32 $0x1BFF;
	s22 =	sshll.u32 s6, $0x1;
	s3 =	sadd.s32 s4, s20  }
0x14: {  	s7 =	simm.s32 $0x0;
	s21 =	sshll.u32 s5, $0x1;
	s5 =	sadd.s32 s22, s3  }
0x15: {  	[timem:s7], [sflag:s23] =	dma.local [hbm:s5], s21  }
0x16: {  	_ =	swait.ge [sflag:s23], s21  }
0x17: {  	s4 =	ssub.s32 $0x0, s21;
	[sflag:s23] =	ssyncset.done $0x0  }
0x18: {  	[sflag:s23] =	ssyncadd.s32 s4;
	_ =	sdelay $0x1  }
0x19: {  	s24 =	simm.s32 $0x1B8B  }
0x1a: {  	_ =	swait.ge [sflag:s24], $0x1  }
0x1b: {  	[sflag:s24] =	ssyncset.done $0x0  }
0x1c: {  	s26 =	simm.s32 $0x1B8E;
	s25 =	sld [smem:$0x3FFE];
	[sflag:s24] =	ssyncadd.s32 $0xFFFFFFFF  }
0x1d: {  	s27 =	simm.s32 $execute0_lowered;
	[smem:$0x3FD2] =	sst s26  }
0x1e: {  	s5 =	sshll.u32 s27, $0x1;
	_ =	strace $0x8000004C;
	[dreg:$0x1] =	wrdreg $0xFFFFFFFF  }
0x1f: {  	s28 =	simm.s32 $_size_execute0_lowered;
	s3 =	sadd.s32 s3, s5;
	[dreg:$0x0] =	wrdreg $0x0  }
0x20: {  	s5 =	sshll.u32 s28, $0x1;
	[dreg:$0x2] =	wrdreg s3  }
0x21: {  	[dreg:$0x3] =	wrdreg s5  }
0x22: {  	[dreg:$0x4] =	wrdreg $0xC0  }
0x23: {  	_ =	task [dreg:s7], $0x5FFFF  }
0x24: {  	[dreg:$0x1] =	wrdreg $0xFFFFFFFF  }
0x25: {  	[dreg:$0x0] =	wrdreg $0x60  }
0x26: {  	[dreg:$0x2] =	wrdreg s25  }
0x27: {  	[dreg:$0x3] =	wrdreg s2  }
0x28: {  	[dreg:$0x4] =	wrdreg $0x9  }
0x29: {  	_ =	task.clear_ibuf [dreg:s7], $0x5FFFF;
	_ =	strace $0x9000004C  }
0x2a: {  	s29 =	simm.s32 $0x9;
	_ =	strace $0x8000004E  }
0x2b: {  	_ =	swait.ge [sflag:s29], $0x1  }
0x2c: {  	[sflag:s29] =	ssyncadd.s32 $0xFFFFFFFF  }
0x2d: {  	_ =	strace $0x9000004E  }
0x2e: {  	_ =	sfence  }
0x2f: {  	s30 =	sld [smem:$0x0];
	_ =	sdelay $0x2  }
0x30: {  	s31 =	sshll.u32 s1, $0xD;
	s1 =	sshrl.u32 s1, $0x2  }
0x31: {  	s3 =	sand.u32 $0x4000, s31;
	s1 =	sadd.s32 s1, s30  }
0x32: {  	s0 =	sor.u32 s3, s0;
	s1 =	sshll.u32 s1, $0x11  }
0x33: {  	s0 =	sor.u32 s1, s0  }
0x34: {  	s0 =	sadd.s32 $0x8F2B, s0  }
0x35: {  	[sflag:s0] =	ssyncadd.remote.s32 $0x1  }
0x36: {  	_ =	sfence.sel $0xFFFF  }
0x37: {  	[dreg:$0x0] =	wrdreg $0xFFFFFFFF;
	(pc) =	sbr.abs _section_cstart, $3  }
0x38: {  	[dreg:$0x1] =	wrdreg $0xFFFFFFFF  }
0x39: {  	_ =	task.clear_ibuf [dreg:s7], $0x2FFFF;
	_ =	strace $0x9FFFFFFF  }
0x3a: {  	(tm) =	ssettm $0x7FFFFFFF  }
0x3b: {  	_ =	shalt  }
tec
execute0_lowered:
.L_overlay_start_1:
0x0: {  	(tag) =	ssettag $0x1  }
0x1: {  	s0 =	srdreg.scid  }
0x2: {  	s1 =	sshll.u32 s0, $0x4  }
0x3: {  	s0 =	stileid.u32;
	s1 =	sand.u32 $0x10, s1  }
0x4: {  	s1 =	sor.u32 s0, s1  }
0x5: {  	s6 =	rddreg [dreg:$0x0];
	s4 =	simm.s32 $0x1;
	s2 =	sshll.u32 s1, $0x7  }
0x6: {  	s7 =	simm.s32 $0x2;
	s12 =	simm.s32 $0x0;
	s1 =	ssub.s32 $0x4000, s2  }
0x7: {  	s8 =	simm.s32 $0x20000;
	s13 =	simm.s32 $0x0;
	s3 =	sand.u32 $0xF80, s1  }
0x8: {  	s9 =	simm.s32 $0x0;
	s5 =	sshrl.u32 s1, $0xC;
	p0 =	sne.s32 s3, $0x0  }
.Ltmp0:
0x9: {  	s1 =	rddreg [dreg:$0x2];
	s4 =	simm.s32 @!p0 $0x0;
	(pc) =	sbr.rel .LBB1_1-.Ltmp0, $4  }
0xa: {  	s11 =	simm.s32 $0x0;
	s3 =	rddreg [dreg:$0x1];
	s5 =	sadd.s32 s4, s5  }
0xb: {  	_ =	strace $0x8000004D;
	s4 =	simm.s32 $0x1;
	s5 =	smul.u32 $0xC8, s5  }
0xc: {  	s6 =	sadd.s32 $0xFA7200, s6;
	s10 =	smov.u32 s2;
	[sflag:s4] =	ssyncpa.u1 $0x0  }
0xd: {  	p0 =	por $0x0, $0x0;
	[sflag:s7] =	ssyncpa.u1 $0x0;
	s7 =	sor.u32 $0x1, s5  }
.LBB1_4:
0xe: {  	s16 =	sshll.u32 s13, $0x3;
	s17 =	sand.u32 $0x78, s13  }
0xf: {  	s30 =	sand.u32 $0x1F800, s13;
	s12 =	sshll.u32 s12, $0x11;
	s16 =	sand.u32 $0x3C00, s16  }
0x10: {  	[tilespmem:s15+$0x810 ss:$0x81] =	vst.msk $0xffff, v2;
	s31 =	sand.u32 $0x7, s13;
	s16 =	sor.u32 s17, s16;
	s17 =	sadd.s32 s3, s30  }
0x11: {  	[tilespmem:s15+$0x1020 ss:$0x81] =	vst.msk $0xffff, v0;
	s13 =	sshll.u32 s31, $0x12;
	s12 =	sadd.s32 s12, s17;
	s16 =	sshrl.u32 s16, $0x3  }
0x12: {  	[tilespmem:s15+$0x0 ss:$0x81] =	vst.msk $0xffff, v1;
	s13 =	sor.u32 $0x400, s13;
	s12 =	sadd.s32 s16, s12  }
0x13: {  	[hbm4b:s12+s13] =	stream.strided.scatter [tilespmem:s14], [sflag:$0x2], $0x2000, s8, s13, $0x20;
	[tilespmem:$0x8080] =	vst v63  }
.LBB1_5:
0x14: {  	s14 =	sadd.s32 $0x1, s9  }
0x15: {  	s12 =	sadd.s32 $0x1000, s10;
	s16 =	smov.u32 s10;
	p2 =	sgt.s32 s14, $0xC7  }
0x16: {  	s16 =	smov.u32 @p2 s12  }
0x17: {  	s14 =	simm.s32 @p2 $0x0;
	p2 =	sgt.s32 s16, $0x3FFF  }
0x18: {  	s16 =	smov.u32 @p2 s2;
	p2 =	sne.s32 s11, s7  }
.Ltmp1:
0x19: {  	p1 =	slt.u32 s11, $0x2;
	(pc) =	sbr.rel @!p2 .LBB1_6-.Ltmp1, $4  }
0x1a: {  	s15 =	simm.s32 @!p1 $0x2  }
0x1b: {  	s13 =	smov.u32 s10;
	p0 =	por !p0, !p0;
	_ =	swait.ge @!p1 [sflag:s15], $0x2000  }
0x1c: {  	s12 =	smov.u32 s9;
	[sflag:s15] =	ssyncset.done @!p1 $0x0;
	s9 =	smov.u32 s14  }
0x1d: {  	s11 =	sadd.s32 $0x1, s11;
	[sflag:s15] =	ssyncadd.s32 @!p1 $0xFFFFE000;
	s10 =	smov.u32 s16  }
.LBB1_1:
0x1e: {  	p1 =	sge.u32 s11, s5  }
0x1f: {  	s14 =	sand.u32 @!p1 $0x1FFFFFF, s9  }
0x20: {  	s15 =	smulhi.u32 @!p1 $0x147AE15, s14;
	_ =	sdelay $0x1  }
0x21: {  	s15 =	smul.u32 @!p1 $0xC8, s15  }
0x22: {  	s16 =	sxor.u32 @!p1 $0xFFFFFFFF, s11;
	s17 =	smul.u32 @!p1 $0xC80, s10  }
0x23: {  	s31 =	sadd.s32 $0xFFFFFFFF, s11;
	s16 =	sshll.u32 @!p1 s16, $0xD;
	s14 =	ssub.s32 @!p1 s14, s15  }
0x24: {  	s15 =	sand.u32 @!p1 $0x2000, s16;
	s16 =	sadd.s32 @!p1 s6, s17;
	s14 =	sshll.u32 @!p1 s14, $0x4  }
0x25: {  	s17 =	simm.s32 @!p1 $0x6400;
	s14 =	sadd.s32 @!p1 s14, s16;
	s16 =	simm.s32 @!p1 $0x40  }
0x26: {  	[tilespmem:s15], [sflag:$0x1] =	stream.strided.gather @!p1 [hbm4b:s14+s16], $0x2000, s17, s16, $0x38;
	[tilespmem:$0x8080] =	vst v63  }
0x27: {  	p1 =	sge.u32 s31, s5  }
.Ltmp2:
0x28: {  	_ = 	snop;
	(pc) =	sbr.rel @p1 .LBB1_5-.Ltmp2, $1  }
0x29: {  	_ =	sdelay $0x3  }
0x2a: {  	s14 =	simm.s32 $0x1  }
0x2b: {  	_ =	swait.ge [sflag:s4], $0x2000;
	s14 =	simm.s32 @!p0 $0x0  }
0x2c: {  	[sflag:s4] =	ssyncset.done $0x0;
	s15 =	sshll.u32 s14, $0xD  }
0x2d: {  	[sflag:s4] =	ssyncadd.s32 $0xFFFFE000;
	s18 =	sor.u32 $0x20, s15  }
0x2e: {  	s14 =	smul.u32 $0x8100, s14;
	v3 =	vld [tilespmem:s18+$0x10]  }
0x2f: {  	s30 =	sand.u32 $0x1, s11;
	v2 =	vld [tilespmem:s18+$0xFFFFFFF0]  }
0x30: {  	s15 =	smul.u32 $0x8100, s30;
	s14 =	sshrl.u32 s14, $0x2;
	v0 =	vld [tilespmem:s18+$0x0]  }
0x31: {  	v1 =	vld [tilespmem:s18+$0xFFFFFFE0];
	s16 =	sor.u32 $0x4000, s14  }
0x32: {  	s31 =	sshrl.u32 s15, $0x2;
	s15 =	sadd.s32 $0x0, s16  }
0x33: {  	s17 =	simm.s32 $0x4;
	s18 =	sadd.s32 $0x40, s18;
	s14 =	sor.u32 $0x4000, s31;
	[tilespmem:s15+$0x1830 ss:$0x81] =	vst.msk $0xffff, v3  }
.LBB1_3:
0x34: {  	v3 =	vld [tilespmem:s18+$0x10];
	p1 =	sne.s32 s17, $0x1FC;
	[tilespmem:s15+$0x810 ss:$0x81] =	vst.msk $0xffff, v2;
	s19 =	smov.u32 s17;
	s17 =	sadd.s32 $0x4, s17  }
.Ltmp3:
0x35: {  	v2 =	vld [tilespmem:s18+$0xFFFFFFF0];
	[tilespmem:s15+$0x1020 ss:$0x81] =	vst.msk $0xffff, v0;
	(pc) =	sbr.rel @p1 .LBB1_3-.Ltmp3, $4  }
0x36: {  	v0 =	vld [tilespmem:s18+$0x0];
	[tilespmem:s15+$0x0 ss:$0x81] =	vst.msk $0xffff, v1  }
0x37: {  	s15 =	sshra.s32 s19, $0x2;
	v1 =	vld [tilespmem:s18+$0xFFFFFFE0]  }
0x38: {  	s15 =	sadd.s32 s15, s16  }
0x39: {  	s18 =	sadd.s32 $0x40, s18;
	[tilespmem:s15+$0x1830 ss:$0x81] =	vst.msk $0xffff, v3  }
.Ltmp4:
0x3a: {  	_ = 	snop;
	(pc) =	sbr.rel .LBB1_4-.Ltmp4, $1  }
0x3b: {  	_ =	sdelay $0x3  }
.LBB1_6:
0x3c: {  	_ =	sfence.sel $0x180000  }
0x3d: {  	s2 =	simm.s32 $0x1;
	[bflag:$0x0] =	sbarrier.arrive $0xFFFF  }
0x3e: {  	s31 =	simm.s32 $0x2;
	[sflag:s2] =	ssyncpa.u1 $0x1  }
0x3f: {  	[sflag:s31] =	ssyncpa.u1 $0x1  }
0x40: {  	p0 =	sne.s32 s0, $0x0;
	_ =	strace $0x9000004D  }
0x41: {  	s0 =	sadd.s32 @!p0 $0x100000, s1;
	[bflag:$0x2] =	sbarrier.arrive $0xFFFF  }
0x42: {  	[sflag:s0] =	ssyncadd.tile.s32 @!p0 $0x1;
	_ =	shalt  }
.Lfunc_end1:
_tile_overlayer_lowered:
.L_overlay_start_2:
0x43: {  	(tag) =	ssettag $0x2  }
0x44: {  	s0 =	rddreg [dreg:$0x0];
	s2 =	stileid.u32  }
0x45: {  	s1 =	rddreg [dreg:$0x1];
	p0 =	sne.s32 s2, $0x0  }
0x46: {  	s3 =	rddreg [dreg:$0x2];
	[bflag:$0x3] =	sbarrier.arrive $0xFFFF;
	s2 =	simm.s32 @!p0 $0x1C01  }
0x47: {  	[timem:s3], [sflag:s2] =	dma.local @!p0 [hbm:s0], s1  }
0x48: {  	s0 =	simm.s32 @!p0 $0x1  }
0x49: {  	_ =	swait.ge @!p0 [sflag:s0], s1  }
0x4a: {  	s1 =	ssub.s32 @!p0 $0x0, s1;
	[sflag:s0] =	ssyncset.done @!p0 $0x0  }
0x4b: {  	[sflag:s0] =	ssyncadd.s32 @!p0 s1  }
0x4c: {  	[bflag:$0x3] =	sbarrier.arrive $0xFFFF  }
0x4d: {  	_ =	shalt  }

</sc_bundles>
